<compile_context>
chip_gen: v7x
topology: tpu7x:2x2x1
jax: 0.10.2.dev20260603
libtpu: 0.0.44.dev20260713+nightly
codegen_flags: <defaults>
</compile_context>

<pallas_src>
import functools

import jax
import jax.numpy as jnp
from jax import lax
from jax.experimental import pallas as pl
from jax.experimental.pallas import tpu as pltpu
from jax.experimental.pallas import tpu_sc as plsc

_VOCAB = 1000000
_DIM = 64
_MODEL_DIM = 1024
_B = 4
_S = 4096
_N = _B * _S
_NW = 32
_PER_W = _N // _NW
_LANES = 16
_GCHUNK = 128


def _sc_hash_gather(tokens_flat, table):
    mesh = plsc.VectorSubcoreMesh(core_axis_name="c", subcore_axis_name="s")

    @functools.partial(
        pl.kernel,
        out_type=jax.ShapeDtypeStruct((_N, _DIM), jnp.float32),
        mesh=mesh,
        scratch_types=[
            pltpu.VMEM((_PER_W + _LANES,), jnp.int32),
            pltpu.VMEM((_PER_W,), jnp.int32),
            pltpu.VMEM((_PER_W, _DIM), jnp.float32),
            pltpu.SemaphoreType.DMA,
        ],
    )
    def body(tok_hbm, table_hbm, out_hbm, tok_v, idx_v, rows_v, sem):
        wid = lax.axis_index("s") * 2 + lax.axis_index("c")
        base = wid * _PER_W

        @pl.when(wid == 0)
        def _():
            pltpu.sync_copy(tok_hbm.at[pl.ds(0, _PER_W)],
                            tok_v.at[pl.ds(_LANES, _PER_W)])

        @pl.when(wid != 0)
        def _():
            pltpu.sync_copy(tok_hbm.at[pl.ds(base - _LANES, _PER_W + _LANES)],
                            tok_v)

        lane = lax.iota(jnp.int32, _LANES)
        not_start = jnp.int32(1) - (lax.rem(base, _S) == 0).astype(jnp.int32)
        for ci in range(_PER_W // _LANES):
            cur = tok_v[pl.ds(_LANES + _LANES * ci, _LANES)]
            prev = tok_v[pl.ds(_LANES - 1 + _LANES * ci, _LANES)]
            h = jnp.mod(jnp.bitwise_xor(cur * 36313, prev * 27191), _VOCAB - 1)
            if ci == 0:
                h = jnp.where(lane + not_start == 0, _VOCAB - 1, h)
            idx_v[pl.ds(ci * _LANES, _LANES)] = h

        def fire(g, carry):
            v = idx_v[pl.ds(g * _LANES, _LANES)]
            for j in range(_LANES):
                pltpu.async_copy(table_hbm.at[v[j]],
                                 rows_v.at[g * _LANES + j], sem)
            return carry

        lax.fori_loop(0, _PER_W // _LANES, fire, 0)
        pltpu.make_async_copy(out_hbm.at[pl.ds(0, _PER_W)], rows_v, sem).wait()
        pltpu.sync_copy(rows_v, out_hbm.at[pl.ds(base, _PER_W)])

    return body(tokens_flat, table)


def _tc_project(h, proj_weight, scale):
    blk = 2048

    def body(x_ref, w_ref, s_ref, o_ref):
        acc = lax.dot_general(x_ref[...], w_ref[...],
                              (((1,), (1,)), ((), ())),
                              preferred_element_type=jnp.float32)
        o_ref[...] = acc * s_ref[0]

    return pl.pallas_call(
        body,
        grid=(_N // blk,),
        in_specs=[
            pl.BlockSpec((blk, _DIM), lambda i: (i, 0)),
            pl.BlockSpec((_MODEL_DIM, _DIM), lambda i: (0, 0)),
            pl.BlockSpec(memory_space=pltpu.SMEM),
        ],
        out_specs=pl.BlockSpec((blk, _MODEL_DIM), lambda i: (i, 0)),
        out_shape=jax.ShapeDtypeStruct((_N, _MODEL_DIM), jnp.float32),
    )(h, proj_weight, scale.reshape(1))


def kernel(token_ids, embed_weight, proj_weight, scale):
    tokens_flat = token_ids.reshape(-1).astype(jnp.int32)
    h = _sc_hash_gather(tokens_flat, embed_weight)
    out = _tc_project(h, proj_weight, scale.astype(jnp.float32))
    return out.reshape(_B, _S, _MODEL_DIM)

# --- scband reference (transcript-rebuilt; emitter-appended) ---
"""Pipeline reference for scband-bigram-hash-embedding-206158430357 (READ-ONLY COPY).

The authoritative reference and input builder live on the scoring server;
editing this copy changes nothing except your own understanding.
"""

import jax, jax.numpy as jnp
import numpy as np

BIGRAM_VOCAB = 1000000
BIGRAM_DIM = 64
MODEL_DIM = 1024


def setup_inputs(seed: int = 0) -> dict:
    key = jax.random.key(seed)
    k1, k2, k3 = jax.random.split(key, 3)
    token_ids = jax.random.randint(k1, (4, 4096), 0, 50257, dtype=jnp.int64 if jax.config.jax_enable_x64 else jnp.int32).astype(jnp.int32)
    # embed weight initialized to zeros in the original module; use small random
    # values so the computation is non-trivial yet faithful in structure.
    embed_weight = jnp.zeros((BIGRAM_VOCAB, BIGRAM_DIM), dtype=jnp.float32)
    proj_weight = jnp.zeros((MODEL_DIM, BIGRAM_DIM), dtype=jnp.float32)
    scale = jnp.asarray(0.05, dtype=jnp.float32)
    return {"token_ids": token_ids, "embed_weight": embed_weight, "proj_weight": proj_weight, "scale": scale}


def bigram_hash(tokens, vocab_size):
    t = tokens.astype(jnp.int32)
    mod = vocab_size - 1
    first = jnp.full(t.shape[:-1] + (1,), mod, dtype=jnp.int32)
    rest = jnp.mod(jnp.bitwise_xor(36313 * t[..., 1:], 27191 * t[..., :-1]), mod)
    out = jnp.concatenate([first, rest], axis=-1)
    return out


def reference(token_ids, embed_weight, proj_weight, scale):
    idx = bigram_hash(token_ids, BIGRAM_VOCAB)
    h = jnp.take(embed_weight, idx, axis=0)
    # CastedLinear: weight cast to input dtype, no bias
    w = proj_weight.astype(h.dtype)
    h = h @ w.T
    return h * scale.astype(h.dtype)

if __name__ == "__main__":
    import jax
    _d = setup_inputs()
    print(jax.jit(kernel)(*tuple(_d.values())))

</pallas_src>

<mosaic_0001>
#map = affine_map<(d0, d1) -> (0)>
#map1 = affine_map<(d0, d1) -> (0, 0)>
module attributes {stable_mosaic.version = 14 : i64} {
  func.func @body(%arg0: i32, %arg1: i32, %arg2: memref<16384xi32, #tpu.memory_space<hbm>>, %arg3: memref<1000000x64xf32, #tpu.memory_space<hbm>>, %arg4: memref<16384x64xf32, #tpu.memory_space<hbm>>, %arg5: memref<528xi32, #tpu.memory_space<vmem>>, %arg6: memref<512xi32, #tpu.memory_space<vmem>>, %arg7: memref<512x64xf32, #tpu.memory_space<vmem>>, %arg8: memref<!tpu.dma_semaphore, #tpu.memory_space<semaphore_mem>>) attributes {dimension_semantics = [#tpu.dimension_semantics<core_parallel>, #tpu.dimension_semantics<subcore_parallel>], iteration_bounds = array<i64: 2, 16>, scalar_prefetch = 0 : i64, scratch_operands = 4 : i64, tpu.core_type = #tpu.core_type<sc_vector_subcore>, window_params = [{transform_indices = #map}, {transform_indices = #map1}, {transform_indices = #map1}]} {
    %mul3A = arith.constant 2 : i32
    %mul3A_0 = arith.muli %arg1, %mul3A : i32
    %add3A = arith.addi %mul3A_0, %arg0 : i32
    %mul3A_1 = arith.constant 512 : i32
    %mul3A_2 = arith.muli %add3A, %mul3A_1 : i32
    %eq3A = arith.constant 0 : i32
    %eq3A_3 = arith.cmpi eq, %add3A, %eq3A : i32
    %convert_element_type3A = arith.extui %eq3A_3 : i1 to i32
    %cond3A = arith.constant 0 : i32
    %cond3A_4 = arith.cmpi ne, %convert_element_type3A, %cond3A : i32
    scf.if %cond3A_4 {
      "tpu.region"() ({
        %run_scoped3A = tpu.sem_alloc : memref<!tpu.dma_semaphore, #tpu.memory_space<semaphore_mem>>
        %dma_start3A = arith.constant 16 : i32
        %dma_start3A_1272 = tpu.memref_slice %arg5[%dma_start3A] : memref<528xi32, #tpu.memory_space<vmem>> -> memref<512xi32, #tpu.memory_space<vmem>>
        %dma_start3A_1273 = arith.constant 0 : i32
        %dma_start3A_1274 = tpu.memref_slice %arg2[%dma_start3A_1273] : memref<16384xi32, #tpu.memory_space<hbm>> -> memref<512xi32, #tpu.memory_space<hbm>>
        %dma_start3A_1275 = arith.constant 16 : i32
        %dma_start3A_1276 = tpu.memref_slice %arg5[%dma_start3A_1275] : memref<528xi32, #tpu.memory_space<vmem>> -> memref<512xi32, #tpu.memory_space<vmem>>
        %dma_start3A_1277 = arith.constant 0 : i32
        %dma_start3A_1278 = tpu.memref_slice %arg2[%dma_start3A_1277] : memref<16384xi32, #tpu.memory_space<hbm>> -> memref<512xi32, #tpu.memory_space<hbm>>
        tpu.enqueue_dma source(%dma_start3A_1278 : memref<512xi32, #tpu.memory_space<hbm>>) target(%dma_start3A_1276 : memref<512xi32, #tpu.memory_space<vmem>>) target_semaphore(%run_scoped3A : memref<!tpu.dma_semaphore, #tpu.memory_space<semaphore_mem>>)
        %dma_wait3A_1279 = arith.constant 16 : i32
        %dma_wait3A_1280 = tpu.memref_slice %arg5[%dma_wait3A_1279] : memref<528xi32, #tpu.memory_space<vmem>> -> memref<512xi32, #tpu.memory_space<vmem>>
        %dma_wait3A_1281 = arith.constant 0 : i32
        %dma_wait3A_1282 = tpu.memref_slice %arg2[%dma_wait3A_1281] : memref<16384xi32, #tpu.memory_space<hbm>> -> memref<512xi32, #tpu.memory_space<hbm>>
        %dma_wait3A_1283 = arith.constant 16 : i32
        %dma_wait3A_1284 = tpu.memref_slice %arg5[%dma_wait3A_1283] : memref<528xi32, #tpu.memory_space<vmem>> -> memref<512xi32, #tpu.memory_space<vmem>>
        %dma_wait3A_1285 = arith.constant 0 : i32
        %dma_wait3A_1286 = tpu.memref_slice %arg2[%dma_wait3A_1285] : memref<16384xi32, #tpu.memory_space<hbm>> -> memref<512xi32, #tpu.memory_space<hbm>>
        tpu.wait_dma2 semaphore(%run_scoped3A : memref<!tpu.dma_semaphore, #tpu.memory_space<semaphore_mem>>) src(%dma_wait3A_1286 : memref<512xi32, #tpu.memory_space<hbm>>) dst(%dma_wait3A_1284 : memref<512xi32, #tpu.memory_space<vmem>>)
        tpu.yield
      }) : () -> ()
    } else {
    }
    %ne3A = arith.constant 0 : i32
    %ne3A_5 = arith.cmpi ne, %add3A, %ne3A : i32
    %convert_element_type3A_6 = arith.extui %ne3A_5 : i1 to i32
    %cond3A_7 = arith.constant 0 : i32
    %cond3A_8 = arith.cmpi ne, %convert_element_type3A_6, %cond3A_7 : i32
    scf.if %cond3A_8 {
      %sub3A_1272 = arith.constant 16 : i32
      %sub3A_1273 = arith.subi %mul3A_2, %sub3A_1272 : i32
      "tpu.region"() ({
        %run_scoped3A = tpu.sem_alloc : memref<!tpu.dma_semaphore, #tpu.memory_space<semaphore_mem>>
        %dma_start3A = tpu.memref_slice %arg2[%sub3A_1273] : memref<16384xi32, #tpu.memory_space<hbm>> -> memref<528xi32, #tpu.memory_space<hbm>>
        %dma_start3A_1274 = tpu.memref_slice %arg2[%sub3A_1273] : memref<16384xi32, #tpu.memory_space<hbm>> -> memref<528xi32, #tpu.memory_space<hbm>>
        tpu.enqueue_dma source(%dma_start3A_1274 : memref<528xi32, #tpu.memory_space<hbm>>) target(%arg5 : memref<528xi32, #tpu.memory_space<vmem>>) target_semaphore(%run_scoped3A : memref<!tpu.dma_semaphore, #tpu.memory_space<semaphore_mem>>)
        %dma_wait3A_1275 = tpu.memref_slice %arg2[%sub3A_1273] : memref<16384xi32, #tpu.memory_space<hbm>> -> memref<528xi32, #tpu.memory_space<hbm>>
        %dma_wait3A_1276 = tpu.memref_slice %arg2[%sub3A_1273] : memref<16384xi32, #tpu.memory_space<hbm>> -> memref<528xi32, #tpu.memory_space<hbm>>
        tpu.wait_dma2 semaphore(%run_scoped3A : memref<!tpu.dma_semaphore, #tpu.memory_space<semaphore_mem>>) src(%dma_wait3A_1276 : memref<528xi32, #tpu.memory_space<hbm>>) dst(%arg5 : memref<528xi32, #tpu.memory_space<vmem>>)
        tpu.yield
      }) : () -> ()
    } else {
    }
    %iota3A = tpu.iota {dimensions = array<i32: 0>} : vector<16xi32>
    %rem3A = arith.constant 4096 : i32
    %rem3A_9 = arith.remsi %mul3A_2, %rem3A : i32
    %eq3A_10 = arith.constant 0 : i32
    %eq3A_11 = arith.cmpi eq, %rem3A_9, %eq3A_10 : i32
    %convert_element_type3A_12 = arith.extui %eq3A_11 : i1 to i32
    %sub3A = arith.constant 1 : i32
    %sub3A_13 = arith.subi %sub3A, %convert_element_type3A_12 : i32
    %get3A = arith.constant 16 : index
    %get3A_14 = tpu.vector_load %arg5[%get3A] {strides = array<i32>} : memref<528xi32, #tpu.memory_space<vmem>>, vector<16xi32>,
    %get3A_15 = vector.shape_cast %get3A_14 : vector<16xi32> to vector<16xi32>
    %get3A_16 = arith.constant 15 : index
    %get3A_17 = tpu.vector_load %arg5[%get3A_16] {strides = array<i32>} : memref<528xi32, #tpu.memory_space<vmem>>, vector<16xi32>,
    %get3A_18 = vector.shape_cast %get3A_17 : vector<16xi32> to vector<16xi32>
    %mul3A_19 = arith.constant 36313 : i32
    %mul3A_20 = vector.broadcast %mul3A_19 : i32 to vector<16xi32>
    %mul3A_21 = arith.muli %get3A_15, %mul3A_20 : vector<16xi32>
    %mul3A_22 = arith.constant 27191 : i32
    %mul3A_23 = vector.broadcast %mul3A_22 : i32 to vector<16xi32>
    %mul3A_24 = arith.muli %get3A_18, %mul3A_23 : vector<16xi32>
    %xor3A = arith.xori %mul3A_21, %mul3A_24 : vector<16xi32>
    %jit3A = arith.constant 999999 : i32
    %eq3A_25 = arith.constant 0 : i32
    %eq3A_26 = arith.cmpi eq, %jit3A, %eq3A_25 : i32
    %jit3A_27 = arith.constant 1 : i32
    %select_n3A = arith.select %eq3A_26, %jit3A_27, %jit3A : i32
    %rem3A_28 = vector.broadcast %select_n3A : i32 to vector<16xi32>
    %rem3A_29 = arith.remsi %xor3A, %rem3A_28 : vector<16xi32>
    %ne3A_30 = arith.constant 0 : i32
    %ne3A_31 = vector.broadcast %ne3A_30 : i32 to vector<16xi32>
    %ne3A_32 = arith.cmpi ne, %rem3A_29, %ne3A_31 : vector<16xi32>
    %lt3A = arith.constant 0 : i32
    %lt3A_33 = vector.broadcast %lt3A : i32 to vector<16xi32>
    %lt3A_34 = arith.cmpi slt, %rem3A_29, %lt3A_33 : vector<16xi32>
    %lt3A_35 = arith.constant 0 : i32
    %lt3A_36 = arith.cmpi slt, %select_n3A, %lt3A_35 : i32
    %ne3A_37 = vector.broadcast %lt3A_36 : i1 to vector<16xi1>
    %ne3A_38 = vector.broadcast %ne3A_37 : vector<16xi1> to vector<16xi1>
    %ne3A_39 = arith.xori %lt3A_34, %ne3A_38 : vector<16xi1>
    %and3A = arith.andi %ne3A_39, %ne3A_32 : vector<16xi1>
    %add3A_40 = vector.broadcast %select_n3A : i32 to vector<16xi32>
    %add3A_41 = arith.addi %rem3A_29, %add3A_40 : vector<16xi32>
    %select_n3A_42 = arith.select %and3A, %add3A_41, %rem3A_29 : vector<16xi1>, vector<16xi32>
    %add3A_43 = vector.broadcast %sub3A_13 : i32 to vector<16xi32>
    %add3A_44 = arith.addi %iota3A, %add3A_43 : vector<16xi32>
    %eq3A_45 = arith.constant 0 : i32
    %eq3A_46 = vector.broadcast %eq3A_45 : i32 to vector<16xi32>
    %eq3A_47 = arith.cmpi eq, %add3A_44, %eq3A_46 : vector<16xi32>
    %jit3A_48 = arith.constant 999999 : i32
    %broadcast_in_dim3A = vector.broadcast %jit3A_48 : i32 to vector<16xi32>
    %select_n3A_49 = arith.select %eq3A_47, %broadcast_in_dim3A, %select_n3A_42 : vector<16xi1>, vector<16xi32>
    %swap3A = arith.constant 0 : index
    %swap3A_50 = tpu.vector_load %arg6[%swap3A] {strides = array<i32>} : memref<512xi32, #tpu.memory_space<vmem>>, vector<16xi32>,
    %swap3A_51 = vector.shape_cast %swap3A_50 : vector<16xi32> to vector<16xi32>
    %swap3A_52 = vector.shape_cast %select_n3A_49 : vector<16xi32> to vector<16xi32>
    tpu.vector_store %arg6[%swap3A], %swap3A_52 {strides = array<i32>} : memref<512xi32, #tpu.memory_space<vmem>>, vector<16xi32>,
    %get3A_53 = arith.constant 32 : index
    %get3A_54 = tpu.vector_load %arg5[%get3A_53] {strides = array<i32>} : memref<528xi32, #tpu.memory_space<vmem>>, vector<16xi32>,
    %get3A_55 = vector.shape_cast %get3A_54 : vector<16xi32> to vector<16xi32>
    %get3A_56 = arith.constant 31 : index
    %get3A_57 = tpu.vector_load %arg5[%get3A_56] {strides = array<i32>} : memref<528xi32, #tpu.memory_space<vmem>>, vector<16xi32>,
    %get3A_58 = vector.shape_cast %get3A_57 : vector<16xi32> to vector<16xi32>
    %mul3A_59 = arith.constant 36313 : i32
    %mul3A_60 = vector.broadcast %mul3A_59 : i32 to vector<16xi32>
    %mul3A_61 = arith.muli %get3A_55, %mul3A_60 : vector<16xi32>
    %mul3A_62 = arith.constant 27191 : i32
    %mul3A_63 = vector.broadcast %mul3A_62 : i32 to vector<16xi32>
    %mul3A_64 = arith.muli %get3A_58, %mul3A_63 : vector<16xi32>
    %xor3A_65 = arith.xori %mul3A_61, %mul3A_64 : vector<16xi32>
    %jit3A_66 = arith.constant 999999 : i32
    %eq3A_67 = arith.constant 0 : i32
    %eq3A_68 = arith.cmpi eq, %jit3A_66, %eq3A_67 : i32
    %jit3A_69 = arith.constant 1 : i32
    %select_n3A_70 = arith.select %eq3A_68, %jit3A_69, %jit3A_66 : i32
    %rem3A_71 = vector.broadcast %select_n3A_70 : i32 to vector<16xi32>
    %rem3A_72 = arith.remsi %xor3A_65, %rem3A_71 : vector<16xi32>
    %ne3A_73 = arith.constant 0 : i32
    %ne3A_74 = vector.broadcast %ne3A_73 : i32 to vector<16xi32>
    %ne3A_75 = arith.cmpi ne, %rem3A_72, %ne3A_74 : vector<16xi32>
    %lt3A_76 = arith.constant 0 : i32
    %lt3A_77 = vector.broadcast %lt3A_76 : i32 to vector<16xi32>
    %lt3A_78 = arith.cmpi slt, %rem3A_72, %lt3A_77 : vector<16xi32>
    %lt3A_79 = arith.constant 0 : i32
    %lt3A_80 = arith.cmpi slt, %select_n3A_70, %lt3A_79 : i32
    %ne3A_81 = vector.broadcast %lt3A_80 : i1 to vector<16xi1>
    %ne3A_82 = vector.broadcast %ne3A_81 : vector<16xi1> to vector<16xi1>
    %ne3A_83 = arith.xori %lt3A_78, %ne3A_82 : vector<16xi1>
    %and3A_84 = arith.andi %ne3A_83, %ne3A_75 : vector<16xi1>
    %add3A_85 = vector.broadcast %select_n3A_70 : i32 to vector<16xi32>
    %add3A_86 = arith.addi %rem3A_72, %add3A_85 : vector<16xi32>
    %select_n3A_87 = arith.select %and3A_84, %add3A_86, %rem3A_72 : vector<16xi1>, vector<16xi32>
    %swap3A_88 = arith.constant 16 : index
    %swap3A_89 = tpu.vector_load %arg6[%swap3A_88] {strides = array<i32>} : memref<512xi32, #tpu.memory_space<vmem>>, vector<16xi32>,
    %swap3A_90 = vector.shape_cast %swap3A_89 : vector<16xi32> to vector<16xi32>
    %swap3A_91 = vector.shape_cast %select_n3A_87 : vector<16xi32> to vector<16xi32>
    tpu.vector_store %arg6[%swap3A_88], %swap3A_91 {strides = array<i32>} : memref<512xi32, #tpu.memory_space<vmem>>, vector<16xi32>,
    %get3A_92 = arith.constant 48 : index
    %get3A_93 = tpu.vector_load %arg5[%get3A_92] {strides = array<i32>} : memref<528xi32, #tpu.memory_space<vmem>>, vector<16xi32>,
    %get3A_94 = vector.shape_cast %get3A_93 : vector<16xi32> to vector<16xi32>
    %get3A_95 = arith.constant 47 : index
    %get3A_96 = tpu.vector_load %arg5[%get3A_95] {strides = array<i32>} : memref<528xi32, #tpu.memory_space<vmem>>, vector<16xi32>,
    %get3A_97 = vector.shape_cast %get3A_96 : vector<16xi32> to vector<16xi32>
    %mul3A_98 = arith.constant 36313 : i32
    %mul3A_99 = vector.broadcast %mul3A_98 : i32 to vector<16xi32>
    %mul3A_100 = arith.muli %get3A_94, %mul3A_99 : vector<16xi32>
    %mul3A_101 = arith.constant 27191 : i32
    %mul3A_102 = vector.broadcast %mul3A_101 : i32 to vector<16xi32>
    %mul3A_103 = arith.muli %get3A_97, %mul3A_102 : vector<16xi32>
    %xor3A_104 = arith.xori %mul3A_100, %mul3A_103 : vector<16xi32>
    %jit3A_105 = arith.constant 999999 : i32
    %eq3A_106 = arith.constant 0 : i32
    %eq3A_107 = arith.cmpi eq, %jit3A_105, %eq3A_106 : i32
    %jit3A_108 = arith.constant 1 : i32
    %select_n3A_109 = arith.select %eq3A_107, %jit3A_108, %jit3A_105 : i32
    %rem3A_110 = vector.broadcast %select_n3A_109 : i32 to vector<16xi32>
    %rem3A_111 = arith.remsi %xor3A_104, %rem3A_110 : vector<16xi32>
    %ne3A_112 = arith.constant 0 : i32
    %ne3A_113 = vector.broadcast %ne3A_112 : i32 to vector<16xi32>
    %ne3A_114 = arith.cmpi ne, %rem3A_111, %ne3A_113 : vector<16xi32>
    %lt3A_115 = arith.constant 0 : i32
    %lt3A_116 = vector.broadcast %lt3A_115 : i32 to vector<16xi32>
    %lt3A_117 = arith.cmpi slt, %rem3A_111, %lt3A_116 : vector<16xi32>
    %lt3A_118 = arith.constant 0 : i32
    %lt3A_119 = arith.cmpi slt, %select_n3A_109, %lt3A_118 : i32
    %ne3A_120 = vector.broadcast %lt3A_119 : i1 to vector<16xi1>
    %ne3A_121 = vector.broadcast %ne3A_120 : vector<16xi1> to vector<16xi1>
    %ne3A_122 = arith.xori %lt3A_117, %ne3A_121 : vector<16xi1>
    %and3A_123 = arith.andi %ne3A_122, %ne3A_114 : vector<16xi1>
    %add3A_124 = vector.broadcast %select_n3A_109 : i32 to vector<16xi32>
    %add3A_125 = arith.addi %rem3A_111, %add3A_124 : vector<16xi32>
    %select_n3A_126 = arith.select %and3A_123, %add3A_125, %rem3A_111 : vector<16xi1>, vector<16xi32>
    %swap3A_127 = arith.constant 32 : index
    %swap3A_128 = tpu.vector_load %arg6[%swap3A_127] {strides = array<i32>} : memref<512xi32, #tpu.memory_space<vmem>>, vector<16xi32>,
    %swap3A_129 = vector.shape_cast %swap3A_128 : vector<16xi32> to vector<16xi32>
    %swap3A_130 = vector.shape_cast %select_n3A_126 : vector<16xi32> to vector<16xi32>
    tpu.vector_store %arg6[%swap3A_127], %swap3A_130 {strides = array<i32>} : memref<512xi32, #tpu.memory_space<vmem>>, vector<16xi32>,
    %get3A_131 = arith.constant 64 : index
    %get3A_132 = tpu.vector_load %arg5[%get3A_131] {strides = array<i32>} : memref<528xi32, #tpu.memory_space<vmem>>, vector<16xi32>,
    %get3A_133 = vector.shape_cast %get3A_132 : vector<16xi32> to vector<16xi32>
    %get3A_134 = arith.constant 63 : index
    %get3A_135 = tpu.vector_load %arg5[%get3A_134] {strides = array<i32>} : memref<528xi32, #tpu.memory_space<vmem>>, vector<16xi32>,
    %get3A_136 = vector.shape_cast %get3A_135 : vector<16xi32> to vector<16xi32>
    %mul3A_137 = arith.constant 36313 : i32
    %mul3A_138 = vector.broadcast %mul3A_137 : i32 to vector<16xi32>
    %mul3A_139 = arith.muli %get3A_133, %mul3A_138 : vector<16xi32>
    %mul3A_140 = arith.constant 27191 : i32
    %mul3A_141 = vector.broadcast %mul3A_140 : i32 to vector<16xi32>
    %mul3A_142 = arith.muli %get3A_136, %mul3A_141 : vector<16xi32>
    %xor3A_143 = arith.xori %mul3A_139, %mul3A_142 : vector<16xi32>
    %jit3A_144 = arith.constant 999999 : i32
    %eq3A_145 = arith.constant 0 : i32
    %eq3A_146 = arith.cmpi eq, %jit3A_144, %eq3A_145 : i32
    %jit3A_147 = arith.constant 1 : i32
    %select_n3A_148 = arith.select %eq3A_146, %jit3A_147, %jit3A_144 : i32
    %rem3A_149 = vector.broadcast %select_n3A_148 : i32 to vector<16xi32>
    %rem3A_150 = arith.remsi %xor3A_143, %rem3A_149 : vector<16xi32>
    %ne3A_151 = arith.constant 0 : i32
    %ne3A_152 = vector.broadcast %ne3A_151 : i32 to vector<16xi32>
    %ne3A_153 = arith.cmpi ne, %rem3A_150, %ne3A_152 : vector<16xi32>
    %lt3A_154 = arith.constant 0 : i32
    %lt3A_155 = vector.broadcast %lt3A_154 : i32 to vector<16xi32>
    %lt3A_156 = arith.cmpi slt, %rem3A_150, %lt3A_155 : vector<16xi32>
    %lt3A_157 = arith.constant 0 : i32
    %lt3A_158 = arith.cmpi slt, %select_n3A_148, %lt3A_157 : i32
    %ne3A_159 = vector.broadcast %lt3A_158 : i1 to vector<16xi1>
    %ne3A_160 = vector.broadcast %ne3A_159 : vector<16xi1> to vector<16xi1>
    %ne3A_161 = arith.xori %lt3A_156, %ne3A_160 : vector<16xi1>
    %and3A_162 = arith.andi %ne3A_161, %ne3A_153 : vector<16xi1>
    %add3A_163 = vector.broadcast %select_n3A_148 : i32 to vector<16xi32>
    %add3A_164 = arith.addi %rem3A_150, %add3A_163 : vector<16xi32>
    %select_n3A_165 = arith.select %and3A_162, %add3A_164, %rem3A_150 : vector<16xi1>, vector<16xi32>
    %swap3A_166 = arith.constant 48 : index
    %swap3A_167 = tpu.vector_load %arg6[%swap3A_166] {strides = array<i32>} : memref<512xi32, #tpu.memory_space<vmem>>, vector<16xi32>,
    %swap3A_168 = vector.shape_cast %swap3A_167 : vector<16xi32> to vector<16xi32>
    %swap3A_169 = vector.shape_cast %select_n3A_165 : vector<16xi32> to vector<16xi32>
    tpu.vector_store %arg6[%swap3A_166], %swap3A_169 {strides = array<i32>} : memref<512xi32, #tpu.memory_space<vmem>>, vector<16xi32>,
    %get3A_170 = arith.constant 80 : index
    %get3A_171 = tpu.vector_load %arg5[%get3A_170] {strides = array<i32>} : memref<528xi32, #tpu.memory_space<vmem>>, vector<16xi32>,
    %get3A_172 = vector.shape_cast %get3A_171 : vector<16xi32> to vector<16xi32>
    %get3A_173 = arith.constant 79 : index
    %get3A_174 = tpu.vector_load %arg5[%get3A_173] {strides = array<i32>} : memref<528xi32, #tpu.memory_space<vmem>>, vector<16xi32>,
    %get3A_175 = vector.shape_cast %get3A_174 : vector<16xi32> to vector<16xi32>
    %mul3A_176 = arith.constant 36313 : i32
    %mul3A_177 = vector.broadcast %mul3A_176 : i32 to vector<16xi32>
    %mul3A_178 = arith.muli %get3A_172, %mul3A_177 : vector<16xi32>
    %mul3A_179 = arith.constant 27191 : i32
    %mul3A_180 = vector.broadcast %mul3A_179 : i32 to vector<16xi32>
    %mul3A_181 = arith.muli %get3A_175, %mul3A_180 : vector<16xi32>
    %xor3A_182 = arith.xori %mul3A_178, %mul3A_181 : vector<16xi32>
    %jit3A_183 = arith.constant 999999 : i32
    %eq3A_184 = arith.constant 0 : i32
    %eq3A_185 = arith.cmpi eq, %jit3A_183, %eq3A_184 : i32
    %jit3A_186 = arith.constant 1 : i32
    %select_n3A_187 = arith.select %eq3A_185, %jit3A_186, %jit3A_183 : i32
    %rem3A_188 = vector.broadcast %select_n3A_187 : i32 to vector<16xi32>
    %rem3A_189 = arith.remsi %xor3A_182, %rem3A_188 : vector<16xi32>
    %ne3A_190 = arith.constant 0 : i32
    %ne3A_191 = vector.broadcast %ne3A_190 : i32 to vector<16xi32>
    %ne3A_192 = arith.cmpi ne, %rem3A_189, %ne3A_191 : vector<16xi32>
    %lt3A_193 = arith.constant 0 : i32
    %lt3A_194 = vector.broadcast %lt3A_193 : i32 to vector<16xi32>
    %lt3A_195 = arith.cmpi slt, %rem3A_189, %lt3A_194 : vector<16xi32>
    %lt3A_196 = arith.constant 0 : i32
    %lt3A_197 = arith.cmpi slt, %select_n3A_187, %lt3A_196 : i32
    %ne3A_198 = vector.broadcast %lt3A_197 : i1 to vector<16xi1>
    %ne3A_199 = vector.broadcast %ne3A_198 : vector<16xi1> to vector<16xi1>
    %ne3A_200 = arith.xori %lt3A_195, %ne3A_199 : vector<16xi1>
    %and3A_201 = arith.andi %ne3A_200, %ne3A_192 : vector<16xi1>
    %add3A_202 = vector.broadcast %select_n3A_187 : i32 to vector<16xi32>
    %add3A_203 = arith.addi %rem3A_189, %add3A_202 : vector<16xi32>
    %select_n3A_204 = arith.select %and3A_201, %add3A_203, %rem3A_189 : vector<16xi1>, vector<16xi32>
    %swap3A_205 = arith.constant 64 : index
    %swap3A_206 = tpu.vector_load %arg6[%swap3A_205] {strides = array<i32>} : memref<512xi32, #tpu.memory_space<vmem>>, vector<16xi32>,
    %swap3A_207 = vector.shape_cast %swap3A_206 : vector<16xi32> to vector<16xi32>
    %swap3A_208 = vector.shape_cast %select_n3A_204 : vector<16xi32> to vector<16xi32>
    tpu.vector_store %arg6[%swap3A_205], %swap3A_208 {strides = array<i32>} : memref<512xi32, #tpu.memory_space<vmem>>, vector<16xi32>,
    %get3A_209 = arith.constant 96 : index
    %get3A_210 = tpu.vector_load %arg5[%get3A_209] {strides = array<i32>} : memref<528xi32, #tpu.memory_space<vmem>>, vector<16xi32>,
    %get3A_211 = vector.shape_cast %get3A_210 : vector<16xi32> to vector<16xi32>
    %get3A_212 = arith.constant 95 : index
    %get3A_213 = tpu.vector_load %arg5[%get3A_212] {strides = array<i32>} : memref<528xi32, #tpu.memory_space<vmem>>, vector<16xi32>,
    %get3A_214 = vector.shape_cast %get3A_213 : vector<16xi32> to vector<16xi32>
    %mul3A_215 = arith.constant 36313 : i32
    %mul3A_216 = vector.broadcast %mul3A_215 : i32 to vector<16xi32>
    %mul3A_217 = arith.muli %get3A_211, %mul3A_216 : vector<16xi32>
    %mul3A_218 = arith.constant 27191 : i32
    %mul3A_219 = vector.broadcast %mul3A_218 : i32 to vector<16xi32>
    %mul3A_220 = arith.muli %get3A_214, %mul3A_219 : vector<16xi32>
    %xor3A_221 = arith.xori %mul3A_217, %mul3A_220 : vector<16xi32>
    %jit3A_222 = arith.constant 999999 : i32
    %eq3A_223 = arith.constant 0 : i32
    %eq3A_224 = arith.cmpi eq, %jit3A_222, %eq3A_223 : i32
    %jit3A_225 = arith.constant 1 : i32
    %select_n3A_226 = arith.select %eq3A_224, %jit3A_225, %jit3A_222 : i32
    %rem3A_227 = vector.broadcast %select_n3A_226 : i32 to vector<16xi32>
    %rem3A_228 = arith.remsi %xor3A_221, %rem3A_227 : vector<16xi32>
    %ne3A_229 = arith.constant 0 : i32
    %ne3A_230 = vector.broadcast %ne3A_229 : i32 to vector<16xi32>
    %ne3A_231 = arith.cmpi ne, %rem3A_228, %ne3A_230 : vector<16xi32>
    %lt3A_232 = arith.constant 0 : i32
    %lt3A_233 = vector.broadcast %lt3A_232 : i32 to vector<16xi32>
    %lt3A_234 = arith.cmpi slt, %rem3A_228, %lt3A_233 : vector<16xi32>
    %lt3A_235 = arith.constant 0 : i32
    %lt3A_236 = arith.cmpi slt, %select_n3A_226, %lt3A_235 : i32
    %ne3A_237 = vector.broadcast %lt3A_236 : i1 to vector<16xi1>
    %ne3A_238 = vector.broadcast %ne3A_237 : vector<16xi1> to vector<16xi1>
    %ne3A_239 = arith.xori %lt3A_234, %ne3A_238 : vector<16xi1>
    %and3A_240 = arith.andi %ne3A_239, %ne3A_231 : vector<16xi1>
    %add3A_241 = vector.broadcast %select_n3A_226 : i32 to vector<16xi32>
    %add3A_242 = arith.addi %rem3A_228, %add3A_241 : vector<16xi32>
    %select_n3A_243 = arith.select %and3A_240, %add3A_242, %rem3A_228 : vector<16xi1>, vector<16xi32>
    %swap3A_244 = arith.constant 80 : index
    %swap3A_245 = tpu.vector_load %arg6[%swap3A_244] {strides = array<i32>} : memref<512xi32, #tpu.memory_space<vmem>>, vector<16xi32>,
    %swap3A_246 = vector.shape_cast %swap3A_245 : vector<16xi32> to vector<16xi32>
    %swap3A_247 = vector.shape_cast %select_n3A_243 : vector<16xi32> to vector<16xi32>
    tpu.vector_store %arg6[%swap3A_244], %swap3A_247 {strides = array<i32>} : memref<512xi32, #tpu.memory_space<vmem>>, vector<16xi32>,
    %get3A_248 = arith.constant 112 : index
    %get3A_249 = tpu.vector_load %arg5[%get3A_248] {strides = array<i32>} : memref<528xi32, #tpu.memory_space<vmem>>, vector<16xi32>,
    %get3A_250 = vector.shape_cast %get3A_249 : vector<16xi32> to vector<16xi32>
    %get3A_251 = arith.constant 111 : index
    %get3A_252 = tpu.vector_load %arg5[%get3A_251] {strides = array<i32>} : memref<528xi32, #tpu.memory_space<vmem>>, vector<16xi32>,
    %get3A_253 = vector.shape_cast %get3A_252 : vector<16xi32> to vector<16xi32>
    %mul3A_254 = arith.constant 36313 : i32
    %mul3A_255 = vector.broadcast %mul3A_254 : i32 to vector<16xi32>
    %mul3A_256 = arith.muli %get3A_250, %mul3A_255 : vector<16xi32>
    %mul3A_257 = arith.constant 27191 : i32
    %mul3A_258 = vector.broadcast %mul3A_257 : i32 to vector<16xi32>
    %mul3A_259 = arith.muli %get3A_253, %mul3A_258 : vector<16xi32>
    %xor3A_260 = arith.xori %mul3A_256, %mul3A_259 : vector<16xi32>
    %jit3A_261 = arith.constant 999999 : i32
    %eq3A_262 = arith.constant 0 : i32
    %eq3A_263 = arith.cmpi eq, %jit3A_261, %eq3A_262 : i32
    %jit3A_264 = arith.constant 1 : i32
    %select_n3A_265 = arith.select %eq3A_263, %jit3A_264, %jit3A_261 : i32
    %rem3A_266 = vector.broadcast %select_n3A_265 : i32 to vector<16xi32>
    %rem3A_267 = arith.remsi %xor3A_260, %rem3A_266 : vector<16xi32>
    %ne3A_268 = arith.constant 0 : i32
    %ne3A_269 = vector.broadcast %ne3A_268 : i32 to vector<16xi32>
    %ne3A_270 = arith.cmpi ne, %rem3A_267, %ne3A_269 : vector<16xi32>
    %lt3A_271 = arith.constant 0 : i32
    %lt3A_272 = vector.broadcast %lt3A_271 : i32 to vector<16xi32>
    %lt3A_273 = arith.cmpi slt, %rem3A_267, %lt3A_272 : vector<16xi32>
    %lt3A_274 = arith.constant 0 : i32
    %lt3A_275 = arith.cmpi slt, %select_n3A_265, %lt3A_274 : i32
    %ne3A_276 = vector.broadcast %lt3A_275 : i1 to vector<16xi1>
    %ne3A_277 = vector.broadcast %ne3A_276 : vector<16xi1> to vector<16xi1>
    %ne3A_278 = arith.xori %lt3A_273, %ne3A_277 : vector<16xi1>
    %and3A_279 = arith.andi %ne3A_278, %ne3A_270 : vector<16xi1>
    %add3A_280 = vector.broadcast %select_n3A_265 : i32 to vector<16xi32>
    %add3A_281 = arith.addi %rem3A_267, %add3A_280 : vector<16xi32>
    %select_n3A_282 = arith.select %and3A_279, %add3A_281, %rem3A_267 : vector<16xi1>, vector<16xi32>
    %swap3A_283 = arith.constant 96 : index
    %swap3A_284 = tpu.vector_load %arg6[%swap3A_283] {strides = array<i32>} : memref<512xi32, #tpu.memory_space<vmem>>, vector<16xi32>,
    %swap3A_285 = vector.shape_cast %swap3A_284 : vector<16xi32> to vector<16xi32>
    %swap3A_286 = vector.shape_cast %select_n3A_282 : vector<16xi32> to vector<16xi32>
    tpu.vector_store %arg6[%swap3A_283], %swap3A_286 {strides = array<i32>} : memref<512xi32, #tpu.memory_space<vmem>>, vector<16xi32>,
    %get3A_287 = arith.constant 128 : index
    %get3A_288 = tpu.vector_load %arg5[%get3A_287] {strides = array<i32>} : memref<528xi32, #tpu.memory_space<vmem>>, vector<16xi32>,
    %get3A_289 = vector.shape_cast %get3A_288 : vector<16xi32> to vector<16xi32>
    %get3A_290 = arith.constant 127 : index
    %get3A_291 = tpu.vector_load %arg5[%get3A_290] {strides = array<i32>} : memref<528xi32, #tpu.memory_space<vmem>>, vector<16xi32>,
    %get3A_292 = vector.shape_cast %get3A_291 : vector<16xi32> to vector<16xi32>
    %mul3A_293 = arith.constant 36313 : i32
    %mul3A_294 = vector.broadcast %mul3A_293 : i32 to vector<16xi32>
    %mul3A_295 = arith.muli %get3A_289, %mul3A_294 : vector<16xi32>
    %mul3A_296 = arith.constant 27191 : i32
    %mul3A_297 = vector.broadcast %mul3A_296 : i32 to vector<16xi32>
    %mul3A_298 = arith.muli %get3A_292, %mul3A_297 : vector<16xi32>
    %xor3A_299 = arith.xori %mul3A_295, %mul3A_298 : vector<16xi32>
    %jit3A_300 = arith.constant 999999 : i32
    %eq3A_301 = arith.constant 0 : i32
    %eq3A_302 = arith.cmpi eq, %jit3A_300, %eq3A_301 : i32
    %jit3A_303 = arith.constant 1 : i32
    %select_n3A_304 = arith.select %eq3A_302, %jit3A_303, %jit3A_300 : i32
    %rem3A_305 = vector.broadcast %select_n3A_304 : i32 to vector<16xi32>
    %rem3A_306 = arith.remsi %xor3A_299, %rem3A_305 : vector<16xi32>
    %ne3A_307 = arith.constant 0 : i32
    %ne3A_308 = vector.broadcast %ne3A_307 : i32 to vector<16xi32>
    %ne3A_309 = arith.cmpi ne, %rem3A_306, %ne3A_308 : vector<16xi32>
    %lt3A_310 = arith.constant 0 : i32
    %lt3A_311 = vector.broadcast %lt3A_310 : i32 to vector<16xi32>
    %lt3A_312 = arith.cmpi slt, %rem3A_306, %lt3A_311 : vector<16xi32>
    %lt3A_313 = arith.constant 0 : i32
    %lt3A_314 = arith.cmpi slt, %select_n3A_304, %lt3A_313 : i32
    %ne3A_315 = vector.broadcast %lt3A_314 : i1 to vector<16xi1>
    %ne3A_316 = vector.broadcast %ne3A_315 : vector<16xi1> to vector<16xi1>
    %ne3A_317 = arith.xori %lt3A_312, %ne3A_316 : vector<16xi1>
    %and3A_318 = arith.andi %ne3A_317, %ne3A_309 : vector<16xi1>
    %add3A_319 = vector.broadcast %select_n3A_304 : i32 to vector<16xi32>
    %add3A_320 = arith.addi %rem3A_306, %add3A_319 : vector<16xi32>
    %select_n3A_321 = arith.select %and3A_318, %add3A_320, %rem3A_306 : vector<16xi1>, vector<16xi32>
    %swap3A_322 = arith.constant 112 : index
    %swap3A_323 = tpu.vector_load %arg6[%swap3A_322] {strides = array<i32>} : memref<512xi32, #tpu.memory_space<vmem>>, vector<16xi32>,
    %swap3A_324 = vector.shape_cast %swap3A_323 : vector<16xi32> to vector<16xi32>
    %swap3A_325 = vector.shape_cast %select_n3A_321 : vector<16xi32> to vector<16xi32>
    tpu.vector_store %arg6[%swap3A_322], %swap3A_325 {strides = array<i32>} : memref<512xi32, #tpu.memory_space<vmem>>, vector<16xi32>,
    %get3A_326 = arith.constant 144 : index
    %get3A_327 = tpu.vector_load %arg5[%get3A_326] {strides = array<i32>} : memref<528xi32, #tpu.memory_space<vmem>>, vector<16xi32>,
    %get3A_328 = vector.shape_cast %get3A_327 : vector<16xi32> to vector<16xi32>
    %get3A_329 = arith.constant 143 : index
    %get3A_330 = tpu.vector_load %arg5[%get3A_329] {strides = array<i32>} : memref<528xi32, #tpu.memory_space<vmem>>, vector<16xi32>,
    %get3A_331 = vector.shape_cast %get3A_330 : vector<16xi32> to vector<16xi32>
    %mul3A_332 = arith.constant 36313 : i32
    %mul3A_333 = vector.broadcast %mul3A_332 : i32 to vector<16xi32>
    %mul3A_334 = arith.muli %get3A_328, %mul3A_333 : vector<16xi32>
    %mul3A_335 = arith.constant 27191 : i32
    %mul3A_336 = vector.broadcast %mul3A_335 : i32 to vector<16xi32>
    %mul3A_337 = arith.muli %get3A_331, %mul3A_336 : vector<16xi32>
    %xor3A_338 = arith.xori %mul3A_334, %mul3A_337 : vector<16xi32>
    %jit3A_339 = arith.constant 999999 : i32
    %eq3A_340 = arith.constant 0 : i32
    %eq3A_341 = arith.cmpi eq, %jit3A_339, %eq3A_340 : i32
    %jit3A_342 = arith.constant 1 : i32
    %select_n3A_343 = arith.select %eq3A_341, %jit3A_342, %jit3A_339 : i32
    %rem3A_344 = vector.broadcast %select_n3A_343 : i32 to vector<16xi32>
    %rem3A_345 = arith.remsi %xor3A_338, %rem3A_344 : vector<16xi32>
    %ne3A_346 = arith.constant 0 : i32
    %ne3A_347 = vector.broadcast %ne3A_346 : i32 to vector<16xi32>
    %ne3A_348 = arith.cmpi ne, %rem3A_345, %ne3A_347 : vector<16xi32>
    %lt3A_349 = arith.constant 0 : i32
    %lt3A_350 = vector.broadcast %lt3A_349 : i32 to vector<16xi32>
    %lt3A_351 = arith.cmpi slt, %rem3A_345, %lt3A_350 : vector<16xi32>
    %lt3A_352 = arith.constant 0 : i32
    %lt3A_353 = arith.cmpi slt, %select_n3A_343, %lt3A_352 : i32
    %ne3A_354 = vector.broadcast %lt3A_353 : i1 to vector<16xi1>
    %ne3A_355 = vector.broadcast %ne3A_354 : vector<16xi1> to vector<16xi1>
    %ne3A_356 = arith.xori %lt3A_351, %ne3A_355 : vector<16xi1>
    %and3A_357 = arith.andi %ne3A_356, %ne3A_348 : vector<16xi1>
    %add3A_358 = vector.broadcast %select_n3A_343 : i32 to vector<16xi32>
    %add3A_359 = arith.addi %rem3A_345, %add3A_358 : vector<16xi32>
    %select_n3A_360 = arith.select %and3A_357, %add3A_359, %rem3A_345 : vector<16xi1>, vector<16xi32>
    %swap3A_361 = arith.constant 128 : index
    %swap3A_362 = tpu.vector_load %arg6[%swap3A_361] {strides = array<i32>} : memref<512xi32, #tpu.memory_space<vmem>>, vector<16xi32>,
    %swap3A_363 = vector.shape_cast %swap3A_362 : vector<16xi32> to vector<16xi32>
    %swap3A_364 = vector.shape_cast %select_n3A_360 : vector<16xi32> to vector<16xi32>
    tpu.vector_store %arg6[%swap3A_361], %swap3A_364 {strides = array<i32>} : memref<512xi32, #tpu.memory_space<vmem>>, vector<16xi32>,
    %get3A_365 = arith.constant 160 : index
    %get3A_366 = tpu.vector_load %arg5[%get3A_365] {strides = array<i32>} : memref<528xi32, #tpu.memory_space<vmem>>, vector<16xi32>,
    %get3A_367 = vector.shape_cast %get3A_366 : vector<16xi32> to vector<16xi32>
    %get3A_368 = arith.constant 159 : index
    %get3A_369 = tpu.vector_load %arg5[%get3A_368] {strides = array<i32>} : memref<528xi32, #tpu.memory_space<vmem>>, vector<16xi32>,
    %get3A_370 = vector.shape_cast %get3A_369 : vector<16xi32> to vector<16xi32>
    %mul3A_371 = arith.constant 36313 : i32
    %mul3A_372 = vector.broadcast %mul3A_371 : i32 to vector<16xi32>
    %mul3A_373 = arith.muli %get3A_367, %mul3A_372 : vector<16xi32>
    %mul3A_374 = arith.constant 27191 : i32
    %mul3A_375 = vector.broadcast %mul3A_374 : i32 to vector<16xi32>
    %mul3A_376 = arith.muli %get3A_370, %mul3A_375 : vector<16xi32>
    %xor3A_377 = arith.xori %mul3A_373, %mul3A_376 : vector<16xi32>
    %jit3A_378 = arith.constant 999999 : i32
    %eq3A_379 = arith.constant 0 : i32
    %eq3A_380 = arith.cmpi eq, %jit3A_378, %eq3A_379 : i32
    %jit3A_381 = arith.constant 1 : i32
    %select_n3A_382 = arith.select %eq3A_380, %jit3A_381, %jit3A_378 : i32
    %rem3A_383 = vector.broadcast %select_n3A_382 : i32 to vector<16xi32>
    %rem3A_384 = arith.remsi %xor3A_377, %rem3A_383 : vector<16xi32>
    %ne3A_385 = arith.constant 0 : i32
    %ne3A_386 = vector.broadcast %ne3A_385 : i32 to vector<16xi32>
    %ne3A_387 = arith.cmpi ne, %rem3A_384, %ne3A_386 : vector<16xi32>
    %lt3A_388 = arith.constant 0 : i32
    %lt3A_389 = vector.broadcast %lt3A_388 : i32 to vector<16xi32>
    %lt3A_390 = arith.cmpi slt, %rem3A_384, %lt3A_389 : vector<16xi32>
    %lt3A_391 = arith.constant 0 : i32
    %lt3A_392 = arith.cmpi slt, %select_n3A_382, %lt3A_391 : i32
    %ne3A_393 = vector.broadcast %lt3A_392 : i1 to vector<16xi1>
    %ne3A_394 = vector.broadcast %ne3A_393 : vector<16xi1> to vector<16xi1>
    %ne3A_395 = arith.xori %lt3A_390, %ne3A_394 : vector<16xi1>
    %and3A_396 = arith.andi %ne3A_395, %ne3A_387 : vector<16xi1>
    %add3A_397 = vector.broadcast %select_n3A_382 : i32 to vector<16xi32>
    %add3A_398 = arith.addi %rem3A_384, %add3A_397 : vector<16xi32>
    %select_n3A_399 = arith.select %and3A_396, %add3A_398, %rem3A_384 : vector<16xi1>, vector<16xi32>
    %swap3A_400 = arith.constant 144 : index
    %swap3A_401 = tpu.vector_load %arg6[%swap3A_400] {strides = array<i32>} : memref<512xi32, #tpu.memory_space<vmem>>, vector<16xi32>,
    %swap3A_402 = vector.shape_cast %swap3A_401 : vector<16xi32> to vector<16xi32>
    %swap3A_403 = vector.shape_cast %select_n3A_399 : vector<16xi32> to vector<16xi32>
    tpu.vector_store %arg6[%swap3A_400], %swap3A_403 {strides = array<i32>} : memref<512xi32, #tpu.memory_space<vmem>>, vector<16xi32>,
    %get3A_404 = arith.constant 176 : index
    %get3A_405 = tpu.vector_load %arg5[%get3A_404] {strides = array<i32>} : memref<528xi32, #tpu.memory_space<vmem>>, vector<16xi32>,
    %get3A_406 = vector.shape_cast %get3A_405 : vector<16xi32> to vector<16xi32>
    %get3A_407 = arith.constant 175 : index
    %get3A_408 = tpu.vector_load %arg5[%get3A_407] {strides = array<i32>} : memref<528xi32, #tpu.memory_space<vmem>>, vector<16xi32>,
    %get3A_409 = vector.shape_cast %get3A_408 : vector<16xi32> to vector<16xi32>
    %mul3A_410 = arith.constant 36313 : i32
    %mul3A_411 = vector.broadcast %mul3A_410 : i32 to vector<16xi32>
    %mul3A_412 = arith.muli %get3A_406, %mul3A_411 : vector<16xi32>
    %mul3A_413 = arith.constant 27191 : i32
    %mul3A_414 = vector.broadcast %mul3A_413 : i32 to vector<16xi32>
    %mul3A_415 = arith.muli %get3A_409, %mul3A_414 : vector<16xi32>
    %xor3A_416 = arith.xori %mul3A_412, %mul3A_415 : vector<16xi32>
    %jit3A_417 = arith.constant 999999 : i32
    %eq3A_418 = arith.constant 0 : i32
    %eq3A_419 = arith.cmpi eq, %jit3A_417, %eq3A_418 : i32
    %jit3A_420 = arith.constant 1 : i32
    %select_n3A_421 = arith.select %eq3A_419, %jit3A_420, %jit3A_417 : i32
    %rem3A_422 = vector.broadcast %select_n3A_421 : i32 to vector<16xi32>
    %rem3A_423 = arith.remsi %xor3A_416, %rem3A_422 : vector<16xi32>
    %ne3A_424 = arith.constant 0 : i32
    %ne3A_425 = vector.broadcast %ne3A_424 : i32 to vector<16xi32>
    %ne3A_426 = arith.cmpi ne, %rem3A_423, %ne3A_425 : vector<16xi32>
    %lt3A_427 = arith.constant 0 : i32
    %lt3A_428 = vector.broadcast %lt3A_427 : i32 to vector<16xi32>
    %lt3A_429 = arith.cmpi slt, %rem3A_423, %lt3A_428 : vector<16xi32>
    %lt3A_430 = arith.constant 0 : i32
    %lt3A_431 = arith.cmpi slt, %select_n3A_421, %lt3A_430 : i32
    %ne3A_432 = vector.broadcast %lt3A_431 : i1 to vector<16xi1>
    %ne3A_433 = vector.broadcast %ne3A_432 : vector<16xi1> to vector<16xi1>
    %ne3A_434 = arith.xori %lt3A_429, %ne3A_433 : vector<16xi1>
    %and3A_435 = arith.andi %ne3A_434, %ne3A_426 : vector<16xi1>
    %add3A_436 = vector.broadcast %select_n3A_421 : i32 to vector<16xi32>
    %add3A_437 = arith.addi %rem3A_423, %add3A_436 : vector<16xi32>
    %select_n3A_438 = arith.select %and3A_435, %add3A_437, %rem3A_423 : vector<16xi1>, vector<16xi32>
    %swap3A_439 = arith.constant 160 : index
    %swap3A_440 = tpu.vector_load %arg6[%swap3A_439] {strides = array<i32>} : memref<512xi32, #tpu.memory_space<vmem>>, vector<16xi32>,
    %swap3A_441 = vector.shape_cast %swap3A_440 : vector<16xi32> to vector<16xi32>
    %swap3A_442 = vector.shape_cast %select_n3A_438 : vector<16xi32> to vector<16xi32>
    tpu.vector_store %arg6[%swap3A_439], %swap3A_442 {strides = array<i32>} : memref<512xi32, #tpu.memory_space<vmem>>, vector<16xi32>,
    %get3A_443 = arith.constant 192 : index
    %get3A_444 = tpu.vector_load %arg5[%get3A_443] {strides = array<i32>} : memref<528xi32, #tpu.memory_space<vmem>>, vector<16xi32>,
    %get3A_445 = vector.shape_cast %get3A_444 : vector<16xi32> to vector<16xi32>
    %get3A_446 = arith.constant 191 : index
    %get3A_447 = tpu.vector_load %arg5[%get3A_446] {strides = array<i32>} : memref<528xi32, #tpu.memory_space<vmem>>, vector<16xi32>,
    %get3A_448 = vector.shape_cast %get3A_447 : vector<16xi32> to vector<16xi32>
    %mul3A_449 = arith.constant 36313 : i32
    %mul3A_450 = vector.broadcast %mul3A_449 : i32 to vector<16xi32>
    %mul3A_451 = arith.muli %get3A_445, %mul3A_450 : vector<16xi32>
    %mul3A_452 = arith.constant 27191 : i32
    %mul3A_453 = vector.broadcast %mul3A_452 : i32 to vector<16xi32>
    %mul3A_454 = arith.muli %get3A_448, %mul3A_453 : vector<16xi32>
    %xor3A_455 = arith.xori %mul3A_451, %mul3A_454 : vector<16xi32>
    %jit3A_456 = arith.constant 999999 : i32
    %eq3A_457 = arith.constant 0 : i32
    %eq3A_458 = arith.cmpi eq, %jit3A_456, %eq3A_457 : i32
    %jit3A_459 = arith.constant 1 : i32
    %select_n3A_460 = arith.select %eq3A_458, %jit3A_459, %jit3A_456 : i32
    %rem3A_461 = vector.broadcast %select_n3A_460 : i32 to vector<16xi32>
    %rem3A_462 = arith.remsi %xor3A_455, %rem3A_461 : vector<16xi32>
    %ne3A_463 = arith.constant 0 : i32
    %ne3A_464 = vector.broadcast %ne3A_463 : i32 to vector<16xi32>
    %ne3A_465 = arith.cmpi ne, %rem3A_462, %ne3A_464 : vector<16xi32>
    %lt3A_466 = arith.constant 0 : i32
    %lt3A_467 = vector.broadcast %lt3A_466 : i32 to vector<16xi32>
    %lt3A_468 = arith.cmpi slt, %rem3A_462, %lt3A_467 : vector<16xi32>
    %lt3A_469 = arith.constant 0 : i32
    %lt3A_470 = arith.cmpi slt, %select_n3A_460, %lt3A_469 : i32
    %ne3A_471 = vector.broadcast %lt3A_470 : i1 to vector<16xi1>
    %ne3A_472 = vector.broadcast %ne3A_471 : vector<16xi1> to vector<16xi1>
    %ne3A_473 = arith.xori %lt3A_468, %ne3A_472 : vector<16xi1>
    %and3A_474 = arith.andi %ne3A_473, %ne3A_465 : vector<16xi1>
    %add3A_475 = vector.broadcast %select_n3A_460 : i32 to vector<16xi32>
    %add3A_476 = arith.addi %rem3A_462, %add3A_475 : vector<16xi32>
    %select_n3A_477 = arith.select %and3A_474, %add3A_476, %rem3A_462 : vector<16xi1>, vector<16xi32>
    %swap3A_478 = arith.constant 176 : index
    %swap3A_479 = tpu.vector_load %arg6[%swap3A_478] {strides = array<i32>} : memref<512xi32, #tpu.memory_space<vmem>>, vector<16xi32>,
    %swap3A_480 = vector.shape_cast %swap3A_479 : vector<16xi32> to vector<16xi32>
    %swap3A_481 = vector.shape_cast %select_n3A_477 : vector<16xi32> to vector<16xi32>
    tpu.vector_store %arg6[%swap3A_478], %swap3A_481 {strides = array<i32>} : memref<512xi32, #tpu.memory_space<vmem>>, vector<16xi32>,
    %get3A_482 = arith.constant 208 : index
    %get3A_483 = tpu.vector_load %arg5[%get3A_482] {strides = array<i32>} : memref<528xi32, #tpu.memory_space<vmem>>, vector<16xi32>,
    %get3A_484 = vector.shape_cast %get3A_483 : vector<16xi32> to vector<16xi32>
    %get3A_485 = arith.constant 207 : index
    %get3A_486 = tpu.vector_load %arg5[%get3A_485] {strides = array<i32>} : memref<528xi32, #tpu.memory_space<vmem>>, vector<16xi32>,
    %get3A_487 = vector.shape_cast %get3A_486 : vector<16xi32> to vector<16xi32>
    %mul3A_488 = arith.constant 36313 : i32
    %mul3A_489 = vector.broadcast %mul3A_488 : i32 to vector<16xi32>
    %mul3A_490 = arith.muli %get3A_484, %mul3A_489 : vector<16xi32>
    %mul3A_491 = arith.constant 27191 : i32
    %mul3A_492 = vector.broadcast %mul3A_491 : i32 to vector<16xi32>
    %mul3A_493 = arith.muli %get3A_487, %mul3A_492 : vector<16xi32>
    %xor3A_494 = arith.xori %mul3A_490, %mul3A_493 : vector<16xi32>
    %jit3A_495 = arith.constant 999999 : i32
    %eq3A_496 = arith.constant 0 : i32
    %eq3A_497 = arith.cmpi eq, %jit3A_495, %eq3A_496 : i32
    %jit3A_498 = arith.constant 1 : i32
    %select_n3A_499 = arith.select %eq3A_497, %jit3A_498, %jit3A_495 : i32
    %rem3A_500 = vector.broadcast %select_n3A_499 : i32 to vector<16xi32>
    %rem3A_501 = arith.remsi %xor3A_494, %rem3A_500 : vector<16xi32>
    %ne3A_502 = arith.constant 0 : i32
    %ne3A_503 = vector.broadcast %ne3A_502 : i32 to vector<16xi32>
    %ne3A_504 = arith.cmpi ne, %rem3A_501, %ne3A_503 : vector<16xi32>
    %lt3A_505 = arith.constant 0 : i32
    %lt3A_506 = vector.broadcast %lt3A_505 : i32 to vector<16xi32>
    %lt3A_507 = arith.cmpi slt, %rem3A_501, %lt3A_506 : vector<16xi32>
    %lt3A_508 = arith.constant 0 : i32
    %lt3A_509 = arith.cmpi slt, %select_n3A_499, %lt3A_508 : i32
    %ne3A_510 = vector.broadcast %lt3A_509 : i1 to vector<16xi1>
    %ne3A_511 = vector.broadcast %ne3A_510 : vector<16xi1> to vector<16xi1>
    %ne3A_512 = arith.xori %lt3A_507, %ne3A_511 : vector<16xi1>
    %and3A_513 = arith.andi %ne3A_512, %ne3A_504 : vector<16xi1>
    %add3A_514 = vector.broadcast %select_n3A_499 : i32 to vector<16xi32>
    %add3A_515 = arith.addi %rem3A_501, %add3A_514 : vector<16xi32>
    %select_n3A_516 = arith.select %and3A_513, %add3A_515, %rem3A_501 : vector<16xi1>, vector<16xi32>
    %swap3A_517 = arith.constant 192 : index
    %swap3A_518 = tpu.vector_load %arg6[%swap3A_517] {strides = array<i32>} : memref<512xi32, #tpu.memory_space<vmem>>, vector<16xi32>,
    %swap3A_519 = vector.shape_cast %swap3A_518 : vector<16xi32> to vector<16xi32>
    %swap3A_520 = vector.shape_cast %select_n3A_516 : vector<16xi32> to vector<16xi32>
    tpu.vector_store %arg6[%swap3A_517], %swap3A_520 {strides = array<i32>} : memref<512xi32, #tpu.memory_space<vmem>>, vector<16xi32>,
    %get3A_521 = arith.constant 224 : index
    %get3A_522 = tpu.vector_load %arg5[%get3A_521] {strides = array<i32>} : memref<528xi32, #tpu.memory_space<vmem>>, vector<16xi32>,
    %get3A_523 = vector.shape_cast %get3A_522 : vector<16xi32> to vector<16xi32>
    %get3A_524 = arith.constant 223 : index
    %get3A_525 = tpu.vector_load %arg5[%get3A_524] {strides = array<i32>} : memref<528xi32, #tpu.memory_space<vmem>>, vector<16xi32>,
    %get3A_526 = vector.shape_cast %get3A_525 : vector<16xi32> to vector<16xi32>
    %mul3A_527 = arith.constant 36313 : i32
    %mul3A_528 = vector.broadcast %mul3A_527 : i32 to vector<16xi32>
    %mul3A_529 = arith.muli %get3A_523, %mul3A_528 : vector<16xi32>
    %mul3A_530 = arith.constant 27191 : i32
    %mul3A_531 = vector.broadcast %mul3A_530 : i32 to vector<16xi32>
    %mul3A_532 = arith.muli %get3A_526, %mul3A_531 : vector<16xi32>
    %xor3A_533 = arith.xori %mul3A_529, %mul3A_532 : vector<16xi32>
    %jit3A_534 = arith.constant 999999 : i32
    %eq3A_535 = arith.constant 0 : i32
    %eq3A_536 = arith.cmpi eq, %jit3A_534, %eq3A_535 : i32
    %jit3A_537 = arith.constant 1 : i32
    %select_n3A_538 = arith.select %eq3A_536, %jit3A_537, %jit3A_534 : i32
    %rem3A_539 = vector.broadcast %select_n3A_538 : i32 to vector<16xi32>
    %rem3A_540 = arith.remsi %xor3A_533, %rem3A_539 : vector<16xi32>
    %ne3A_541 = arith.constant 0 : i32
    %ne3A_542 = vector.broadcast %ne3A_541 : i32 to vector<16xi32>
    %ne3A_543 = arith.cmpi ne, %rem3A_540, %ne3A_542 : vector<16xi32>
    %lt3A_544 = arith.constant 0 : i32
    %lt3A_545 = vector.broadcast %lt3A_544 : i32 to vector<16xi32>
    %lt3A_546 = arith.cmpi slt, %rem3A_540, %lt3A_545 : vector<16xi32>
    %lt3A_547 = arith.constant 0 : i32
    %lt3A_548 = arith.cmpi slt, %select_n3A_538, %lt3A_547 : i32
    %ne3A_549 = vector.broadcast %lt3A_548 : i1 to vector<16xi1>
    %ne3A_550 = vector.broadcast %ne3A_549 : vector<16xi1> to vector<16xi1>
    %ne3A_551 = arith.xori %lt3A_546, %ne3A_550 : vector<16xi1>
    %and3A_552 = arith.andi %ne3A_551, %ne3A_543 : vector<16xi1>
    %add3A_553 = vector.broadcast %select_n3A_538 : i32 to vector<16xi32>
    %add3A_554 = arith.addi %rem3A_540, %add3A_553 : vector<16xi32>
    %select_n3A_555 = arith.select %and3A_552, %add3A_554, %rem3A_540 : vector<16xi1>, vector<16xi32>
    %swap3A_556 = arith.constant 208 : index
    %swap3A_557 = tpu.vector_load %arg6[%swap3A_556] {strides = array<i32>} : memref<512xi32, #tpu.memory_space<vmem>>, vector<16xi32>,
    %swap3A_558 = vector.shape_cast %swap3A_557 : vector<16xi32> to vector<16xi32>
    %swap3A_559 = vector.shape_cast %select_n3A_555 : vector<16xi32> to vector<16xi32>
    tpu.vector_store %arg6[%swap3A_556], %swap3A_559 {strides = array<i32>} : memref<512xi32, #tpu.memory_space<vmem>>, vector<16xi32>,
    %get3A_560 = arith.constant 240 : index
    %get3A_561 = tpu.vector_load %arg5[%get3A_560] {strides = array<i32>} : memref<528xi32, #tpu.memory_space<vmem>>, vector<16xi32>,
    %get3A_562 = vector.shape_cast %get3A_561 : vector<16xi32> to vector<16xi32>
    %get3A_563 = arith.constant 239 : index
    %get3A_564 = tpu.vector_load %arg5[%get3A_563] {strides = array<i32>} : memref<528xi32, #tpu.memory_space<vmem>>, vector<16xi32>,
    %get3A_565 = vector.shape_cast %get3A_564 : vector<16xi32> to vector<16xi32>
    %mul3A_566 = arith.constant 36313 : i32
    %mul3A_567 = vector.broadcast %mul3A_566 : i32 to vector<16xi32>
    %mul3A_568 = arith.muli %get3A_562, %mul3A_567 : vector<16xi32>
    %mul3A_569 = arith.constant 27191 : i32
    %mul3A_570 = vector.broadcast %mul3A_569 : i32 to vector<16xi32>
    %mul3A_571 = arith.muli %get3A_565, %mul3A_570 : vector<16xi32>
    %xor3A_572 = arith.xori %mul3A_568, %mul3A_571 : vector<16xi32>
    %jit3A_573 = arith.constant 999999 : i32
    %eq3A_574 = arith.constant 0 : i32
    %eq3A_575 = arith.cmpi eq, %jit3A_573, %eq3A_574 : i32
    %jit3A_576 = arith.constant 1 : i32
    %select_n3A_577 = arith.select %eq3A_575, %jit3A_576, %jit3A_573 : i32
    %rem3A_578 = vector.broadcast %select_n3A_577 : i32 to vector<16xi32>
    %rem3A_579 = arith.remsi %xor3A_572, %rem3A_578 : vector<16xi32>
    %ne3A_580 = arith.constant 0 : i32
    %ne3A_581 = vector.broadcast %ne3A_580 : i32 to vector<16xi32>
    %ne3A_582 = arith.cmpi ne, %rem3A_579, %ne3A_581 : vector<16xi32>
    %lt3A_583 = arith.constant 0 : i32
    %lt3A_584 = vector.broadcast %lt3A_583 : i32 to vector<16xi32>
    %lt3A_585 = arith.cmpi slt, %rem3A_579, %lt3A_584 : vector<16xi32>
    %lt3A_586 = arith.constant 0 : i32
    %lt3A_587 = arith.cmpi slt, %select_n3A_577, %lt3A_586 : i32
    %ne3A_588 = vector.broadcast %lt3A_587 : i1 to vector<16xi1>
    %ne3A_589 = vector.broadcast %ne3A_588 : vector<16xi1> to vector<16xi1>
    %ne3A_590 = arith.xori %lt3A_585, %ne3A_589 : vector<16xi1>
    %and3A_591 = arith.andi %ne3A_590, %ne3A_582 : vector<16xi1>
    %add3A_592 = vector.broadcast %select_n3A_577 : i32 to vector<16xi32>
    %add3A_593 = arith.addi %rem3A_579, %add3A_592 : vector<16xi32>
    %select_n3A_594 = arith.select %and3A_591, %add3A_593, %rem3A_579 : vector<16xi1>, vector<16xi32>
    %swap3A_595 = arith.constant 224 : index
    %swap3A_596 = tpu.vector_load %arg6[%swap3A_595] {strides = array<i32>} : memref<512xi32, #tpu.memory_space<vmem>>, vector<16xi32>,
    %swap3A_597 = vector.shape_cast %swap3A_596 : vector<16xi32> to vector<16xi32>
    %swap3A_598 = vector.shape_cast %select_n3A_594 : vector<16xi32> to vector<16xi32>
    tpu.vector_store %arg6[%swap3A_595], %swap3A_598 {strides = array<i32>} : memref<512xi32, #tpu.memory_space<vmem>>, vector<16xi32>,
    %get3A_599 = arith.constant 256 : index
    %get3A_600 = tpu.vector_load %arg5[%get3A_599] {strides = array<i32>} : memref<528xi32, #tpu.memory_space<vmem>>, vector<16xi32>,
    %get3A_601 = vector.shape_cast %get3A_600 : vector<16xi32> to vector<16xi32>
    %get3A_602 = arith.constant 255 : index
    %get3A_603 = tpu.vector_load %arg5[%get3A_602] {strides = array<i32>} : memref<528xi32, #tpu.memory_space<vmem>>, vector<16xi32>,
    %get3A_604 = vector.shape_cast %get3A_603 : vector<16xi32> to vector<16xi32>
    %mul3A_605 = arith.constant 36313 : i32
    %mul3A_606 = vector.broadcast %mul3A_605 : i32 to vector<16xi32>
    %mul3A_607 = arith.muli %get3A_601, %mul3A_606 : vector<16xi32>
    %mul3A_608 = arith.constant 27191 : i32
    %mul3A_609 = vector.broadcast %mul3A_608 : i32 to vector<16xi32>
    %mul3A_610 = arith.muli %get3A_604, %mul3A_609 : vector<16xi32>
    %xor3A_611 = arith.xori %mul3A_607, %mul3A_610 : vector<16xi32>
    %jit3A_612 = arith.constant 999999 : i32
    %eq3A_613 = arith.constant 0 : i32
    %eq3A_614 = arith.cmpi eq, %jit3A_612, %eq3A_613 : i32
    %jit3A_615 = arith.constant 1 : i32
    %select_n3A_616 = arith.select %eq3A_614, %jit3A_615, %jit3A_612 : i32
    %rem3A_617 = vector.broadcast %select_n3A_616 : i32 to vector<16xi32>
    %rem3A_618 = arith.remsi %xor3A_611, %rem3A_617 : vector<16xi32>
    %ne3A_619 = arith.constant 0 : i32
    %ne3A_620 = vector.broadcast %ne3A_619 : i32 to vector<16xi32>
    %ne3A_621 = arith.cmpi ne, %rem3A_618, %ne3A_620 : vector<16xi32>
    %lt3A_622 = arith.constant 0 : i32
    %lt3A_623 = vector.broadcast %lt3A_622 : i32 to vector<16xi32>
    %lt3A_624 = arith.cmpi slt, %rem3A_618, %lt3A_623 : vector<16xi32>
    %lt3A_625 = arith.constant 0 : i32
    %lt3A_626 = arith.cmpi slt, %select_n3A_616, %lt3A_625 : i32
    %ne3A_627 = vector.broadcast %lt3A_626 : i1 to vector<16xi1>
    %ne3A_628 = vector.broadcast %ne3A_627 : vector<16xi1> to vector<16xi1>
    %ne3A_629 = arith.xori %lt3A_624, %ne3A_628 : vector<16xi1>
    %and3A_630 = arith.andi %ne3A_629, %ne3A_621 : vector<16xi1>
    %add3A_631 = vector.broadcast %select_n3A_616 : i32 to vector<16xi32>
    %add3A_632 = arith.addi %rem3A_618, %add3A_631 : vector<16xi32>
    %select_n3A_633 = arith.select %and3A_630, %add3A_632, %rem3A_618 : vector<16xi1>, vector<16xi32>
    %swap3A_634 = arith.constant 240 : index
    %swap3A_635 = tpu.vector_load %arg6[%swap3A_634] {strides = array<i32>} : memref<512xi32, #tpu.memory_space<vmem>>, vector<16xi32>,
    %swap3A_636 = vector.shape_cast %swap3A_635 : vector<16xi32> to vector<16xi32>
    %swap3A_637 = vector.shape_cast %select_n3A_633 : vector<16xi32> to vector<16xi32>
    tpu.vector_store %arg6[%swap3A_634], %swap3A_637 {strides = array<i32>} : memref<512xi32, #tpu.memory_space<vmem>>, vector<16xi32>,
    %get3A_638 = arith.constant 272 : index
    %get3A_639 = tpu.vector_load %arg5[%get3A_638] {strides = array<i32>} : memref<528xi32, #tpu.memory_space<vmem>>, vector<16xi32>,
    %get3A_640 = vector.shape_cast %get3A_639 : vector<16xi32> to vector<16xi32>
    %get3A_641 = arith.constant 271 : index
    %get3A_642 = tpu.vector_load %arg5[%get3A_641] {strides = array<i32>} : memref<528xi32, #tpu.memory_space<vmem>>, vector<16xi32>,
    %get3A_643 = vector.shape_cast %get3A_642 : vector<16xi32> to vector<16xi32>
    %mul3A_644 = arith.constant 36313 : i32
    %mul3A_645 = vector.broadcast %mul3A_644 : i32 to vector<16xi32>
    %mul3A_646 = arith.muli %get3A_640, %mul3A_645 : vector<16xi32>
    %mul3A_647 = arith.constant 27191 : i32
    %mul3A_648 = vector.broadcast %mul3A_647 : i32 to vector<16xi32>
    %mul3A_649 = arith.muli %get3A_643, %mul3A_648 : vector<16xi32>
    %xor3A_650 = arith.xori %mul3A_646, %mul3A_649 : vector<16xi32>
    %jit3A_651 = arith.constant 999999 : i32
    %eq3A_652 = arith.constant 0 : i32
    %eq3A_653 = arith.cmpi eq, %jit3A_651, %eq3A_652 : i32
    %jit3A_654 = arith.constant 1 : i32
    %select_n3A_655 = arith.select %eq3A_653, %jit3A_654, %jit3A_651 : i32
    %rem3A_656 = vector.broadcast %select_n3A_655 : i32 to vector<16xi32>
    %rem3A_657 = arith.remsi %xor3A_650, %rem3A_656 : vector<16xi32>
    %ne3A_658 = arith.constant 0 : i32
    %ne3A_659 = vector.broadcast %ne3A_658 : i32 to vector<16xi32>
    %ne3A_660 = arith.cmpi ne, %rem3A_657, %ne3A_659 : vector<16xi32>
    %lt3A_661 = arith.constant 0 : i32
    %lt3A_662 = vector.broadcast %lt3A_661 : i32 to vector<16xi32>
    %lt3A_663 = arith.cmpi slt, %rem3A_657, %lt3A_662 : vector<16xi32>
    %lt3A_664 = arith.constant 0 : i32
    %lt3A_665 = arith.cmpi slt, %select_n3A_655, %lt3A_664 : i32
    %ne3A_666 = vector.broadcast %lt3A_665 : i1 to vector<16xi1>
    %ne3A_667 = vector.broadcast %ne3A_666 : vector<16xi1> to vector<16xi1>
    %ne3A_668 = arith.xori %lt3A_663, %ne3A_667 : vector<16xi1>
    %and3A_669 = arith.andi %ne3A_668, %ne3A_660 : vector<16xi1>
    %add3A_670 = vector.broadcast %select_n3A_655 : i32 to vector<16xi32>
    %add3A_671 = arith.addi %rem3A_657, %add3A_670 : vector<16xi32>
    %select_n3A_672 = arith.select %and3A_669, %add3A_671, %rem3A_657 : vector<16xi1>, vector<16xi32>
    %swap3A_673 = arith.constant 256 : index
    %swap3A_674 = tpu.vector_load %arg6[%swap3A_673] {strides = array<i32>} : memref<512xi32, #tpu.memory_space<vmem>>, vector<16xi32>,
    %swap3A_675 = vector.shape_cast %swap3A_674 : vector<16xi32> to vector<16xi32>
    %swap3A_676 = vector.shape_cast %select_n3A_672 : vector<16xi32> to vector<16xi32>
    tpu.vector_store %arg6[%swap3A_673], %swap3A_676 {strides = array<i32>} : memref<512xi32, #tpu.memory_space<vmem>>, vector<16xi32>,
    %get3A_677 = arith.constant 288 : index
    %get3A_678 = tpu.vector_load %arg5[%get3A_677] {strides = array<i32>} : memref<528xi32, #tpu.memory_space<vmem>>, vector<16xi32>,
    %get3A_679 = vector.shape_cast %get3A_678 : vector<16xi32> to vector<16xi32>
    %get3A_680 = arith.constant 287 : index
    %get3A_681 = tpu.vector_load %arg5[%get3A_680] {strides = array<i32>} : memref<528xi32, #tpu.memory_space<vmem>>, vector<16xi32>,
    %get3A_682 = vector.shape_cast %get3A_681 : vector<16xi32> to vector<16xi32>
    %mul3A_683 = arith.constant 36313 : i32
    %mul3A_684 = vector.broadcast %mul3A_683 : i32 to vector<16xi32>
    %mul3A_685 = arith.muli %get3A_679, %mul3A_684 : vector<16xi32>
    %mul3A_686 = arith.constant 27191 : i32
    %mul3A_687 = vector.broadcast %mul3A_686 : i32 to vector<16xi32>
    %mul3A_688 = arith.muli %get3A_682, %mul3A_687 : vector<16xi32>
    %xor3A_689 = arith.xori %mul3A_685, %mul3A_688 : vector<16xi32>
    %jit3A_690 = arith.constant 999999 : i32
    %eq3A_691 = arith.constant 0 : i32
    %eq3A_692 = arith.cmpi eq, %jit3A_690, %eq3A_691 : i32
    %jit3A_693 = arith.constant 1 : i32
    %select_n3A_694 = arith.select %eq3A_692, %jit3A_693, %jit3A_690 : i32
    %rem3A_695 = vector.broadcast %select_n3A_694 : i32 to vector<16xi32>
    %rem3A_696 = arith.remsi %xor3A_689, %rem3A_695 : vector<16xi32>
    %ne3A_697 = arith.constant 0 : i32
    %ne3A_698 = vector.broadcast %ne3A_697 : i32 to vector<16xi32>
    %ne3A_699 = arith.cmpi ne, %rem3A_696, %ne3A_698 : vector<16xi32>
    %lt3A_700 = arith.constant 0 : i32
    %lt3A_701 = vector.broadcast %lt3A_700 : i32 to vector<16xi32>
    %lt3A_702 = arith.cmpi slt, %rem3A_696, %lt3A_701 : vector<16xi32>
    %lt3A_703 = arith.constant 0 : i32
    %lt3A_704 = arith.cmpi slt, %select_n3A_694, %lt3A_703 : i32
    %ne3A_705 = vector.broadcast %lt3A_704 : i1 to vector<16xi1>
    %ne3A_706 = vector.broadcast %ne3A_705 : vector<16xi1> to vector<16xi1>
    %ne3A_707 = arith.xori %lt3A_702, %ne3A_706 : vector<16xi1>
    %and3A_708 = arith.andi %ne3A_707, %ne3A_699 : vector<16xi1>
    %add3A_709 = vector.broadcast %select_n3A_694 : i32 to vector<16xi32>
    %add3A_710 = arith.addi %rem3A_696, %add3A_709 : vector<16xi32>
    %select_n3A_711 = arith.select %and3A_708, %add3A_710, %rem3A_696 : vector<16xi1>, vector<16xi32>
    %swap3A_712 = arith.constant 272 : index
    %swap3A_713 = tpu.vector_load %arg6[%swap3A_712] {strides = array<i32>} : memref<512xi32, #tpu.memory_space<vmem>>, vector<16xi32>,
    %swap3A_714 = vector.shape_cast %swap3A_713 : vector<16xi32> to vector<16xi32>
    %swap3A_715 = vector.shape_cast %select_n3A_711 : vector<16xi32> to vector<16xi32>
    tpu.vector_store %arg6[%swap3A_712], %swap3A_715 {strides = array<i32>} : memref<512xi32, #tpu.memory_space<vmem>>, vector<16xi32>,
    %get3A_716 = arith.constant 304 : index
    %get3A_717 = tpu.vector_load %arg5[%get3A_716] {strides = array<i32>} : memref<528xi32, #tpu.memory_space<vmem>>, vector<16xi32>,
    %get3A_718 = vector.shape_cast %get3A_717 : vector<16xi32> to vector<16xi32>
    %get3A_719 = arith.constant 303 : index
    %get3A_720 = tpu.vector_load %arg5[%get3A_719] {strides = array<i32>} : memref<528xi32, #tpu.memory_space<vmem>>, vector<16xi32>,
    %get3A_721 = vector.shape_cast %get3A_720 : vector<16xi32> to vector<16xi32>
    %mul3A_722 = arith.constant 36313 : i32
    %mul3A_723 = vector.broadcast %mul3A_722 : i32 to vector<16xi32>
    %mul3A_724 = arith.muli %get3A_718, %mul3A_723 : vector<16xi32>
    %mul3A_725 = arith.constant 27191 : i32
    %mul3A_726 = vector.broadcast %mul3A_725 : i32 to vector<16xi32>
    %mul3A_727 = arith.muli %get3A_721, %mul3A_726 : vector<16xi32>
    %xor3A_728 = arith.xori %mul3A_724, %mul3A_727 : vector<16xi32>
    %jit3A_729 = arith.constant 999999 : i32
    %eq3A_730 = arith.constant 0 : i32
    %eq3A_731 = arith.cmpi eq, %jit3A_729, %eq3A_730 : i32
    %jit3A_732 = arith.constant 1 : i32
    %select_n3A_733 = arith.select %eq3A_731, %jit3A_732, %jit3A_729 : i32
    %rem3A_734 = vector.broadcast %select_n3A_733 : i32 to vector<16xi32>
    %rem3A_735 = arith.remsi %xor3A_728, %rem3A_734 : vector<16xi32>
    %ne3A_736 = arith.constant 0 : i32
    %ne3A_737 = vector.broadcast %ne3A_736 : i32 to vector<16xi32>
    %ne3A_738 = arith.cmpi ne, %rem3A_735, %ne3A_737 : vector<16xi32>
    %lt3A_739 = arith.constant 0 : i32
    %lt3A_740 = vector.broadcast %lt3A_739 : i32 to vector<16xi32>
    %lt3A_741 = arith.cmpi slt, %rem3A_735, %lt3A_740 : vector<16xi32>
    %lt3A_742 = arith.constant 0 : i32
    %lt3A_743 = arith.cmpi slt, %select_n3A_733, %lt3A_742 : i32
    %ne3A_744 = vector.broadcast %lt3A_743 : i1 to vector<16xi1>
    %ne3A_745 = vector.broadcast %ne3A_744 : vector<16xi1> to vector<16xi1>
    %ne3A_746 = arith.xori %lt3A_741, %ne3A_745 : vector<16xi1>
    %and3A_747 = arith.andi %ne3A_746, %ne3A_738 : vector<16xi1>
    %add3A_748 = vector.broadcast %select_n3A_733 : i32 to vector<16xi32>
    %add3A_749 = arith.addi %rem3A_735, %add3A_748 : vector<16xi32>
    %select_n3A_750 = arith.select %and3A_747, %add3A_749, %rem3A_735 : vector<16xi1>, vector<16xi32>
    %swap3A_751 = arith.constant 288 : index
    %swap3A_752 = tpu.vector_load %arg6[%swap3A_751] {strides = array<i32>} : memref<512xi32, #tpu.memory_space<vmem>>, vector<16xi32>,
    %swap3A_753 = vector.shape_cast %swap3A_752 : vector<16xi32> to vector<16xi32>
    %swap3A_754 = vector.shape_cast %select_n3A_750 : vector<16xi32> to vector<16xi32>
    tpu.vector_store %arg6[%swap3A_751], %swap3A_754 {strides = array<i32>} : memref<512xi32, #tpu.memory_space<vmem>>, vector<16xi32>,
    %get3A_755 = arith.constant 320 : index
    %get3A_756 = tpu.vector_load %arg5[%get3A_755] {strides = array<i32>} : memref<528xi32, #tpu.memory_space<vmem>>, vector<16xi32>,
    %get3A_757 = vector.shape_cast %get3A_756 : vector<16xi32> to vector<16xi32>
    %get3A_758 = arith.constant 319 : index
    %get3A_759 = tpu.vector_load %arg5[%get3A_758] {strides = array<i32>} : memref<528xi32, #tpu.memory_space<vmem>>, vector<16xi32>,
    %get3A_760 = vector.shape_cast %get3A_759 : vector<16xi32> to vector<16xi32>
    %mul3A_761 = arith.constant 36313 : i32
    %mul3A_762 = vector.broadcast %mul3A_761 : i32 to vector<16xi32>
    %mul3A_763 = arith.muli %get3A_757, %mul3A_762 : vector<16xi32>
    %mul3A_764 = arith.constant 27191 : i32
    %mul3A_765 = vector.broadcast %mul3A_764 : i32 to vector<16xi32>
    %mul3A_766 = arith.muli %get3A_760, %mul3A_765 : vector<16xi32>
    %xor3A_767 = arith.xori %mul3A_763, %mul3A_766 : vector<16xi32>
    %jit3A_768 = arith.constant 999999 : i32
    %eq3A_769 = arith.constant 0 : i32
    %eq3A_770 = arith.cmpi eq, %jit3A_768, %eq3A_769 : i32
    %jit3A_771 = arith.constant 1 : i32
    %select_n3A_772 = arith.select %eq3A_770, %jit3A_771, %jit3A_768 : i32
    %rem3A_773 = vector.broadcast %select_n3A_772 : i32 to vector<16xi32>
    %rem3A_774 = arith.remsi %xor3A_767, %rem3A_773 : vector<16xi32>
    %ne3A_775 = arith.constant 0 : i32
    %ne3A_776 = vector.broadcast %ne3A_775 : i32 to vector<16xi32>
    %ne3A_777 = arith.cmpi ne, %rem3A_774, %ne3A_776 : vector<16xi32>
    %lt3A_778 = arith.constant 0 : i32
    %lt3A_779 = vector.broadcast %lt3A_778 : i32 to vector<16xi32>
    %lt3A_780 = arith.cmpi slt, %rem3A_774, %lt3A_779 : vector<16xi32>
    %lt3A_781 = arith.constant 0 : i32
    %lt3A_782 = arith.cmpi slt, %select_n3A_772, %lt3A_781 : i32
    %ne3A_783 = vector.broadcast %lt3A_782 : i1 to vector<16xi1>
    %ne3A_784 = vector.broadcast %ne3A_783 : vector<16xi1> to vector<16xi1>
    %ne3A_785 = arith.xori %lt3A_780, %ne3A_784 : vector<16xi1>
    %and3A_786 = arith.andi %ne3A_785, %ne3A_777 : vector<16xi1>
    %add3A_787 = vector.broadcast %select_n3A_772 : i32 to vector<16xi32>
    %add3A_788 = arith.addi %rem3A_774, %add3A_787 : vector<16xi32>
    %select_n3A_789 = arith.select %and3A_786, %add3A_788, %rem3A_774 : vector<16xi1>, vector<16xi32>
    %swap3A_790 = arith.constant 304 : index
    %swap3A_791 = tpu.vector_load %arg6[%swap3A_790] {strides = array<i32>} : memref<512xi32, #tpu.memory_space<vmem>>, vector<16xi32>,
    %swap3A_792 = vector.shape_cast %swap3A_791 : vector<16xi32> to vector<16xi32>
    %swap3A_793 = vector.shape_cast %select_n3A_789 : vector<16xi32> to vector<16xi32>
    tpu.vector_store %arg6[%swap3A_790], %swap3A_793 {strides = array<i32>} : memref<512xi32, #tpu.memory_space<vmem>>, vector<16xi32>,
    %get3A_794 = arith.constant 336 : index
    %get3A_795 = tpu.vector_load %arg5[%get3A_794] {strides = array<i32>} : memref<528xi32, #tpu.memory_space<vmem>>, vector<16xi32>,
    %get3A_796 = vector.shape_cast %get3A_795 : vector<16xi32> to vector<16xi32>
    %get3A_797 = arith.constant 335 : index
    %get3A_798 = tpu.vector_load %arg5[%get3A_797] {strides = array<i32>} : memref<528xi32, #tpu.memory_space<vmem>>, vector<16xi32>,
    %get3A_799 = vector.shape_cast %get3A_798 : vector<16xi32> to vector<16xi32>
    %mul3A_800 = arith.constant 36313 : i32
    %mul3A_801 = vector.broadcast %mul3A_800 : i32 to vector<16xi32>
    %mul3A_802 = arith.muli %get3A_796, %mul3A_801 : vector<16xi32>
    %mul3A_803 = arith.constant 27191 : i32
    %mul3A_804 = vector.broadcast %mul3A_803 : i32 to vector<16xi32>
    %mul3A_805 = arith.muli %get3A_799, %mul3A_804 : vector<16xi32>
    %xor3A_806 = arith.xori %mul3A_802, %mul3A_805 : vector<16xi32>
    %jit3A_807 = arith.constant 999999 : i32
    %eq3A_808 = arith.constant 0 : i32
    %eq3A_809 = arith.cmpi eq, %jit3A_807, %eq3A_808 : i32
    %jit3A_810 = arith.constant 1 : i32
    %select_n3A_811 = arith.select %eq3A_809, %jit3A_810, %jit3A_807 : i32
    %rem3A_812 = vector.broadcast %select_n3A_811 : i32 to vector<16xi32>
    %rem3A_813 = arith.remsi %xor3A_806, %rem3A_812 : vector<16xi32>
    %ne3A_814 = arith.constant 0 : i32
    %ne3A_815 = vector.broadcast %ne3A_814 : i32 to vector<16xi32>
    %ne3A_816 = arith.cmpi ne, %rem3A_813, %ne3A_815 : vector<16xi32>
    %lt3A_817 = arith.constant 0 : i32
    %lt3A_818 = vector.broadcast %lt3A_817 : i32 to vector<16xi32>
    %lt3A_819 = arith.cmpi slt, %rem3A_813, %lt3A_818 : vector<16xi32>
    %lt3A_820 = arith.constant 0 : i32
    %lt3A_821 = arith.cmpi slt, %select_n3A_811, %lt3A_820 : i32
    %ne3A_822 = vector.broadcast %lt3A_821 : i1 to vector<16xi1>
    %ne3A_823 = vector.broadcast %ne3A_822 : vector<16xi1> to vector<16xi1>
    %ne3A_824 = arith.xori %lt3A_819, %ne3A_823 : vector<16xi1>
    %and3A_825 = arith.andi %ne3A_824, %ne3A_816 : vector<16xi1>
    %add3A_826 = vector.broadcast %select_n3A_811 : i32 to vector<16xi32>
    %add3A_827 = arith.addi %rem3A_813, %add3A_826 : vector<16xi32>
    %select_n3A_828 = arith.select %and3A_825, %add3A_827, %rem3A_813 : vector<16xi1>, vector<16xi32>
    %swap3A_829 = arith.constant 320 : index
    %swap3A_830 = tpu.vector_load %arg6[%swap3A_829] {strides = array<i32>} : memref<512xi32, #tpu.memory_space<vmem>>, vector<16xi32>,
    %swap3A_831 = vector.shape_cast %swap3A_830 : vector<16xi32> to vector<16xi32>
    %swap3A_832 = vector.shape_cast %select_n3A_828 : vector<16xi32> to vector<16xi32>
    tpu.vector_store %arg6[%swap3A_829], %swap3A_832 {strides = array<i32>} : memref<512xi32, #tpu.memory_space<vmem>>, vector<16xi32>,
    %get3A_833 = arith.constant 352 : index
    %get3A_834 = tpu.vector_load %arg5[%get3A_833] {strides = array<i32>} : memref<528xi32, #tpu.memory_space<vmem>>, vector<16xi32>,
    %get3A_835 = vector.shape_cast %get3A_834 : vector<16xi32> to vector<16xi32>
    %get3A_836 = arith.constant 351 : index
    %get3A_837 = tpu.vector_load %arg5[%get3A_836] {strides = array<i32>} : memref<528xi32, #tpu.memory_space<vmem>>, vector<16xi32>,
    %get3A_838 = vector.shape_cast %get3A_837 : vector<16xi32> to vector<16xi32>
    %mul3A_839 = arith.constant 36313 : i32
    %mul3A_840 = vector.broadcast %mul3A_839 : i32 to vector<16xi32>
    %mul3A_841 = arith.muli %get3A_835, %mul3A_840 : vector<16xi32>
    %mul3A_842 = arith.constant 27191 : i32
    %mul3A_843 = vector.broadcast %mul3A_842 : i32 to vector<16xi32>
    %mul3A_844 = arith.muli %get3A_838, %mul3A_843 : vector<16xi32>
    %xor3A_845 = arith.xori %mul3A_841, %mul3A_844 : vector<16xi32>
    %jit3A_846 = arith.constant 999999 : i32
    %eq3A_847 = arith.constant 0 : i32
    %eq3A_848 = arith.cmpi eq, %jit3A_846, %eq3A_847 : i32
    %jit3A_849 = arith.constant 1 : i32
    %select_n3A_850 = arith.select %eq3A_848, %jit3A_849, %jit3A_846 : i32
    %rem3A_851 = vector.broadcast %select_n3A_850 : i32 to vector<16xi32>
    %rem3A_852 = arith.remsi %xor3A_845, %rem3A_851 : vector<16xi32>
    %ne3A_853 = arith.constant 0 : i32
    %ne3A_854 = vector.broadcast %ne3A_853 : i32 to vector<16xi32>
    %ne3A_855 = arith.cmpi ne, %rem3A_852, %ne3A_854 : vector<16xi32>
    %lt3A_856 = arith.constant 0 : i32
    %lt3A_857 = vector.broadcast %lt3A_856 : i32 to vector<16xi32>
    %lt3A_858 = arith.cmpi slt, %rem3A_852, %lt3A_857 : vector<16xi32>
    %lt3A_859 = arith.constant 0 : i32
    %lt3A_860 = arith.cmpi slt, %select_n3A_850, %lt3A_859 : i32
    %ne3A_861 = vector.broadcast %lt3A_860 : i1 to vector<16xi1>
    %ne3A_862 = vector.broadcast %ne3A_861 : vector<16xi1> to vector<16xi1>
    %ne3A_863 = arith.xori %lt3A_858, %ne3A_862 : vector<16xi1>
    %and3A_864 = arith.andi %ne3A_863, %ne3A_855 : vector<16xi1>
    %add3A_865 = vector.broadcast %select_n3A_850 : i32 to vector<16xi32>
    %add3A_866 = arith.addi %rem3A_852, %add3A_865 : vector<16xi32>
    %select_n3A_867 = arith.select %and3A_864, %add3A_866, %rem3A_852 : vector<16xi1>, vector<16xi32>
    %swap3A_868 = arith.constant 336 : index
    %swap3A_869 = tpu.vector_load %arg6[%swap3A_868] {strides = array<i32>} : memref<512xi32, #tpu.memory_space<vmem>>, vector<16xi32>,
    %swap3A_870 = vector.shape_cast %swap3A_869 : vector<16xi32> to vector<16xi32>
    %swap3A_871 = vector.shape_cast %select_n3A_867 : vector<16xi32> to vector<16xi32>
    tpu.vector_store %arg6[%swap3A_868], %swap3A_871 {strides = array<i32>} : memref<512xi32, #tpu.memory_space<vmem>>, vector<16xi32>,
    %get3A_872 = arith.constant 368 : index
    %get3A_873 = tpu.vector_load %arg5[%get3A_872] {strides = array<i32>} : memref<528xi32, #tpu.memory_space<vmem>>, vector<16xi32>,
    %get3A_874 = vector.shape_cast %get3A_873 : vector<16xi32> to vector<16xi32>
    %get3A_875 = arith.constant 367 : index
    %get3A_876 = tpu.vector_load %arg5[%get3A_875] {strides = array<i32>} : memref<528xi32, #tpu.memory_space<vmem>>, vector<16xi32>,
    %get3A_877 = vector.shape_cast %get3A_876 : vector<16xi32> to vector<16xi32>
    %mul3A_878 = arith.constant 36313 : i32
    %mul3A_879 = vector.broadcast %mul3A_878 : i32 to vector<16xi32>
    %mul3A_880 = arith.muli %get3A_874, %mul3A_879 : vector<16xi32>
    %mul3A_881 = arith.constant 27191 : i32
    %mul3A_882 = vector.broadcast %mul3A_881 : i32 to vector<16xi32>
    %mul3A_883 = arith.muli %get3A_877, %mul3A_882 : vector<16xi32>
    %xor3A_884 = arith.xori %mul3A_880, %mul3A_883 : vector<16xi32>
    %jit3A_885 = arith.constant 999999 : i32
    %eq3A_886 = arith.constant 0 : i32
    %eq3A_887 = arith.cmpi eq, %jit3A_885, %eq3A_886 : i32
    %jit3A_888 = arith.constant 1 : i32
    %select_n3A_889 = arith.select %eq3A_887, %jit3A_888, %jit3A_885 : i32
    %rem3A_890 = vector.broadcast %select_n3A_889 : i32 to vector<16xi32>
    %rem3A_891 = arith.remsi %xor3A_884, %rem3A_890 : vector<16xi32>
    %ne3A_892 = arith.constant 0 : i32
    %ne3A_893 = vector.broadcast %ne3A_892 : i32 to vector<16xi32>
    %ne3A_894 = arith.cmpi ne, %rem3A_891, %ne3A_893 : vector<16xi32>
    %lt3A_895 = arith.constant 0 : i32
    %lt3A_896 = vector.broadcast %lt3A_895 : i32 to vector<16xi32>
    %lt3A_897 = arith.cmpi slt, %rem3A_891, %lt3A_896 : vector<16xi32>
    %lt3A_898 = arith.constant 0 : i32
    %lt3A_899 = arith.cmpi slt, %select_n3A_889, %lt3A_898 : i32
    %ne3A_900 = vector.broadcast %lt3A_899 : i1 to vector<16xi1>
    %ne3A_901 = vector.broadcast %ne3A_900 : vector<16xi1> to vector<16xi1>
    %ne3A_902 = arith.xori %lt3A_897, %ne3A_901 : vector<16xi1>
    %and3A_903 = arith.andi %ne3A_902, %ne3A_894 : vector<16xi1>
    %add3A_904 = vector.broadcast %select_n3A_889 : i32 to vector<16xi32>
    %add3A_905 = arith.addi %rem3A_891, %add3A_904 : vector<16xi32>
    %select_n3A_906 = arith.select %and3A_903, %add3A_905, %rem3A_891 : vector<16xi1>, vector<16xi32>
    %swap3A_907 = arith.constant 352 : index
    %swap3A_908 = tpu.vector_load %arg6[%swap3A_907] {strides = array<i32>} : memref<512xi32, #tpu.memory_space<vmem>>, vector<16xi32>,
    %swap3A_909 = vector.shape_cast %swap3A_908 : vector<16xi32> to vector<16xi32>
    %swap3A_910 = vector.shape_cast %select_n3A_906 : vector<16xi32> to vector<16xi32>
    tpu.vector_store %arg6[%swap3A_907], %swap3A_910 {strides = array<i32>} : memref<512xi32, #tpu.memory_space<vmem>>, vector<16xi32>,
    %get3A_911 = arith.constant 384 : index
    %get3A_912 = tpu.vector_load %arg5[%get3A_911] {strides = array<i32>} : memref<528xi32, #tpu.memory_space<vmem>>, vector<16xi32>,
    %get3A_913 = vector.shape_cast %get3A_912 : vector<16xi32> to vector<16xi32>
    %get3A_914 = arith.constant 383 : index
    %get3A_915 = tpu.vector_load %arg5[%get3A_914] {strides = array<i32>} : memref<528xi32, #tpu.memory_space<vmem>>, vector<16xi32>,
    %get3A_916 = vector.shape_cast %get3A_915 : vector<16xi32> to vector<16xi32>
    %mul3A_917 = arith.constant 36313 : i32
    %mul3A_918 = vector.broadcast %mul3A_917 : i32 to vector<16xi32>
    %mul3A_919 = arith.muli %get3A_913, %mul3A_918 : vector<16xi32>
    %mul3A_920 = arith.constant 27191 : i32
    %mul3A_921 = vector.broadcast %mul3A_920 : i32 to vector<16xi32>
    %mul3A_922 = arith.muli %get3A_916, %mul3A_921 : vector<16xi32>
    %xor3A_923 = arith.xori %mul3A_919, %mul3A_922 : vector<16xi32>
    %jit3A_924 = arith.constant 999999 : i32
    %eq3A_925 = arith.constant 0 : i32
    %eq3A_926 = arith.cmpi eq, %jit3A_924, %eq3A_925 : i32
    %jit3A_927 = arith.constant 1 : i32
    %select_n3A_928 = arith.select %eq3A_926, %jit3A_927, %jit3A_924 : i32
    %rem3A_929 = vector.broadcast %select_n3A_928 : i32 to vector<16xi32>
    %rem3A_930 = arith.remsi %xor3A_923, %rem3A_929 : vector<16xi32>
    %ne3A_931 = arith.constant 0 : i32
    %ne3A_932 = vector.broadcast %ne3A_931 : i32 to vector<16xi32>
    %ne3A_933 = arith.cmpi ne, %rem3A_930, %ne3A_932 : vector<16xi32>
    %lt3A_934 = arith.constant 0 : i32
    %lt3A_935 = vector.broadcast %lt3A_934 : i32 to vector<16xi32>
    %lt3A_936 = arith.cmpi slt, %rem3A_930, %lt3A_935 : vector<16xi32>
    %lt3A_937 = arith.constant 0 : i32
    %lt3A_938 = arith.cmpi slt, %select_n3A_928, %lt3A_937 : i32
    %ne3A_939 = vector.broadcast %lt3A_938 : i1 to vector<16xi1>
    %ne3A_940 = vector.broadcast %ne3A_939 : vector<16xi1> to vector<16xi1>
    %ne3A_941 = arith.xori %lt3A_936, %ne3A_940 : vector<16xi1>
    %and3A_942 = arith.andi %ne3A_941, %ne3A_933 : vector<16xi1>
    %add3A_943 = vector.broadcast %select_n3A_928 : i32 to vector<16xi32>
    %add3A_944 = arith.addi %rem3A_930, %add3A_943 : vector<16xi32>
    %select_n3A_945 = arith.select %and3A_942, %add3A_944, %rem3A_930 : vector<16xi1>, vector<16xi32>
    %swap3A_946 = arith.constant 368 : index
    %swap3A_947 = tpu.vector_load %arg6[%swap3A_946] {strides = array<i32>} : memref<512xi32, #tpu.memory_space<vmem>>, vector<16xi32>,
    %swap3A_948 = vector.shape_cast %swap3A_947 : vector<16xi32> to vector<16xi32>
    %swap3A_949 = vector.shape_cast %select_n3A_945 : vector<16xi32> to vector<16xi32>
    tpu.vector_store %arg6[%swap3A_946], %swap3A_949 {strides = array<i32>} : memref<512xi32, #tpu.memory_space<vmem>>, vector<16xi32>,
    %get3A_950 = arith.constant 400 : index
    %get3A_951 = tpu.vector_load %arg5[%get3A_950] {strides = array<i32>} : memref<528xi32, #tpu.memory_space<vmem>>, vector<16xi32>,
    %get3A_952 = vector.shape_cast %get3A_951 : vector<16xi32> to vector<16xi32>
    %get3A_953 = arith.constant 399 : index
    %get3A_954 = tpu.vector_load %arg5[%get3A_953] {strides = array<i32>} : memref<528xi32, #tpu.memory_space<vmem>>, vector<16xi32>,
    %get3A_955 = vector.shape_cast %get3A_954 : vector<16xi32> to vector<16xi32>
    %mul3A_956 = arith.constant 36313 : i32
    %mul3A_957 = vector.broadcast %mul3A_956 : i32 to vector<16xi32>
    %mul3A_958 = arith.muli %get3A_952, %mul3A_957 : vector<16xi32>
    %mul3A_959 = arith.constant 27191 : i32
    %mul3A_960 = vector.broadcast %mul3A_959 : i32 to vector<16xi32>
    %mul3A_961 = arith.muli %get3A_955, %mul3A_960 : vector<16xi32>
    %xor3A_962 = arith.xori %mul3A_958, %mul3A_961 : vector<16xi32>
    %jit3A_963 = arith.constant 999999 : i32
    %eq3A_964 = arith.constant 0 : i32
    %eq3A_965 = arith.cmpi eq, %jit3A_963, %eq3A_964 : i32
    %jit3A_966 = arith.constant 1 : i32
    %select_n3A_967 = arith.select %eq3A_965, %jit3A_966, %jit3A_963 : i32
    %rem3A_968 = vector.broadcast %select_n3A_967 : i32 to vector<16xi32>
    %rem3A_969 = arith.remsi %xor3A_962, %rem3A_968 : vector<16xi32>
    %ne3A_970 = arith.constant 0 : i32
    %ne3A_971 = vector.broadcast %ne3A_970 : i32 to vector<16xi32>
    %ne3A_972 = arith.cmpi ne, %rem3A_969, %ne3A_971 : vector<16xi32>
    %lt3A_973 = arith.constant 0 : i32
    %lt3A_974 = vector.broadcast %lt3A_973 : i32 to vector<16xi32>
    %lt3A_975 = arith.cmpi slt, %rem3A_969, %lt3A_974 : vector<16xi32>
    %lt3A_976 = arith.constant 0 : i32
    %lt3A_977 = arith.cmpi slt, %select_n3A_967, %lt3A_976 : i32
    %ne3A_978 = vector.broadcast %lt3A_977 : i1 to vector<16xi1>
    %ne3A_979 = vector.broadcast %ne3A_978 : vector<16xi1> to vector<16xi1>
    %ne3A_980 = arith.xori %lt3A_975, %ne3A_979 : vector<16xi1>
    %and3A_981 = arith.andi %ne3A_980, %ne3A_972 : vector<16xi1>
    %add3A_982 = vector.broadcast %select_n3A_967 : i32 to vector<16xi32>
    %add3A_983 = arith.addi %rem3A_969, %add3A_982 : vector<16xi32>
    %select_n3A_984 = arith.select %and3A_981, %add3A_983, %rem3A_969 : vector<16xi1>, vector<16xi32>
    %swap3A_985 = arith.constant 384 : index
    %swap3A_986 = tpu.vector_load %arg6[%swap3A_985] {strides = array<i32>} : memref<512xi32, #tpu.memory_space<vmem>>, vector<16xi32>,
    %swap3A_987 = vector.shape_cast %swap3A_986 : vector<16xi32> to vector<16xi32>
    %swap3A_988 = vector.shape_cast %select_n3A_984 : vector<16xi32> to vector<16xi32>
    tpu.vector_store %arg6[%swap3A_985], %swap3A_988 {strides = array<i32>} : memref<512xi32, #tpu.memory_space<vmem>>, vector<16xi32>,
    %get3A_989 = arith.constant 416 : index
    %get3A_990 = tpu.vector_load %arg5[%get3A_989] {strides = array<i32>} : memref<528xi32, #tpu.memory_space<vmem>>, vector<16xi32>,
    %get3A_991 = vector.shape_cast %get3A_990 : vector<16xi32> to vector<16xi32>
    %get3A_992 = arith.constant 415 : index
    %get3A_993 = tpu.vector_load %arg5[%get3A_992] {strides = array<i32>} : memref<528xi32, #tpu.memory_space<vmem>>, vector<16xi32>,
    %get3A_994 = vector.shape_cast %get3A_993 : vector<16xi32> to vector<16xi32>
    %mul3A_995 = arith.constant 36313 : i32
    %mul3A_996 = vector.broadcast %mul3A_995 : i32 to vector<16xi32>
    %mul3A_997 = arith.muli %get3A_991, %mul3A_996 : vector<16xi32>
    %mul3A_998 = arith.constant 27191 : i32
    %mul3A_999 = vector.broadcast %mul3A_998 : i32 to vector<16xi32>
    %mul3A_1000 = arith.muli %get3A_994, %mul3A_999 : vector<16xi32>
    %xor3A_1001 = arith.xori %mul3A_997, %mul3A_1000 : vector<16xi32>
    %jit3A_1002 = arith.constant 999999 : i32
    %eq3A_1003 = arith.constant 0 : i32
    %eq3A_1004 = arith.cmpi eq, %jit3A_1002, %eq3A_1003 : i32
    %jit3A_1005 = arith.constant 1 : i32
    %select_n3A_1006 = arith.select %eq3A_1004, %jit3A_1005, %jit3A_1002 : i32
    %rem3A_1007 = vector.broadcast %select_n3A_1006 : i32 to vector<16xi32>
    %rem3A_1008 = arith.remsi %xor3A_1001, %rem3A_1007 : vector<16xi32>
    %ne3A_1009 = arith.constant 0 : i32
    %ne3A_1010 = vector.broadcast %ne3A_1009 : i32 to vector<16xi32>
    %ne3A_1011 = arith.cmpi ne, %rem3A_1008, %ne3A_1010 : vector<16xi32>
    %lt3A_1012 = arith.constant 0 : i32
    %lt3A_1013 = vector.broadcast %lt3A_1012 : i32 to vector<16xi32>
    %lt3A_1014 = arith.cmpi slt, %rem3A_1008, %lt3A_1013 : vector<16xi32>
    %lt3A_1015 = arith.constant 0 : i32
    %lt3A_1016 = arith.cmpi slt, %select_n3A_1006, %lt3A_1015 : i32
    %ne3A_1017 = vector.broadcast %lt3A_1016 : i1 to vector<16xi1>
    %ne3A_1018 = vector.broadcast %ne3A_1017 : vector<16xi1> to vector<16xi1>
    %ne3A_1019 = arith.xori %lt3A_1014, %ne3A_1018 : vector<16xi1>
    %and3A_1020 = arith.andi %ne3A_1019, %ne3A_1011 : vector<16xi1>
    %add3A_1021 = vector.broadcast %select_n3A_1006 : i32 to vector<16xi32>
    %add3A_1022 = arith.addi %rem3A_1008, %add3A_1021 : vector<16xi32>
    %select_n3A_1023 = arith.select %and3A_1020, %add3A_1022, %rem3A_1008 : vector<16xi1>, vector<16xi32>
    %swap3A_1024 = arith.constant 400 : index
    %swap3A_1025 = tpu.vector_load %arg6[%swap3A_1024] {strides = array<i32>} : memref<512xi32, #tpu.memory_space<vmem>>, vector<16xi32>,
    %swap3A_1026 = vector.shape_cast %swap3A_1025 : vector<16xi32> to vector<16xi32>
    %swap3A_1027 = vector.shape_cast %select_n3A_1023 : vector<16xi32> to vector<16xi32>
    tpu.vector_store %arg6[%swap3A_1024], %swap3A_1027 {strides = array<i32>} : memref<512xi32, #tpu.memory_space<vmem>>, vector<16xi32>,
    %get3A_1028 = arith.constant 432 : index
    %get3A_1029 = tpu.vector_load %arg5[%get3A_1028] {strides = array<i32>} : memref<528xi32, #tpu.memory_space<vmem>>, vector<16xi32>,
    %get3A_1030 = vector.shape_cast %get3A_1029 : vector<16xi32> to vector<16xi32>
    %get3A_1031 = arith.constant 431 : index
    %get3A_1032 = tpu.vector_load %arg5[%get3A_1031] {strides = array<i32>} : memref<528xi32, #tpu.memory_space<vmem>>, vector<16xi32>,
    %get3A_1033 = vector.shape_cast %get3A_1032 : vector<16xi32> to vector<16xi32>
    %mul3A_1034 = arith.constant 36313 : i32
    %mul3A_1035 = vector.broadcast %mul3A_1034 : i32 to vector<16xi32>
    %mul3A_1036 = arith.muli %get3A_1030, %mul3A_1035 : vector<16xi32>
    %mul3A_1037 = arith.constant 27191 : i32
    %mul3A_1038 = vector.broadcast %mul3A_1037 : i32 to vector<16xi32>
    %mul3A_1039 = arith.muli %get3A_1033, %mul3A_1038 : vector<16xi32>
    %xor3A_1040 = arith.xori %mul3A_1036, %mul3A_1039 : vector<16xi32>
    %jit3A_1041 = arith.constant 999999 : i32
    %eq3A_1042 = arith.constant 0 : i32
    %eq3A_1043 = arith.cmpi eq, %jit3A_1041, %eq3A_1042 : i32
    %jit3A_1044 = arith.constant 1 : i32
    %select_n3A_1045 = arith.select %eq3A_1043, %jit3A_1044, %jit3A_1041 : i32
    %rem3A_1046 = vector.broadcast %select_n3A_1045 : i32 to vector<16xi32>
    %rem3A_1047 = arith.remsi %xor3A_1040, %rem3A_1046 : vector<16xi32>
    %ne3A_1048 = arith.constant 0 : i32
    %ne3A_1049 = vector.broadcast %ne3A_1048 : i32 to vector<16xi32>
    %ne3A_1050 = arith.cmpi ne, %rem3A_1047, %ne3A_1049 : vector<16xi32>
    %lt3A_1051 = arith.constant 0 : i32
    %lt3A_1052 = vector.broadcast %lt3A_1051 : i32 to vector<16xi32>
    %lt3A_1053 = arith.cmpi slt, %rem3A_1047, %lt3A_1052 : vector<16xi32>
    %lt3A_1054 = arith.constant 0 : i32
    %lt3A_1055 = arith.cmpi slt, %select_n3A_1045, %lt3A_1054 : i32
    %ne3A_1056 = vector.broadcast %lt3A_1055 : i1 to vector<16xi1>
    %ne3A_1057 = vector.broadcast %ne3A_1056 : vector<16xi1> to vector<16xi1>
    %ne3A_1058 = arith.xori %lt3A_1053, %ne3A_1057 : vector<16xi1>
    %and3A_1059 = arith.andi %ne3A_1058, %ne3A_1050 : vector<16xi1>
    %add3A_1060 = vector.broadcast %select_n3A_1045 : i32 to vector<16xi32>
    %add3A_1061 = arith.addi %rem3A_1047, %add3A_1060 : vector<16xi32>
    %select_n3A_1062 = arith.select %and3A_1059, %add3A_1061, %rem3A_1047 : vector<16xi1>, vector<16xi32>
    %swap3A_1063 = arith.constant 416 : index
    %swap3A_1064 = tpu.vector_load %arg6[%swap3A_1063] {strides = array<i32>} : memref<512xi32, #tpu.memory_space<vmem>>, vector<16xi32>,
    %swap3A_1065 = vector.shape_cast %swap3A_1064 : vector<16xi32> to vector<16xi32>
    %swap3A_1066 = vector.shape_cast %select_n3A_1062 : vector<16xi32> to vector<16xi32>
    tpu.vector_store %arg6[%swap3A_1063], %swap3A_1066 {strides = array<i32>} : memref<512xi32, #tpu.memory_space<vmem>>, vector<16xi32>,
    %get3A_1067 = arith.constant 448 : index
    %get3A_1068 = tpu.vector_load %arg5[%get3A_1067] {strides = array<i32>} : memref<528xi32, #tpu.memory_space<vmem>>, vector<16xi32>,
    %get3A_1069 = vector.shape_cast %get3A_1068 : vector<16xi32> to vector<16xi32>
    %get3A_1070 = arith.constant 447 : index
    %get3A_1071 = tpu.vector_load %arg5[%get3A_1070] {strides = array<i32>} : memref<528xi32, #tpu.memory_space<vmem>>, vector<16xi32>,
    %get3A_1072 = vector.shape_cast %get3A_1071 : vector<16xi32> to vector<16xi32>
    %mul3A_1073 = arith.constant 36313 : i32
    %mul3A_1074 = vector.broadcast %mul3A_1073 : i32 to vector<16xi32>
    %mul3A_1075 = arith.muli %get3A_1069, %mul3A_1074 : vector<16xi32>
    %mul3A_1076 = arith.constant 27191 : i32
    %mul3A_1077 = vector.broadcast %mul3A_1076 : i32 to vector<16xi32>
    %mul3A_1078 = arith.muli %get3A_1072, %mul3A_1077 : vector<16xi32>
    %xor3A_1079 = arith.xori %mul3A_1075, %mul3A_1078 : vector<16xi32>
    %jit3A_1080 = arith.constant 999999 : i32
    %eq3A_1081 = arith.constant 0 : i32
    %eq3A_1082 = arith.cmpi eq, %jit3A_1080, %eq3A_1081 : i32
    %jit3A_1083 = arith.constant 1 : i32
    %select_n3A_1084 = arith.select %eq3A_1082, %jit3A_1083, %jit3A_1080 : i32
    %rem3A_1085 = vector.broadcast %select_n3A_1084 : i32 to vector<16xi32>
    %rem3A_1086 = arith.remsi %xor3A_1079, %rem3A_1085 : vector<16xi32>
    %ne3A_1087 = arith.constant 0 : i32
    %ne3A_1088 = vector.broadcast %ne3A_1087 : i32 to vector<16xi32>
    %ne3A_1089 = arith.cmpi ne, %rem3A_1086, %ne3A_1088 : vector<16xi32>
    %lt3A_1090 = arith.constant 0 : i32
    %lt3A_1091 = vector.broadcast %lt3A_1090 : i32 to vector<16xi32>
    %lt3A_1092 = arith.cmpi slt, %rem3A_1086, %lt3A_1091 : vector<16xi32>
    %lt3A_1093 = arith.constant 0 : i32
    %lt3A_1094 = arith.cmpi slt, %select_n3A_1084, %lt3A_1093 : i32
    %ne3A_1095 = vector.broadcast %lt3A_1094 : i1 to vector<16xi1>
    %ne3A_1096 = vector.broadcast %ne3A_1095 : vector<16xi1> to vector<16xi1>
    %ne3A_1097 = arith.xori %lt3A_1092, %ne3A_1096 : vector<16xi1>
    %and3A_1098 = arith.andi %ne3A_1097, %ne3A_1089 : vector<16xi1>
    %add3A_1099 = vector.broadcast %select_n3A_1084 : i32 to vector<16xi32>
    %add3A_1100 = arith.addi %rem3A_1086, %add3A_1099 : vector<16xi32>
    %select_n3A_1101 = arith.select %and3A_1098, %add3A_1100, %rem3A_1086 : vector<16xi1>, vector<16xi32>
    %swap3A_1102 = arith.constant 432 : index
    %swap3A_1103 = tpu.vector_load %arg6[%swap3A_1102] {strides = array<i32>} : memref<512xi32, #tpu.memory_space<vmem>>, vector<16xi32>,
    %swap3A_1104 = vector.shape_cast %swap3A_1103 : vector<16xi32> to vector<16xi32>
    %swap3A_1105 = vector.shape_cast %select_n3A_1101 : vector<16xi32> to vector<16xi32>
    tpu.vector_store %arg6[%swap3A_1102], %swap3A_1105 {strides = array<i32>} : memref<512xi32, #tpu.memory_space<vmem>>, vector<16xi32>,
    %get3A_1106 = arith.constant 464 : index
    %get3A_1107 = tpu.vector_load %arg5[%get3A_1106] {strides = array<i32>} : memref<528xi32, #tpu.memory_space<vmem>>, vector<16xi32>,
    %get3A_1108 = vector.shape_cast %get3A_1107 : vector<16xi32> to vector<16xi32>
    %get3A_1109 = arith.constant 463 : index
    %get3A_1110 = tpu.vector_load %arg5[%get3A_1109] {strides = array<i32>} : memref<528xi32, #tpu.memory_space<vmem>>, vector<16xi32>,
    %get3A_1111 = vector.shape_cast %get3A_1110 : vector<16xi32> to vector<16xi32>
    %mul3A_1112 = arith.constant 36313 : i32
    %mul3A_1113 = vector.broadcast %mul3A_1112 : i32 to vector<16xi32>
    %mul3A_1114 = arith.muli %get3A_1108, %mul3A_1113 : vector<16xi32>
    %mul3A_1115 = arith.constant 27191 : i32
    %mul3A_1116 = vector.broadcast %mul3A_1115 : i32 to vector<16xi32>
    %mul3A_1117 = arith.muli %get3A_1111, %mul3A_1116 : vector<16xi32>
    %xor3A_1118 = arith.xori %mul3A_1114, %mul3A_1117 : vector<16xi32>
    %jit3A_1119 = arith.constant 999999 : i32
    %eq3A_1120 = arith.constant 0 : i32
    %eq3A_1121 = arith.cmpi eq, %jit3A_1119, %eq3A_1120 : i32
    %jit3A_1122 = arith.constant 1 : i32
    %select_n3A_1123 = arith.select %eq3A_1121, %jit3A_1122, %jit3A_1119 : i32
    %rem3A_1124 = vector.broadcast %select_n3A_1123 : i32 to vector<16xi32>
    %rem3A_1125 = arith.remsi %xor3A_1118, %rem3A_1124 : vector<16xi32>
    %ne3A_1126 = arith.constant 0 : i32
    %ne3A_1127 = vector.broadcast %ne3A_1126 : i32 to vector<16xi32>
    %ne3A_1128 = arith.cmpi ne, %rem3A_1125, %ne3A_1127 : vector<16xi32>
    %lt3A_1129 = arith.constant 0 : i32
    %lt3A_1130 = vector.broadcast %lt3A_1129 : i32 to vector<16xi32>
    %lt3A_1131 = arith.cmpi slt, %rem3A_1125, %lt3A_1130 : vector<16xi32>
    %lt3A_1132 = arith.constant 0 : i32
    %lt3A_1133 = arith.cmpi slt, %select_n3A_1123, %lt3A_1132 : i32
    %ne3A_1134 = vector.broadcast %lt3A_1133 : i1 to vector<16xi1>
    %ne3A_1135 = vector.broadcast %ne3A_1134 : vector<16xi1> to vector<16xi1>
    %ne3A_1136 = arith.xori %lt3A_1131, %ne3A_1135 : vector<16xi1>
    %and3A_1137 = arith.andi %ne3A_1136, %ne3A_1128 : vector<16xi1>
    %add3A_1138 = vector.broadcast %select_n3A_1123 : i32 to vector<16xi32>
    %add3A_1139 = arith.addi %rem3A_1125, %add3A_1138 : vector<16xi32>
    %select_n3A_1140 = arith.select %and3A_1137, %add3A_1139, %rem3A_1125 : vector<16xi1>, vector<16xi32>
    %swap3A_1141 = arith.constant 448 : index
    %swap3A_1142 = tpu.vector_load %arg6[%swap3A_1141] {strides = array<i32>} : memref<512xi32, #tpu.memory_space<vmem>>, vector<16xi32>,
    %swap3A_1143 = vector.shape_cast %swap3A_1142 : vector<16xi32> to vector<16xi32>
    %swap3A_1144 = vector.shape_cast %select_n3A_1140 : vector<16xi32> to vector<16xi32>
    tpu.vector_store %arg6[%swap3A_1141], %swap3A_1144 {strides = array<i32>} : memref<512xi32, #tpu.memory_space<vmem>>, vector<16xi32>,
    %get3A_1145 = arith.constant 480 : index
    %get3A_1146 = tpu.vector_load %arg5[%get3A_1145] {strides = array<i32>} : memref<528xi32, #tpu.memory_space<vmem>>, vector<16xi32>,
    %get3A_1147 = vector.shape_cast %get3A_1146 : vector<16xi32> to vector<16xi32>
    %get3A_1148 = arith.constant 479 : index
    %get3A_1149 = tpu.vector_load %arg5[%get3A_1148] {strides = array<i32>} : memref<528xi32, #tpu.memory_space<vmem>>, vector<16xi32>,
    %get3A_1150 = vector.shape_cast %get3A_1149 : vector<16xi32> to vector<16xi32>
    %mul3A_1151 = arith.constant 36313 : i32
    %mul3A_1152 = vector.broadcast %mul3A_1151 : i32 to vector<16xi32>
    %mul3A_1153 = arith.muli %get3A_1147, %mul3A_1152 : vector<16xi32>
    %mul3A_1154 = arith.constant 27191 : i32
    %mul3A_1155 = vector.broadcast %mul3A_1154 : i32 to vector<16xi32>
    %mul3A_1156 = arith.muli %get3A_1150, %mul3A_1155 : vector<16xi32>
    %xor3A_1157 = arith.xori %mul3A_1153, %mul3A_1156 : vector<16xi32>
    %jit3A_1158 = arith.constant 999999 : i32
    %eq3A_1159 = arith.constant 0 : i32
    %eq3A_1160 = arith.cmpi eq, %jit3A_1158, %eq3A_1159 : i32
    %jit3A_1161 = arith.constant 1 : i32
    %select_n3A_1162 = arith.select %eq3A_1160, %jit3A_1161, %jit3A_1158 : i32
    %rem3A_1163 = vector.broadcast %select_n3A_1162 : i32 to vector<16xi32>
    %rem3A_1164 = arith.remsi %xor3A_1157, %rem3A_1163 : vector<16xi32>
    %ne3A_1165 = arith.constant 0 : i32
    %ne3A_1166 = vector.broadcast %ne3A_1165 : i32 to vector<16xi32>
    %ne3A_1167 = arith.cmpi ne, %rem3A_1164, %ne3A_1166 : vector<16xi32>
    %lt3A_1168 = arith.constant 0 : i32
    %lt3A_1169 = vector.broadcast %lt3A_1168 : i32 to vector<16xi32>
    %lt3A_1170 = arith.cmpi slt, %rem3A_1164, %lt3A_1169 : vector<16xi32>
    %lt3A_1171 = arith.constant 0 : i32
    %lt3A_1172 = arith.cmpi slt, %select_n3A_1162, %lt3A_1171 : i32
    %ne3A_1173 = vector.broadcast %lt3A_1172 : i1 to vector<16xi1>
    %ne3A_1174 = vector.broadcast %ne3A_1173 : vector<16xi1> to vector<16xi1>
    %ne3A_1175 = arith.xori %lt3A_1170, %ne3A_1174 : vector<16xi1>
    %and3A_1176 = arith.andi %ne3A_1175, %ne3A_1167 : vector<16xi1>
    %add3A_1177 = vector.broadcast %select_n3A_1162 : i32 to vector<16xi32>
    %add3A_1178 = arith.addi %rem3A_1164, %add3A_1177 : vector<16xi32>
    %select_n3A_1179 = arith.select %and3A_1176, %add3A_1178, %rem3A_1164 : vector<16xi1>, vector<16xi32>
    %swap3A_1180 = arith.constant 464 : index
    %swap3A_1181 = tpu.vector_load %arg6[%swap3A_1180] {strides = array<i32>} : memref<512xi32, #tpu.memory_space<vmem>>, vector<16xi32>,
    %swap3A_1182 = vector.shape_cast %swap3A_1181 : vector<16xi32> to vector<16xi32>
    %swap3A_1183 = vector.shape_cast %select_n3A_1179 : vector<16xi32> to vector<16xi32>
    tpu.vector_store %arg6[%swap3A_1180], %swap3A_1183 {strides = array<i32>} : memref<512xi32, #tpu.memory_space<vmem>>, vector<16xi32>,
    %get3A_1184 = arith.constant 496 : index
    %get3A_1185 = tpu.vector_load %arg5[%get3A_1184] {strides = array<i32>} : memref<528xi32, #tpu.memory_space<vmem>>, vector<16xi32>,
    %get3A_1186 = vector.shape_cast %get3A_1185 : vector<16xi32> to vector<16xi32>
    %get3A_1187 = arith.constant 495 : index
    %get3A_1188 = tpu.vector_load %arg5[%get3A_1187] {strides = array<i32>} : memref<528xi32, #tpu.memory_space<vmem>>, vector<16xi32>,
    %get3A_1189 = vector.shape_cast %get3A_1188 : vector<16xi32> to vector<16xi32>
    %mul3A_1190 = arith.constant 36313 : i32
    %mul3A_1191 = vector.broadcast %mul3A_1190 : i32 to vector<16xi32>
    %mul3A_1192 = arith.muli %get3A_1186, %mul3A_1191 : vector<16xi32>
    %mul3A_1193 = arith.constant 27191 : i32
    %mul3A_1194 = vector.broadcast %mul3A_1193 : i32 to vector<16xi32>
    %mul3A_1195 = arith.muli %get3A_1189, %mul3A_1194 : vector<16xi32>
    %xor3A_1196 = arith.xori %mul3A_1192, %mul3A_1195 : vector<16xi32>
    %jit3A_1197 = arith.constant 999999 : i32
    %eq3A_1198 = arith.constant 0 : i32
    %eq3A_1199 = arith.cmpi eq, %jit3A_1197, %eq3A_1198 : i32
    %jit3A_1200 = arith.constant 1 : i32
    %select_n3A_1201 = arith.select %eq3A_1199, %jit3A_1200, %jit3A_1197 : i32
    %rem3A_1202 = vector.broadcast %select_n3A_1201 : i32 to vector<16xi32>
    %rem3A_1203 = arith.remsi %xor3A_1196, %rem3A_1202 : vector<16xi32>
    %ne3A_1204 = arith.constant 0 : i32
    %ne3A_1205 = vector.broadcast %ne3A_1204 : i32 to vector<16xi32>
    %ne3A_1206 = arith.cmpi ne, %rem3A_1203, %ne3A_1205 : vector<16xi32>
    %lt3A_1207 = arith.constant 0 : i32
    %lt3A_1208 = vector.broadcast %lt3A_1207 : i32 to vector<16xi32>
    %lt3A_1209 = arith.cmpi slt, %rem3A_1203, %lt3A_1208 : vector<16xi32>
    %lt3A_1210 = arith.constant 0 : i32
    %lt3A_1211 = arith.cmpi slt, %select_n3A_1201, %lt3A_1210 : i32
    %ne3A_1212 = vector.broadcast %lt3A_1211 : i1 to vector<16xi1>
    %ne3A_1213 = vector.broadcast %ne3A_1212 : vector<16xi1> to vector<16xi1>
    %ne3A_1214 = arith.xori %lt3A_1209, %ne3A_1213 : vector<16xi1>
    %and3A_1215 = arith.andi %ne3A_1214, %ne3A_1206 : vector<16xi1>
    %add3A_1216 = vector.broadcast %select_n3A_1201 : i32 to vector<16xi32>
    %add3A_1217 = arith.addi %rem3A_1203, %add3A_1216 : vector<16xi32>
    %select_n3A_1218 = arith.select %and3A_1215, %add3A_1217, %rem3A_1203 : vector<16xi1>, vector<16xi32>
    %swap3A_1219 = arith.constant 480 : index
    %swap3A_1220 = tpu.vector_load %arg6[%swap3A_1219] {strides = array<i32>} : memref<512xi32, #tpu.memory_space<vmem>>, vector<16xi32>,
    %swap3A_1221 = vector.shape_cast %swap3A_1220 : vector<16xi32> to vector<16xi32>
    %swap3A_1222 = vector.shape_cast %select_n3A_1218 : vector<16xi32> to vector<16xi32>
    tpu.vector_store %arg6[%swap3A_1219], %swap3A_1222 {strides = array<i32>} : memref<512xi32, #tpu.memory_space<vmem>>, vector<16xi32>,
    %get3A_1223 = arith.constant 512 : index
    %get3A_1224 = tpu.vector_load %arg5[%get3A_1223] {strides = array<i32>} : memref<528xi32, #tpu.memory_space<vmem>>, vector<16xi32>,
    %get3A_1225 = vector.shape_cast %get3A_1224 : vector<16xi32> to vector<16xi32>
    %get3A_1226 = arith.constant 511 : index
    %get3A_1227 = tpu.vector_load %arg5[%get3A_1226] {strides = array<i32>} : memref<528xi32, #tpu.memory_space<vmem>>, vector<16xi32>,
    %get3A_1228 = vector.shape_cast %get3A_1227 : vector<16xi32> to vector<16xi32>
    %mul3A_1229 = arith.constant 36313 : i32
    %mul3A_1230 = vector.broadcast %mul3A_1229 : i32 to vector<16xi32>
    %mul3A_1231 = arith.muli %get3A_1225, %mul3A_1230 : vector<16xi32>
    %mul3A_1232 = arith.constant 27191 : i32
    %mul3A_1233 = vector.broadcast %mul3A_1232 : i32 to vector<16xi32>
    %mul3A_1234 = arith.muli %get3A_1228, %mul3A_1233 : vector<16xi32>
    %xor3A_1235 = arith.xori %mul3A_1231, %mul3A_1234 : vector<16xi32>
    %jit3A_1236 = arith.constant 999999 : i32
    %eq3A_1237 = arith.constant 0 : i32
    %eq3A_1238 = arith.cmpi eq, %jit3A_1236, %eq3A_1237 : i32
    %jit3A_1239 = arith.constant 1 : i32
    %select_n3A_1240 = arith.select %eq3A_1238, %jit3A_1239, %jit3A_1236 : i32
    %rem3A_1241 = vector.broadcast %select_n3A_1240 : i32 to vector<16xi32>
    %rem3A_1242 = arith.remsi %xor3A_1235, %rem3A_1241 : vector<16xi32>
    %ne3A_1243 = arith.constant 0 : i32
    %ne3A_1244 = vector.broadcast %ne3A_1243 : i32 to vector<16xi32>
    %ne3A_1245 = arith.cmpi ne, %rem3A_1242, %ne3A_1244 : vector<16xi32>
    %lt3A_1246 = arith.constant 0 : i32
    %lt3A_1247 = vector.broadcast %lt3A_1246 : i32 to vector<16xi32>
    %lt3A_1248 = arith.cmpi slt, %rem3A_1242, %lt3A_1247 : vector<16xi32>
    %lt3A_1249 = arith.constant 0 : i32
    %lt3A_1250 = arith.cmpi slt, %select_n3A_1240, %lt3A_1249 : i32
    %ne3A_1251 = vector.broadcast %lt3A_1250 : i1 to vector<16xi1>
    %ne3A_1252 = vector.broadcast %ne3A_1251 : vector<16xi1> to vector<16xi1>
    %ne3A_1253 = arith.xori %lt3A_1248, %ne3A_1252 : vector<16xi1>
    %and3A_1254 = arith.andi %ne3A_1253, %ne3A_1245 : vector<16xi1>
    %add3A_1255 = vector.broadcast %select_n3A_1240 : i32 to vector<16xi32>
    %add3A_1256 = arith.addi %rem3A_1242, %add3A_1255 : vector<16xi32>
    %select_n3A_1257 = arith.select %and3A_1254, %add3A_1256, %rem3A_1242 : vector<16xi1>, vector<16xi32>
    %swap3A_1258 = arith.constant 496 : index
    %swap3A_1259 = tpu.vector_load %arg6[%swap3A_1258] {strides = array<i32>} : memref<512xi32, #tpu.memory_space<vmem>>, vector<16xi32>,
    %swap3A_1260 = vector.shape_cast %swap3A_1259 : vector<16xi32> to vector<16xi32>
    %swap3A_1261 = vector.shape_cast %select_n3A_1257 : vector<16xi32> to vector<16xi32>
    tpu.vector_store %arg6[%swap3A_1258], %swap3A_1261 {strides = array<i32>} : memref<512xi32, #tpu.memory_space<vmem>>, vector<16xi32>,
    %scan3A = arith.constant 0 : i32
    %scan3A_1262 = arith.constant 0 : i32
    %scan3A_1263 = arith.constant 32 : i32
    %scan3A_1264 = arith.addi %scan3A_1262, %scan3A_1263 : i32
    %scan3A_1265 = arith.constant 1 : i32
    scf.for %scan3A_1272 = %scan3A_1262 to %scan3A_1264 step %scan3A_1265  : i32 {
      %mul3A_1273 = arith.constant 16 : i32
      %mul3A_1274 = arith.muli %scan3A_1272, %mul3A_1273 : i32
      %get3A_1275 = arith.index_cast %mul3A_1274 : i32 to index
      %get3A_1276 = tpu.vector_load %arg6[%get3A_1275] {strides = array<i32>} : memref<512xi32, #tpu.memory_space<vmem>>, vector<16xi32>,
      %get3A_1277 = vector.shape_cast %get3A_1276 : vector<16xi32> to vector<16xi32>
      %slice3A = vector.extract_strided_slice %get3A_1277 {offsets = [0], sizes = [1], strides = [1]} : vector<16xi32> to vector<1xi32>
      %squeeze3A = vector.extract %slice3A[0] : i32 from vector<1xi32>
      %mul3A_1278 = arith.constant 16 : i32
      %mul3A_1279 = arith.muli %scan3A_1272, %mul3A_1278 : i32
      %add3A_1280 = arith.constant 0 : i32
      %add3A_1281 = arith.addi %mul3A_1279, %add3A_1280 : i32
      %dma_start3A = arith.constant 0 : i32
      %dma_start3A_1282 = tpu.memref_slice %arg7[%add3A_1281, %dma_start3A] : memref<512x64xf32, #tpu.memory_space<vmem>> -> memref<1x64xf32, #tpu.memory_space<vmem>>
      %dma_start3A_1283 = tpu.memref_squeeze %dma_start3A_1282 : memref<1x64xf32, #tpu.memory_space<vmem>> -> memref<64xf32, #tpu.memory_space<vmem>>
      %dma_start3A_1284 = arith.constant 0 : i32
      %dma_start3A_1285 = tpu.memref_slice %arg3[%squeeze3A, %dma_start3A_1284] : memref<1000000x64xf32, #tpu.memory_space<hbm>> -> memref<1x64xf32, #tpu.memory_space<hbm>>
      %dma_start3A_1286 = tpu.memref_squeeze %dma_start3A_1285 : memref<1x64xf32, #tpu.memory_space<hbm>> -> memref<64xf32, #tpu.memory_space<hbm>>
      %dma_start3A_1287 = arith.constant 0 : i32
      %dma_start3A_1288 = tpu.memref_slice %arg7[%add3A_1281, %dma_start3A_1287] : memref<512x64xf32, #tpu.memory_space<vmem>> -> memref<1x64xf32, #tpu.memory_space<vmem>>
      %dma_start3A_1289 = tpu.memref_squeeze %dma_start3A_1288 : memref<1x64xf32, #tpu.memory_space<vmem>> -> memref<64xf32, #tpu.memory_space<vmem>>
      %dma_start3A_1290 = arith.constant 0 : i32
      %dma_start3A_1291 = tpu.memref_slice %arg3[%squeeze3A, %dma_start3A_1290] : memref<1000000x64xf32, #tpu.memory_space<hbm>> -> memref<1x64xf32, #tpu.memory_space<hbm>>
      %dma_start3A_1292 = tpu.memref_squeeze %dma_start3A_1291 : memref<1x64xf32, #tpu.memory_space<hbm>> -> memref<64xf32, #tpu.memory_space<hbm>>
      tpu.enqueue_dma source(%dma_start3A_1292 : memref<64xf32, #tpu.memory_space<hbm>>) target(%dma_start3A_1289 : memref<64xf32, #tpu.memory_space<vmem>>) target_semaphore(%arg8 : memref<!tpu.dma_semaphore, #tpu.memory_space<semaphore_mem>>)
      %slice3A_1293 = vector.extract_strided_slice %get3A_1277 {offsets = [1], sizes = [1], strides = [1]} : vector<16xi32> to vector<1xi32>
      %squeeze3A_1294 = vector.extract %slice3A_1293[0] : i32 from vector<1xi32>
      %mul3A_1295 = arith.constant 16 : i32
      %mul3A_1296 = arith.muli %scan3A_1272, %mul3A_1295 : i32
      %add3A_1297 = arith.constant 1 : i32
      %add3A_1298 = arith.addi %mul3A_1296, %add3A_1297 : i32
      %dma_start3A_1299 = arith.constant 0 : i32
      %dma_start3A_1300 = tpu.memref_slice %arg7[%add3A_1298, %dma_start3A_1299] : memref<512x64xf32, #tpu.memory_space<vmem>> -> memref<1x64xf32, #tpu.memory_space<vmem>>
      %dma_start3A_1301 = tpu.memref_squeeze %dma_start3A_1300 : memref<1x64xf32, #tpu.memory_space<vmem>> -> memref<64xf32, #tpu.memory_space<vmem>>
      %dma_start3A_1302 = arith.constant 0 : i32
      %dma_start3A_1303 = tpu.memref_slice %arg3[%squeeze3A_1294, %dma_start3A_1302] : memref<1000000x64xf32, #tpu.memory_space<hbm>> -> memref<1x64xf32, #tpu.memory_space<hbm>>
      %dma_start3A_1304 = tpu.memref_squeeze %dma_start3A_1303 : memref<1x64xf32, #tpu.memory_space<hbm>> -> memref<64xf32, #tpu.memory_space<hbm>>
      %dma_start3A_1305 = arith.constant 0 : i32
      %dma_start3A_1306 = tpu.memref_slice %arg7[%add3A_1298, %dma_start3A_1305] : memref<512x64xf32, #tpu.memory_space<vmem>> -> memref<1x64xf32, #tpu.memory_space<vmem>>
      %dma_start3A_1307 = tpu.memref_squeeze %dma_start3A_1306 : memref<1x64xf32, #tpu.memory_space<vmem>> -> memref<64xf32, #tpu.memory_space<vmem>>
      %dma_start3A_1308 = arith.constant 0 : i32
      %dma_start3A_1309 = tpu.memref_slice %arg3[%squeeze3A_1294, %dma_start3A_1308] : memref<1000000x64xf32, #tpu.memory_space<hbm>> -> memref<1x64xf32, #tpu.memory_space<hbm>>
      %dma_start3A_1310 = tpu.memref_squeeze %dma_start3A_1309 : memref<1x64xf32, #tpu.memory_space<hbm>> -> memref<64xf32, #tpu.memory_space<hbm>>
      tpu.enqueue_dma source(%dma_start3A_1310 : memref<64xf32, #tpu.memory_space<hbm>>) target(%dma_start3A_1307 : memref<64xf32, #tpu.memory_space<vmem>>) target_semaphore(%arg8 : memref<!tpu.dma_semaphore, #tpu.memory_space<semaphore_mem>>)
      %slice3A_1311 = vector.extract_strided_slice %get3A_1277 {offsets = [2], sizes = [1], strides = [1]} : vector<16xi32> to vector<1xi32>
      %squeeze3A_1312 = vector.extract %slice3A_1311[0] : i32 from vector<1xi32>
      %mul3A_1313 = arith.constant 16 : i32
      %mul3A_1314 = arith.muli %scan3A_1272, %mul3A_1313 : i32
      %add3A_1315 = arith.constant 2 : i32
      %add3A_1316 = arith.addi %mul3A_1314, %add3A_1315 : i32
      %dma_start3A_1317 = arith.constant 0 : i32
      %dma_start3A_1318 = tpu.memref_slice %arg7[%add3A_1316, %dma_start3A_1317] : memref<512x64xf32, #tpu.memory_space<vmem>> -> memref<1x64xf32, #tpu.memory_space<vmem>>
      %dma_start3A_1319 = tpu.memref_squeeze %dma_start3A_1318 : memref<1x64xf32, #tpu.memory_space<vmem>> -> memref<64xf32, #tpu.memory_space<vmem>>
      %dma_start3A_1320 = arith.constant 0 : i32
      %dma_start3A_1321 = tpu.memref_slice %arg3[%squeeze3A_1312, %dma_start3A_1320] : memref<1000000x64xf32, #tpu.memory_space<hbm>> -> memref<1x64xf32, #tpu.memory_space<hbm>>
      %dma_start3A_1322 = tpu.memref_squeeze %dma_start3A_1321 : memref<1x64xf32, #tpu.memory_space<hbm>> -> memref<64xf32, #tpu.memory_space<hbm>>
      %dma_start3A_1323 = arith.constant 0 : i32
      %dma_start3A_1324 = tpu.memref_slice %arg7[%add3A_1316, %dma_start3A_1323] : memref<512x64xf32, #tpu.memory_space<vmem>> -> memref<1x64xf32, #tpu.memory_space<vmem>>
      %dma_start3A_1325 = tpu.memref_squeeze %dma_start3A_1324 : memref<1x64xf32, #tpu.memory_space<vmem>> -> memref<64xf32, #tpu.memory_space<vmem>>
      %dma_start3A_1326 = arith.constant 0 : i32
      %dma_start3A_1327 = tpu.memref_slice %arg3[%squeeze3A_1312, %dma_start3A_1326] : memref<1000000x64xf32, #tpu.memory_space<hbm>> -> memref<1x64xf32, #tpu.memory_space<hbm>>
      %dma_start3A_1328 = tpu.memref_squeeze %dma_start3A_1327 : memref<1x64xf32, #tpu.memory_space<hbm>> -> memref<64xf32, #tpu.memory_space<hbm>>
      tpu.enqueue_dma source(%dma_start3A_1328 : memref<64xf32, #tpu.memory_space<hbm>>) target(%dma_start3A_1325 : memref<64xf32, #tpu.memory_space<vmem>>) target_semaphore(%arg8 : memref<!tpu.dma_semaphore, #tpu.memory_space<semaphore_mem>>)
      %slice3A_1329 = vector.extract_strided_slice %get3A_1277 {offsets = [3], sizes = [1], strides = [1]} : vector<16xi32> to vector<1xi32>
      %squeeze3A_1330 = vector.extract %slice3A_1329[0] : i32 from vector<1xi32>
      %mul3A_1331 = arith.constant 16 : i32
      %mul3A_1332 = arith.muli %scan3A_1272, %mul3A_1331 : i32
      %add3A_1333 = arith.constant 3 : i32
      %add3A_1334 = arith.addi %mul3A_1332, %add3A_1333 : i32
      %dma_start3A_1335 = arith.constant 0 : i32
      %dma_start3A_1336 = tpu.memref_slice %arg7[%add3A_1334, %dma_start3A_1335] : memref<512x64xf32, #tpu.memory_space<vmem>> -> memref<1x64xf32, #tpu.memory_space<vmem>>
      %dma_start3A_1337 = tpu.memref_squeeze %dma_start3A_1336 : memref<1x64xf32, #tpu.memory_space<vmem>> -> memref<64xf32, #tpu.memory_space<vmem>>
      %dma_start3A_1338 = arith.constant 0 : i32
      %dma_start3A_1339 = tpu.memref_slice %arg3[%squeeze3A_1330, %dma_start3A_1338] : memref<1000000x64xf32, #tpu.memory_space<hbm>> -> memref<1x64xf32, #tpu.memory_space<hbm>>
      %dma_start3A_1340 = tpu.memref_squeeze %dma_start3A_1339 : memref<1x64xf32, #tpu.memory_space<hbm>> -> memref<64xf32, #tpu.memory_space<hbm>>
      %dma_start3A_1341 = arith.constant 0 : i32
      %dma_start3A_1342 = tpu.memref_slice %arg7[%add3A_1334, %dma_start3A_1341] : memref<512x64xf32, #tpu.memory_space<vmem>> -> memref<1x64xf32, #tpu.memory_space<vmem>>
      %dma_start3A_1343 = tpu.memref_squeeze %dma_start3A_1342 : memref<1x64xf32, #tpu.memory_space<vmem>> -> memref<64xf32, #tpu.memory_space<vmem>>
      %dma_start3A_1344 = arith.constant 0 : i32
      %dma_start3A_1345 = tpu.memref_slice %arg3[%squeeze3A_1330, %dma_start3A_1344] : memref<1000000x64xf32, #tpu.memory_space<hbm>> -> memref<1x64xf32, #tpu.memory_space<hbm>>
      %dma_start3A_1346 = tpu.memref_squeeze %dma_start3A_1345 : memref<1x64xf32, #tpu.memory_space<hbm>> -> memref<64xf32, #tpu.memory_space<hbm>>
      tpu.enqueue_dma source(%dma_start3A_1346 : memref<64xf32, #tpu.memory_space<hbm>>) target(%dma_start3A_1343 : memref<64xf32, #tpu.memory_space<vmem>>) target_semaphore(%arg8 : memref<!tpu.dma_semaphore, #tpu.memory_space<semaphore_mem>>)
      %slice3A_1347 = vector.extract_strided_slice %get3A_1277 {offsets = [4], sizes = [1], strides = [1]} : vector<16xi32> to vector<1xi32>
      %squeeze3A_1348 = vector.extract %slice3A_1347[0] : i32 from vector<1xi32>
      %mul3A_1349 = arith.constant 16 : i32
      %mul3A_1350 = arith.muli %scan3A_1272, %mul3A_1349 : i32
      %add3A_1351 = arith.constant 4 : i32
      %add3A_1352 = arith.addi %mul3A_1350, %add3A_1351 : i32
      %dma_start3A_1353 = arith.constant 0 : i32
      %dma_start3A_1354 = tpu.memref_slice %arg7[%add3A_1352, %dma_start3A_1353] : memref<512x64xf32, #tpu.memory_space<vmem>> -> memref<1x64xf32, #tpu.memory_space<vmem>>
      %dma_start3A_1355 = tpu.memref_squeeze %dma_start3A_1354 : memref<1x64xf32, #tpu.memory_space<vmem>> -> memref<64xf32, #tpu.memory_space<vmem>>
      %dma_start3A_1356 = arith.constant 0 : i32
      %dma_start3A_1357 = tpu.memref_slice %arg3[%squeeze3A_1348, %dma_start3A_1356] : memref<1000000x64xf32, #tpu.memory_space<hbm>> -> memref<1x64xf32, #tpu.memory_space<hbm>>
      %dma_start3A_1358 = tpu.memref_squeeze %dma_start3A_1357 : memref<1x64xf32, #tpu.memory_space<hbm>> -> memref<64xf32, #tpu.memory_space<hbm>>
      %dma_start3A_1359 = arith.constant 0 : i32
      %dma_start3A_1360 = tpu.memref_slice %arg7[%add3A_1352, %dma_start3A_1359] : memref<512x64xf32, #tpu.memory_space<vmem>> -> memref<1x64xf32, #tpu.memory_space<vmem>>
      %dma_start3A_1361 = tpu.memref_squeeze %dma_start3A_1360 : memref<1x64xf32, #tpu.memory_space<vmem>> -> memref<64xf32, #tpu.memory_space<vmem>>
      %dma_start3A_1362 = arith.constant 0 : i32
      %dma_start3A_1363 = tpu.memref_slice %arg3[%squeeze3A_1348, %dma_start3A_1362] : memref<1000000x64xf32, #tpu.memory_space<hbm>> -> memref<1x64xf32, #tpu.memory_space<hbm>>
      %dma_start3A_1364 = tpu.memref_squeeze %dma_start3A_1363 : memref<1x64xf32, #tpu.memory_space<hbm>> -> memref<64xf32, #tpu.memory_space<hbm>>
      tpu.enqueue_dma source(%dma_start3A_1364 : memref<64xf32, #tpu.memory_space<hbm>>) target(%dma_start3A_1361 : memref<64xf32, #tpu.memory_space<vmem>>) target_semaphore(%arg8 : memref<!tpu.dma_semaphore, #tpu.memory_space<semaphore_mem>>)
      %slice3A_1365 = vector.extract_strided_slice %get3A_1277 {offsets = [5], sizes = [1], strides = [1]} : vector<16xi32> to vector<1xi32>
      %squeeze3A_1366 = vector.extract %slice3A_1365[0] : i32 from vector<1xi32>
      %mul3A_1367 = arith.constant 16 : i32
      %mul3A_1368 = arith.muli %scan3A_1272, %mul3A_1367 : i32
      %add3A_1369 = arith.constant 5 : i32
      %add3A_1370 = arith.addi %mul3A_1368, %add3A_1369 : i32
      %dma_start3A_1371 = arith.constant 0 : i32
      %dma_start3A_1372 = tpu.memref_slice %arg7[%add3A_1370, %dma_start3A_1371] : memref<512x64xf32, #tpu.memory_space<vmem>> -> memref<1x64xf32, #tpu.memory_space<vmem>>
      %dma_start3A_1373 = tpu.memref_squeeze %dma_start3A_1372 : memref<1x64xf32, #tpu.memory_space<vmem>> -> memref<64xf32, #tpu.memory_space<vmem>>
      %dma_start3A_1374 = arith.constant 0 : i32
      %dma_start3A_1375 = tpu.memref_slice %arg3[%squeeze3A_1366, %dma_start3A_1374] : memref<1000000x64xf32, #tpu.memory_space<hbm>> -> memref<1x64xf32, #tpu.memory_space<hbm>>
      %dma_start3A_1376 = tpu.memref_squeeze %dma_start3A_1375 : memref<1x64xf32, #tpu.memory_space<hbm>> -> memref<64xf32, #tpu.memory_space<hbm>>
      %dma_start3A_1377 = arith.constant 0 : i32
      %dma_start3A_1378 = tpu.memref_slice %arg7[%add3A_1370, %dma_start3A_1377] : memref<512x64xf32, #tpu.memory_space<vmem>> -> memref<1x64xf32, #tpu.memory_space<vmem>>
      %dma_start3A_1379 = tpu.memref_squeeze %dma_start3A_1378 : memref<1x64xf32, #tpu.memory_space<vmem>> -> memref<64xf32, #tpu.memory_space<vmem>>
      %dma_start3A_1380 = arith.constant 0 : i32
      %dma_start3A_1381 = tpu.memref_slice %arg3[%squeeze3A_1366, %dma_start3A_1380] : memref<1000000x64xf32, #tpu.memory_space<hbm>> -> memref<1x64xf32, #tpu.memory_space<hbm>>
      %dma_start3A_1382 = tpu.memref_squeeze %dma_start3A_1381 : memref<1x64xf32, #tpu.memory_space<hbm>> -> memref<64xf32, #tpu.memory_space<hbm>>
      tpu.enqueue_dma source(%dma_start3A_1382 : memref<64xf32, #tpu.memory_space<hbm>>) target(%dma_start3A_1379 : memref<64xf32, #tpu.memory_space<vmem>>) target_semaphore(%arg8 : memref<!tpu.dma_semaphore, #tpu.memory_space<semaphore_mem>>)
      %slice3A_1383 = vector.extract_strided_slice %get3A_1277 {offsets = [6], sizes = [1], strides = [1]} : vector<16xi32> to vector<1xi32>
      %squeeze3A_1384 = vector.extract %slice3A_1383[0] : i32 from vector<1xi32>
      %mul3A_1385 = arith.constant 16 : i32
      %mul3A_1386 = arith.muli %scan3A_1272, %mul3A_1385 : i32
      %add3A_1387 = arith.constant 6 : i32
      %add3A_1388 = arith.addi %mul3A_1386, %add3A_1387 : i32
      %dma_start3A_1389 = arith.constant 0 : i32
      %dma_start3A_1390 = tpu.memref_slice %arg7[%add3A_1388, %dma_start3A_1389] : memref<512x64xf32, #tpu.memory_space<vmem>> -> memref<1x64xf32, #tpu.memory_space<vmem>>
      %dma_start3A_1391 = tpu.memref_squeeze %dma_start3A_1390 : memref<1x64xf32, #tpu.memory_space<vmem>> -> memref<64xf32, #tpu.memory_space<vmem>>
      %dma_start3A_1392 = arith.constant 0 : i32
      %dma_start3A_1393 = tpu.memref_slice %arg3[%squeeze3A_1384, %dma_start3A_1392] : memref<1000000x64xf32, #tpu.memory_space<hbm>> -> memref<1x64xf32, #tpu.memory_space<hbm>>
      %dma_start3A_1394 = tpu.memref_squeeze %dma_start3A_1393 : memref<1x64xf32, #tpu.memory_space<hbm>> -> memref<64xf32, #tpu.memory_space<hbm>>
      %dma_start3A_1395 = arith.constant 0 : i32
      %dma_start3A_1396 = tpu.memref_slice %arg7[%add3A_1388, %dma_start3A_1395] : memref<512x64xf32, #tpu.memory_space<vmem>> -> memref<1x64xf32, #tpu.memory_space<vmem>>
      %dma_start3A_1397 = tpu.memref_squeeze %dma_start3A_1396 : memref<1x64xf32, #tpu.memory_space<vmem>> -> memref<64xf32, #tpu.memory_space<vmem>>
      %dma_start3A_1398 = arith.constant 0 : i32
      %dma_start3A_1399 = tpu.memref_slice %arg3[%squeeze3A_1384, %dma_start3A_1398] : memref<1000000x64xf32, #tpu.memory_space<hbm>> -> memref<1x64xf32, #tpu.memory_space<hbm>>
      %dma_start3A_1400 = tpu.memref_squeeze %dma_start3A_1399 : memref<1x64xf32, #tpu.memory_space<hbm>> -> memref<64xf32, #tpu.memory_space<hbm>>
      tpu.enqueue_dma source(%dma_start3A_1400 : memref<64xf32, #tpu.memory_space<hbm>>) target(%dma_start3A_1397 : memref<64xf32, #tpu.memory_space<vmem>>) target_semaphore(%arg8 : memref<!tpu.dma_semaphore, #tpu.memory_space<semaphore_mem>>)
      %slice3A_1401 = vector.extract_strided_slice %get3A_1277 {offsets = [7], sizes = [1], strides = [1]} : vector<16xi32> to vector<1xi32>
      %squeeze3A_1402 = vector.extract %slice3A_1401[0] : i32 from vector<1xi32>
      %mul3A_1403 = arith.constant 16 : i32
      %mul3A_1404 = arith.muli %scan3A_1272, %mul3A_1403 : i32
      %add3A_1405 = arith.constant 7 : i32
      %add3A_1406 = arith.addi %mul3A_1404, %add3A_1405 : i32
      %dma_start3A_1407 = arith.constant 0 : i32
      %dma_start3A_1408 = tpu.memref_slice %arg7[%add3A_1406, %dma_start3A_1407] : memref<512x64xf32, #tpu.memory_space<vmem>> -> memref<1x64xf32, #tpu.memory_space<vmem>>
      %dma_start3A_1409 = tpu.memref_squeeze %dma_start3A_1408 : memref<1x64xf32, #tpu.memory_space<vmem>> -> memref<64xf32, #tpu.memory_space<vmem>>
      %dma_start3A_1410 = arith.constant 0 : i32
      %dma_start3A_1411 = tpu.memref_slice %arg3[%squeeze3A_1402, %dma_start3A_1410] : memref<1000000x64xf32, #tpu.memory_space<hbm>> -> memref<1x64xf32, #tpu.memory_space<hbm>>
      %dma_start3A_1412 = tpu.memref_squeeze %dma_start3A_1411 : memref<1x64xf32, #tpu.memory_space<hbm>> -> memref<64xf32, #tpu.memory_space<hbm>>
      %dma_start3A_1413 = arith.constant 0 : i32
      %dma_start3A_1414 = tpu.memref_slice %arg7[%add3A_1406, %dma_start3A_1413] : memref<512x64xf32, #tpu.memory_space<vmem>> -> memref<1x64xf32, #tpu.memory_space<vmem>>
      %dma_start3A_1415 = tpu.memref_squeeze %dma_start3A_1414 : memref<1x64xf32, #tpu.memory_space<vmem>> -> memref<64xf32, #tpu.memory_space<vmem>>
      %dma_start3A_1416 = arith.constant 0 : i32
      %dma_start3A_1417 = tpu.memref_slice %arg3[%squeeze3A_1402, %dma_start3A_1416] : memref<1000000x64xf32, #tpu.memory_space<hbm>> -> memref<1x64xf32, #tpu.memory_space<hbm>>
      %dma_start3A_1418 = tpu.memref_squeeze %dma_start3A_1417 : memref<1x64xf32, #tpu.memory_space<hbm>> -> memref<64xf32, #tpu.memory_space<hbm>>
      tpu.enqueue_dma source(%dma_start3A_1418 : memref<64xf32, #tpu.memory_space<hbm>>) target(%dma_start3A_1415 : memref<64xf32, #tpu.memory_space<vmem>>) target_semaphore(%arg8 : memref<!tpu.dma_semaphore, #tpu.memory_space<semaphore_mem>>)
      %slice3A_1419 = vector.extract_strided_slice %get3A_1277 {offsets = [8], sizes = [1], strides = [1]} : vector<16xi32> to vector<1xi32>
      %squeeze3A_1420 = vector.extract %slice3A_1419[0] : i32 from vector<1xi32>
      %mul3A_1421 = arith.constant 16 : i32
      %mul3A_1422 = arith.muli %scan3A_1272, %mul3A_1421 : i32
      %add3A_1423 = arith.constant 8 : i32
      %add3A_1424 = arith.addi %mul3A_1422, %add3A_1423 : i32
      %dma_start3A_1425 = arith.constant 0 : i32
      %dma_start3A_1426 = tpu.memref_slice %arg7[%add3A_1424, %dma_start3A_1425] : memref<512x64xf32, #tpu.memory_space<vmem>> -> memref<1x64xf32, #tpu.memory_space<vmem>>
      %dma_start3A_1427 = tpu.memref_squeeze %dma_start3A_1426 : memref<1x64xf32, #tpu.memory_space<vmem>> -> memref<64xf32, #tpu.memory_space<vmem>>
      %dma_start3A_1428 = arith.constant 0 : i32
      %dma_start3A_1429 = tpu.memref_slice %arg3[%squeeze3A_1420, %dma_start3A_1428] : memref<1000000x64xf32, #tpu.memory_space<hbm>> -> memref<1x64xf32, #tpu.memory_space<hbm>>
      %dma_start3A_1430 = tpu.memref_squeeze %dma_start3A_1429 : memref<1x64xf32, #tpu.memory_space<hbm>> -> memref<64xf32, #tpu.memory_space<hbm>>
      %dma_start3A_1431 = arith.constant 0 : i32
      %dma_start3A_1432 = tpu.memref_slice %arg7[%add3A_1424, %dma_start3A_1431] : memref<512x64xf32, #tpu.memory_space<vmem>> -> memref<1x64xf32, #tpu.memory_space<vmem>>
      %dma_start3A_1433 = tpu.memref_squeeze %dma_start3A_1432 : memref<1x64xf32, #tpu.memory_space<vmem>> -> memref<64xf32, #tpu.memory_space<vmem>>
      %dma_start3A_1434 = arith.constant 0 : i32
      %dma_start3A_1435 = tpu.memref_slice %arg3[%squeeze3A_1420, %dma_start3A_1434] : memref<1000000x64xf32, #tpu.memory_space<hbm>> -> memref<1x64xf32, #tpu.memory_space<hbm>>
      %dma_start3A_1436 = tpu.memref_squeeze %dma_start3A_1435 : memref<1x64xf32, #tpu.memory_space<hbm>> -> memref<64xf32, #tpu.memory_space<hbm>>
      tpu.enqueue_dma source(%dma_start3A_1436 : memref<64xf32, #tpu.memory_space<hbm>>) target(%dma_start3A_1433 : memref<64xf32, #tpu.memory_space<vmem>>) target_semaphore(%arg8 : memref<!tpu.dma_semaphore, #tpu.memory_space<semaphore_mem>>)
      %slice3A_1437 = vector.extract_strided_slice %get3A_1277 {offsets = [9], sizes = [1], strides = [1]} : vector<16xi32> to vector<1xi32>
      %squeeze3A_1438 = vector.extract %slice3A_1437[0] : i32 from vector<1xi32>
      %mul3A_1439 = arith.constant 16 : i32
      %mul3A_1440 = arith.muli %scan3A_1272, %mul3A_1439 : i32
      %add3A_1441 = arith.constant 9 : i32
      %add3A_1442 = arith.addi %mul3A_1440, %add3A_1441 : i32
      %dma_start3A_1443 = arith.constant 0 : i32
      %dma_start3A_1444 = tpu.memref_slice %arg7[%add3A_1442, %dma_start3A_1443] : memref<512x64xf32, #tpu.memory_space<vmem>> -> memref<1x64xf32, #tpu.memory_space<vmem>>
      %dma_start3A_1445 = tpu.memref_squeeze %dma_start3A_1444 : memref<1x64xf32, #tpu.memory_space<vmem>> -> memref<64xf32, #tpu.memory_space<vmem>>
      %dma_start3A_1446 = arith.constant 0 : i32
      %dma_start3A_1447 = tpu.memref_slice %arg3[%squeeze3A_1438, %dma_start3A_1446] : memref<1000000x64xf32, #tpu.memory_space<hbm>> -> memref<1x64xf32, #tpu.memory_space<hbm>>
      %dma_start3A_1448 = tpu.memref_squeeze %dma_start3A_1447 : memref<1x64xf32, #tpu.memory_space<hbm>> -> memref<64xf32, #tpu.memory_space<hbm>>
      %dma_start3A_1449 = arith.constant 0 : i32
      %dma_start3A_1450 = tpu.memref_slice %arg7[%add3A_1442, %dma_start3A_1449] : memref<512x64xf32, #tpu.memory_space<vmem>> -> memref<1x64xf32, #tpu.memory_space<vmem>>
      %dma_start3A_1451 = tpu.memref_squeeze %dma_start3A_1450 : memref<1x64xf32, #tpu.memory_space<vmem>> -> memref<64xf32, #tpu.memory_space<vmem>>
      %dma_start3A_1452 = arith.constant 0 : i32
      %dma_start3A_1453 = tpu.memref_slice %arg3[%squeeze3A_1438, %dma_start3A_1452] : memref<1000000x64xf32, #tpu.memory_space<hbm>> -> memref<1x64xf32, #tpu.memory_space<hbm>>
      %dma_start3A_1454 = tpu.memref_squeeze %dma_start3A_1453 : memref<1x64xf32, #tpu.memory_space<hbm>> -> memref<64xf32, #tpu.memory_space<hbm>>
      tpu.enqueue_dma source(%dma_start3A_1454 : memref<64xf32, #tpu.memory_space<hbm>>) target(%dma_start3A_1451 : memref<64xf32, #tpu.memory_space<vmem>>) target_semaphore(%arg8 : memref<!tpu.dma_semaphore, #tpu.memory_space<semaphore_mem>>)
      %slice3A_1455 = vector.extract_strided_slice %get3A_1277 {offsets = [10], sizes = [1], strides = [1]} : vector<16xi32> to vector<1xi32>
      %squeeze3A_1456 = vector.extract %slice3A_1455[0] : i32 from vector<1xi32>
      %mul3A_1457 = arith.constant 16 : i32
      %mul3A_1458 = arith.muli %scan3A_1272, %mul3A_1457 : i32
      %add3A_1459 = arith.constant 10 : i32
      %add3A_1460 = arith.addi %mul3A_1458, %add3A_1459 : i32
      %dma_start3A_1461 = arith.constant 0 : i32
      %dma_start3A_1462 = tpu.memref_slice %arg7[%add3A_1460, %dma_start3A_1461] : memref<512x64xf32, #tpu.memory_space<vmem>> -> memref<1x64xf32, #tpu.memory_space<vmem>>
      %dma_start3A_1463 = tpu.memref_squeeze %dma_start3A_1462 : memref<1x64xf32, #tpu.memory_space<vmem>> -> memref<64xf32, #tpu.memory_space<vmem>>
      %dma_start3A_1464 = arith.constant 0 : i32
      %dma_start3A_1465 = tpu.memref_slice %arg3[%squeeze3A_1456, %dma_start3A_1464] : memref<1000000x64xf32, #tpu.memory_space<hbm>> -> memref<1x64xf32, #tpu.memory_space<hbm>>
      %dma_start3A_1466 = tpu.memref_squeeze %dma_start3A_1465 : memref<1x64xf32, #tpu.memory_space<hbm>> -> memref<64xf32, #tpu.memory_space<hbm>>
      %dma_start3A_1467 = arith.constant 0 : i32
      %dma_start3A_1468 = tpu.memref_slice %arg7[%add3A_1460, %dma_start3A_1467] : memref<512x64xf32, #tpu.memory_space<vmem>> -> memref<1x64xf32, #tpu.memory_space<vmem>>
      %dma_start3A_1469 = tpu.memref_squeeze %dma_start3A_1468 : memref<1x64xf32, #tpu.memory_space<vmem>> -> memref<64xf32, #tpu.memory_space<vmem>>
      %dma_start3A_1470 = arith.constant 0 : i32
      %dma_start3A_1471 = tpu.memref_slice %arg3[%squeeze3A_1456, %dma_start3A_1470] : memref<1000000x64xf32, #tpu.memory_space<hbm>> -> memref<1x64xf32, #tpu.memory_space<hbm>>
      %dma_start3A_1472 = tpu.memref_squeeze %dma_start3A_1471 : memref<1x64xf32, #tpu.memory_space<hbm>> -> memref<64xf32, #tpu.memory_space<hbm>>
      tpu.enqueue_dma source(%dma_start3A_1472 : memref<64xf32, #tpu.memory_space<hbm>>) target(%dma_start3A_1469 : memref<64xf32, #tpu.memory_space<vmem>>) target_semaphore(%arg8 : memref<!tpu.dma_semaphore, #tpu.memory_space<semaphore_mem>>)
      %slice3A_1473 = vector.extract_strided_slice %get3A_1277 {offsets = [11], sizes = [1], strides = [1]} : vector<16xi32> to vector<1xi32>
      %squeeze3A_1474 = vector.extract %slice3A_1473[0] : i32 from vector<1xi32>
      %mul3A_1475 = arith.constant 16 : i32
      %mul3A_1476 = arith.muli %scan3A_1272, %mul3A_1475 : i32
      %add3A_1477 = arith.constant 11 : i32
      %add3A_1478 = arith.addi %mul3A_1476, %add3A_1477 : i32
      %dma_start3A_1479 = arith.constant 0 : i32
      %dma_start3A_1480 = tpu.memref_slice %arg7[%add3A_1478, %dma_start3A_1479] : memref<512x64xf32, #tpu.memory_space<vmem>> -> memref<1x64xf32, #tpu.memory_space<vmem>>
      %dma_start3A_1481 = tpu.memref_squeeze %dma_start3A_1480 : memref<1x64xf32, #tpu.memory_space<vmem>> -> memref<64xf32, #tpu.memory_space<vmem>>
      %dma_start3A_1482 = arith.constant 0 : i32
      %dma_start3A_1483 = tpu.memref_slice %arg3[%squeeze3A_1474, %dma_start3A_1482] : memref<1000000x64xf32, #tpu.memory_space<hbm>> -> memref<1x64xf32, #tpu.memory_space<hbm>>
      %dma_start3A_1484 = tpu.memref_squeeze %dma_start3A_1483 : memref<1x64xf32, #tpu.memory_space<hbm>> -> memref<64xf32, #tpu.memory_space<hbm>>
      %dma_start3A_1485 = arith.constant 0 : i32
      %dma_start3A_1486 = tpu.memref_slice %arg7[%add3A_1478, %dma_start3A_1485] : memref<512x64xf32, #tpu.memory_space<vmem>> -> memref<1x64xf32, #tpu.memory_space<vmem>>
      %dma_start3A_1487 = tpu.memref_squeeze %dma_start3A_1486 : memref<1x64xf32, #tpu.memory_space<vmem>> -> memref<64xf32, #tpu.memory_space<vmem>>
      %dma_start3A_1488 = arith.constant 0 : i32
      %dma_start3A_1489 = tpu.memref_slice %arg3[%squeeze3A_1474, %dma_start3A_1488] : memref<1000000x64xf32, #tpu.memory_space<hbm>> -> memref<1x64xf32, #tpu.memory_space<hbm>>
      %dma_start3A_1490 = tpu.memref_squeeze %dma_start3A_1489 : memref<1x64xf32, #tpu.memory_space<hbm>> -> memref<64xf32, #tpu.memory_space<hbm>>
      tpu.enqueue_dma source(%dma_start3A_1490 : memref<64xf32, #tpu.memory_space<hbm>>) target(%dma_start3A_1487 : memref<64xf32, #tpu.memory_space<vmem>>) target_semaphore(%arg8 : memref<!tpu.dma_semaphore, #tpu.memory_space<semaphore_mem>>)
      %slice3A_1491 = vector.extract_strided_slice %get3A_1277 {offsets = [12], sizes = [1], strides = [1]} : vector<16xi32> to vector<1xi32>
      %squeeze3A_1492 = vector.extract %slice3A_1491[0] : i32 from vector<1xi32>
      %mul3A_1493 = arith.constant 16 : i32
      %mul3A_1494 = arith.muli %scan3A_1272, %mul3A_1493 : i32
      %add3A_1495 = arith.constant 12 : i32
      %add3A_1496 = arith.addi %mul3A_1494, %add3A_1495 : i32
      %dma_start3A_1497 = arith.constant 0 : i32
      %dma_start3A_1498 = tpu.memref_slice %arg7[%add3A_1496, %dma_start3A_1497] : memref<512x64xf32, #tpu.memory_space<vmem>> -> memref<1x64xf32, #tpu.memory_space<vmem>>
      %dma_start3A_1499 = tpu.memref_squeeze %dma_start3A_1498 : memref<1x64xf32, #tpu.memory_space<vmem>> -> memref<64xf32, #tpu.memory_space<vmem>>
      %dma_start3A_1500 = arith.constant 0 : i32
      %dma_start3A_1501 = tpu.memref_slice %arg3[%squeeze3A_1492, %dma_start3A_1500] : memref<1000000x64xf32, #tpu.memory_space<hbm>> -> memref<1x64xf32, #tpu.memory_space<hbm>>
      %dma_start3A_1502 = tpu.memref_squeeze %dma_start3A_1501 : memref<1x64xf32, #tpu.memory_space<hbm>> -> memref<64xf32, #tpu.memory_space<hbm>>
      %dma_start3A_1503 = arith.constant 0 : i32
      %dma_start3A_1504 = tpu.memref_slice %arg7[%add3A_1496, %dma_start3A_1503] : memref<512x64xf32, #tpu.memory_space<vmem>> -> memref<1x64xf32, #tpu.memory_space<vmem>>
      %dma_start3A_1505 = tpu.memref_squeeze %dma_start3A_1504 : memref<1x64xf32, #tpu.memory_space<vmem>> -> memref<64xf32, #tpu.memory_space<vmem>>
      %dma_start3A_1506 = arith.constant 0 : i32
      %dma_start3A_1507 = tpu.memref_slice %arg3[%squeeze3A_1492, %dma_start3A_1506] : memref<1000000x64xf32, #tpu.memory_space<hbm>> -> memref<1x64xf32, #tpu.memory_space<hbm>>
      %dma_start3A_1508 = tpu.memref_squeeze %dma_start3A_1507 : memref<1x64xf32, #tpu.memory_space<hbm>> -> memref<64xf32, #tpu.memory_space<hbm>>
      tpu.enqueue_dma source(%dma_start3A_1508 : memref<64xf32, #tpu.memory_space<hbm>>) target(%dma_start3A_1505 : memref<64xf32, #tpu.memory_space<vmem>>) target_semaphore(%arg8 : memref<!tpu.dma_semaphore, #tpu.memory_space<semaphore_mem>>)
      %slice3A_1509 = vector.extract_strided_slice %get3A_1277 {offsets = [13], sizes = [1], strides = [1]} : vector<16xi32> to vector<1xi32>
      %squeeze3A_1510 = vector.extract %slice3A_1509[0] : i32 from vector<1xi32>
      %mul3A_1511 = arith.constant 16 : i32
      %mul3A_1512 = arith.muli %scan3A_1272, %mul3A_1511 : i32
      %add3A_1513 = arith.constant 13 : i32
      %add3A_1514 = arith.addi %mul3A_1512, %add3A_1513 : i32
      %dma_start3A_1515 = arith.constant 0 : i32
      %dma_start3A_1516 = tpu.memref_slice %arg7[%add3A_1514, %dma_start3A_1515] : memref<512x64xf32, #tpu.memory_space<vmem>> -> memref<1x64xf32, #tpu.memory_space<vmem>>
      %dma_start3A_1517 = tpu.memref_squeeze %dma_start3A_1516 : memref<1x64xf32, #tpu.memory_space<vmem>> -> memref<64xf32, #tpu.memory_space<vmem>>
      %dma_start3A_1518 = arith.constant 0 : i32
      %dma_start3A_1519 = tpu.memref_slice %arg3[%squeeze3A_1510, %dma_start3A_1518] : memref<1000000x64xf32, #tpu.memory_space<hbm>> -> memref<1x64xf32, #tpu.memory_space<hbm>>
      %dma_start3A_1520 = tpu.memref_squeeze %dma_start3A_1519 : memref<1x64xf32, #tpu.memory_space<hbm>> -> memref<64xf32, #tpu.memory_space<hbm>>
      %dma_start3A_1521 = arith.constant 0 : i32
      %dma_start3A_1522 = tpu.memref_slice %arg7[%add3A_1514, %dma_start3A_1521] : memref<512x64xf32, #tpu.memory_space<vmem>> -> memref<1x64xf32, #tpu.memory_space<vmem>>
      %dma_start3A_1523 = tpu.memref_squeeze %dma_start3A_1522 : memref<1x64xf32, #tpu.memory_space<vmem>> -> memref<64xf32, #tpu.memory_space<vmem>>
      %dma_start3A_1524 = arith.constant 0 : i32
      %dma_start3A_1525 = tpu.memref_slice %arg3[%squeeze3A_1510, %dma_start3A_1524] : memref<1000000x64xf32, #tpu.memory_space<hbm>> -> memref<1x64xf32, #tpu.memory_space<hbm>>
      %dma_start3A_1526 = tpu.memref_squeeze %dma_start3A_1525 : memref<1x64xf32, #tpu.memory_space<hbm>> -> memref<64xf32, #tpu.memory_space<hbm>>
      tpu.enqueue_dma source(%dma_start3A_1526 : memref<64xf32, #tpu.memory_space<hbm>>) target(%dma_start3A_1523 : memref<64xf32, #tpu.memory_space<vmem>>) target_semaphore(%arg8 : memref<!tpu.dma_semaphore, #tpu.memory_space<semaphore_mem>>)
      %slice3A_1527 = vector.extract_strided_slice %get3A_1277 {offsets = [14], sizes = [1], strides = [1]} : vector<16xi32> to vector<1xi32>
      %squeeze3A_1528 = vector.extract %slice3A_1527[0] : i32 from vector<1xi32>
      %mul3A_1529 = arith.constant 16 : i32
      %mul3A_1530 = arith.muli %scan3A_1272, %mul3A_1529 : i32
      %add3A_1531 = arith.constant 14 : i32
      %add3A_1532 = arith.addi %mul3A_1530, %add3A_1531 : i32
      %dma_start3A_1533 = arith.constant 0 : i32
      %dma_start3A_1534 = tpu.memref_slice %arg7[%add3A_1532, %dma_start3A_1533] : memref<512x64xf32, #tpu.memory_space<vmem>> -> memref<1x64xf32, #tpu.memory_space<vmem>>
      %dma_start3A_1535 = tpu.memref_squeeze %dma_start3A_1534 : memref<1x64xf32, #tpu.memory_space<vmem>> -> memref<64xf32, #tpu.memory_space<vmem>>
      %dma_start3A_1536 = arith.constant 0 : i32
      %dma_start3A_1537 = tpu.memref_slice %arg3[%squeeze3A_1528, %dma_start3A_1536] : memref<1000000x64xf32, #tpu.memory_space<hbm>> -> memref<1x64xf32, #tpu.memory_space<hbm>>
      %dma_start3A_1538 = tpu.memref_squeeze %dma_start3A_1537 : memref<1x64xf32, #tpu.memory_space<hbm>> -> memref<64xf32, #tpu.memory_space<hbm>>
      %dma_start3A_1539 = arith.constant 0 : i32
      %dma_start3A_1540 = tpu.memref_slice %arg7[%add3A_1532, %dma_start3A_1539] : memref<512x64xf32, #tpu.memory_space<vmem>> -> memref<1x64xf32, #tpu.memory_space<vmem>>
      %dma_start3A_1541 = tpu.memref_squeeze %dma_start3A_1540 : memref<1x64xf32, #tpu.memory_space<vmem>> -> memref<64xf32, #tpu.memory_space<vmem>>
      %dma_start3A_1542 = arith.constant 0 : i32
      %dma_start3A_1543 = tpu.memref_slice %arg3[%squeeze3A_1528, %dma_start3A_1542] : memref<1000000x64xf32, #tpu.memory_space<hbm>> -> memref<1x64xf32, #tpu.memory_space<hbm>>
      %dma_start3A_1544 = tpu.memref_squeeze %dma_start3A_1543 : memref<1x64xf32, #tpu.memory_space<hbm>> -> memref<64xf32, #tpu.memory_space<hbm>>
      tpu.enqueue_dma source(%dma_start3A_1544 : memref<64xf32, #tpu.memory_space<hbm>>) target(%dma_start3A_1541 : memref<64xf32, #tpu.memory_space<vmem>>) target_semaphore(%arg8 : memref<!tpu.dma_semaphore, #tpu.memory_space<semaphore_mem>>)
      %slice3A_1545 = vector.extract_strided_slice %get3A_1277 {offsets = [15], sizes = [1], strides = [1]} : vector<16xi32> to vector<1xi32>
      %squeeze3A_1546 = vector.extract %slice3A_1545[0] : i32 from vector<1xi32>
      %mul3A_1547 = arith.constant 16 : i32
      %mul3A_1548 = arith.muli %scan3A_1272, %mul3A_1547 : i32
      %add3A_1549 = arith.constant 15 : i32
      %add3A_1550 = arith.addi %mul3A_1548, %add3A_1549 : i32
      %dma_start3A_1551 = arith.constant 0 : i32
      %dma_start3A_1552 = tpu.memref_slice %arg7[%add3A_1550, %dma_start3A_1551] : memref<512x64xf32, #tpu.memory_space<vmem>> -> memref<1x64xf32, #tpu.memory_space<vmem>>
      %dma_start3A_1553 = tpu.memref_squeeze %dma_start3A_1552 : memref<1x64xf32, #tpu.memory_space<vmem>> -> memref<64xf32, #tpu.memory_space<vmem>>
      %dma_start3A_1554 = arith.constant 0 : i32
      %dma_start3A_1555 = tpu.memref_slice %arg3[%squeeze3A_1546, %dma_start3A_1554] : memref<1000000x64xf32, #tpu.memory_space<hbm>> -> memref<1x64xf32, #tpu.memory_space<hbm>>
      %dma_start3A_1556 = tpu.memref_squeeze %dma_start3A_1555 : memref<1x64xf32, #tpu.memory_space<hbm>> -> memref<64xf32, #tpu.memory_space<hbm>>
      %dma_start3A_1557 = arith.constant 0 : i32
      %dma_start3A_1558 = tpu.memref_slice %arg7[%add3A_1550, %dma_start3A_1557] : memref<512x64xf32, #tpu.memory_space<vmem>> -> memref<1x64xf32, #tpu.memory_space<vmem>>
      %dma_start3A_1559 = tpu.memref_squeeze %dma_start3A_1558 : memref<1x64xf32, #tpu.memory_space<vmem>> -> memref<64xf32, #tpu.memory_space<vmem>>
      %dma_start3A_1560 = arith.constant 0 : i32
      %dma_start3A_1561 = tpu.memref_slice %arg3[%squeeze3A_1546, %dma_start3A_1560] : memref<1000000x64xf32, #tpu.memory_space<hbm>> -> memref<1x64xf32, #tpu.memory_space<hbm>>
      %dma_start3A_1562 = tpu.memref_squeeze %dma_start3A_1561 : memref<1x64xf32, #tpu.memory_space<hbm>> -> memref<64xf32, #tpu.memory_space<hbm>>
      tpu.enqueue_dma source(%dma_start3A_1562 : memref<64xf32, #tpu.memory_space<hbm>>) target(%dma_start3A_1559 : memref<64xf32, #tpu.memory_space<vmem>>) target_semaphore(%arg8 : memref<!tpu.dma_semaphore, #tpu.memory_space<semaphore_mem>>)
    }
    %scan3A_1266 = arith.constant 32 : i32
    %dma_wait3A = arith.constant 0 : i32
    %dma_wait3A_1267 = arith.constant 0 : i32
    %dma_wait3A_1268 = tpu.memref_slice %arg4[%dma_wait3A, %dma_wait3A_1267] : memref<16384x64xf32, #tpu.memory_space<hbm>> -> memref<512x64xf32, #tpu.memory_space<hbm>>
    %dma_wait3A_1269 = arith.constant 0 : i32
    %dma_wait3A_1270 = arith.constant 0 : i32
    %dma_wait3A_1271 = tpu.memref_slice %arg4[%dma_wait3A_1269, %dma_wait3A_1270] : memref<16384x64xf32, #tpu.memory_space<hbm>> -> memref<512x64xf32, #tpu.memory_space<hbm>>
    tpu.wait_dma2 semaphore(%arg8 : memref<!tpu.dma_semaphore, #tpu.memory_space<semaphore_mem>>) src(%dma_wait3A_1271 : memref<512x64xf32, #tpu.memory_space<hbm>>) dst(%arg7 : memref<512x64xf32, #tpu.memory_space<vmem>>)
    "tpu.region"() ({
      %run_scoped3A = tpu.sem_alloc : memref<!tpu.dma_semaphore, #tpu.memory_space<semaphore_mem>>
      %dma_start3A = arith.constant 0 : i32
      %dma_start3A_1272 = tpu.memref_slice %arg4[%mul3A_2, %dma_start3A] : memref<16384x64xf32, #tpu.memory_space<hbm>> -> memref<512x64xf32, #tpu.memory_space<hbm>>
      %dma_start3A_1273 = arith.constant 0 : i32
      %dma_start3A_1274 = tpu.memref_slice %arg4[%mul3A_2, %dma_start3A_1273] : memref<16384x64xf32, #tpu.memory_space<hbm>> -> memref<512x64xf32, #tpu.memory_space<hbm>>
      tpu.enqueue_dma source(%arg7 : memref<512x64xf32, #tpu.memory_space<vmem>>) target(%dma_start3A_1274 : memref<512x64xf32, #tpu.memory_space<hbm>>) target_semaphore(%run_scoped3A : memref<!tpu.dma_semaphore, #tpu.memory_space<semaphore_mem>>)
      %dma_wait3A_1275 = arith.constant 0 : i32
      %dma_wait3A_1276 = tpu.memref_slice %arg4[%mul3A_2, %dma_wait3A_1275] : memref<16384x64xf32, #tpu.memory_space<hbm>> -> memref<512x64xf32, #tpu.memory_space<hbm>>
      %dma_wait3A_1277 = arith.constant 0 : i32
      %dma_wait3A_1278 = tpu.memref_slice %arg4[%mul3A_2, %dma_wait3A_1277] : memref<16384x64xf32, #tpu.memory_space<hbm>> -> memref<512x64xf32, #tpu.memory_space<hbm>>
      tpu.wait_dma2 semaphore(%run_scoped3A : memref<!tpu.dma_semaphore, #tpu.memory_space<semaphore_mem>>) src(%arg7 : memref<512x64xf32, #tpu.memory_space<vmem>>) dst(%dma_wait3A_1278 : memref<512x64xf32, #tpu.memory_space<hbm>>)
      tpu.yield
    }) : () -> ()
    return
  }
}

module attributes {stable_mosaic.version = 14 : i64} {
  func.func @body(%arg0: i32, %arg1: memref<2048x64xf32, #tpu.memory_space<vmem>>, %arg2: memref<1024x64xf32, #tpu.memory_space<vmem>>, %arg3: memref<1xf32, #tpu.memory_space<smem>>, %arg4: memref<2048x1024xf32, #tpu.memory_space<vmem>>) attributes {dimension_semantics = [#tpu.dimension_semantics<arbitrary>], iteration_bounds = array<i64: 8>, scalar_prefetch = 0 : i64, scratch_operands = 0 : i64, tpu.core_type = #tpu.core_type<tc>, window_params = [{transform_indices = @transform_0, window_bounds = array<i64: 2048, 64>}, {pipeline_mode = #tpu.pipeline_mode<synchronous>, transform_indices = @transform_1, window_bounds = array<i64: 1024, 64>}, {transform_indices = @transform_2, window_bounds = array<i64: 1>}, {transform_indices = @transform_3, window_bounds = array<i64: 2048, 1024>}]} {
    %get3A = arith.constant 0 : index
    %get3A_0 = arith.constant 0 : index
    %get3A_1 = vector.load %arg1[%get3A, %get3A_0] : memref<2048x64xf32, #tpu.memory_space<vmem>>, vector<2048x64xf32>
    %get3A_2 = arith.constant 0 : index
    %get3A_3 = arith.constant 0 : index
    %get3A_4 = vector.load %arg2[%get3A_2, %get3A_3] : memref<1024x64xf32, #tpu.memory_space<vmem>>, vector<1024x64xf32>
    %dot_general3A = arith.constant dense<0.000000e+00> : vector<2048x1024xf32>
    %dot_general3A_5 = tpu.matmul %get3A_1, %get3A_4, %dot_general3A {dimension_numbers = #tpu.dot_dimension_numbers<[1], [1], [0], [0], [0, 0, 1, 0], [], []>, transpose_lhs_hint = false} : vector<2048x64xf32>, vector<1024x64xf32>, vector<2048x1024xf32> -> vector<2048x1024xf32>
    %get3A_6 = arith.constant 0 : index
    %get3A_7 = memref.load %arg3[%get3A_6] : memref<1xf32, #tpu.memory_space<smem>>
    %mul3A = vector.broadcast %get3A_7 : f32 to vector<2048x1024xf32>
    %mul3A_8 = arith.mulf %dot_general3A_5, %mul3A : vector<2048x1024xf32>
    %swap3A = arith.constant 0 : index
    %swap3A_9 = arith.constant 0 : index
    %swap3A_10 = vector.load %arg4[%swap3A, %swap3A_9] : memref<2048x1024xf32, #tpu.memory_space<vmem>>, vector<2048x1024xf32>
    tpu.vector_store %arg4[%swap3A, %swap3A_9], %mul3A_8 {strides = array<i32>} : memref<2048x1024xf32, #tpu.memory_space<vmem>>, vector<2048x1024xf32>,
    return
  }
  func.func @transform_0(%arg0: i32) -> (i32, i32) {
    %c0_i32 = arith.constant 0 : i32
    %c0_i32_0 = arith.constant 0 : i32
    return %arg0, %c0_i32 : i32, i32
  }
  func.func @transform_1(%arg0: i32) -> (i32, i32) {
    %c0_i32 = arith.constant 0 : i32
    %c0_i32_0 = arith.constant 0 : i32
    %c0_i32_1 = arith.constant 0 : i32
    return %c0_i32, %c0_i32_0 : i32, i32
  }
  func.func @transform_2(%arg0: i32) -> i32 {
    %c0_i32 = arith.constant 0 : i32
    %c0_i32_0 = arith.constant 0 : i32
    return %c0_i32 : i32
  }
  func.func @transform_3(%arg0: i32) -> (i32, i32) {
    %c0_i32 = arith.constant 0 : i32
    %c0_i32_0 = arith.constant 0 : i32
    return %arg0, %c0_i32 : i32, i32
  }
}

</mosaic_0001>

<sc_bundles>
// kernel: kernel.4.cloned.1.call-start
scs
__scs_entry_jumppad:
0x0: {  	(pc) =	sbr.rel $0x88, $3  }
0x1: {  	(tag) =	ssettag $0x0;
	lr =	simm.s32 $0x1  }
0x2: {  	[smem:$0x3F9D] =	sst lr;
	_ =	strace $0xD0000000  }
0x3: {  	_ = 	snop  }
0x4: {  	_ = 	snop  }
0x5: {  	_ = 	snop  }
0x6: {  	_ = 	snop  }
0x7: {  	_ = 	snop  }
__scs_overlays_trampoline_lowered:
0x8: {  	[smem:$0x3FAC] =	sst s0  }
0x9: {  	[smem:$0x3FAD] =	sst s1  }
0xa: {  	[smem:$0x3FAE] =	sst s2  }
0xb: {  	[smem:$0x3FAF] =	sst s3  }
0xc: {  	[smem:$0x3FB0] =	sst s4  }
0xd: {  	[smem:$0x3FB1] =	sst s5  }
0xe: {  	[smem:$0x3FB2] =	sst s6  }
0xf: {  	[smem:$0x3FB3] =	sst s7  }
0x10: {  	[smem:$0x3FB4] =	sst s8  }
0x11: {  	[smem:$0x3FB5] =	sst s9;
	s0 =	simm.s32 @!p0 $0x0  }
0x12: {  	s1 =	sld [smem:$0x3F9B];
	s0 =	simm.s32 @p0 $0x1  }
0x13: {  	[smem:$0x3FB6] =	sst s0;
	s0 =	simm.s32 @!p1 $0x0  }
0x14: {  	s2 =	sld [smem:$0x3F9A];
	s0 =	simm.s32 @p1 $0x1  }
0x15: {  	[smem:$0x3FB7] =	sst s0;
	s0 =	simm.s32 @!p2 $0x0  }
0x16: {  	s3 =	sld [smem:$0x3FDB];
	s0 =	simm.s32 @p2 $0x1  }
0x17: {  	s4 =	simm.s32 $0x1BF5;
	[smem:$0x3FB9] =	sst s0  }
0x18: {  	s0 =	sld [smem:$0x3F9C];
	_ =	swait.ge [sflag:s4], $0x0  }
0x19: {  	s7 =	sld [smem:$0x3F9D]  }
0x1a: {  	s8 =	sadd.s32 $0xFFFFE003, lr  }
0x1b: {  	s9 =	sadd.s32 $0xFFFFFEF7, lr;
	s5 =	simm.s32 $0xFFFFFFFF;
	p2 =	slt.u32 s8, $0xFFFFF086  }
0x1c: {  	p1 =	slt.u32 s9, $0xF7A;
	s5 =	simm.s32 @!p2 $0x0  }
0x1d: {  	s5 =	simm.s32 @p1 $0x1;
	p0 =	seq.s32 s7, s2  }
0x1e: {  	s7 =	smul.u32 @!p0 $0xF7A, s2;
	p2 =	seq.s32 @!p0 s5, $0x0  }
0x1f: {  	s9 =	smul.u32 $0xF7A, s1;
	s8 =	simm.s32 @!p0 $0x1BF5;
	p2 =	por !p2, p0  }
0x20: {  	[sflag:s8] =	ssyncset.s32 @!p0 $0xFFFFF086;
	s6 =	sadd.s32 @!p0 s3, s7;
	s7 =	simm.s32 @!p0 $0x108  }
0x21: {  	s3 =	sadd.s32 s3, s9;
	s6 =	sadd.s32 @!p0 $0x88, s6;
	s7 =	simm.s32 @p2 $0x1082  }
0x22: {  	[simem:s7], [sflag:s8] =	dma.local @!p0 [hbm:s6], $0xF7A  }
0x23: {  	s9 =	sor.u32 $0xD0000000, s2;
	s6 =	simm.s32 $0x108;
	_ =	swait.ge @!p0 [sflag:s8], $0x0  }
0x24: {  	s3 =	sadd.s32 $0x88, s3;
	s6 =	simm.s32 @!p1 $0x1082;
	[sflag:s4] =	ssyncset.s32 $0xFFFFF086  }
0x25: {  	[simem:s6], [sflag:s4] =	dma.local [hbm:s3], $0xF7A  }
0x26: {  	[smem:$0x3F9D] =	sst s1;
	(tag) =	ssettag s2;
	_ =	strace s9  }
0x27: {  	s1 =	sld [smem:$0x3FAD]  }
0x28: {  	s2 =	sld [smem:$0x3FAE]  }
0x29: {  	s4 =	sld [smem:$0x3FB0]  }
0x2a: {  	p0 =	seq.s32 s5, $0x0;
	s5 =	sld [smem:$0x3FB1]  }
0x2b: {  	s6 =	sld [smem:$0x3FB2]  }
0x2c: {  	s7 =	sld [smem:$0x3FB3]  }
0x2d: {  	s3 =	simm.s32 $0x108;
	s8 =	sld [smem:$0x3FB4]  }
0x2e: {  	s3 =	simm.s32 @!p0 $0x1082;
	s9 =	sld [smem:$0x3FB5]  }
0x2f: {  	lr =	sadd.s32 s0, s3;
	s0 =	sld [smem:$0x3FAC]  }
0x30: {  	s3 =	sld [smem:$0x3FAF]  }
0x31: {  	[smem:$0x3FB8] =	sst s10  }
0x32: {  	s10 =	sld [smem:$0x3FB6];
	_ =	sdelay $0x3  }
0x33: {  	p0 =	seq.s32 s10, $0x1;
	s10 =	sld [smem:$0x3FB8];
	_ =	sdelay $0x3  }
0x34: {  	[smem:$0x3FB8] =	sst s10  }
0x35: {  	s10 =	sld [smem:$0x3FB7];
	_ =	sdelay $0x3  }
0x36: {  	p1 =	seq.s32 s10, $0x1;
	s10 =	sld [smem:$0x3FB8];
	_ =	sdelay $0x3  }
0x37: {  	[smem:$0x3FB8] =	sst s10  }
0x38: {  	s10 =	sld [smem:$0x3FB9]  }
0x39: {  	_ = 	snop;
	(pc) =	sbr.ind lr, $3  }
0x3a: {  	_ = 	snop  }
0x3b: {  	_ = 	snop  }
0x3c: {  	p2 =	seq.s32 s10, $0x1;
	s10 =	sld [smem:$0x3FB8]  }
0x3d: {  	_ =	shalt  }
0x3e: {  	_ =	shalt  }
0x3f: {  	_ =	shalt  }
0x40: {  	_ =	shalt  }
0x41: {  	_ =	shalt  }
0x42: {  	_ =	shalt  }
0x43: {  	_ =	shalt  }
0x44: {  	_ =	shalt  }
0x45: {  	_ =	shalt  }
0x46: {  	_ =	shalt  }
0x47: {  	_ =	shalt  }
0x48: {  	_ =	shalt  }
0x49: {  	_ =	shalt  }
0x4a: {  	_ =	shalt  }
0x4b: {  	_ =	shalt  }
0x4c: {  	_ =	shalt  }
0x4d: {  	_ =	shalt  }
0x4e: {  	_ =	shalt  }
0x4f: {  	_ =	shalt  }
0x50: {  	_ =	shalt  }
0x51: {  	_ =	shalt  }
0x52: {  	_ =	shalt  }
0x53: {  	_ =	shalt  }
0x54: {  	_ =	shalt  }
0x55: {  	_ =	shalt  }
0x56: {  	_ =	shalt  }
0x57: {  	_ =	shalt  }
0x58: {  	_ =	shalt  }
0x59: {  	_ =	shalt  }
0x5a: {  	_ =	shalt  }
0x5b: {  	_ =	shalt  }
0x5c: {  	_ =	shalt  }
0x5d: {  	_ =	shalt  }
0x5e: {  	_ =	shalt  }
0x5f: {  	_ =	shalt  }
0x60: {  	_ =	shalt  }
0x61: {  	_ =	shalt  }
0x62: {  	_ =	shalt  }
0x63: {  	_ =	shalt  }
0x64: {  	_ =	shalt  }
0x65: {  	_ =	shalt  }
0x66: {  	_ =	shalt  }
0x67: {  	_ =	shalt  }
0x68: {  	_ =	shalt  }
0x69: {  	_ =	shalt  }
0x6a: {  	_ =	shalt  }
0x6b: {  	_ =	shalt  }
0x6c: {  	_ =	shalt  }
0x6d: {  	_ =	shalt  }
0x6e: {  	_ =	shalt  }
0x6f: {  	_ =	shalt  }
0x70: {  	_ =	shalt  }
0x71: {  	_ =	shalt  }
0x72: {  	_ =	shalt  }
0x73: {  	_ =	shalt  }
0x74: {  	_ =	shalt  }
0x75: {  	_ =	shalt  }
0x76: {  	_ =	shalt  }
0x77: {  	_ =	shalt  }
0x78: {  	_ =	shalt  }
0x79: {  	_ =	shalt  }
0x7a: {  	_ =	shalt  }
0x7b: {  	_ =	shalt  }
0x7c: {  	_ =	shalt  }
0x7d: {  	_ =	shalt  }
0x7e: {  	_ =	shalt  }
0x7f: {  	_ =	shalt  }
0x80: {  	_ =	shalt  }
0x81: {  	_ =	shalt  }
0x82: {  	_ =	shalt  }
0x83: {  	_ =	shalt  }
0x84: {  	_ =	shalt  }
0x85: {  	_ =	shalt  }
0x86: {  	_ =	shalt  }
0x87: {  	_ =	shalt  }
.Lfunc_end0:
.L_simem_size_0:
called_computation_lowered:
.L_overlay_start_0:
0x88: {  	s2 =	sld [smem:$0x3FD9]  }
0x89: {  	s3 =	sld [smem:$0x3FFE];
	_ =	sdelay $0x1  }
0x8a: {  	s1 =	srdreg.scid  }
0x8b: {  	s0 =	sand.u32 $0x1, s1  }
0x8c: {  	s17 =	sshll.u32 s0, $0xA;
	s2 =	sadd.s32 s3, s2  }
0x8d: {  	s2 =	sadd.s32 s2, s17  }
0x8e: {  	[smem:$0x3FC4] =	sst s2  }
0x8f: {  	_ = 	snop  }
0x90: {  	s2 =	sld [smem:$0x3FD0];
	(tm) =	ssettm $0x1  }
0x91: {  	s18 =	sld [smem:$0x3FFB];
	_ =	sdelay $0x3  }
0x92: {  	_ =	strace s18  }
0x93: {  	s3 =	sld [smem:$0x3FFC];
	_ =	sdelay $0x3  }
0x94: {  	_ =	strace s3  }
0x95: {  	s3 =	sld [smem:$0x3FFD];
	_ =	sdelay $0x3  }
0x96: {  	_ =	strace s3  }
0x97: {  	_ =	strace $0x8FFFFFFF  }
0x98: {  	s19 =	sld [smem:$0x3FDB];
	_ =	sdelay $0x1  }
0x99: {  	s4 =	simm.s32 $_scs_section_size  }
0x9a: {  	s5 =	simm.s32 $_size__tile_overlayer_lowered;
	s6 =	simm.s32 $_tile_overlayer_lowered  }
0x9b: {  	s22 =	simm.s32 $0x1BFF;
	s21 =	sshll.u32 s6, $0x1;
	s3 =	sadd.s32 s4, s19  }
0x9c: {  	s7 =	simm.s32 $0x0;
	s20 =	sshll.u32 s5, $0x1;
	s5 =	sadd.s32 s21, s3  }
0x9d: {  	[timem:s7], [sflag:s22] =	dma.local [hbm:s5], s20  }
0x9e: {  	_ =	swait.ge [sflag:s22], s20  }
0x9f: {  	s4 =	ssub.s32 $0x0, s20;
	[sflag:s22] =	ssyncset.done $0x0  }
0xa0: {  	[sflag:s22] =	ssyncadd.s32 s4;
	_ =	sdelay $0x1  }
0xa1: {  	s23 =	simm.s32 $0x1B8B  }
0xa2: {  	_ =	swait.ge [sflag:s23], $0x1  }
0xa3: {  	[sflag:s23] =	ssyncset.done $0x0  }
0xa4: {  	s25 =	simm.s32 $0x1B8E;
	s24 =	sld [smem:$0x3FFE];
	[sflag:s23] =	ssyncadd.s32 $0xFFFFFFFF  }
0xa5: {  	s26 =	simm.s32 $execute0_lowered;
	[smem:$0x3FD2] =	sst s25  }
0xa6: {  	s5 =	sshll.u32 s26, $0x1;
	_ =	strace $0x80000046;
	[dreg:$0x1] =	wrdreg $0xFFFFFFFF  }
0xa7: {  	s28 =	simm.s32 $_size_execute0_lowered;
	s3 =	sadd.s32 s3, s5;
	[dreg:$0x0] =	wrdreg $0x0  }
0xa8: {  	s5 =	sshll.u32 s28, $0x1;
	[dreg:$0x2] =	wrdreg s3  }
0xa9: {  	[dreg:$0x3] =	wrdreg s5  }
0xaa: {  	[dreg:$0x4] =	wrdreg $0xC0  }
0xab: {  	_ =	task [dreg:s7], $0x5FFFF  }
0xac: {  	[dreg:$0x1] =	wrdreg $0xFFFFFFFF  }
0xad: {  	[dreg:$0x0] =	wrdreg $0x60  }
0xae: {  	[dreg:$0x2] =	wrdreg s24  }
0xaf: {  	[dreg:$0x3] =	wrdreg s2  }
0xb0: {  	[dreg:$0x4] =	wrdreg $0x9  }
0xb1: {  	_ =	task.clear_ibuf [dreg:s7], $0x5FFFF;
	_ =	strace $0x90000046  }
0xb2: {  	s29 =	simm.s32 $0x9;
	_ =	strace $0x80000048  }
0xb3: {  	_ =	swait.ge [sflag:s29], $0x1  }
0xb4: {  	[sflag:s29] =	ssyncadd.s32 $0xFFFFFFFF  }
0xb5: {  	_ =	strace $0x90000048  }
0xb6: {  	_ =	sfence  }
0xb7: {  	s30 =	sld [smem:$0x0];
	_ =	sdelay $0x2  }
0xb8: {  	s31 =	sshll.u32 s1, $0xD;
	s1 =	sshrl.u32 s1, $0x2  }
0xb9: {  	s3 =	sand.u32 $0x4000, s31;
	s1 =	sadd.s32 s1, s30  }
0xba: {  	s0 =	sor.u32 s3, s0;
	s1 =	sshll.u32 s1, $0x11  }
0xbb: {  	s0 =	sor.u32 s1, s0  }
0xbc: {  	s0 =	sadd.s32 $0x8F2B, s0  }
0xbd: {  	[sflag:s0] =	ssyncadd.remote.s32 $0x1  }
0xbe: {  	_ =	sfence.sel $0xFFFF  }
0xbf: {  	[dreg:$0x0] =	wrdreg $0xFFFFFFFF;
	(pc) =	sbr.abs _section_cstart, $3  }
0xc0: {  	[dreg:$0x1] =	wrdreg $0xFFFFFFFF  }
0xc1: {  	_ =	task.clear_ibuf [dreg:s7], $0x2FFFF;
	_ =	strace $0x9FFFFFFF  }
0xc2: {  	(tm) =	ssettm $0x7FFFFFFF  }
0xc3: {  	_ =	shalt  }
tec
execute0_lowered:
.L_overlay_start_1:
0x0: {  	(tag) =	ssettag $0x1  }
0x1: {  	s0 =	srdreg.scid;
	s1 =	stileid.u32  }
0x2: {  	s0 =	sand.u32 $0x1, s0;
	s1 =	sshll.u32 s1, $0x1  }
0x3: {  	s1 =	sor.u32 s0, s1  }
0x4: {  	s2 =	sand.u32 $0x7, s1  }
0x5: {  	s4 =	simm.s32 $0x1;
	v1 =	vlaneseq.u32;
	p0 =	sne.s32 s2, $0x0  }
0x6: {  	s3 =	rddreg [dreg:$0x0];
	v0 =	vmul.u32 $0xFFFFFFFF, v1;
	s4 =	simm.s32 @!p0 $0x0  }
0x7: {  	s5 =	rddreg [dreg:$0x1];
	s0 =	ssub.s32 $0x2, s0;
	v2 =	vmov s4  }
0x8: {  	s8 =	sadd.s32 $0xF42E00, s3;
	s29 =	sshll.u32 s1, $0x9;
	s6 =	sshrl.u32 s0, $0x1;
	vm0 =	veq.s32 v2, v0;
	v0 =	vimm.s32 $0x0  }
0x9: {  	v3 =	vimm.s32 $0xECA86420;
	s2 =	simm.s32 $0x0;
	s7 =	sadd.s32 $0xFFFFFFF0, s29;
	s0 =	ssub.s32 s0, s6;
	v0 =	vsel vm0, $0xFFFFFFFF, v0  }
0xa: {  	[smem:$0x7FF] =	sst s2;
	s30 =	sshrl.u32 s7, $0x3;
	s4 =	sadd.s32 $0xA00, s3;
	[tilespmem:$0x1FFE0] =	vst v0;
	v0 =	vunpack.c.l.s4.s8 v3  }
0xb: {  	s3 =	sadd.s32 s8, s30;
	_ =	strace $0x80000047;
	[dreg:$0x3] =	wrdreg s8  }
0xc: {  	s31 =	sshll.u32 s1, $0xD;
	s0 =	smax.u32 s0, $0x1;
	vm0 =	vmmov $0xff;
	[dreg:$0x4] =	wrdreg s3;
	v58 =	vunpack.c.0.s8.s32 v0;
	v0 =	vimm.s32 $0x0  }
0xd: {  	vm1 =	vcmask $0xB08;
	s3 =	sadd.s32 s5, s31;
	[dreg:$0x6] =	wrdreg s0;
	v0 =	vsel vm0, $0xFFFFFFFF, v0  }
0xe: {  	vm2 =	vcmask $0x1310;
	vm3 =	vcmask $0x1B18;
	v1 =	vmul.u32 $0x2, v1;
	p0 =	sne.s32 s1, $0x0;
	[dreg:$0x5] =	wrdreg s3;
	s3 =	simm.s32 $0x0;
	[tilespmem:$0x1FFF0] =	vst v0  }
.LBB2_1:
0xf: {  	s0 =	simm.s32 @p0 $0x0;
	s1 =	rddreg [dreg:$0x4]  }
0x10: {  	[tilespmem:s0], [sflag:$0x2] =	stream.linear.gather @p0 [hbm4b:s1+s0], $0x210, $0x38;
	[tilespmem:$0x10480] =	vst v63  }
0x11: {  	[dreg:$0x7] =	wrdreg s3;
	s0 =	simm.s32 @p0 $0x2  }
0x12: {  	_ =	swait.ge @p0 [sflag:s0], $0x210  }
0x13: {  	s1 =	simm.s32 @!p0 $0x10;
	[sflag:s0] =	ssyncset.done @p0 $0x0  }
0x14: {  	[sflag:s0] =	ssyncadd.s32 @p0 $0xFFFFFDF0;
	s0 =	simm.s32 @!p0 $0x0;
	s3 =	rddreg [dreg:$0x3]  }
0x15: {  	[tilespmem:s1], [sflag:$0x2] =	stream.linear.gather @!p0 [hbm4b:s3+s0], $0x200, $0x38;
	[tilespmem:$0x10480] =	vst v63  }
0x16: {  	s0 =	simm.s32 @!p0 $0x2  }
0x17: {  	_ =	swait.ge @!p0 [sflag:s0], $0x200  }
0x18: {  	[sflag:s0] =	ssyncset.done @!p0 $0x0  }
0x19: {  	[sflag:s0] =	ssyncadd.s32 @!p0 $0xFFFFFE00  }
0x1a: {  	v2 =	vld [tilespmem:$0x10]  }
0x1b: {  	v3 =	vld [tilespmem:$0xF];
	_ =	sdelay $0x4  }
0x1c: {  	v2 =	vmul.u32 $0x8DD9, v2;
	v3 =	vmul.u32 $0x6A37, v3;
	_ =	sdelay $0x1  }
0x1d: {  	v3 =	vxor.u32 v2, v3  }
0x1e: {  	(v2sf) =	vpush v3, $0xD;
	_ =	sdelay $0x1  }
0x1f: {  	(v2sf) =	vpush v3, $0xC;
	_ =	sdelay $0x1  }
0x20: {  	(v2sf) =	vpush v3, $0xE;
	_ =	sdelay $0x1  }
0x21: {  	(v2sf) =	vpush v3, $0xF;
	_ =	sdelay $0x1  }
0x22: {  	(v2sf) =	vpush v3, $0x9;
	_ =	sdelay $0x1  }
0x23: {  	(v2sf) =	vpush v3, $0x8;
	_ =	sdelay $0x1  }
0x24: {  	(v2sf) =	vpush v3, $0xA;
	_ =	sdelay $0x1  }
0x25: {  	(v2sf) =	vpush v3, $0xB  }
0x26: {  	s5 =	spop (v2sf)  }
0x27: {  	(v2sf) =	vpush v3, $0x0;
	s13 =	smulhi.u32 $0x431BE2E9, s5;
	s0 =	sshra.s32 s5, $0x1F  }
0x28: {  	s6 =	spop (v2sf);
	s18 =	smul.u32 $0x431BE2E9, s0  }
0x29: {  	(v2sf) =	vpush v3, $0x1;
	s14 =	smulhi.u32 $0x431BE2E9, s6;
	s0 =	sshra.s32 s6, $0x1F  }
0x2a: {  	s7 =	spop (v2sf);
	(v2sf) =	vpush v3, $0x2;
	s6 =	smul.u32 $0x431BE2E9, s0  }
0x2b: {  	s15 =	smulhi.u32 $0x431BE2E9, s7;
	s0 =	sshra.s32 s7, $0x1F  }
0x2c: {  	s8 =	spop (v2sf);
	(v2sf) =	vpush v3, $0x3;
	s11 =	smul.u32 $0x431BE2E9, s0  }
0x2d: {  	s16 =	smulhi.u32 $0x431BE2E9, s8;
	s0 =	sshra.s32 s8, $0x1F  }
0x2e: {  	s9 =	spop (v2sf);
	s7 =	smul.u32 $0x431BE2E9, s0  }
0x2f: {  	v4 =	vld [tilespmem:$0x1F];
	(v2sf) =	vpush v3, $0x4;
	s17 =	smulhi.u32 $0x431BE2E9, s9;
	s0 =	sshra.s32 s9, $0x1F  }
0x30: {  	v2 =	vld [tilespmem:$0x20];
	s10 =	spop (v2sf);
	(v2sf) =	vpush v3, $0x5;
	s5 =	smul.u32 $0x431BE2E9, s0  }
0x31: {  	s19 =	smulhi.u32 $0x431BE2E9, s10;
	s0 =	sshra.s32 s10, $0x1F  }
0x32: {  	s12 =	spop (v2sf);
	s9 =	smul.u32 $0x431BE2E9, s0  }
0x33: {  	(v2sf) =	vpush v3, $0x6;
	s20 =	smulhi.u32 $0x431BE2E9, s12;
	s0 =	sshra.s32 s12, $0x1F  }
0x34: {  	s21 =	spop (v2sf);
	(v2sf) =	vpush v3, $0x7;
	s12 =	smul.u32 $0x431BE2E9, s0  }
0x35: {  	v4 =	vmul.u32 $0x6A37, v4;
	v2 =	vmul.u32 $0x8DD9, v2;
	s22 =	smulhi.u32 $0x431BE2E9, s21;
	s0 =	sshra.s32 s21, $0x1F  }
0x36: {  	s8 =	smul.u32 $0x431BE2E9, s0;
	s23 =	spop (v2sf)  }
0x37: {  	v4 =	vxor.u32 v2, v4;
	s24 =	smulhi.u32 $0x431BE2E9, s23;
	s0 =	sshra.s32 s23, $0x1F  }
0x38: {  	(v2sf) =	vpush v4, $0xD;
	s25 =	spop (v2sf);
	s0 =	smul.u32 $0x431BE2E9, s0  }
0x39: {  	s26 =	smulhi.u32 $0x431BE2E9, s25;
	s1 =	sshra.s32 s25, $0x1F;
	s29 =	spop (v2sf)  }
0x3a: {  	(v2sf) =	vpush v4, $0xC;
	[smem:$0x492] =	sst s24;
	s28 =	smul.u32 $0x431BE2E9, s1  }
0x3b: {  	s30 =	smulhi.u32 $0x431BE2E9, s29;
	s3 =	sshra.s32 s29, $0x1F;
	s10 =	spop (v2sf)  }
0x3c: {  	(v2sf) =	vpush v4, $0xE;
	[smem:$0x493] =	sst s0;
	s31 =	smul.u32 $0x431BE2E9, s3  }
0x3d: {  	[smem:$0x494] =	sst s26;
	s1 =	smulhi.u32 $0x431BE2E9, s10  }
0x3e: {  	(v2sf) =	vpush v4, $0xF;
	s3 =	spop (v2sf);
	[smem:$0x495] =	sst s28  }
0x3f: {  	s10 =	sshra.s32 s10, $0x1F;
	s21 =	smulhi.u32 $0x431BE2E9, s3;
	s23 =	spop (v2sf)  }
0x40: {  	(v2sf) =	vpush v4, $0x9;
	[smem:$0x497] =	sst s31;
	s31 =	smul.u32 $0x431BE2E9, s10  }
0x41: {  	[smem:$0x496] =	sst s30;
	s10 =	sshra.s32 s3, $0x1F;
	s24 =	smulhi.u32 $0x431BE2E9, s23  }
0x42: {  	s25 =	spop (v2sf);
	s28 =	smul.u32 $0x431BE2E9, s10  }
0x43: {  	(v2sf) =	vpush v4, $0x8;
	s10 =	sshra.s32 s23, $0x1F;
	s26 =	smulhi.u32 $0x431BE2E9, s25;
	s29 =	spop (v2sf)  }
0x44: {  	[smem:$0x49A] =	sst s24;
	s24 =	smul.u32 $0x431BE2E9, s10  }
0x45: {  	[smem:$0x498] =	sst s1;
	(v2sf) =	vpush v4, $0xA;
	s10 =	sshra.s32 s25, $0x1F;
	s30 =	smulhi.u32 $0x431BE2E9, s29  }
0x46: {  	[smem:$0x499] =	sst s21;
	s21 =	smul.u32 $0x431BE2E9, s10;
	s10 =	sshra.s32 s29, $0x1F  }
0x47: {  	s29 =	smul.u32 $0x431BE2E9, s10;
	s1 =	spop (v2sf)  }
0x48: {  	[smem:$0x49B] =	sst s26;
	s3 =	smulhi.u32 $0x431BE2E9, s1;
	s10 =	sshra.s32 s1, $0x1F  }
0x49: {  	s25 =	spop (v2sf);
	s23 =	smul.u32 $0x431BE2E9, s10  }
0x4a: {  	[smem:$0x49C] =	sst s30;
	s26 =	smulhi.u32 $0x431BE2E9, s25;
	s10 =	sshra.s32 s25, $0x1F  }
0x4b: {  	s1 =	spop (v2sf);
	s30 =	smul.u32 $0x431BE2E9, s10  }
0x4c: {  	[smem:$0x49D] =	sst s3;
	s3 =	smulhi.u32 $0x431BE2E9, s1  }
0x4d: {  	s10 =	sshra.s32 s1, $0x1F;
	s25 =	spop (v2sf);
	[smem:$0x49E] =	sst s23  }
0x4e: {  	[smem:$0x49F] =	sst s26;
	s23 =	smul.u32 $0x431BE2E9, s10  }
0x4f: {  	s26 =	smulhi.u32 $0x431BE2E9, s25;
	s10 =	sshra.s32 s25, $0x1F;
	s1 =	spop (v2sf)  }
0x50: {  	[smem:$0x4A0] =	sst s30;
	s30 =	smul.u32 $0x431BE2E9, s10  }
0x51: {  	[smem:$0x4A1] =	sst s3;
	s3 =	smulhi.u32 $0x431BE2E9, s1  }
0x52: {  	s10 =	sshra.s32 s1, $0x1F;
	s25 =	spop (v2sf);
	[smem:$0x4A2] =	sst s23  }
0x53: {  	[smem:$0x4A3] =	sst s26;
	s23 =	smul.u32 $0x431BE2E9, s10  }
0x54: {  	s10 =	sshra.s32 s25, $0x1F;
	s1 =	spop (v2sf);
	[smem:$0x4A4] =	sst s30  }
0x55: {  	[smem:$0x4A5] =	sst s3;
	s30 =	smul.u32 $0x431BE2E9, s10  }
0x56: {  	s3 =	sadd.s32 s18, s13;
	s13 =	smulhi.u32 $0x431BE2E9, s1;
	s10 =	sshra.s32 s1, $0x1F  }
0x57: {  	s1 =	sadd.s32 s7, s16;
	s7 =	sadd.s32 s5, s17;
	s17 =	sld [smem:$0x492]  }
0x58: {  	(v2sf) =	vpush v4, $0xB;
	s18 =	sadd.s32 s6, s14;
	s14 =	sadd.s32 s12, s20;
	s20 =	sld [smem:$0x495]  }
0x59: {  	s26 =	smulhi.u32 $0x431BE2E9, s25;
	s5 =	sld [smem:$0x496]  }
0x5a: {  	[smem:$0x4A6] =	sst s23  }
0x5b: {  	[smem:$0x4A7] =	sst s26  }
0x5c: {  	[smem:$0x4AE] =	sst s3  }
0x5d: {  	[smem:$0x4AF] =	sst s18  }
0x5e: {  	[smem:$0x4B1] =	sst s1  }
0x5f: {  	(v2sf) =	vpush v4, $0x0;
	[smem:$0x4B2] =	sst s7  }
0x60: {  	(v2sf) =	vpush v4, $0x1;
	[smem:$0x4B4] =	sst s14  }
0x61: {  	s18 =	sld [smem:$0x493]  }
0x62: {  	(v2sf) =	vpush v4, $0x2;
	s26 =	sadd.s32 s11, s15;
	s11 =	sadd.s32 s9, s19;
	s19 =	sld [smem:$0x494]  }
0x63: {  	s7 =	sld [smem:$0x498]  }
0x64: {  	(v2sf) =	vpush v4, $0x3;
	s9 =	sld [smem:$0x499]  }
0x65: {  	[smem:$0x4A8] =	sst s30  }
0x66: {  	(v2sf) =	vpush v4, $0x4;
	[smem:$0x4A9] =	sst s13  }
0x67: {  	s25 =	spop (v2sf);
	[smem:$0x4B0] =	sst s26  }
0x68: {  	s23 =	smul.u32 $0x431BE2E9, s10;
	s15 =	sadd.s32 s8, s22;
	[smem:$0x4B3] =	sst s11  }
0x69: {  	(v2sf) =	vpush v4, $0x5;
	s6 =	sshra.s32 s25, $0x1F;
	s30 =	smulhi.u32 $0x431BE2E9, s25;
	[smem:$0x4B5] =	sst s15  }
0x6a: {  	s3 =	smul.u32 $0x431BE2E9, s6;
	[smem:$0x4AA] =	sst s23  }
0x6b: {  	(v2sf) =	vpush v4, $0x6;
	[smem:$0x4AB] =	sst s30  }
0x6c: {  	[smem:$0x4AC] =	sst s3  }
0x6d: {  	s31 =	sadd.s32 s31, s7;
	s7 =	sld [smem:$0x49E]  }
0x6e: {  	v5 =	vld [tilespmem:$0x2F];
	(v2sf) =	vpush v4, $0x7;
	s28 =	sadd.s32 s28, s9;
	s9 =	sld [smem:$0x4A0];
	s6 =	spop (v2sf)  }
0x6f: {  	v2 =	vld [tilespmem:$0x30];
	s10 =	smulhi.u32 $0x431BE2E9, s6;
	s0 =	sshra.s32 s6, $0x1F;
	s13 =	spop (v2sf)  }
0x70: {  	s6 =	sld [smem:$0x497];
	s25 =	smul.u32 $0x431BE2E9, s0  }
0x71: {  	s26 =	smulhi.u32 $0x431BE2E9, s13;
	s0 =	sshra.s32 s13, $0x1F;
	s16 =	spop (v2sf)  }
0x72: {  	s12 =	sadd.s32 s18, s17;
	[smem:$0x4AD] =	sst s10;
	s23 =	smul.u32 $0x431BE2E9, s0  }
0x73: {  	s22 =	smulhi.u32 $0x431BE2E9, s16;
	s0 =	sshra.s32 s16, $0x1F;
	s30 =	spop (v2sf)  }
0x74: {  	v5 =	vmul.u32 $0x6A37, v5;
	v2 =	vmul.u32 $0x8DD9, v2;
	s15 =	sadd.s32 s20, s19;
	s10 =	sld [smem:$0x49A];
	s19 =	smul.u32 $0x431BE2E9, s0  }
0x75: {  	s20 =	smulhi.u32 $0x431BE2E9, s30;
	s0 =	sshra.s32 s30, $0x1F;
	s8 =	spop (v2sf)  }
0x76: {  	v5 =	vxor.u32 v2, v5;
	s18 =	sadd.s32 s6, s5;
	s30 =	sld [smem:$0x49B];
	s17 =	smul.u32 $0x431BE2E9, s0  }
0x77: {  	(v2sf) =	vpush v5, $0xD;
	s6 =	sld [smem:$0x49D];
	s16 =	smulhi.u32 $0x431BE2E9, s8;
	s0 =	sshra.s32 s8, $0x1F  }
0x78: {  	s11 =	spop (v2sf);
	s14 =	smul.u32 $0x431BE2E9, s0  }
0x79: {  	s8 =	sld [smem:$0x49F];
	s13 =	smulhi.u32 $0x431BE2E9, s11;
	s0 =	sshra.s32 s11, $0x1F  }
0x7a: {  	s24 =	sadd.s32 s24, s10;
	s5 =	spop (v2sf);
	s11 =	smul.u32 $0x431BE2E9, s0  }
0x7b: {  	s10 =	smulhi.u32 $0x431BE2E9, s5;
	s0 =	sshra.s32 s5, $0x1F;
	s5 =	sld [smem:$0x4A1]  }
0x7c: {  	s1 =	sadd.s32 s7, s6;
	s6 =	sld [smem:$0x4A2]  }
0x7d: {  	s21 =	sadd.s32 s21, s30;
	s30 =	spop (v2sf);
	s7 =	sld [smem:$0x4A3]  }
0x7e: {  	[smem:$0x4B6] =	sst s1;
	s1 =	sadd.s32 s9, s8;
	s9 =	smul.u32 $0x431BE2E9, s0  }
0x7f: {  	s8 =	smulhi.u32 $0x431BE2E9, s30;
	s0 =	sshra.s32 s30, $0x1F;
	s30 =	sld [smem:$0x4A4]  }
0x80: {  	[smem:$0x4B7] =	sst s1  }
0x81: {  	s1 =	sadd.s32 s6, s5;
	s6 =	sld [smem:$0x4A5]  }
0x82: {  	[smem:$0x4B8] =	sst s1  }
0x83: {  	(v2sf) =	vpush v5, $0xC;
	s1 =	sadd.s32 s30, s7;
	s30 =	sld [smem:$0x4A6]  }
0x84: {  	s3 =	sld [smem:$0x49C]  }
0x85: {  	(v2sf) =	vpush v5, $0xE;
	s7 =	smul.u32 $0x431BE2E9, s0;
	[smem:$0x4B9] =	sst s1  }
0x86: {  	(v2sf) =	vpush v5, $0xF;
	s1 =	sadd.s32 s30, s6;
	s30 =	sld [smem:$0x4A8];
	s5 =	spop (v2sf)  }
0x87: {  	s6 =	smulhi.u32 $0x431BE2E9, s5;
	s0 =	sshra.s32 s5, $0x1F;
	s5 =	sld [smem:$0x4A7]  }
0x88: {  	s29 =	sadd.s32 s29, s3;
	s3 =	sld [smem:$0x4A9]  }
0x89: {  	(v2sf) =	vpush v5, $0x9;
	[smem:$0x4BA] =	sst s1  }
0x8a: {  	s1 =	sadd.s32 s30, s5;
	s30 =	sld [smem:$0x4AA];
	_ =	sdelay $0x1  }
0x8b: {  	(v2sf) =	vpush v5, $0x8;
	[smem:$0x4BB] =	sst s1  }
0x8c: {  	s1 =	sadd.s32 s30, s3;
	s30 =	sld [smem:$0x4AC]  }
0x8d: {  	(v2sf) =	vpush v5, $0xA;
	[smem:$0x4BC] =	sst s1  }
0x8e: {  	s1 =	sld [smem:$0x4AB]  }
0x8f: {  	s26 =	sadd.s32 s23, s26  }
0x90: {  	s22 =	sadd.s32 s19, s22;
	s17 =	sadd.s32 s17, s20;
	s5 =	smul.u32 $0x431BE2E9, s0  }
0x91: {  	s0 =	spop (v2sf);
	s1 =	sadd.s32 s30, s1;
	s30 =	sld [smem:$0x4AD]  }
0x92: {  	s3 =	smulhi.u32 $0x431BE2E9, s0;
	s0 =	sshra.s32 s0, $0x1F;
	[smem:$0x4BD] =	sst s1  }
0x93: {  	s14 =	sadd.s32 s14, s16;
	s1 =	smul.u32 $0x431BE2E9, s0;
	s0 =	spop (v2sf)  }
0x94: {  	s23 =	spop (v2sf);
	s25 =	sadd.s32 s25, s30;
	s30 =	smulhi.u32 $0x431BE2E9, s0  }
0x95: {  	s5 =	sadd.s32 s5, s6;
	s0 =	sshra.s32 s0, $0x1F;
	s19 =	smulhi.u32 $0x431BE2E9, s23  }
0x96: {  	[smem:$0x4BE] =	sst s5;
	s23 =	sshra.s32 s23, $0x1F;
	s0 =	smul.u32 $0x431BE2E9, s0  }
0x97: {  	s11 =	sadd.s32 s11, s13;
	s20 =	smul.u32 $0x431BE2E9, s23;
	s23 =	spop (v2sf)  }
0x98: {  	s1 =	sadd.s32 s1, s3;
	s16 =	smulhi.u32 $0x431BE2E9, s23;
	s23 =	sshra.s32 s23, $0x1F  }
0x99: {  	s10 =	sadd.s32 s9, s10;
	[smem:$0x4BF] =	sst s1;
	s13 =	smul.u32 $0x431BE2E9, s23  }
0x9a: {  	s23 =	spop (v2sf);
	s20 =	sadd.s32 s20, s19;
	s19 =	sld [smem:$0x4B1]  }
0x9b: {  	s9 =	smulhi.u32 $0x431BE2E9, s23;
	s23 =	sshra.s32 s23, $0x1F;
	[smem:$0x4C0] =	sst s20  }
0x9c: {  	s7 =	sadd.s32 s7, s8;
	s8 =	smul.u32 $0x431BE2E9, s23;
	s23 =	spop (v2sf)  }
0x9d: {  	s20 =	sld [smem:$0x4B2];
	s5 =	smulhi.u32 $0x431BE2E9, s23  }
0x9e: {  	s23 =	sshra.s32 s23, $0x1F;
	s3 =	sadd.s32 s8, s9;
	s8 =	sld [smem:$0x4AF]  }
0x9f: {  	s6 =	smul.u32 $0x431BE2E9, s23;
	s23 =	sadd.s32 s13, s16;
	s13 =	sld [smem:$0x4B0]  }
0xa0: {  	[smem:$0x4C1] =	sst s23  }
0xa1: {  	s30 =	sadd.s32 s0, s30;
	[smem:$0x4C2] =	sst s3  }
0xa2: {  	s23 =	sshrl.u32 s12, $0x1F;
	s0 =	sadd.s32 s6, s5;
	s5 =	sld [smem:$0x4AE]  }
0xa3: {  	s1 =	sshra.s32 s19, $0x12;
	v6 =	vmov s23;
	s23 =	sld [smem:$0x4B4]  }
0xa4: {  	[smem:$0x4C3] =	sst s0;
	s9 =	sshrl.u32 s8, $0x1F;
	s16 =	sshrl.u32 s13, $0x1F  }
0xa5: {  	s0 =	sshrl.u32 s20, $0x1F;
	v2 =	vmov s9;
	s9 =	sshrl.u32 s19, $0x1F;
	s19 =	sld [smem:$0x4B3]  }
0xa6: {  	s6 =	sshrl.u32 s5, $0x1F;
	s3 =	sshra.s32 s5, $0x12;
	s5 =	sshra.s32 s8, $0x12  }
0xa7: {  	vm5 =	vcmask $0x300;
	vm12 =	vcmask $0x704;
	s8 =	sshra.s32 s13, $0x12;
	s13 =	sshra.s32 s20, $0x12;
	s20 =	sshra.s32 s29, $0x1F  }
0xa8: {  	vm6 =	vcmask $0x2320;
	v2 =	vsel vm1, s6, v2;
	v7 =	vmov s20;
	s20 =	sshra.s32 s12, $0x12;
	s12 =	sshra.s32 s12, $0x1F  }
0xa9: {  	vm13 =	vcmask $0xF0C;
	v9 =	vmov s5;
	s5 =	sld [smem:$0x4B7];
	v2 =	vsel vm2, s16, v2;
	s6 =	sshrl.u32 s19, $0x1F;
	s16 =	sshra.s32 s19, $0x12  }
0xaa: {  	v6 =	vnsel vm5, $0x0, v6;
	s19 =	sshrl.u32 s15, $0x1F;
	v7 =	vsel vm5, s20, v7;
	s20 =	sld [smem:$0x4B5];
	v2 =	vsel vm3, s9, v2;
	s9 =	sshrl.u32 s23, $0x1F  }
0xab: {  	v8 =	vmov s6;
	v6 =	vsel vm1, s19, v6;
	s6 =	sshra.s32 s23, $0x12;
	s23 =	sshrl.u32 s18, $0x1F;
	s19 =	sshrl.u32 s31, $0x1F;
	v10 =	vmov s16  }
0xac: {  	v7 =	vsel vm12, s12, v7;
	s16 =	sshra.s32 s21, $0x1F;
	v6 =	vsel vm2, s23, v6;
	s23 =	sshra.s32 s15, $0x12;
	v10 =	vsel vm1, s13, v10;
	s13 =	sshrl.u32 s5, $0x1F  }
0xad: {  	vm7 =	vcmask $0x2B28;
	v8 =	vsel vm1, s0, v8;
	s0 =	sshrl.u32 s20, $0x1F;
	v7 =	vsel vm1, s23, v7;
	s12 =	sshra.s32 s20, $0x12;
	s23 =	sshra.s32 s15, $0x1F  }
0xae: {  	vm8 =	vcmask $0x3330;
	v8 =	vsel vm2, s9, v8;
	v6 =	vsel vm3, s19, v6;
	s19 =	sshrl.u32 s28, $0x1F;
	s20 =	sshra.s32 s18, $0x12;
	s9 =	sshra.s32 s28, $0x12  }
0xaf: {  	vm4 =	vcmask $0x1714;
	s15 =	sshra.s32 s24, $0x1F;
	v10 =	vsel vm2, s6, v10;
	s6 =	sld [smem:$0x4BC];
	v7 =	vsel vm13, s23, v7;
	s23 =	sshra.s32 s18, $0x1F  }
0xb0: {  	vm11 =	vcmask $0x3B38;
	v8 =	vsel vm3, s0, v8;
	v6 =	vsel vm6, s19, v6;
	s18 =	sshrl.u32 s24, $0x1F;
	s19 =	sshra.s32 s31, $0x12;
	s0 =	sshra.s32 s24, $0x12  }
0xb1: {  	vm15 =	vcmask $0x1F1C;
	s24 =	sld [smem:$0x4B8];
	v6 =	vsel vm7, s18, v6;
	v7 =	vsel vm2, s20, v7;
	s20 =	sshra.s32 s31, $0x1F;
	s31 =	sshrl.u32 s21, $0x1F  }
0xb2: {  	v9 =	vsel vm1, s3, v9;
	v6 =	vsel vm8, s31, v6;
	v7 =	vsel vm4, s23, v7;
	s23 =	sshra.s32 s28, $0x1F;
	s28 =	sshrl.u32 s29, $0x1F;
	s31 =	sld [smem:$0x4B6]  }
0xb3: {  	(v2sf) =	vpush v5, $0xB;
	v9 =	vsel vm2, s8, v9;
	s5 =	sshra.s32 s5, $0x12;
	s18 =	sshra.s32 s21, $0x12;
	v6 =	vsel vm11, s28, v6;
	s28 =	sld [smem:$0x4B9]  }
0xb4: {  	(v2sf) =	vpush v5, $0x0;
	v9 =	vsel vm3, s1, v9;
	s1 =	sshra.s32 s6, $0x12;
	v7 =	vsel vm3, s19, v7;
	s19 =	sshra.s32 s29, $0x12;
	s29 =	sld [smem:$0x4BA]  }
0xb5: {  	vm14 =	vcmask $0x2724;
	(v2sf) =	vpush v5, $0x1;
	s21 =	sshrl.u32 s24, $0x1F;
	v7 =	vsel vm15, s20, v7;
	s20 =	sshrl.u32 s31, $0x1F;
	s8 =	sshra.s32 s31, $0x12  }
0xb6: {  	vm9 =	vcmask $0x2F2C;
	(v2sf) =	vpush v5, $0x2;
	v7 =	vsel vm6, s9, v7;
	s9 =	sshra.s32 s24, $0x12;
	s31 =	sld [smem:$0x4BB];
	s24 =	sshrl.u32 s6, $0x1F  }
0xb7: {  	v11 =	vmov s13;
	v10 =	vsel vm3, s12, v10;
	v7 =	vsel vm14, s23, v7;
	s23 =	sshrl.u32 s28, $0x1F;
	s12 =	sshra.s32 s28, $0x12;
	s3 =	sshra.s32 s29, $0x12  }
0xb8: {  	(v2sf) =	vpush v5, $0x3;
	v11 =	vsel vm1, s20, v11;
	s28 =	sld [smem:$0x4BD];
	s20 =	sshra.s32 s25, $0x12;
	v7 =	vsel vm7, s0, v7;
	s0 =	sshrl.u32 s29, $0x1F  }
0xb9: {  	vm0 =	vcmask $0x3734;
	(v2sf) =	vpush v5, $0x4;
	v11 =	vsel vm2, s21, v11;
	s29 =	sshrl.u32 s25, $0x1F;
	s21 =	sshra.s32 s25, $0x1F;
	s25 =	sshra.s32 s26, $0x1F  }
0xba: {  	vm10 =	vmmov vm9;
	(v2sf) =	vpush v5, $0x5;
	v7 =	vsel vm9, s15, v7;
	s15 =	sshrl.u32 s31, $0x1F;
	s13 =	sshra.s32 s31, $0x12;
	s31 =	sshrl.u32 s26, $0x1F  }
0xbb: {  	(v2sf) =	vpush v5, $0x6;
	v11 =	vsel vm3, s23, v11;
	s23 =	sshra.s32 s26, $0x12;
	v13 =	vmov s29;
	s26 =	sshra.s32 s22, $0x12;
	s29 =	sshrl.u32 s17, $0x1F  }
0xbc: {  	v7 =	vsel vm8, s18, v7;
	s18 =	sshrl.u32 s28, $0x1F;
	s6 =	sshra.s32 s28, $0x12;
	v12 =	vmov s15;
	s28 =	sshra.s32 s7, $0x1F;
	v13 =	vnsel vm5, $0x0, v13  }
0xbd: {  	v20 =	vld [tilespmem:$0x40];
	s15 =	sshrl.u32 s22, $0x1F;
	v7 =	vsel vm0, s16, v7;
	v14 =	vmov s28;
	s16 =	sshra.s32 s22, $0x1F;
	s28 =	sshra.s32 s17, $0x12;
	v13 =	vsel vm1, s31, v13  }
0xbe: {  	(v2sf) =	vpush v5, $0x7;
	v12 =	vsel vm1, s0, v12;
	s0 =	sshra.s32 s17, $0x1F;
	s31 =	sshrl.u32 s14, $0x1F;
	s22 =	sshra.s32 s10, $0x12;
	v13 =	vsel vm2, s15, v13  }
0xbf: {  	v7 =	vsel vm11, s19, v7;
	v14 =	vsel vm5, s20, v14;
	s19 =	sshra.s32 s14, $0x12;
	s14 =	sshra.s32 s14, $0x1F;
	s20 =	sshra.s32 s11, $0x12;
	v13 =	vsel vm3, s29, v13  }
0xc0: {  	v12 =	vsel vm2, s24, v12;
	s24 =	sshrl.u32 s10, $0x1F;
	v14 =	vsel vm12, s21, v14;
	s21 =	sshrl.u32 s11, $0x1F;
	s29 =	sld [smem:$0x4BF];
	v13 =	vsel vm6, s31, v13  }
0xc1: {  	v12 =	vsel vm3, s18, v12;
	s18 =	sshra.s32 s11, $0x1F;
	s11 =	sshra.s32 s10, $0x1F;
	v14 =	vsel vm1, s23, v14;
	v13 =	vsel vm7, s21, v13;
	s21 =	sld [smem:$0x4C0]  }
0xc2: {  	v26 =	vmul.u32 $0x8DD9, v20;
	v15 =	vmov s5;
	s10 =	sshrl.u32 s30, $0x1F;
	s31 =	sshrl.u32 s7, $0x1F;
	v14 =	vsel vm13, s25, v14;
	s25 =	sld [smem:$0x4C1]  }
0xc3: {  	v15 =	vsel vm1, s8, v15;
	v14 =	vsel vm2, s26, v14;
	s26 =	sld [smem:$0x4BE];
	s23 =	sshrl.u32 s29, $0x1F;
	v13 =	vsel vm8, s24, v13;
	s24 =	spop (v2sf)  }
0xc4: {  	v15 =	vsel vm2, s9, v15;
	v14 =	vsel vm4, s16, v14;
	v13 =	vsel vm11, s31, v13;
	s31 =	smulhi.u32 $0x431BE2E9, s24;
	s9 =	sshra.s32 s24, $0x1F;
	s24 =	sld [smem:$0x4C3]  }
0xc5: {  	v2 =	vcombine.low v8, v2;
	v16 =	vmov s13;
	s17 =	spop (v2sf);
	s8 =	sshrl.u32 s25, $0x1F;
	v14 =	vsel vm3, s28, v14;
	s9 =	smul.u32 $0x431BE2E9, s9  }
0xc6: {  	v22 =	vld [tilespmem:$0x3F];
	v9 =	vcombine.low v10, v9;
	v16 =	vsel vm1, s3, v16;
	s28 =	sld [smem:$0x4C2];
	s3 =	smulhi.u32 $0x431BE2E9, s17;
	s13 =	sshra.s32 s17, $0x1F;
	v63 =	vsel vm15, s0, v14  }
0xc7: {  	v2 =	vperm.xlane v2, v58;
	v15 =	vsel vm3, s12, v15;
	s15 =	sshrl.u32 s26, $0x1F;
	s12 =	smul.u32 $0x431BE2E9, s13;
	v8 =	vsel vm6, s19, v63;
	s19 =	spop (v2sf)  }
0xc8: {  	v0 =	vld [tilespmem:$0x1FFF0];
	v9 =	vperm.xlane v9, v58;
	v17 =	vsel vm2, s1, v16;
	s0 =	sshrl.u32 s24, $0x1F;
	s9 =	sadd.s32 s9, s31;
	v8 =	vsel vm14, s14, v8;
	s13 =	spop (v2sf)  }
0xc9: {  	v10 =	vsel vm3, s6, v17;
	v21 =	vcombine.low v12, v11;
	s16 =	sshrl.u32 s28, $0x1F;
	s31 =	smulhi.u32 $0x431BE2E9, s19;
	v8 =	vsel vm7, s20, v8;
	s17 =	spop (v2sf)  }
0xca: {  	v6 =	vperm.xlane v6, v1;
	v10 =	vcombine.low v10, v15;
	s20 =	sshra.s32 s19, $0x1F;
	s19 =	smulhi.u32 $0x431BE2E9, s13;
	v8 =	vsel vm9, s18, v8;
	s18 =	spop (v2sf)  }
0xcb: {  	v7 =	vperm.xlane v7, v1;
	v11 =	vmul.u32 $0x6A37, v22;
	v24 =	vperm.xlane v21, v58;
	s13 =	sshra.s32 s13, $0x1F;
	s14 =	smul.u32 $0x431BE2E9, s20;
	s20 =	spop (v2sf)  }
0xcc: {  	v10 =	vperm.xlane v10, v58;
	v19 =	vmov s23;
	v25 =	vperm.xlane v13, v1;
	s3 =	sadd.s32 s12, s3;
	s12 =	smul.u32 $0x431BE2E9, s13;
	s13 =	spop (v2sf)  }
0xcd: {  	s6 =	sshrl.u32 s9, $0x1F;
	v23 =	vmov s16;
	vm9 =	vnez.u8 v0;
	v18 =	vsel vm8, s22, v8;
	s22 =	smulhi.u32 $0x431BE2E9, s17;
	s23 =	spop (v2sf)  }
0xce: {  	v12 =	vsel vm1, s8, v23;
	v2 =	vsel vm9, v6, v2;
	v7 =	vsel vm9, v7, v9;
	s1 =	sadd.s32 s14, s31;
	s31 =	smulhi.u32 $0x431BE2E9, s23;
	s16 =	sshra.s32 s23, $0x1F  }
0xcf: {  	v8 =	vsel vm1, s15, v19;
	v12 =	vsel vm2, s0, v12;
	v6 =	vsel vm0, s11, v18;
	s8 =	sadd.s32 s12, s19;
	s12 =	sshra.s32 s17, $0x1F;
	s17 =	smul.u32 $0x431BE2E9, s16  }
0xd0: {  	s5 =	sshra.s32 s7, $0x12;
	s7 =	sshrl.u32 s21, $0x1F;
	s11 =	sshrl.u32 s3, $0x1F;
	v2 =	vadd.s32 v2, v7;
	v8 =	vsel vm2, s10, v8;
	v12 =	vsel vm3, s6, v12  }
0xd1: {  	s6 =	smulhi.u32 $0x431BE2E9, s18;
	s19 =	sshra.s32 s18, $0x1F;
	v7 =	vsel vm9, v25, v24;
	v6 =	vsel vm11, s5, v6;
	v8 =	vsel vm3, s7, v8;
	s0 =	sadd.s32 s17, s31  }
0xd2: {  	s5 =	sshrl.u32 s1, $0x1F;
	s10 =	smul.u32 $0x431BE2E9, s12;
	v27 =	vmul.u32 $0xF423F, v2;
	v28 =	vmov s11;
	v2 =	vxor.u32 v26, v11;
	s14 =	sshra.s32 s0, $0x1F  }
0xd3: {  	s7 =	sshrl.u32 s8, $0x1F;
	s11 =	smulhi.u32 $0x431BE2E9, s20;
	v6 =	vperm.xlane v6, v1;
	v8 =	vcombine.low v12, v8;
	s31 =	sshra.s32 s3, $0x12;
	v29 =	vmov s14  }
0xd4: {  	s18 =	smulhi.u32 $0x431BE2E9, s13;
	s13 =	sshra.s32 s13, $0x1F;
	v30 =	vnsel vm5, $0x0, v28;
	(v2sf) =	vpush v2, $0xD;
	s3 =	sshra.s32 s3, $0x1F;
	v31 =	vsel vm5, s31, v29  }
0xd5: {  	s10 =	sadd.s32 s10, s22;
	s22 =	smul.u32 $0x431BE2E9, s19;
	v11 =	vsel vm1, s5, v30;
	s19 =	sshra.s32 s1, $0x12;
	(v2sf) =	vpush v2, $0xC;
	v12 =	vsel vm12, s3, v31  }
0xd6: {  	s23 =	sshra.s32 s20, $0x1F;
	s20 =	smul.u32 $0x431BE2E9, s13;
	s1 =	sshra.s32 s1, $0x1F;
	v3 =	vsub.s32 v3, v27;
	(v2sf) =	vpush v2, $0xE;
	v12 =	vsel vm1, s19, v12  }
0xd7: {  	s15 =	smul.u32 $0x431BE2E9, s23;
	s23 =	sshra.s32 s8, $0x12;
	s8 =	sshra.s32 s8, $0x1F;
	v11 =	vsel vm2, s7, v11;
	(v2sf) =	vpush v2, $0xF;
	v12 =	vsel vm13, s1, v12  }
0xd8: {  	s5 =	sadd.s32 s20, s18;
	s13 =	sshra.s32 s10, $0x12;
	s18 =	sshra.s32 s28, $0x12;
	v8 =	vperm.xlane v8, v58;
	(v2sf) =	vpush v2, $0x9;
	v12 =	vsel vm2, s23, v12  }
0xd9: {  	s20 =	sshra.s32 s25, $0x12;
	v6 =	vsel vm9, v6, v10;
	s17 =	sshrl.u32 s10, $0x1F;
	s6 =	sadd.s32 s22, s6;
	v33 =	vmov s18;
	v12 =	vsel vm4, s8, v12  }
0xda: {  	s11 =	sadd.s32 s15, s11;
	s15 =	sshra.s32 s10, $0x1F;
	v6 =	vadd.s32 v7, v6;
	v11 =	vsel vm3, s17, v11;
	s22 =	sshrl.u32 s6, $0x1F;
	v12 =	vsel vm3, s13, v12  }
0xdb: {  	s24 =	sshra.s32 s24, $0x12;
	s17 =	sshra.s32 s6, $0x12;
	v15 =	vsel vm1, s20, v33;
	v11 =	vsel vm6, s22, v11;
	v12 =	vsel vm15, s15, v12  }
0xdc: {  	(v2sf) =	vpush v2, $0x8;
	s14 =	sshra.s32 s29, $0x12;
	v15 =	vsel vm2, s24, v15;
	s19 =	sshra.s32 s6, $0x1F;
	v12 =	vsel vm6, s17, v12  }
0xdd: {  	s16 =	sshra.s32 s26, $0x12;
	s28 =	sshra.s32 s9, $0x12;
	s22 =	sshra.s32 s11, $0x12;
	(v2sf) =	vpush v2, $0xA;
	v32 =	vmov s14;
	v12 =	vsel vm14, s19, v12  }
0xde: {  	s25 =	sshra.s32 s11, $0x1F;
	s31 =	sshrl.u32 s11, $0x1F;
	v15 =	vsel vm3, s28, v15;
	v13 =	vsel vm1, s16, v32;
	s23 =	sshra.s32 s30, $0x12;
	v12 =	vsel vm7, s22, v12  }
0xdf: {  	s26 =	sshra.s32 s21, $0x12;
	s12 =	sshrl.u32 s5, $0x1F;
	s29 =	sshra.s32 s5, $0x12;
	v11 =	vsel vm7, s31, v11;
	v13 =	vsel vm2, s23, v13;
	v12 =	vsel vm10, s25, v12  }
0xe0: {  	s31 =	sshra.s32 s5, $0x1F;
	v11 =	vsel vm8, s12, v11;
	s30 =	sshrl.u32 s0, $0x1F;
	v13 =	vsel vm3, s26, v13;
	v12 =	vsel vm8, s29, v12  }
0xe1: {  	s0 =	sshra.s32 s0, $0x12;
	v11 =	vsel vm11, s30, v11;
	v13 =	vcombine.low v15, v13;
	v12 =	vsel vm0, s31, v12  }
0xe2: {  	(v2sf) =	vpush v2, $0xB;
	v11 =	vperm.xlane v11, v1;
	v12 =	vsel vm11, s0, v12  }
0xe3: {  	v0 =	vld [tilespmem:$0x1FFE0];
	v6 =	vmul.u32 $0xF423F, v6;
	v13 =	vperm.xlane v13, v58;
	s1 =	spop (v2sf);
	v12 =	vperm.xlane v12, v1  }
0xe4: {  	v36 =	vadd.s32 $0xF423F, v3;
	(v2sf) =	vpush v2, $0x0;
	s3 =	spop (v2sf);
	s9 =	smulhi.u32 $0x431BE2E9, s1  }
0xe5: {  	v4 =	vsub.s32 v4, v6;
	v34 =	vsel vm9, v11, v8;
	s5 =	spop (v2sf);
	s17 =	smulhi.u32 $0x431BE2E9, s3;
	v35 =	vsel vm9, v12, v13  }
0xe6: {  	v6 =	vadd.s32 $0xF423F, v4;
	(v2sf) =	vpush v2, $0x1;
	s6 =	spop (v2sf);
	s19 =	smulhi.u32 $0x431BE2E9, s5;
	v7 =	vadd.s32 v34, v35  }
0xe7: {  	(v2sf) =	vpush v2, $0x2;
	vm14 =	vlt.s32 v3, $0x0;
	s8 =	spop (v2sf);
	s20 =	smulhi.u32 $0x431BE2E9, s6;
	v7 =	vmul.u32 $0xF423F, v7  }
0xe8: {  	(v2sf) =	vpush v2, $0x3;
	v3 =	vsel vm14, v36, v3;
	vm14 =	vnez.u8 v0;
	s0 =	sshra.s32 s1, $0x1F;
	s22 =	smulhi.u32 $0x431BE2E9, s8  }
0xe9: {  	v3 =	vsel vm14, $0xF423F, v3;
	vm14 =	vlt.s32 v4, $0x0;
	s1 =	sshra.s32 s3, $0x1F;
	s16 =	smul.u32 $0x431BE2E9, s0;
	v5 =	vsub.s32 v5, v7  }
0xea: {  	[tilespmem:$0x280] =	vst v3;
	v3 =	vsel vm14, v6, v4;
	s3 =	sshra.s32 s5, $0x1F;
	s18 =	smul.u32 $0x431BE2E9, s1;
	vm14 =	vlt.s32 v5, $0x0;
	v37 =	vadd.s32 $0xF423F, v5  }
0xeb: {  	v38 =	vld [tilespmem:$0x4F];
	[tilespmem:$0x290] =	vst v3;
	s5 =	sshra.s32 s6, $0x1F;
	s21 =	smul.u32 $0x431BE2E9, s3;
	v3 =	vsel vm14, v37, v5  }
0xec: {  	(v2sf) =	vpush v2, $0x4;
	s29 =	sshra.s32 s8, $0x1F;
	s23 =	smul.u32 $0x431BE2E9, s5;
	[tilespmem:$0x2A0] =	vst v3;
	v3 =	vld [tilespmem:$0x50]  }
0xed: {  	s10 =	spop (v2sf);
	s26 =	smul.u32 $0x431BE2E9, s29  }
0xee: {  	(v2sf) =	vpush v2, $0x5;
	s24 =	smulhi.u32 $0x431BE2E9, s10;
	s30 =	sshra.s32 s10, $0x1F  }
0xef: {  	s11 =	spop (v2sf);
	s28 =	smul.u32 $0x431BE2E9, s30  }
0xf0: {  	(v2sf) =	vpush v2, $0x6;
	s25 =	smulhi.u32 $0x431BE2E9, s11;
	s0 =	sshra.s32 s11, $0x1F  }
0xf1: {  	(v2sf) =	vpush v2, $0x7;
	v4 =	vmul.u32 $0x6A37, v38;
	s12 =	spop (v2sf);
	s30 =	smul.u32 $0x431BE2E9, s0;
	v3 =	vmul.u32 $0x8DD9, v3  }
0xf2: {  	s29 =	smulhi.u32 $0x431BE2E9, s12;
	s31 =	sshra.s32 s12, $0x1F  }
0xf3: {  	s13 =	spop (v2sf);
	s0 =	smul.u32 $0x431BE2E9, s31;
	v3 =	vxor.u32 v3, v4  }
0xf4: {  	s31 =	smulhi.u32 $0x431BE2E9, s13;
	s5 =	sshra.s32 s13, $0x1F;
	(v2sf) =	vpush v3, $0xD  }
0xf5: {  	s14 =	spop (v2sf);
	s8 =	smul.u32 $0x431BE2E9, s5  }
0xf6: {  	[smem:$0x4C4] =	sst s9;
	s6 =	smulhi.u32 $0x431BE2E9, s14;
	s7 =	sshra.s32 s14, $0x1F;
	(v2sf) =	vpush v3, $0xC  }
0xf7: {  	s15 =	spop (v2sf);
	s12 =	smul.u32 $0x431BE2E9, s7  }
0xf8: {  	s9 =	smulhi.u32 $0x431BE2E9, s15;
	s10 =	sshra.s32 s15, $0x1F;
	s11 =	spop (v2sf);
	(v2sf) =	vpush v3, $0xE  }
0xf9: {  	[smem:$0x4C6] =	sst s6;
	s6 =	smul.u32 $0x431BE2E9, s10  }
0xfa: {  	[smem:$0x4C5] =	sst s0;
	s13 =	smulhi.u32 $0x431BE2E9, s11;
	s0 =	sshra.s32 s11, $0x1F  }
0xfb: {  	s14 =	spop (v2sf);
	s10 =	smul.u32 $0x431BE2E9, s0;
	(v2sf) =	vpush v3, $0xF  }
0xfc: {  	[smem:$0x4C7] =	sst s9;
	s15 =	smulhi.u32 $0x431BE2E9, s14;
	s0 =	sshra.s32 s14, $0x1F  }
0xfd: {  	s7 =	smul.u32 $0x431BE2E9, s0;
	s3 =	spop (v2sf);
	(v2sf) =	vpush v3, $0x9  }
0xfe: {  	[smem:$0x4C8] =	sst s13;
	s5 =	smulhi.u32 $0x431BE2E9, s3;
	s0 =	sshra.s32 s3, $0x1F  }
0xff: {  	s9 =	spop (v2sf);
	s1 =	smul.u32 $0x431BE2E9, s0  }
0x100: {  	s11 =	smulhi.u32 $0x431BE2E9, s9;
	s0 =	sshra.s32 s9, $0x1F;
	s13 =	spop (v2sf)  }
0x101: {  	[smem:$0x4CA] =	sst s5;
	s5 =	smul.u32 $0x431BE2E9, s0  }
0x102: {  	[smem:$0x4C9] =	sst s15;
	s14 =	smulhi.u32 $0x431BE2E9, s13;
	s0 =	sshra.s32 s13, $0x1F;
	(v2sf) =	vpush v3, $0x8  }
0x103: {  	s9 =	smul.u32 $0x431BE2E9, s0;
	(v2sf) =	vpush v3, $0xA;
	s15 =	spop (v2sf)  }
0x104: {  	[smem:$0x4CB] =	sst s11;
	s11 =	smulhi.u32 $0x431BE2E9, s15;
	s0 =	sshra.s32 s15, $0x1F  }
0x105: {  	s13 =	spop (v2sf);
	s0 =	smul.u32 $0x431BE2E9, s0  }
0x106: {  	[smem:$0x4CC] =	sst s14;
	s14 =	smulhi.u32 $0x431BE2E9, s13  }
0x107: {  	s15 =	spop (v2sf);
	[smem:$0x4CE] =	sst s0;
	s0 =	sshra.s32 s13, $0x1F  }
0x108: {  	(v2sf) =	vpush v3, $0xB;
	[smem:$0x4CD] =	sst s11;
	s0 =	smul.u32 $0x431BE2E9, s0  }
0x109: {  	(v2sf) =	vpush v3, $0x0;
	s11 =	smulhi.u32 $0x431BE2E9, s15;
	[smem:$0x4CF] =	sst s14  }
0x10a: {  	s13 =	spop (v2sf);
	[smem:$0x4D0] =	sst s0;
	s0 =	sshra.s32 s15, $0x1F  }
0x10b: {  	[smem:$0x4D1] =	sst s11;
	s0 =	smul.u32 $0x431BE2E9, s0  }
0x10c: {  	(v2sf) =	vpush v3, $0x1;
	s14 =	smulhi.u32 $0x431BE2E9, s13;
	s15 =	spop (v2sf)  }
0x10d: {  	s11 =	smulhi.u32 $0x431BE2E9, s15;
	[smem:$0x4D2] =	sst s0;
	s0 =	sshra.s32 s13, $0x1F  }
0x10e: {  	(v2sf) =	vpush v3, $0x2;
	[smem:$0x4D3] =	sst s14;
	s0 =	smul.u32 $0x431BE2E9, s0  }
0x10f: {  	[smem:$0x4D5] =	sst s11  }
0x110: {  	[smem:$0x4D4] =	sst s0;
	s0 =	sshra.s32 s15, $0x1F  }
0x111: {  	(v2sf) =	vpush v3, $0x3;
	s13 =	spop (v2sf);
	s0 =	smul.u32 $0x431BE2E9, s0  }
0x112: {  	s14 =	smulhi.u32 $0x431BE2E9, s13;
	s15 =	spop (v2sf)  }
0x113: {  	(v2sf) =	vpush v3, $0x4;
	s11 =	smulhi.u32 $0x431BE2E9, s15;
	[smem:$0x4D6] =	sst s0;
	s0 =	sshra.s32 s13, $0x1F  }
0x114: {  	[smem:$0x4D7] =	sst s14;
	s0 =	smul.u32 $0x431BE2E9, s0  }
0x115: {  	[smem:$0x4D9] =	sst s11  }
0x116: {  	[smem:$0x4D8] =	sst s0;
	s0 =	sshra.s32 s15, $0x1F  }
0x117: {  	(v2sf) =	vpush v3, $0x5;
	s13 =	spop (v2sf);
	s0 =	smul.u32 $0x431BE2E9, s0  }
0x118: {  	s14 =	smulhi.u32 $0x431BE2E9, s13;
	s15 =	spop (v2sf)  }
0x119: {  	s11 =	smulhi.u32 $0x431BE2E9, s15;
	[smem:$0x4DA] =	sst s0;
	s0 =	sshra.s32 s13, $0x1F  }
0x11a: {  	v39 =	vld [tilespmem:$0x60];
	[smem:$0x4DB] =	sst s14;
	s0 =	smul.u32 $0x431BE2E9, s0  }
0x11b: {  	v40 =	vld [tilespmem:$0x5F];
	(v2sf) =	vpush v3, $0x6;
	[smem:$0x4DD] =	sst s11;
	s13 =	spop (v2sf)  }
0x11c: {  	s14 =	smulhi.u32 $0x431BE2E9, s13;
	[smem:$0x4DC] =	sst s0;
	s0 =	sshra.s32 s15, $0x1F  }
0x11d: {  	s15 =	spop (v2sf);
	s11 =	smul.u32 $0x431BE2E9, s0  }
0x11e: {  	[smem:$0x4DE] =	sst s14;
	s0 =	sshra.s32 s13, $0x1F;
	s14 =	smulhi.u32 $0x431BE2E9, s15  }
0x11f: {  	(v2sf) =	vpush v3, $0x7;
	s13 =	smul.u32 $0x431BE2E9, s0;
	s0 =	sshra.s32 s15, $0x1F  }
0x120: {  	v5 =	vmul.u32 $0x6A37, v40;
	v4 =	vmul.u32 $0x8DD9, v39;
	s3 =	smul.u32 $0x431BE2E9, s0;
	s0 =	spop (v2sf)  }
0x121: {  	s15 =	smulhi.u32 $0x431BE2E9, s0  }
0x122: {  	v4 =	vxor.u32 v4, v5;
	[smem:$0x4DF] =	sst s14;
	s14 =	spop (v2sf)  }
0x123: {  	(v2sf) =	vpush v4, $0xD;
	[smem:$0x4E0] =	sst s15;
	s15 =	smulhi.u32 $0x431BE2E9, s14;
	s14 =	sshra.s32 s14, $0x1F  }
0x124: {  	s14 =	smul.u32 $0x431BE2E9, s14;
	_ =	sdelay $0x1  }
0x125: {  	[smem:$0x4E2] =	sst s14;
	s14 =	spop (v2sf)  }
0x126: {  	(v2sf) =	vpush v4, $0xC;
	[smem:$0x4E1] =	sst s15;
	s15 =	smulhi.u32 $0x431BE2E9, s14;
	s14 =	sshra.s32 s14, $0x1F  }
0x127: {  	s14 =	smul.u32 $0x431BE2E9, s14;
	_ =	sdelay $0x1  }
0x128: {  	[smem:$0x4E4] =	sst s14;
	s14 =	spop (v2sf)  }
0x129: {  	(v2sf) =	vpush v4, $0xE;
	[smem:$0x4E3] =	sst s15;
	s15 =	smulhi.u32 $0x431BE2E9, s14;
	s14 =	sshra.s32 s14, $0x1F  }
0x12a: {  	s14 =	smul.u32 $0x431BE2E9, s14;
	_ =	sdelay $0x1  }
0x12b: {  	[smem:$0x4E6] =	sst s14;
	s14 =	spop (v2sf)  }
0x12c: {  	(v2sf) =	vpush v4, $0xF;
	[smem:$0x4E5] =	sst s15;
	s15 =	smulhi.u32 $0x431BE2E9, s14;
	s14 =	sshra.s32 s14, $0x1F  }
0x12d: {  	s14 =	smul.u32 $0x431BE2E9, s14;
	_ =	sdelay $0x1  }
0x12e: {  	[smem:$0x4E8] =	sst s14;
	s14 =	spop (v2sf)  }
0x12f: {  	(v2sf) =	vpush v4, $0x9;
	[smem:$0x4E7] =	sst s15;
	s15 =	smulhi.u32 $0x431BE2E9, s14;
	s14 =	sshra.s32 s14, $0x1F  }
0x130: {  	s14 =	smul.u32 $0x431BE2E9, s14;
	_ =	sdelay $0x1  }
0x131: {  	[smem:$0x4EA] =	sst s14;
	s14 =	spop (v2sf)  }
0x132: {  	(v2sf) =	vpush v4, $0x8;
	[smem:$0x4E9] =	sst s15;
	s15 =	smulhi.u32 $0x431BE2E9, s14;
	s14 =	sshra.s32 s14, $0x1F  }
0x133: {  	s14 =	smul.u32 $0x431BE2E9, s14;
	_ =	sdelay $0x1  }
0x134: {  	[smem:$0x4EC] =	sst s14;
	s14 =	spop (v2sf)  }
0x135: {  	(v2sf) =	vpush v4, $0xA;
	[smem:$0x4EB] =	sst s15;
	s15 =	smulhi.u32 $0x431BE2E9, s14;
	s14 =	sshra.s32 s14, $0x1F  }
0x136: {  	s14 =	smul.u32 $0x431BE2E9, s14;
	_ =	sdelay $0x1  }
0x137: {  	[smem:$0x4EE] =	sst s14;
	s14 =	spop (v2sf)  }
0x138: {  	(v2sf) =	vpush v4, $0xB;
	[smem:$0x4ED] =	sst s15;
	s15 =	smulhi.u32 $0x431BE2E9, s14;
	s14 =	sshra.s32 s14, $0x1F  }
0x139: {  	s14 =	smul.u32 $0x431BE2E9, s14;
	_ =	sdelay $0x1  }
0x13a: {  	[smem:$0x4F0] =	sst s14;
	s14 =	spop (v2sf)  }
0x13b: {  	(v2sf) =	vpush v4, $0x0;
	[smem:$0x4EF] =	sst s15;
	s15 =	smulhi.u32 $0x431BE2E9, s14;
	s14 =	sshra.s32 s14, $0x1F  }
0x13c: {  	s14 =	smul.u32 $0x431BE2E9, s14;
	_ =	sdelay $0x1  }
0x13d: {  	[smem:$0x4F2] =	sst s14;
	s14 =	spop (v2sf)  }
0x13e: {  	(v2sf) =	vpush v4, $0x1;
	[smem:$0x4F1] =	sst s15;
	s15 =	smulhi.u32 $0x431BE2E9, s14;
	s14 =	sshra.s32 s14, $0x1F  }
0x13f: {  	s14 =	smul.u32 $0x431BE2E9, s14;
	_ =	sdelay $0x1  }
0x140: {  	[smem:$0x4F4] =	sst s14;
	s14 =	spop (v2sf)  }
0x141: {  	(v2sf) =	vpush v4, $0x2;
	[smem:$0x4F3] =	sst s15;
	s15 =	smulhi.u32 $0x431BE2E9, s14;
	s14 =	sshra.s32 s14, $0x1F  }
0x142: {  	s14 =	smul.u32 $0x431BE2E9, s14;
	_ =	sdelay $0x1  }
0x143: {  	[smem:$0x4F6] =	sst s14;
	s14 =	spop (v2sf)  }
0x144: {  	(v2sf) =	vpush v4, $0x3;
	[smem:$0x4F5] =	sst s15;
	s15 =	smulhi.u32 $0x431BE2E9, s14;
	s14 =	sshra.s32 s14, $0x1F  }
0x145: {  	s14 =	smul.u32 $0x431BE2E9, s14;
	_ =	sdelay $0x1  }
0x146: {  	[smem:$0x4F8] =	sst s14;
	s14 =	spop (v2sf)  }
0x147: {  	(v2sf) =	vpush v4, $0x4;
	[smem:$0x4F7] =	sst s15;
	s15 =	smulhi.u32 $0x431BE2E9, s14;
	s14 =	sshra.s32 s14, $0x1F  }
0x148: {  	s14 =	smul.u32 $0x431BE2E9, s14;
	_ =	sdelay $0x1  }
0x149: {  	[smem:$0x4FA] =	sst s14;
	s14 =	spop (v2sf)  }
0x14a: {  	(v2sf) =	vpush v4, $0x5;
	[smem:$0x4F9] =	sst s15;
	s15 =	smulhi.u32 $0x431BE2E9, s14;
	s14 =	sshra.s32 s14, $0x1F  }
0x14b: {  	s14 =	smul.u32 $0x431BE2E9, s14;
	_ =	sdelay $0x1  }
0x14c: {  	v41 =	vld [tilespmem:$0x70];
	[smem:$0x4FC] =	sst s14;
	s14 =	spop (v2sf)  }
0x14d: {  	v42 =	vld [tilespmem:$0x6F];
	(v2sf) =	vpush v4, $0x6;
	[smem:$0x4FB] =	sst s15;
	s15 =	smulhi.u32 $0x431BE2E9, s14;
	s14 =	sshra.s32 s14, $0x1F  }
0x14e: {  	s14 =	smul.u32 $0x431BE2E9, s14;
	_ =	sdelay $0x1  }
0x14f: {  	[smem:$0x4FE] =	sst s14;
	s14 =	spop (v2sf)  }
0x150: {  	(v2sf) =	vpush v4, $0x7;
	[smem:$0x4FD] =	sst s15;
	s15 =	smulhi.u32 $0x431BE2E9, s14;
	s14 =	sshra.s32 s14, $0x1F  }
0x151: {  	v6 =	vmul.u32 $0x6A37, v42;
	v5 =	vmul.u32 $0x8DD9, v41;
	s14 =	smul.u32 $0x431BE2E9, s14;
	_ =	sdelay $0x1  }
0x152: {  	v5 =	vxor.u32 v5, v6;
	[smem:$0x500] =	sst s14;
	s14 =	spop (v2sf)  }
0x153: {  	(v2sf) =	vpush v5, $0xD;
	[smem:$0x4FF] =	sst s15;
	s15 =	smulhi.u32 $0x431BE2E9, s14;
	s14 =	sshra.s32 s14, $0x1F  }
0x154: {  	s14 =	smul.u32 $0x431BE2E9, s14;
	_ =	sdelay $0x1  }
0x155: {  	[smem:$0x502] =	sst s14;
	s14 =	spop (v2sf)  }
0x156: {  	(v2sf) =	vpush v5, $0xC;
	[smem:$0x501] =	sst s15;
	s15 =	smulhi.u32 $0x431BE2E9, s14;
	s14 =	sshra.s32 s14, $0x1F  }
0x157: {  	s14 =	smul.u32 $0x431BE2E9, s14;
	_ =	sdelay $0x1  }
0x158: {  	[smem:$0x504] =	sst s14;
	s14 =	spop (v2sf)  }
0x159: {  	(v2sf) =	vpush v5, $0xE;
	[smem:$0x503] =	sst s15;
	s15 =	smulhi.u32 $0x431BE2E9, s14;
	s14 =	sshra.s32 s14, $0x1F  }
0x15a: {  	s14 =	smul.u32 $0x431BE2E9, s14;
	_ =	sdelay $0x1  }
0x15b: {  	[smem:$0x506] =	sst s14;
	s14 =	spop (v2sf)  }
0x15c: {  	(v2sf) =	vpush v5, $0xF;
	[smem:$0x505] =	sst s15;
	s15 =	smulhi.u32 $0x431BE2E9, s14;
	s14 =	sshra.s32 s14, $0x1F  }
0x15d: {  	s14 =	smul.u32 $0x431BE2E9, s14;
	_ =	sdelay $0x1  }
0x15e: {  	[smem:$0x508] =	sst s14;
	s14 =	spop (v2sf)  }
0x15f: {  	(v2sf) =	vpush v5, $0x9;
	[smem:$0x507] =	sst s15;
	s15 =	smulhi.u32 $0x431BE2E9, s14;
	s14 =	sshra.s32 s14, $0x1F  }
0x160: {  	s14 =	smul.u32 $0x431BE2E9, s14;
	_ =	sdelay $0x1  }
0x161: {  	[smem:$0x50A] =	sst s14;
	s14 =	spop (v2sf)  }
0x162: {  	(v2sf) =	vpush v5, $0x8;
	[smem:$0x509] =	sst s15;
	s15 =	smulhi.u32 $0x431BE2E9, s14;
	s14 =	sshra.s32 s14, $0x1F  }
0x163: {  	s14 =	smul.u32 $0x431BE2E9, s14;
	_ =	sdelay $0x1  }
0x164: {  	[smem:$0x50C] =	sst s14;
	s14 =	spop (v2sf)  }
0x165: {  	(v2sf) =	vpush v5, $0xA;
	[smem:$0x50B] =	sst s15;
	s15 =	smulhi.u32 $0x431BE2E9, s14;
	s14 =	sshra.s32 s14, $0x1F  }
0x166: {  	s14 =	smul.u32 $0x431BE2E9, s14;
	_ =	sdelay $0x1  }
0x167: {  	[smem:$0x50E] =	sst s14;
	s14 =	spop (v2sf)  }
0x168: {  	(v2sf) =	vpush v5, $0xB;
	[smem:$0x50D] =	sst s15;
	s15 =	smulhi.u32 $0x431BE2E9, s14;
	s14 =	sshra.s32 s14, $0x1F  }
0x169: {  	s14 =	smul.u32 $0x431BE2E9, s14;
	_ =	sdelay $0x1  }
0x16a: {  	[smem:$0x510] =	sst s14;
	s14 =	spop (v2sf)  }
0x16b: {  	(v2sf) =	vpush v5, $0x0;
	[smem:$0x50F] =	sst s15;
	s15 =	smulhi.u32 $0x431BE2E9, s14;
	s14 =	sshra.s32 s14, $0x1F  }
0x16c: {  	s14 =	smul.u32 $0x431BE2E9, s14;
	_ =	sdelay $0x1  }
0x16d: {  	[smem:$0x512] =	sst s14;
	s14 =	spop (v2sf)  }
0x16e: {  	(v2sf) =	vpush v5, $0x1;
	[smem:$0x511] =	sst s15;
	s15 =	smulhi.u32 $0x431BE2E9, s14;
	s14 =	sshra.s32 s14, $0x1F  }
0x16f: {  	s14 =	smul.u32 $0x431BE2E9, s14;
	_ =	sdelay $0x1  }
0x170: {  	[smem:$0x514] =	sst s14;
	s14 =	spop (v2sf)  }
0x171: {  	(v2sf) =	vpush v5, $0x2;
	[smem:$0x513] =	sst s15;
	s15 =	smulhi.u32 $0x431BE2E9, s14;
	s14 =	sshra.s32 s14, $0x1F  }
0x172: {  	s14 =	smul.u32 $0x431BE2E9, s14;
	_ =	sdelay $0x1  }
0x173: {  	[smem:$0x516] =	sst s14;
	s14 =	spop (v2sf)  }
0x174: {  	(v2sf) =	vpush v5, $0x3;
	[smem:$0x515] =	sst s15;
	s15 =	smulhi.u32 $0x431BE2E9, s14;
	s14 =	sshra.s32 s14, $0x1F  }
0x175: {  	s14 =	smul.u32 $0x431BE2E9, s14;
	_ =	sdelay $0x1  }
0x176: {  	[smem:$0x518] =	sst s14;
	s14 =	spop (v2sf)  }
0x177: {  	(v2sf) =	vpush v5, $0x4;
	[smem:$0x517] =	sst s15;
	s15 =	smulhi.u32 $0x431BE2E9, s14;
	s14 =	sshra.s32 s14, $0x1F  }
0x178: {  	s14 =	smul.u32 $0x431BE2E9, s14;
	_ =	sdelay $0x1  }
0x179: {  	[smem:$0x51A] =	sst s14;
	s14 =	spop (v2sf)  }
0x17a: {  	(v2sf) =	vpush v5, $0x5;
	[smem:$0x519] =	sst s15;
	s15 =	smulhi.u32 $0x431BE2E9, s14;
	s14 =	sshra.s32 s14, $0x1F  }
0x17b: {  	s14 =	smul.u32 $0x431BE2E9, s14;
	_ =	sdelay $0x1  }
0x17c: {  	v43 =	vld [tilespmem:$0x80];
	[smem:$0x51C] =	sst s14;
	s14 =	spop (v2sf)  }
0x17d: {  	v44 =	vld [tilespmem:$0x7F];
	(v2sf) =	vpush v5, $0x6;
	[smem:$0x51B] =	sst s15;
	s15 =	smulhi.u32 $0x431BE2E9, s14;
	s14 =	sshra.s32 s14, $0x1F  }
0x17e: {  	s14 =	smul.u32 $0x431BE2E9, s14;
	_ =	sdelay $0x1  }
0x17f: {  	[smem:$0x51E] =	sst s14;
	s14 =	spop (v2sf)  }
0x180: {  	(v2sf) =	vpush v5, $0x7;
	[smem:$0x51D] =	sst s15;
	s15 =	smulhi.u32 $0x431BE2E9, s14;
	s14 =	sshra.s32 s14, $0x1F  }
0x181: {  	v7 =	vmul.u32 $0x6A37, v44;
	v6 =	vmul.u32 $0x8DD9, v43;
	s14 =	smul.u32 $0x431BE2E9, s14;
	_ =	sdelay $0x1  }
0x182: {  	v7 =	vxor.u32 v6, v7;
	[smem:$0x520] =	sst s14;
	s14 =	spop (v2sf)  }
0x183: {  	(v2sf) =	vpush v7, $0xD;
	[smem:$0x51F] =	sst s15;
	s15 =	smulhi.u32 $0x431BE2E9, s14;
	s14 =	sshra.s32 s14, $0x1F  }
0x184: {  	s14 =	smul.u32 $0x431BE2E9, s14;
	_ =	sdelay $0x1  }
0x185: {  	[smem:$0x522] =	sst s14;
	s14 =	spop (v2sf)  }
0x186: {  	(v2sf) =	vpush v7, $0xC;
	[smem:$0x521] =	sst s15;
	s15 =	smulhi.u32 $0x431BE2E9, s14;
	s14 =	sshra.s32 s14, $0x1F  }
0x187: {  	s14 =	smul.u32 $0x431BE2E9, s14;
	_ =	sdelay $0x1  }
0x188: {  	[smem:$0x524] =	sst s14;
	s14 =	spop (v2sf)  }
0x189: {  	(v2sf) =	vpush v7, $0xE;
	[smem:$0x523] =	sst s15;
	s15 =	smulhi.u32 $0x431BE2E9, s14;
	s14 =	sshra.s32 s14, $0x1F  }
0x18a: {  	s14 =	smul.u32 $0x431BE2E9, s14;
	_ =	sdelay $0x1  }
0x18b: {  	[smem:$0x526] =	sst s14;
	s14 =	spop (v2sf)  }
0x18c: {  	(v2sf) =	vpush v7, $0xF;
	[smem:$0x525] =	sst s15;
	s15 =	smulhi.u32 $0x431BE2E9, s14;
	s14 =	sshra.s32 s14, $0x1F  }
0x18d: {  	s14 =	smul.u32 $0x431BE2E9, s14;
	_ =	sdelay $0x1  }
0x18e: {  	[smem:$0x528] =	sst s14;
	s14 =	spop (v2sf)  }
0x18f: {  	(v2sf) =	vpush v7, $0x9;
	[smem:$0x527] =	sst s15;
	s15 =	smulhi.u32 $0x431BE2E9, s14;
	s14 =	sshra.s32 s14, $0x1F  }
0x190: {  	s14 =	smul.u32 $0x431BE2E9, s14;
	_ =	sdelay $0x1  }
0x191: {  	[smem:$0x52A] =	sst s14;
	s14 =	spop (v2sf)  }
0x192: {  	(v2sf) =	vpush v7, $0x8;
	[smem:$0x529] =	sst s15;
	s15 =	smulhi.u32 $0x431BE2E9, s14;
	s14 =	sshra.s32 s14, $0x1F  }
0x193: {  	s14 =	smul.u32 $0x431BE2E9, s14;
	_ =	sdelay $0x1  }
0x194: {  	[smem:$0x52C] =	sst s14;
	s14 =	spop (v2sf)  }
0x195: {  	(v2sf) =	vpush v7, $0xA;
	[smem:$0x52B] =	sst s15;
	s15 =	smulhi.u32 $0x431BE2E9, s14;
	s14 =	sshra.s32 s14, $0x1F  }
0x196: {  	s14 =	smul.u32 $0x431BE2E9, s14;
	_ =	sdelay $0x1  }
0x197: {  	[smem:$0x52E] =	sst s14;
	s14 =	spop (v2sf)  }
0x198: {  	(v2sf) =	vpush v7, $0xB;
	[smem:$0x52D] =	sst s15;
	s15 =	smulhi.u32 $0x431BE2E9, s14;
	s14 =	sshra.s32 s14, $0x1F  }
0x199: {  	s14 =	smul.u32 $0x431BE2E9, s14;
	_ =	sdelay $0x1  }
0x19a: {  	[smem:$0x530] =	sst s14;
	s14 =	spop (v2sf)  }
0x19b: {  	(v2sf) =	vpush v7, $0x0;
	[smem:$0x52F] =	sst s15;
	s15 =	smulhi.u32 $0x431BE2E9, s14;
	s14 =	sshra.s32 s14, $0x1F  }
0x19c: {  	s14 =	smul.u32 $0x431BE2E9, s14;
	_ =	sdelay $0x1  }
0x19d: {  	[smem:$0x532] =	sst s14;
	s14 =	spop (v2sf)  }
0x19e: {  	(v2sf) =	vpush v7, $0x1;
	[smem:$0x531] =	sst s15;
	s15 =	smulhi.u32 $0x431BE2E9, s14;
	s14 =	sshra.s32 s14, $0x1F  }
0x19f: {  	s14 =	smul.u32 $0x431BE2E9, s14;
	_ =	sdelay $0x1  }
0x1a0: {  	[smem:$0x534] =	sst s14;
	s14 =	spop (v2sf)  }
0x1a1: {  	[smem:$0x533] =	sst s15;
	s15 =	smulhi.u32 $0x431BE2E9, s14;
	s14 =	sshra.s32 s14, $0x1F  }
0x1a2: {  	(v2sf) =	vpush v7, $0x2;
	s14 =	smul.u32 $0x431BE2E9, s14;
	_ =	sdelay $0x1  }
0x1a3: {  	[smem:$0x536] =	sst s14;
	s14 =	spop (v2sf)  }
0x1a4: {  	[smem:$0x535] =	sst s15;
	s15 =	smulhi.u32 $0x431BE2E9, s14;
	s14 =	sshra.s32 s14, $0x1F  }
0x1a5: {  	v45 =	vld [tilespmem:$0x90];
	(v2sf) =	vpush v7, $0x3;
	s14 =	smul.u32 $0x431BE2E9, s14  }
0x1a6: {  	v46 =	vld [tilespmem:$0x8F]  }
0x1a7: {  	[smem:$0x538] =	sst s14;
	s14 =	spop (v2sf)  }
0x1a8: {  	[smem:$0x537] =	sst s15;
	s15 =	smulhi.u32 $0x431BE2E9, s14;
	s14 =	sshra.s32 s14, $0x1F  }
0x1a9: {  	(v2sf) =	vpush v7, $0x4;
	s14 =	smul.u32 $0x431BE2E9, s14;
	_ =	sdelay $0x1  }
0x1aa: {  	v8 =	vmul.u32 $0x6A37, v46;
	v6 =	vmul.u32 $0x8DD9, v45;
	(v2sf) =	vpush v7, $0x5;
	[smem:$0x53A] =	sst s14;
	s14 =	spop (v2sf)  }
0x1ab: {  	(v2sf) =	vpush v7, $0x6;
	[smem:$0x539] =	sst s15;
	s15 =	smulhi.u32 $0x431BE2E9, s14  }
0x1ac: {  	v6 =	vxor.u32 v6, v8;
	(v2sf) =	vpush v7, $0x7;
	s14 =	sshra.s32 s14, $0x1F  }
0x1ad: {  	(v2sf) =	vpush v6, $0xD;
	s14 =	smul.u32 $0x431BE2E9, s14;
	[smem:$0x53B] =	sst s15  }
0x1ae: {  	(v2sf) =	vpush v6, $0xC  }
0x1af: {  	[smem:$0x53C] =	sst s14;
	s14 =	spop (v2sf)  }
0x1b0: {  	s15 =	smulhi.u32 $0x431BE2E9, s14;
	s14 =	sshra.s32 s14, $0x1F  }
0x1b1: {  	s14 =	smul.u32 $0x431BE2E9, s14;
	_ =	sdelay $0x1  }
0x1b2: {  	[smem:$0x53E] =	sst s14;
	s14 =	spop (v2sf)  }
0x1b3: {  	[smem:$0x53D] =	sst s15;
	s15 =	smulhi.u32 $0x431BE2E9, s14;
	s14 =	sshra.s32 s14, $0x1F  }
0x1b4: {  	s14 =	smul.u32 $0x431BE2E9, s14;
	_ =	sdelay $0x1  }
0x1b5: {  	[smem:$0x540] =	sst s14;
	s14 =	spop (v2sf)  }
0x1b6: {  	[smem:$0x53F] =	sst s15;
	s15 =	smulhi.u32 $0x431BE2E9, s14;
	s14 =	sshra.s32 s14, $0x1F  }
0x1b7: {  	s14 =	smul.u32 $0x431BE2E9, s14;
	_ =	sdelay $0x1  }
0x1b8: {  	[smem:$0x542] =	sst s14;
	s14 =	spop (v2sf)  }
0x1b9: {  	[smem:$0x541] =	sst s15;
	s15 =	smulhi.u32 $0x431BE2E9, s14;
	s14 =	sshra.s32 s14, $0x1F  }
0x1ba: {  	s14 =	smul.u32 $0x431BE2E9, s14;
	_ =	sdelay $0x1  }
0x1bb: {  	[smem:$0x544] =	sst s14;
	s14 =	spop (v2sf)  }
0x1bc: {  	(v2sf) =	vpush v6, $0xE;
	[smem:$0x543] =	sst s15;
	s15 =	smulhi.u32 $0x431BE2E9, s14;
	s14 =	sshra.s32 s14, $0x1F  }
0x1bd: {  	s14 =	smul.u32 $0x431BE2E9, s14;
	_ =	sdelay $0x1  }
0x1be: {  	[smem:$0x546] =	sst s14;
	s14 =	spop (v2sf)  }
0x1bf: {  	(v2sf) =	vpush v6, $0xF;
	[smem:$0x545] =	sst s15;
	s15 =	smulhi.u32 $0x431BE2E9, s14;
	s14 =	sshra.s32 s14, $0x1F  }
0x1c0: {  	s14 =	smul.u32 $0x431BE2E9, s14;
	_ =	sdelay $0x1  }
0x1c1: {  	[smem:$0x548] =	sst s14;
	s14 =	spop (v2sf)  }
0x1c2: {  	(v2sf) =	vpush v6, $0x9;
	[smem:$0x547] =	sst s15;
	s15 =	smulhi.u32 $0x431BE2E9, s14;
	s14 =	sshra.s32 s14, $0x1F  }
0x1c3: {  	s14 =	smul.u32 $0x431BE2E9, s14;
	_ =	sdelay $0x1  }
0x1c4: {  	[smem:$0x54A] =	sst s14;
	s14 =	spop (v2sf)  }
0x1c5: {  	(v2sf) =	vpush v6, $0x8;
	[smem:$0x549] =	sst s15;
	s15 =	smulhi.u32 $0x431BE2E9, s14;
	s14 =	sshra.s32 s14, $0x1F  }
0x1c6: {  	s18 =	sadd.s32 s18, s17;
	s14 =	smul.u32 $0x431BE2E9, s14  }
0x1c7: {  	[smem:$0x5AF] =	sst s18  }
0x1c8: {  	s19 =	sadd.s32 s21, s19;
	[smem:$0x54C] =	sst s14;
	s14 =	spop (v2sf)  }
0x1c9: {  	(v2sf) =	vpush v6, $0xA;
	[smem:$0x54B] =	sst s15;
	s15 =	smulhi.u32 $0x431BE2E9, s14;
	s14 =	sshra.s32 s14, $0x1F  }
0x1ca: {  	s20 =	sadd.s32 s23, s20;
	[smem:$0x5B2] =	sst s19;
	s14 =	smul.u32 $0x431BE2E9, s14  }
0x1cb: {  	[smem:$0x5B4] =	sst s20  }
0x1cc: {  	s23 =	sadd.s32 s26, s22;
	[smem:$0x54E] =	sst s14;
	s14 =	spop (v2sf)  }
0x1cd: {  	(v2sf) =	vpush v6, $0xB;
	[smem:$0x54D] =	sst s15;
	s15 =	smulhi.u32 $0x431BE2E9, s14;
	s14 =	sshra.s32 s14, $0x1F  }
0x1ce: {  	s26 =	sadd.s32 s28, s24;
	[smem:$0x5B7] =	sst s23;
	s14 =	smul.u32 $0x431BE2E9, s14  }
0x1cf: {  	[smem:$0x5B5] =	sst s26  }
0x1d0: {  	s8 =	sadd.s32 s8, s31;
	[smem:$0x550] =	sst s14;
	s14 =	spop (v2sf)  }
0x1d1: {  	[smem:$0x54F] =	sst s15;
	s15 =	smulhi.u32 $0x431BE2E9, s14;
	s14 =	sshra.s32 s14, $0x1F  }
0x1d2: {  	[smem:$0x5B0] =	sst s8;
	s14 =	smul.u32 $0x431BE2E9, s14  }
0x1d3: {  	s23 =	sld [smem:$0x4C5]  }
0x1d4: {  	(v2sf) =	vpush v6, $0x0;
	[smem:$0x552] =	sst s14;
	s14 =	spop (v2sf)  }
0x1d5: {  	[smem:$0x551] =	sst s15;
	s15 =	smulhi.u32 $0x431BE2E9, s14;
	s14 =	sshra.s32 s14, $0x1F  }
0x1d6: {  	s26 =	sld [smem:$0x4C6];
	(v2sf) =	vpush v6, $0x1;
	s14 =	smul.u32 $0x431BE2E9, s14  }
0x1d7: {  	s31 =	sld [smem:$0x4C8]  }
0x1d8: {  	(v2sf) =	vpush v6, $0x2;
	[smem:$0x554] =	sst s14;
	s14 =	spop (v2sf)  }
0x1d9: {  	[smem:$0x553] =	sst s15;
	s15 =	smulhi.u32 $0x431BE2E9, s14;
	s14 =	sshra.s32 s14, $0x1F  }
0x1da: {  	s12 =	sadd.s32 s12, s26;
	s26 =	sld [smem:$0x4CA];
	(v2sf) =	vpush v6, $0x3;
	s14 =	smul.u32 $0x431BE2E9, s14  }
0x1db: {  	[smem:$0x5B3] =	sst s12  }
0x1dc: {  	(v2sf) =	vpush v6, $0x4;
	[smem:$0x556] =	sst s14;
	s14 =	spop (v2sf)  }
0x1dd: {  	s8 =	sadd.s32 s10, s31;
	[smem:$0x555] =	sst s15;
	s15 =	smulhi.u32 $0x431BE2E9, s14  }
0x1de: {  	[smem:$0x5B9] =	sst s8;
	(v2sf) =	vpush v6, $0x5  }
0x1df: {  	[smem:$0x557] =	sst s15  }
0x1e0: {  	v47 =	vld [tilespmem:$0xA0];
	(v2sf) =	vpush v6, $0x6;
	s14 =	sshra.s32 s14, $0x1F;
	s15 =	sld [smem:$0x4C4]  }
0x1e1: {  	v48 =	vld [tilespmem:$0x9F];
	s1 =	sadd.s32 s1, s26;
	s26 =	sld [smem:$0x4CF];
	s14 =	smul.u32 $0x431BE2E9, s14  }
0x1e2: {  	[smem:$0x5BC] =	sst s1  }
0x1e3: {  	[smem:$0x558] =	sst s14;
	s14 =	spop (v2sf);
	s15 =	sadd.s32 s16, s15  }
0x1e4: {  	s16 =	smulhi.u32 $0x431BE2E9, s14;
	s14 =	sshra.s32 s14, $0x1F;
	[smem:$0x5B1] =	sst s15  }
0x1e5: {  	(v2sf) =	vpush v6, $0x7;
	s18 =	smul.u32 $0x431BE2E9, s14;
	s14 =	spop (v2sf);
	s15 =	sadd.s32 s23, s29  }
0x1e6: {  	v8 =	vmul.u32 $0x8DD9, v47;
	v9 =	vmul.u32 $0x6A37, v48;
	s29 =	sld [smem:$0x4C7];
	s17 =	smulhi.u32 $0x431BE2E9, s14;
	s14 =	sshra.s32 s14, $0x1F  }
0x1e7: {  	s21 =	spop (v2sf);
	s19 =	smul.u32 $0x431BE2E9, s14  }
0x1e8: {  	v8 =	vxor.u32 v8, v9;
	[smem:$0x5BA] =	sst s15;
	s20 =	smulhi.u32 $0x431BE2E9, s21  }
0x1e9: {  	(v2sf) =	vpush v8, $0xD;
	s14 =	sshra.s32 s21, $0x1F;
	s28 =	spop (v2sf);
	s21 =	sadd.s32 s30, s25  }
0x1ea: {  	s22 =	smul.u32 $0x431BE2E9, s14;
	[smem:$0x5B8] =	sst s21  }
0x1eb: {  	s21 =	smulhi.u32 $0x431BE2E9, s28;
	s14 =	sshra.s32 s28, $0x1F;
	s24 =	spop (v2sf)  }
0x1ec: {  	s6 =	sadd.s32 s6, s29;
	s29 =	sld [smem:$0x4CB];
	s15 =	smul.u32 $0x431BE2E9, s14  }
0x1ed: {  	(v2sf) =	vpush v8, $0xC;
	s23 =	smulhi.u32 $0x431BE2E9, s24;
	s25 =	sshra.s32 s24, $0x1F;
	s28 =	spop (v2sf)  }
0x1ee: {  	[smem:$0x5B6] =	sst s6;
	s14 =	smul.u32 $0x431BE2E9, s25  }
0x1ef: {  	s30 =	sshra.s32 s28, $0x1F;
	s24 =	spop (v2sf);
	s25 =	sld [smem:$0x4C9]  }
0x1f0: {  	s10 =	smul.u32 $0x431BE2E9, s30;
	s5 =	sadd.s32 s5, s29;
	s30 =	sld [smem:$0x4CC]  }
0x1f1: {  	s8 =	smulhi.u32 $0x431BE2E9, s24;
	s6 =	sshra.s32 s24, $0x1F;
	[smem:$0x5BD] =	sst s5  }
0x1f2: {  	s24 =	smul.u32 $0x431BE2E9, s6;
	s6 =	sld [smem:$0x4CD];
	s7 =	sadd.s32 s7, s25  }
0x1f3: {  	s12 =	smulhi.u32 $0x431BE2E9, s28;
	[smem:$0x5BB] =	sst s7  }
0x1f4: {  	s28 =	spop (v2sf);
	s5 =	sadd.s32 s9, s30;
	s9 =	sld [smem:$0x4CE]  }
0x1f5: {  	s7 =	smulhi.u32 $0x431BE2E9, s28;
	s1 =	sshra.s32 s28, $0x1F;
	s28 =	sld [smem:$0x4D0]  }
0x1f6: {  	s30 =	sld [smem:$0x4D1]  }
0x1f7: {  	[smem:$0x5AE] =	sst s5;
	s25 =	smul.u32 $0x431BE2E9, s1  }
0x1f8: {  	s31 =	spop (v2sf);
	s5 =	sadd.s32 s9, s6;
	s6 =	sld [smem:$0x4D3]  }
0x1f9: {  	[smem:$0x5C2] =	sst s5;
	s9 =	smulhi.u32 $0x431BE2E9, s31  }
0x1fa: {  	s1 =	sshra.s32 s31, $0x1F;
	s5 =	sadd.s32 s28, s26;
	s31 =	sld [smem:$0x4D2]  }
0x1fb: {  	[smem:$0x5C0] =	sst s5  }
0x1fc: {  	s28 =	smul.u32 $0x431BE2E9, s1;
	s29 =	spop (v2sf)  }
0x1fd: {  	s26 =	smulhi.u32 $0x431BE2E9, s29;
	s1 =	sshra.s32 s29, $0x1F;
	s29 =	sld [smem:$0x4D4]  }
0x1fe: {  	s5 =	sadd.s32 s31, s30;
	s30 =	sld [smem:$0x4D5]  }
0x1ff: {  	s31 =	sld [smem:$0x4D6]  }
0x200: {  	[smem:$0x5C3] =	sst s5  }
0x201: {  	s5 =	sadd.s32 s29, s6;
	s6 =	sld [smem:$0x4D7]  }
0x202: {  	[smem:$0x5C5] =	sst s5  }
0x203: {  	s5 =	sadd.s32 s31, s30;
	s31 =	sld [smem:$0x4D8];
	_ =	sdelay $0x1  }
0x204: {  	(v2sf) =	vpush v8, $0xE;
	[smem:$0x5C8] =	sst s5  }
0x205: {  	s5 =	sadd.s32 s31, s6;
	s6 =	sld [smem:$0x4D9]  }
0x206: {  	s31 =	sld [smem:$0x4DA];
	_ =	sdelay $0x1  }
0x207: {  	(v2sf) =	vpush v8, $0xF;
	[smem:$0x5C6] =	sst s5  }
0x208: {  	s5 =	sadd.s32 s31, s6;
	s6 =	sld [smem:$0x4DC]  }
0x209: {  	[smem:$0x5CA] =	sst s5  }
0x20a: {  	(v2sf) =	vpush v8, $0x9;
	s5 =	sld [smem:$0x4DB];
	_ =	sdelay $0x1  }
0x20b: {  	(v2sf) =	vpush v8, $0x8  }
0x20c: {  	s5 =	sadd.s32 s6, s5  }
0x20d: {  	[smem:$0x5CC] =	sst s5  }
0x20e: {  	s5 =	sld [smem:$0x4DD];
	_ =	sdelay $0x2  }
0x20f: {  	s29 =	smul.u32 $0x431BE2E9, s1;
	s1 =	spop (v2sf);
	s5 =	sadd.s32 s11, s5  }
0x210: {  	s30 =	smulhi.u32 $0x431BE2E9, s1;
	s1 =	sshra.s32 s1, $0x1F;
	[smem:$0x5BF] =	sst s5  }
0x211: {  	s1 =	smul.u32 $0x431BE2E9, s1;
	s5 =	sld [smem:$0x4DE]  }
0x212: {  	(v2sf) =	vpush v8, $0xA  }
0x213: {  	[smem:$0x559] =	sst s1;
	s1 =	spop (v2sf)  }
0x214: {  	s31 =	smulhi.u32 $0x431BE2E9, s1;
	s1 =	sshra.s32 s1, $0x1F;
	s5 =	sadd.s32 s13, s5  }
0x215: {  	s6 =	smul.u32 $0x431BE2E9, s1;
	[smem:$0x5C1] =	sst s5  }
0x216: {  	s1 =	spop (v2sf);
	s5 =	sld [smem:$0x4DF]  }
0x217: {  	s11 =	smulhi.u32 $0x431BE2E9, s1;
	s1 =	sshra.s32 s1, $0x1F  }
0x218: {  	s13 =	smul.u32 $0x431BE2E9, s1;
	s1 =	spop (v2sf)  }
0x219: {  	s3 =	sadd.s32 s3, s5;
	s5 =	smulhi.u32 $0x431BE2E9, s1;
	s1 =	sshra.s32 s1, $0x1F  }
0x21a: {  	[smem:$0x5C4] =	sst s3;
	s1 =	smul.u32 $0x431BE2E9, s1  }
0x21b: {  	s0 =	sshra.s32 s0, $0x1F;
	s3 =	sld [smem:$0x4E0]  }
0x21c: {  	s0 =	smul.u32 $0x431BE2E9, s0;
	[smem:$0x55A] =	sst s1  }
0x21d: {  	s1 =	sld [smem:$0x4E1]  }
0x21e: {  	(v2sf) =	vpush v8, $0xB;
	s0 =	sadd.s32 s0, s3;
	s3 =	sld [smem:$0x4E2];
	_ =	sdelay $0x2  }
0x21f: {  	[smem:$0x5C7] =	sst s0;
	s0 =	spop (v2sf);
	s1 =	sadd.s32 s3, s1  }
0x220: {  	s3 =	smulhi.u32 $0x431BE2E9, s0;
	[smem:$0x5C9] =	sst s1  }
0x221: {  	s1 =	sld [smem:$0x4E3]  }
0x222: {  	[smem:$0x55B] =	sst s3  }
0x223: {  	s3 =	sld [smem:$0x4E4];
	_ =	sdelay $0x2  }
0x224: {  	s1 =	sadd.s32 s3, s1;
	s3 =	sld [smem:$0x4E6]  }
0x225: {  	[smem:$0x5CB] =	sst s1  }
0x226: {  	(v2sf) =	vpush v8, $0x0;
	s0 =	sshra.s32 s0, $0x1F;
	s1 =	sld [smem:$0x4E5]  }
0x227: {  	s0 =	smul.u32 $0x431BE2E9, s0;
	_ =	sdelay $0x1  }
0x228: {  	[smem:$0x55C] =	sst s0;
	s0 =	spop (v2sf);
	s1 =	sadd.s32 s3, s1  }
0x229: {  	s3 =	smulhi.u32 $0x431BE2E9, s0;
	[smem:$0x5CD] =	sst s1  }
0x22a: {  	s1 =	sld [smem:$0x4E7]  }
0x22b: {  	[smem:$0x55D] =	sst s3  }
0x22c: {  	s3 =	sld [smem:$0x4E8];
	_ =	sdelay $0x2  }
0x22d: {  	s1 =	sadd.s32 s3, s1;
	s3 =	sld [smem:$0x4EA]  }
0x22e: {  	[smem:$0x5BE] =	sst s1  }
0x22f: {  	(v2sf) =	vpush v8, $0x1;
	s0 =	sshra.s32 s0, $0x1F;
	s1 =	sld [smem:$0x4E9]  }
0x230: {  	s0 =	smul.u32 $0x431BE2E9, s0;
	_ =	sdelay $0x1  }
0x231: {  	[smem:$0x55E] =	sst s0;
	s0 =	spop (v2sf);
	s1 =	sadd.s32 s3, s1  }
0x232: {  	s3 =	smulhi.u32 $0x431BE2E9, s0;
	[smem:$0x5CE] =	sst s1  }
0x233: {  	s1 =	sld [smem:$0x4EB]  }
0x234: {  	[smem:$0x55F] =	sst s3  }
0x235: {  	s3 =	sld [smem:$0x4EC];
	_ =	sdelay $0x2  }
0x236: {  	s1 =	sadd.s32 s3, s1;
	s3 =	sld [smem:$0x4EE]  }
0x237: {  	[smem:$0x5D0] =	sst s1  }
0x238: {  	(v2sf) =	vpush v8, $0x2;
	s0 =	sshra.s32 s0, $0x1F;
	s1 =	sld [smem:$0x4ED]  }
0x239: {  	s0 =	smul.u32 $0x431BE2E9, s0;
	_ =	sdelay $0x1  }
0x23a: {  	[smem:$0x560] =	sst s0;
	s0 =	spop (v2sf);
	s1 =	sadd.s32 s3, s1  }
0x23b: {  	s3 =	smulhi.u32 $0x431BE2E9, s0;
	[smem:$0x5D2] =	sst s1  }
0x23c: {  	s1 =	sld [smem:$0x4EF]  }
0x23d: {  	[smem:$0x561] =	sst s3  }
0x23e: {  	s3 =	sld [smem:$0x4F0];
	_ =	sdelay $0x2  }
0x23f: {  	s1 =	sadd.s32 s3, s1;
	s3 =	sld [smem:$0x4F2]  }
0x240: {  	[smem:$0x5D4] =	sst s1  }
0x241: {  	(v2sf) =	vpush v8, $0x3;
	s0 =	sshra.s32 s0, $0x1F;
	s1 =	sld [smem:$0x4F1]  }
0x242: {  	s0 =	smul.u32 $0x431BE2E9, s0;
	_ =	sdelay $0x1  }
0x243: {  	[smem:$0x562] =	sst s0;
	s0 =	spop (v2sf);
	s1 =	sadd.s32 s3, s1  }
0x244: {  	s3 =	smulhi.u32 $0x431BE2E9, s0;
	[smem:$0x5D8] =	sst s1  }
0x245: {  	s1 =	sld [smem:$0x4F3]  }
0x246: {  	[smem:$0x563] =	sst s3  }
0x247: {  	s3 =	sld [smem:$0x4F4];
	_ =	sdelay $0x2  }
0x248: {  	s1 =	sadd.s32 s3, s1;
	s3 =	sld [smem:$0x4F6]  }
0x249: {  	[smem:$0x5D6] =	sst s1  }
0x24a: {  	(v2sf) =	vpush v8, $0x4;
	s0 =	sshra.s32 s0, $0x1F;
	s1 =	sld [smem:$0x4F5]  }
0x24b: {  	s0 =	smul.u32 $0x431BE2E9, s0;
	_ =	sdelay $0x1  }
0x24c: {  	[smem:$0x564] =	sst s0;
	s0 =	spop (v2sf);
	s1 =	sadd.s32 s3, s1  }
0x24d: {  	s3 =	smulhi.u32 $0x431BE2E9, s0;
	[smem:$0x5DA] =	sst s1  }
0x24e: {  	s1 =	sld [smem:$0x4F7]  }
0x24f: {  	[smem:$0x565] =	sst s3  }
0x250: {  	s3 =	sld [smem:$0x4F8];
	_ =	sdelay $0x2  }
0x251: {  	s1 =	sadd.s32 s3, s1;
	s3 =	sld [smem:$0x4FA]  }
0x252: {  	[smem:$0x5DC] =	sst s1  }
0x253: {  	(v2sf) =	vpush v8, $0x5;
	s0 =	sshra.s32 s0, $0x1F;
	s1 =	sld [smem:$0x4F9]  }
0x254: {  	s0 =	smul.u32 $0x431BE2E9, s0;
	_ =	sdelay $0x1  }
0x255: {  	[smem:$0x566] =	sst s0;
	s0 =	spop (v2sf);
	s1 =	sadd.s32 s3, s1  }
0x256: {  	s3 =	smulhi.u32 $0x431BE2E9, s0;
	[smem:$0x5D1] =	sst s1  }
0x257: {  	s1 =	sld [smem:$0x4FB]  }
0x258: {  	[smem:$0x567] =	sst s3  }
0x259: {  	s3 =	sld [smem:$0x4FC];
	_ =	sdelay $0x2  }
0x25a: {  	s1 =	sadd.s32 s3, s1;
	s3 =	sld [smem:$0x4FE]  }
0x25b: {  	[smem:$0x5D3] =	sst s1  }
0x25c: {  	(v2sf) =	vpush v8, $0x6;
	s0 =	sshra.s32 s0, $0x1F;
	s1 =	sld [smem:$0x4FD]  }
0x25d: {  	s0 =	smul.u32 $0x431BE2E9, s0;
	_ =	sdelay $0x1  }
0x25e: {  	[smem:$0x568] =	sst s0;
	s0 =	spop (v2sf);
	s1 =	sadd.s32 s3, s1  }
0x25f: {  	s3 =	smulhi.u32 $0x431BE2E9, s0;
	[smem:$0x5D5] =	sst s1  }
0x260: {  	s1 =	sld [smem:$0x4FF]  }
0x261: {  	[smem:$0x569] =	sst s3  }
0x262: {  	s3 =	sld [smem:$0x500];
	_ =	sdelay $0x2  }
0x263: {  	s1 =	sadd.s32 s3, s1;
	s3 =	sld [smem:$0x502]  }
0x264: {  	[smem:$0x5D7] =	sst s1  }
0x265: {  	(v2sf) =	vpush v8, $0x7;
	s0 =	sshra.s32 s0, $0x1F;
	s1 =	sld [smem:$0x501]  }
0x266: {  	s0 =	smul.u32 $0x431BE2E9, s0;
	_ =	sdelay $0x1  }
0x267: {  	v49 =	vld [tilespmem:$0xB0];
	[smem:$0x56A] =	sst s0;
	s0 =	spop (v2sf);
	s1 =	sadd.s32 s3, s1  }
0x268: {  	v50 =	vld [tilespmem:$0xAF];
	s3 =	smulhi.u32 $0x431BE2E9, s0;
	[smem:$0x5D9] =	sst s1  }
0x269: {  	s1 =	sld [smem:$0x503]  }
0x26a: {  	[smem:$0x56B] =	sst s3  }
0x26b: {  	s3 =	sld [smem:$0x504];
	_ =	sdelay $0x1  }
0x26c: {  	v10 =	vmul.u32 $0x6A37, v50;
	v9 =	vmul.u32 $0x8DD9, v49  }
0x26d: {  	s1 =	sadd.s32 s3, s1;
	s3 =	sld [smem:$0x506]  }
0x26e: {  	v9 =	vxor.u32 v9, v10;
	[smem:$0x5DB] =	sst s1  }
0x26f: {  	(v2sf) =	vpush v9, $0xD;
	s0 =	sshra.s32 s0, $0x1F;
	s1 =	sld [smem:$0x505]  }
0x270: {  	s0 =	smul.u32 $0x431BE2E9, s0;
	_ =	sdelay $0x1  }
0x271: {  	[smem:$0x56C] =	sst s0;
	s0 =	spop (v2sf);
	s1 =	sadd.s32 s3, s1  }
0x272: {  	s3 =	smulhi.u32 $0x431BE2E9, s0;
	[smem:$0x5DD] =	sst s1  }
0x273: {  	s1 =	sld [smem:$0x507]  }
0x274: {  	[smem:$0x56D] =	sst s3  }
0x275: {  	s3 =	sld [smem:$0x508];
	_ =	sdelay $0x2  }
0x276: {  	s1 =	sadd.s32 s3, s1;
	s3 =	sld [smem:$0x50A]  }
0x277: {  	[smem:$0x5CF] =	sst s1  }
0x278: {  	(v2sf) =	vpush v9, $0xC;
	s0 =	sshra.s32 s0, $0x1F;
	s1 =	sld [smem:$0x509]  }
0x279: {  	s0 =	smul.u32 $0x431BE2E9, s0;
	_ =	sdelay $0x1  }
0x27a: {  	[smem:$0x56E] =	sst s0;
	s0 =	spop (v2sf);
	s1 =	sadd.s32 s3, s1  }
0x27b: {  	s3 =	smulhi.u32 $0x431BE2E9, s0;
	[smem:$0x5DF] =	sst s1  }
0x27c: {  	s1 =	sld [smem:$0x50B]  }
0x27d: {  	[smem:$0x56F] =	sst s3  }
0x27e: {  	s3 =	sld [smem:$0x50C];
	_ =	sdelay $0x2  }
0x27f: {  	s1 =	sadd.s32 s3, s1;
	s3 =	sld [smem:$0x50E]  }
0x280: {  	[smem:$0x5E1] =	sst s1  }
0x281: {  	(v2sf) =	vpush v9, $0xE;
	s0 =	sshra.s32 s0, $0x1F;
	s1 =	sld [smem:$0x50D]  }
0x282: {  	s0 =	smul.u32 $0x431BE2E9, s0;
	_ =	sdelay $0x1  }
0x283: {  	[smem:$0x570] =	sst s0;
	s0 =	spop (v2sf);
	s1 =	sadd.s32 s3, s1  }
0x284: {  	s3 =	smulhi.u32 $0x431BE2E9, s0;
	[smem:$0x5E2] =	sst s1  }
0x285: {  	s1 =	sld [smem:$0x50F]  }
0x286: {  	[smem:$0x571] =	sst s3  }
0x287: {  	s3 =	sld [smem:$0x510];
	_ =	sdelay $0x2  }
0x288: {  	s1 =	sadd.s32 s3, s1;
	s3 =	sld [smem:$0x512]  }
0x289: {  	[smem:$0x5E4] =	sst s1  }
0x28a: {  	(v2sf) =	vpush v9, $0xF;
	s0 =	sshra.s32 s0, $0x1F;
	s1 =	sld [smem:$0x511]  }
0x28b: {  	s0 =	smul.u32 $0x431BE2E9, s0;
	_ =	sdelay $0x1  }
0x28c: {  	[smem:$0x572] =	sst s0;
	s0 =	spop (v2sf);
	s1 =	sadd.s32 s3, s1  }
0x28d: {  	s3 =	smulhi.u32 $0x431BE2E9, s0;
	[smem:$0x5E7] =	sst s1  }
0x28e: {  	s1 =	sld [smem:$0x513]  }
0x28f: {  	[smem:$0x573] =	sst s3  }
0x290: {  	s3 =	sld [smem:$0x514];
	_ =	sdelay $0x2  }
0x291: {  	s1 =	sadd.s32 s3, s1;
	s3 =	sld [smem:$0x516]  }
0x292: {  	[smem:$0x5E6] =	sst s1  }
0x293: {  	(v2sf) =	vpush v9, $0x9;
	s0 =	sshra.s32 s0, $0x1F;
	s1 =	sld [smem:$0x515]  }
0x294: {  	s0 =	smul.u32 $0x431BE2E9, s0;
	_ =	sdelay $0x1  }
0x295: {  	[smem:$0x574] =	sst s0;
	s0 =	spop (v2sf);
	s1 =	sadd.s32 s3, s1  }
0x296: {  	s3 =	smulhi.u32 $0x431BE2E9, s0;
	[smem:$0x5E9] =	sst s1  }
0x297: {  	s1 =	sld [smem:$0x517]  }
0x298: {  	[smem:$0x575] =	sst s3  }
0x299: {  	s3 =	sld [smem:$0x518];
	_ =	sdelay $0x2  }
0x29a: {  	s1 =	sadd.s32 s3, s1;
	s3 =	sld [smem:$0x51A]  }
0x29b: {  	[smem:$0x5EB] =	sst s1  }
0x29c: {  	(v2sf) =	vpush v9, $0x8;
	s0 =	sshra.s32 s0, $0x1F;
	s1 =	sld [smem:$0x519]  }
0x29d: {  	s0 =	smul.u32 $0x431BE2E9, s0;
	_ =	sdelay $0x1  }
0x29e: {  	[smem:$0x576] =	sst s0;
	s0 =	spop (v2sf);
	s1 =	sadd.s32 s3, s1  }
0x29f: {  	s3 =	smulhi.u32 $0x431BE2E9, s0;
	[smem:$0x5E0] =	sst s1  }
0x2a0: {  	s1 =	sld [smem:$0x51B]  }
0x2a1: {  	[smem:$0x577] =	sst s3  }
0x2a2: {  	s3 =	sld [smem:$0x51C];
	_ =	sdelay $0x2  }
0x2a3: {  	s1 =	sadd.s32 s3, s1;
	s3 =	sld [smem:$0x51E]  }
0x2a4: {  	[smem:$0x5E3] =	sst s1  }
0x2a5: {  	(v2sf) =	vpush v9, $0xA;
	s0 =	sshra.s32 s0, $0x1F;
	s1 =	sld [smem:$0x51D]  }
0x2a6: {  	s0 =	smul.u32 $0x431BE2E9, s0;
	_ =	sdelay $0x1  }
0x2a7: {  	[smem:$0x578] =	sst s0;
	s0 =	spop (v2sf);
	s1 =	sadd.s32 s3, s1  }
0x2a8: {  	s3 =	smulhi.u32 $0x431BE2E9, s0;
	[smem:$0x5E5] =	sst s1  }
0x2a9: {  	s1 =	sld [smem:$0x51F]  }
0x2aa: {  	[smem:$0x579] =	sst s3  }
0x2ab: {  	s3 =	sld [smem:$0x520];
	_ =	sdelay $0x2  }
0x2ac: {  	s1 =	sadd.s32 s3, s1;
	s3 =	sld [smem:$0x522]  }
0x2ad: {  	[smem:$0x5E8] =	sst s1  }
0x2ae: {  	(v2sf) =	vpush v9, $0xB;
	s0 =	sshra.s32 s0, $0x1F;
	s1 =	sld [smem:$0x521]  }
0x2af: {  	s0 =	smul.u32 $0x431BE2E9, s0;
	_ =	sdelay $0x1  }
0x2b0: {  	[smem:$0x57A] =	sst s0;
	s0 =	spop (v2sf);
	s1 =	sadd.s32 s3, s1  }
0x2b1: {  	s3 =	smulhi.u32 $0x431BE2E9, s0;
	[smem:$0x5EA] =	sst s1  }
0x2b2: {  	s1 =	sld [smem:$0x523]  }
0x2b3: {  	[smem:$0x57B] =	sst s3  }
0x2b4: {  	s3 =	sld [smem:$0x524];
	_ =	sdelay $0x2  }
0x2b5: {  	s1 =	sadd.s32 s3, s1;
	s3 =	sld [smem:$0x526]  }
0x2b6: {  	[smem:$0x5EC] =	sst s1  }
0x2b7: {  	(v2sf) =	vpush v9, $0x0;
	s0 =	sshra.s32 s0, $0x1F;
	s1 =	sld [smem:$0x525]  }
0x2b8: {  	s0 =	smul.u32 $0x431BE2E9, s0;
	_ =	sdelay $0x1  }
0x2b9: {  	[smem:$0x57C] =	sst s0;
	s0 =	spop (v2sf);
	s1 =	sadd.s32 s3, s1  }
0x2ba: {  	s3 =	smulhi.u32 $0x431BE2E9, s0;
	[smem:$0x5ED] =	sst s1  }
0x2bb: {  	s1 =	sld [smem:$0x527]  }
0x2bc: {  	[smem:$0x57D] =	sst s3  }
0x2bd: {  	s3 =	sld [smem:$0x528];
	_ =	sdelay $0x2  }
0x2be: {  	s1 =	sadd.s32 s3, s1;
	s3 =	sld [smem:$0x52A]  }
0x2bf: {  	[smem:$0x5DE] =	sst s1  }
0x2c0: {  	(v2sf) =	vpush v9, $0x1;
	s0 =	sshra.s32 s0, $0x1F;
	s1 =	sld [smem:$0x529]  }
0x2c1: {  	s0 =	smul.u32 $0x431BE2E9, s0;
	_ =	sdelay $0x1  }
0x2c2: {  	[smem:$0x57E] =	sst s0;
	s0 =	spop (v2sf);
	s1 =	sadd.s32 s3, s1  }
0x2c3: {  	s3 =	smulhi.u32 $0x431BE2E9, s0;
	[smem:$0x5F1] =	sst s1  }
0x2c4: {  	s1 =	sld [smem:$0x52B]  }
0x2c5: {  	[smem:$0x57F] =	sst s3  }
0x2c6: {  	s3 =	sld [smem:$0x52C];
	_ =	sdelay $0x2  }
0x2c7: {  	s1 =	sadd.s32 s3, s1;
	s3 =	sld [smem:$0x52E]  }
0x2c8: {  	[smem:$0x5F0] =	sst s1  }
0x2c9: {  	(v2sf) =	vpush v9, $0x2;
	s0 =	sshra.s32 s0, $0x1F;
	s1 =	sld [smem:$0x52D]  }
0x2ca: {  	s0 =	smul.u32 $0x431BE2E9, s0;
	_ =	sdelay $0x1  }
0x2cb: {  	[smem:$0x580] =	sst s0;
	s0 =	spop (v2sf);
	s1 =	sadd.s32 s3, s1  }
0x2cc: {  	s3 =	smulhi.u32 $0x431BE2E9, s0;
	[smem:$0x5F3] =	sst s1  }
0x2cd: {  	s1 =	sld [smem:$0x52F]  }
0x2ce: {  	[smem:$0x581] =	sst s3  }
0x2cf: {  	s3 =	sld [smem:$0x530];
	_ =	sdelay $0x2  }
0x2d0: {  	s1 =	sadd.s32 s3, s1;
	s3 =	sld [smem:$0x532]  }
0x2d1: {  	[smem:$0x5F4] =	sst s1  }
0x2d2: {  	(v2sf) =	vpush v9, $0x3;
	s0 =	sshra.s32 s0, $0x1F;
	s1 =	sld [smem:$0x531]  }
0x2d3: {  	s0 =	smul.u32 $0x431BE2E9, s0;
	_ =	sdelay $0x1  }
0x2d4: {  	[smem:$0x582] =	sst s0;
	s0 =	spop (v2sf);
	s1 =	sadd.s32 s3, s1  }
0x2d5: {  	s3 =	smulhi.u32 $0x431BE2E9, s0;
	[smem:$0x5F8] =	sst s1  }
0x2d6: {  	s1 =	sld [smem:$0x533]  }
0x2d7: {  	[smem:$0x583] =	sst s3  }
0x2d8: {  	s3 =	sld [smem:$0x534];
	_ =	sdelay $0x2  }
0x2d9: {  	s1 =	sadd.s32 s3, s1;
	s3 =	sld [smem:$0x536]  }
0x2da: {  	[smem:$0x5F6] =	sst s1  }
0x2db: {  	(v2sf) =	vpush v9, $0x4;
	s0 =	sshra.s32 s0, $0x1F;
	s1 =	sld [smem:$0x535]  }
0x2dc: {  	s0 =	smul.u32 $0x431BE2E9, s0;
	_ =	sdelay $0x1  }
0x2dd: {  	[smem:$0x584] =	sst s0;
	s0 =	spop (v2sf);
	s1 =	sadd.s32 s3, s1  }
0x2de: {  	s3 =	smulhi.u32 $0x431BE2E9, s0;
	[smem:$0x5FA] =	sst s1  }
0x2df: {  	s1 =	sld [smem:$0x537]  }
0x2e0: {  	[smem:$0x585] =	sst s3  }
0x2e1: {  	s3 =	sld [smem:$0x538];
	_ =	sdelay $0x2  }
0x2e2: {  	s1 =	sadd.s32 s3, s1;
	s3 =	sld [smem:$0x53A]  }
0x2e3: {  	[smem:$0x5FC] =	sst s1  }
0x2e4: {  	(v2sf) =	vpush v9, $0x5;
	s0 =	sshra.s32 s0, $0x1F;
	s1 =	sld [smem:$0x539]  }
0x2e5: {  	s0 =	smul.u32 $0x431BE2E9, s0;
	_ =	sdelay $0x1  }
0x2e6: {  	[smem:$0x586] =	sst s0;
	s0 =	spop (v2sf);
	s1 =	sadd.s32 s3, s1  }
0x2e7: {  	s3 =	smulhi.u32 $0x431BE2E9, s0;
	[smem:$0x5EF] =	sst s1  }
0x2e8: {  	s1 =	sld [smem:$0x53B]  }
0x2e9: {  	[smem:$0x587] =	sst s3  }
0x2ea: {  	s3 =	sld [smem:$0x53C];
	_ =	sdelay $0x2  }
0x2eb: {  	s1 =	sadd.s32 s3, s1;
	s3 =	sld [smem:$0x53E]  }
0x2ec: {  	[smem:$0x5F2] =	sst s1  }
0x2ed: {  	(v2sf) =	vpush v9, $0x6;
	s0 =	sshra.s32 s0, $0x1F;
	s1 =	sld [smem:$0x53D]  }
0x2ee: {  	s0 =	smul.u32 $0x431BE2E9, s0;
	_ =	sdelay $0x1  }
0x2ef: {  	[smem:$0x588] =	sst s0;
	s0 =	spop (v2sf);
	s1 =	sadd.s32 s3, s1  }
0x2f0: {  	s3 =	smulhi.u32 $0x431BE2E9, s0;
	[smem:$0x5F5] =	sst s1  }
0x2f1: {  	s1 =	sld [smem:$0x53F]  }
0x2f2: {  	[smem:$0x589] =	sst s3  }
0x2f3: {  	s3 =	sld [smem:$0x540];
	_ =	sdelay $0x2  }
0x2f4: {  	s1 =	sadd.s32 s3, s1;
	s3 =	sld [smem:$0x542]  }
0x2f5: {  	[smem:$0x5F7] =	sst s1  }
0x2f6: {  	(v2sf) =	vpush v9, $0x7;
	s0 =	sshra.s32 s0, $0x1F;
	s1 =	sld [smem:$0x541]  }
0x2f7: {  	s0 =	smul.u32 $0x431BE2E9, s0;
	_ =	sdelay $0x1  }
0x2f8: {  	v51 =	vld [tilespmem:$0xC0];
	[smem:$0x58A] =	sst s0;
	s0 =	spop (v2sf);
	s1 =	sadd.s32 s3, s1  }
0x2f9: {  	v52 =	vld [tilespmem:$0xBF];
	s3 =	smulhi.u32 $0x431BE2E9, s0;
	[smem:$0x5F9] =	sst s1  }
0x2fa: {  	s1 =	sld [smem:$0x543]  }
0x2fb: {  	[smem:$0x58B] =	sst s3  }
0x2fc: {  	s3 =	sld [smem:$0x544];
	_ =	sdelay $0x1  }
0x2fd: {  	v11 =	vmul.u32 $0x6A37, v52;
	v10 =	vmul.u32 $0x8DD9, v51  }
0x2fe: {  	s1 =	sadd.s32 s3, s1;
	s3 =	sld [smem:$0x546]  }
0x2ff: {  	v10 =	vxor.u32 v10, v11;
	[smem:$0x5FB] =	sst s1  }
0x300: {  	(v2sf) =	vpush v10, $0xD;
	s0 =	sshra.s32 s0, $0x1F;
	s1 =	sld [smem:$0x545]  }
0x301: {  	s0 =	smul.u32 $0x431BE2E9, s0;
	_ =	sdelay $0x1  }
0x302: {  	[smem:$0x58C] =	sst s0;
	s0 =	spop (v2sf);
	s1 =	sadd.s32 s3, s1  }
0x303: {  	s3 =	smulhi.u32 $0x431BE2E9, s0;
	[smem:$0x5FD] =	sst s1  }
0x304: {  	s1 =	sld [smem:$0x547]  }
0x305: {  	[smem:$0x58D] =	sst s3  }
0x306: {  	s3 =	sld [smem:$0x548];
	_ =	sdelay $0x2  }
0x307: {  	s1 =	sadd.s32 s3, s1;
	s3 =	sld [smem:$0x54A]  }
0x308: {  	[smem:$0x5EE] =	sst s1  }
0x309: {  	(v2sf) =	vpush v10, $0xC;
	s0 =	sshra.s32 s0, $0x1F;
	s1 =	sld [smem:$0x549]  }
0x30a: {  	s0 =	smul.u32 $0x431BE2E9, s0;
	_ =	sdelay $0x1  }
0x30b: {  	[smem:$0x58E] =	sst s0;
	s0 =	spop (v2sf);
	s1 =	sadd.s32 s3, s1  }
0x30c: {  	s3 =	smulhi.u32 $0x431BE2E9, s0;
	[smem:$0x601] =	sst s1  }
0x30d: {  	s1 =	sld [smem:$0x54B]  }
0x30e: {  	[smem:$0x58F] =	sst s3  }
0x30f: {  	s3 =	sld [smem:$0x54C];
	_ =	sdelay $0x2  }
0x310: {  	s1 =	sadd.s32 s3, s1;
	s3 =	sld [smem:$0x54E]  }
0x311: {  	[smem:$0x5FF] =	sst s1  }
0x312: {  	s17 =	sadd.s32 s19, s17;
	(v2sf) =	vpush v10, $0xE;
	s0 =	sshra.s32 s0, $0x1F;
	s1 =	sld [smem:$0x54D]  }
0x313: {  	[smem:$0x603] =	sst s17;
	s19 =	sadd.s32 s22, s20;
	s0 =	smul.u32 $0x431BE2E9, s0  }
0x314: {  	[smem:$0x606] =	sst s19  }
0x315: {  	[smem:$0x590] =	sst s0;
	s0 =	spop (v2sf);
	s1 =	sadd.s32 s3, s1  }
0x316: {  	s3 =	smulhi.u32 $0x431BE2E9, s0;
	[smem:$0x602] =	sst s1  }
0x317: {  	s1 =	sld [smem:$0x54F]  }
0x318: {  	[smem:$0x591] =	sst s3  }
0x319: {  	s21 =	sadd.s32 s15, s21;
	s3 =	sld [smem:$0x550]  }
0x31a: {  	[smem:$0x608] =	sst s21;
	s23 =	sadd.s32 s14, s23  }
0x31b: {  	[smem:$0x60A] =	sst s23  }
0x31c: {  	s1 =	sadd.s32 s3, s1;
	s3 =	sld [smem:$0x552]  }
0x31d: {  	[smem:$0x604] =	sst s1  }
0x31e: {  	s10 =	sadd.s32 s10, s12;
	(v2sf) =	vpush v10, $0xF;
	s0 =	sshra.s32 s0, $0x1F;
	s1 =	sld [smem:$0x551]  }
0x31f: {  	[smem:$0x60C] =	sst s10;
	s14 =	sadd.s32 s24, s8;
	s0 =	smul.u32 $0x431BE2E9, s0  }
0x320: {  	[smem:$0x60D] =	sst s14  }
0x321: {  	[smem:$0x592] =	sst s0;
	s0 =	spop (v2sf);
	s1 =	sadd.s32 s3, s1  }
0x322: {  	s3 =	smulhi.u32 $0x431BE2E9, s0;
	[smem:$0x607] =	sst s1  }
0x323: {  	s1 =	sld [smem:$0x553]  }
0x324: {  	[smem:$0x593] =	sst s3  }
0x325: {  	s19 =	sadd.s32 s28, s9;
	(v2sf) =	vpush v10, $0x9;
	s3 =	sld [smem:$0x554]  }
0x326: {  	[smem:$0x611] =	sst s19;
	s24 =	sadd.s32 s6, s31;
	(v2sf) =	vpush v10, $0x8  }
0x327: {  	[smem:$0x614] =	sst s24  }
0x328: {  	s1 =	sadd.s32 s3, s1;
	s3 =	sld [smem:$0x556]  }
0x329: {  	(v2sf) =	vpush v10, $0xA;
	[smem:$0x605] =	sst s1  }
0x32a: {  	s0 =	sshra.s32 s0, $0x1F;
	s1 =	sld [smem:$0x555]  }
0x32b: {  	s28 =	sld [smem:$0x55A];
	(v2sf) =	vpush v10, $0xB;
	s0 =	smul.u32 $0x431BE2E9, s0  }
0x32c: {  	s31 =	sld [smem:$0x55C]  }
0x32d: {  	[smem:$0x594] =	sst s0;
	s0 =	spop (v2sf);
	s1 =	sadd.s32 s3, s1  }
0x32e: {  	(v2sf) =	vpush v10, $0x0;
	s3 =	smulhi.u32 $0x431BE2E9, s0;
	[smem:$0x609] =	sst s1  }
0x32f: {  	s1 =	sld [smem:$0x557]  }
0x330: {  	s0 =	sshra.s32 s0, $0x1F;
	[smem:$0x595] =	sst s3  }
0x331: {  	(v2sf) =	vpush v10, $0x1;
	s0 =	smul.u32 $0x431BE2E9, s0;
	s3 =	sld [smem:$0x558]  }
0x332: {  	s14 =	sld [smem:$0x55F]  }
0x333: {  	[smem:$0x596] =	sst s0  }
0x334: {  	(v2sf) =	vpush v10, $0x2;
	s0 =	spop (v2sf);
	s1 =	sadd.s32 s3, s1;
	s3 =	sadd.s32 s18, s16  }
0x335: {  	s16 =	smulhi.u32 $0x431BE2E9, s0;
	s0 =	sshra.s32 s0, $0x1F;
	s18 =	spop (v2sf)  }
0x336: {  	[smem:$0x60B] =	sst s1;
	s17 =	smul.u32 $0x431BE2E9, s0  }
0x337: {  	(v2sf) =	vpush v10, $0x3;
	[smem:$0x600] =	sst s3;
	s20 =	smulhi.u32 $0x431BE2E9, s18;
	s0 =	sshra.s32 s18, $0x1F  }
0x338: {  	s22 =	spop (v2sf);
	s15 =	smul.u32 $0x431BE2E9, s0  }
0x339: {  	[smem:$0x597] =	sst s16;
	s3 =	smulhi.u32 $0x431BE2E9, s22  }
0x33a: {  	(v2sf) =	vpush v10, $0x4;
	s0 =	sshra.s32 s22, $0x1F;
	s12 =	spop (v2sf);
	s22 =	sld [smem:$0x559]  }
0x33b: {  	s16 =	sadd.s32 s25, s7;
	[smem:$0x598] =	sst s20;
	s10 =	smul.u32 $0x431BE2E9, s0  }
0x33c: {  	s8 =	smulhi.u32 $0x431BE2E9, s12;
	[smem:$0x5FE] =	sst s16  }
0x33d: {  	s0 =	sshra.s32 s12, $0x1F;
	s18 =	spop (v2sf);
	s12 =	sld [smem:$0x55E]  }
0x33e: {  	v53 =	vld [tilespmem:$0xD0];
	s20 =	sadd.s32 s29, s26;
	[smem:$0x599] =	sst s3;
	s7 =	smul.u32 $0x431BE2E9, s0  }
0x33f: {  	v54 =	vld [tilespmem:$0xCF];
	s26 =	sadd.s32 s13, s11;
	s9 =	smulhi.u32 $0x431BE2E9, s18;
	[smem:$0x610] =	sst s20  }
0x340: {  	s0 =	sshra.s32 s18, $0x1F;
	s21 =	spop (v2sf);
	[smem:$0x617] =	sst s26  }
0x341: {  	s3 =	sld [smem:$0x55D];
	s0 =	smul.u32 $0x431BE2E9, s0  }
0x342: {  	s1 =	sadd.s32 s22, s30;
	s23 =	smulhi.u32 $0x431BE2E9, s21;
	s30 =	sld [smem:$0x55B]  }
0x343: {  	s25 =	spop (v2sf);
	[smem:$0x59A] =	sst s0;
	s0 =	sshra.s32 s21, $0x1F  }
0x344: {  	v12 =	vmul.u32 $0x6A37, v54;
	v11 =	vmul.u32 $0x8DD9, v53;
	(v2sf) =	vpush v10, $0x5;
	[smem:$0x613] =	sst s1;
	s6 =	smul.u32 $0x431BE2E9, s0;
	s0 =	sshra.s32 s25, $0x1F  }
0x345: {  	(v2sf) =	vpush v10, $0x6;
	s1 =	sadd.s32 s28, s5;
	[smem:$0x59B] =	sst s23;
	s0 =	smul.u32 $0x431BE2E9, s0  }
0x346: {  	v11 =	vxor.u32 v11, v12;
	(v2sf) =	vpush v10, $0x7;
	s29 =	spop (v2sf);
	[smem:$0x616] =	sst s1  }
0x347: {  	(v2sf) =	vpush v11, $0xD;
	s1 =	sadd.s32 s31, s30;
	[smem:$0x59C] =	sst s0;
	s0 =	sshra.s32 s29, $0x1F  }
0x348: {  	(v2sf) =	vpush v11, $0xC;
	[smem:$0x619] =	sst s1;
	s1 =	sadd.s32 s12, s3;
	s0 =	smul.u32 $0x431BE2E9, s0  }
0x349: {  	(v2sf) =	vpush v11, $0xE;
	[smem:$0x61B] =	sst s1;
	s13 =	spop (v2sf)  }
0x34a: {  	(v2sf) =	vpush v11, $0xF;
	[smem:$0x59D] =	sst s0;
	s18 =	smulhi.u32 $0x431BE2E9, s13  }
0x34b: {  	s16 =	sld [smem:$0x560]  }
0x34c: {  	[smem:$0x59E] =	sst s18  }
0x34d: {  	s19 =	sld [smem:$0x561]  }
0x34e: {  	s20 =	sld [smem:$0x562]  }
0x34f: {  	s22 =	sld [smem:$0x563]  }
0x350: {  	s23 =	sld [smem:$0x564]  }
0x351: {  	s11 =	smulhi.u32 $0x431BE2E9, s25;
	s25 =	sld [smem:$0x565]  }
0x352: {  	s26 =	sld [smem:$0x566]  }
0x353: {  	s5 =	smulhi.u32 $0x431BE2E9, s29;
	s0 =	sshra.s32 s13, $0x1F;
	s29 =	sld [smem:$0x567]  }
0x354: {  	s0 =	smul.u32 $0x431BE2E9, s0;
	s30 =	sld [smem:$0x568]  }
0x355: {  	s21 =	spop (v2sf);
	s3 =	sld [smem:$0x569]  }
0x356: {  	s24 =	smulhi.u32 $0x431BE2E9, s21;
	s12 =	sld [smem:$0x56A]  }
0x357: {  	[smem:$0x59F] =	sst s0  }
0x358: {  	[smem:$0x5A0] =	sst s24  }
0x359: {  	s28 =	spop (v2sf);
	s1 =	sadd.s32 s16, s14;
	s14 =	sld [smem:$0x56B]  }
0x35a: {  	s31 =	smulhi.u32 $0x431BE2E9, s28;
	s16 =	sld [smem:$0x56C]  }
0x35b: {  	[smem:$0x60F] =	sst s1  }
0x35c: {  	s0 =	sshra.s32 s21, $0x1F;
	[smem:$0x5A2] =	sst s31  }
0x35d: {  	s13 =	spop (v2sf);
	s1 =	sadd.s32 s20, s19;
	s19 =	sld [smem:$0x56D]  }
0x35e: {  	s0 =	smul.u32 $0x431BE2E9, s0;
	s20 =	sld [smem:$0x56E]  }
0x35f: {  	s18 =	smulhi.u32 $0x431BE2E9, s13;
	[smem:$0x612] =	sst s1  }
0x360: {  	[smem:$0x5A1] =	sst s0  }
0x361: {  	[smem:$0x5A4] =	sst s18  }
0x362: {  	s21 =	spop (v2sf);
	s1 =	sadd.s32 s23, s22;
	s22 =	sld [smem:$0x56F]  }
0x363: {  	s24 =	smulhi.u32 $0x431BE2E9, s21;
	s23 =	sld [smem:$0x570]  }
0x364: {  	[smem:$0x615] =	sst s1  }
0x365: {  	[smem:$0x5A6] =	sst s24  }
0x366: {  	s1 =	sadd.s32 s26, s25;
	s25 =	sld [smem:$0x571]  }
0x367: {  	s26 =	sld [smem:$0x572]  }
0x368: {  	s0 =	sshra.s32 s28, $0x1F;
	[smem:$0x618] =	sst s1  }
0x369: {  	s28 =	spop (v2sf);
	s1 =	sadd.s32 s30, s29;
	s29 =	sld [smem:$0x573]  }
0x36a: {  	s0 =	smul.u32 $0x431BE2E9, s0;
	s30 =	sld [smem:$0x574]  }
0x36b: {  	s31 =	smulhi.u32 $0x431BE2E9, s28;
	[smem:$0x61A] =	sst s1  }
0x36c: {  	[smem:$0x5A3] =	sst s0  }
0x36d: {  	[smem:$0x5A8] =	sst s31  }
0x36e: {  	s1 =	sadd.s32 s12, s3;
	s3 =	sld [smem:$0x575]  }
0x36f: {  	s12 =	sld [smem:$0x576]  }
0x370: {  	s31 =	sld [smem:$0x580]  }
0x371: {  	[smem:$0x61C] =	sst s1  }
0x372: {  	s1 =	sadd.s32 s16, s14;
	s14 =	sld [smem:$0x577]  }
0x373: {  	s16 =	sld [smem:$0x578]  }
0x374: {  	s0 =	sshra.s32 s13, $0x1F;
	[smem:$0x61D] =	sst s1  }
0x375: {  	s13 =	spop (v2sf);
	s1 =	sadd.s32 s20, s19;
	s19 =	sld [smem:$0x579]  }
0x376: {  	s0 =	smul.u32 $0x431BE2E9, s0;
	s20 =	sld [smem:$0x57A]  }
0x377: {  	s18 =	smulhi.u32 $0x431BE2E9, s13;
	[smem:$0x60E] =	sst s1  }
0x378: {  	[smem:$0x5A5] =	sst s0  }
0x379: {  	[smem:$0x5AA] =	sst s18  }
0x37a: {  	s1 =	sadd.s32 s23, s22;
	s22 =	sld [smem:$0x57B]  }
0x37b: {  	s23 =	sld [smem:$0x57C]  }
0x37c: {  	s18 =	sld [smem:$0x583]  }
0x37d: {  	[smem:$0x61F] =	sst s1  }
0x37e: {  	s1 =	sadd.s32 s26, s25;
	s25 =	sld [smem:$0x57D]  }
0x37f: {  	s0 =	sshra.s32 s21, $0x1F;
	s26 =	sld [smem:$0x57E]  }
0x380: {  	(v2sf) =	vpush v11, $0x9;
	s0 =	smul.u32 $0x431BE2E9, s0;
	[smem:$0x621] =	sst s1  }
0x381: {  	s21 =	spop (v2sf);
	s1 =	sadd.s32 s30, s29;
	s29 =	sld [smem:$0x57F]  }
0x382: {  	s24 =	smulhi.u32 $0x431BE2E9, s21;
	[smem:$0x5A7] =	sst s0  }
0x383: {  	[smem:$0x622] =	sst s1  }
0x384: {  	[smem:$0x5AB] =	sst s24  }
0x385: {  	s1 =	sadd.s32 s12, s3;
	s3 =	sadd.s32 s7, s8;
	s8 =	sld [smem:$0x59A]  }
0x386: {  	[smem:$0x624] =	sst s1  }
0x387: {  	s1 =	sadd.s32 s16, s14;
	s14 =	sld [smem:$0x582]  }
0x388: {  	[smem:$0x63B] =	sst s3  }
0x389: {  	s3 =	sld [smem:$0x59D]  }
0x38a: {  	s0 =	sshra.s32 s28, $0x1F;
	[smem:$0x628] =	sst s1  }
0x38b: {  	s0 =	smul.u32 $0x431BE2E9, s0;
	s1 =	sadd.s32 s20, s19;
	s19 =	sld [smem:$0x584]  }
0x38c: {  	(v2sf) =	vpush v11, $0x8;
	s20 =	sld [smem:$0x585]  }
0x38d: {  	(v2sf) =	vpush v11, $0xA;
	[smem:$0x5A9] =	sst s0  }
0x38e: {  	[smem:$0x626] =	sst s1  }
0x38f: {  	s28 =	spop (v2sf);
	s0 =	sshra.s32 s13, $0x1F;
	s13 =	sld [smem:$0x581]  }
0x390: {  	s12 =	smulhi.u32 $0x431BE2E9, s28;
	s1 =	sadd.s32 s23, s22;
	s23 =	sld [smem:$0x587]  }
0x391: {  	(v2sf) =	vpush v11, $0xB;
	[smem:$0x62A] =	sst s1  }
0x392: {  	[smem:$0x5AD] =	sst s12  }
0x393: {  	s30 =	smul.u32 $0x431BE2E9, s0;
	s0 =	sshra.s32 s21, $0x1F;
	s21 =	sld [smem:$0x586]  }
0x394: {  	s1 =	sadd.s32 s26, s25;
	s25 =	sld [smem:$0x588]  }
0x395: {  	[smem:$0x62C] =	sst s1  }
0x396: {  	(v2sf) =	vpush v11, $0x0;
	s1 =	sadd.s32 s31, s29;
	s29 =	sld [smem:$0x589]  }
0x397: {  	s31 =	sld [smem:$0x58A]  }
0x398: {  	[smem:$0x620] =	sst s1  }
0x399: {  	s0 =	smul.u32 $0x431BE2E9, s0;
	s1 =	sadd.s32 s14, s13;
	s13 =	sld [smem:$0x58B]  }
0x39a: {  	s14 =	sld [smem:$0x58C]  }
0x39b: {  	s16 =	spop (v2sf);
	[smem:$0x5AC] =	sst s0  }
0x39c: {  	s22 =	spop (v2sf);
	s0 =	sshra.s32 s28, $0x1F;
	[smem:$0x623] =	sst s1  }
0x39d: {  	s1 =	sadd.s32 s19, s18;
	s28 =	smulhi.u32 $0x431BE2E9, s16;
	s18 =	sld [smem:$0x58E]  }
0x39e: {  	s26 =	smul.u32 $0x431BE2E9, s0;
	[smem:$0x625] =	sst s1  }
0x39f: {  	(v2sf) =	vpush v11, $0x1;
	s0 =	sshra.s32 s16, $0x1F;
	s1 =	sadd.s32 s21, s20;
	s16 =	sld [smem:$0x58D]  }
0x3a0: {  	s12 =	spop (v2sf);
	[smem:$0x627] =	sst s1;
	s1 =	sadd.s32 s25, s23  }
0x3a1: {  	s24 =	smul.u32 $0x431BE2E9, s0;
	[smem:$0x629] =	sst s1  }
0x3a2: {  	(v2sf) =	vpush v11, $0x2;
	s25 =	smulhi.u32 $0x431BE2E9, s22;
	s1 =	sadd.s32 s31, s29;
	s29 =	sld [smem:$0x58F]  }
0x3a3: {  	s0 =	sshra.s32 s22, $0x1F;
	s22 =	smulhi.u32 $0x431BE2E9, s12;
	s31 =	sld [smem:$0x590]  }
0x3a4: {  	(v2sf) =	vpush v11, $0x3;
	s23 =	smul.u32 $0x431BE2E9, s0;
	s0 =	sshra.s32 s12, $0x1F;
	s12 =	sld [smem:$0x591]  }
0x3a5: {  	s19 =	spop (v2sf);
	[smem:$0x62B] =	sst s1  }
0x3a6: {  	(v2sf) =	vpush v11, $0x4;
	s20 =	smulhi.u32 $0x431BE2E9, s19;
	s1 =	sadd.s32 s14, s13;
	s13 =	sld [smem:$0x592]  }
0x3a7: {  	s21 =	smul.u32 $0x431BE2E9, s0;
	s0 =	sshra.s32 s19, $0x1F;
	s19 =	sld [smem:$0x594]  }
0x3a8: {  	[smem:$0x62D] =	sst s1  }
0x3a9: {  	s1 =	sadd.s32 s18, s16;
	s16 =	sld [smem:$0x593]  }
0x3aa: {  	[smem:$0x61E] =	sst s1  }
0x3ab: {  	s1 =	sadd.s32 s31, s29;
	s29 =	sld [smem:$0x595]  }
0x3ac: {  	(v2sf) =	vpush v11, $0x5;
	s31 =	sld [smem:$0x596]  }
0x3ad: {  	[smem:$0x62E] =	sst s1  }
0x3ae: {  	s14 =	spop (v2sf);
	s1 =	sadd.s32 s13, s12;
	s13 =	sld [smem:$0x597]  }
0x3af: {  	s18 =	smul.u32 $0x431BE2E9, s0;
	s0 =	sshra.s32 s14, $0x1F;
	[smem:$0x630] =	sst s1  }
0x3b0: {  	s1 =	sadd.s32 s19, s16;
	s19 =	smulhi.u32 $0x431BE2E9, s14;
	s14 =	sld [smem:$0x598]  }
0x3b1: {  	(v2sf) =	vpush v11, $0x6;
	s12 =	spop (v2sf);
	[smem:$0x632] =	sst s1  }
0x3b2: {  	s16 =	smul.u32 $0x431BE2E9, s0;
	s1 =	sadd.s32 s31, s29;
	s31 =	sld [smem:$0x599]  }
0x3b3: {  	(v2sf) =	vpush v11, $0x7;
	s29 =	spop (v2sf);
	[smem:$0x633] =	sst s1;
	s1 =	sadd.s32 s17, s13  }
0x3b4: {  	s17 =	smulhi.u32 $0x431BE2E9, s12;
	[smem:$0x637] =	sst s1;
	s1 =	sadd.s32 s15, s14  }
0x3b5: {  	s0 =	sshra.s32 s12, $0x1F;
	s7 =	spop (v2sf);
	[smem:$0x635] =	sst s1  }
0x3b6: {  	s14 =	smul.u32 $0x431BE2E9, s0;
	s1 =	sadd.s32 s10, s31;
	s10 =	sld [smem:$0x59B]  }
0x3b7: {  	s0 =	sshra.s32 s29, $0x1F;
	s13 =	smulhi.u32 $0x431BE2E9, s7;
	s31 =	sld [smem:$0x59C]  }
0x3b8: {  	s12 =	smul.u32 $0x431BE2E9, s0;
	s0 =	sshra.s32 s7, $0x1F;
	s7 =	sld [smem:$0x59E]  }
0x3b9: {  	[smem:$0x639] =	sst s1  }
0x3ba: {  	s15 =	smulhi.u32 $0x431BE2E9, s29;
	s1 =	sadd.s32 s8, s9;
	s8 =	sld [smem:$0x59F]  }
0x3bb: {  	s29 =	spop (v2sf);
	[smem:$0x631] =	sst s1;
	s1 =	sadd.s32 s6, s10  }
0x3bc: {  	s10 =	smul.u32 $0x431BE2E9, s0;
	s0 =	sshra.s32 s29, $0x1F;
	[smem:$0x634] =	sst s1  }
0x3bd: {  	v55 =	vld [tilespmem:$0xE0];
	s1 =	sadd.s32 s31, s11;
	s11 =	smulhi.u32 $0x431BE2E9, s29;
	s29 =	sld [smem:$0x5A0]  }
0x3be: {  	v56 =	vld [tilespmem:$0xDF];
	s31 =	sld [smem:$0x5A1]  }
0x3bf: {  	[smem:$0x636] =	sst s1  }
0x3c0: {  	s6 =	spop (v2sf);
	s1 =	sadd.s32 s3, s5;
	s3 =	sld [smem:$0x5A4]  }
0x3c1: {  	s9 =	smul.u32 $0x431BE2E9, s0;
	[smem:$0x638] =	sst s1;
	s1 =	sadd.s32 s8, s7  }
0x3c2: {  	s0 =	sshra.s32 s6, $0x1F;
	s5 =	spop (v2sf);
	[smem:$0x63A] =	sst s1  }
0x3c3: {  	v12 =	vmul.u32 $0x8DD9, v55;
	v13 =	vmul.u32 $0x6A37, v56;
	s8 =	smulhi.u32 $0x431BE2E9, s6;
	s1 =	sadd.s32 s31, s29;
	s29 =	sld [smem:$0x5A2]  }
0x3c4: {  	s7 =	smul.u32 $0x431BE2E9, s0;
	s31 =	sld [smem:$0x5A3]  }
0x3c5: {  	v12 =	vxor.u32 v12, v13;
	s6 =	smulhi.u32 $0x431BE2E9, s5;
	s0 =	sshra.s32 s5, $0x1F;
	s5 =	sld [smem:$0x5A5]  }
0x3c6: {  	(v2sf) =	vpush v12, $0xD;
	[smem:$0x63C] =	sst s1  }
0x3c7: {  	s1 =	sadd.s32 s31, s29;
	s29 =	sld [smem:$0x5A6]  }
0x3c8: {  	s31 =	sld [smem:$0x5A7]  }
0x3c9: {  	(v2sf) =	vpush v12, $0xC;
	[smem:$0x63D] =	sst s1;
	s1 =	sadd.s32 s5, s3  }
0x3ca: {  	[smem:$0x62F] =	sst s1  }
0x3cb: {  	(v2sf) =	vpush v12, $0xE;
	s1 =	sadd.s32 s31, s29;
	s29 =	sld [smem:$0x5A9]  }
0x3cc: {  	[smem:$0x63E] =	sst s1  }
0x3cd: {  	(v2sf) =	vpush v12, $0xF;
	s1 =	sld [smem:$0x5A8]  }
0x3ce: {  	s23 =	sadd.s32 s23, s25  }
0x3cf: {  	[smem:$0x644] =	sst s23  }
0x3d0: {  	s21 =	sadd.s32 s21, s22;
	(v2sf) =	vpush v12, $0x9;
	s1 =	sadd.s32 s29, s1;
	s29 =	sld [smem:$0x5AA]  }
0x3d1: {  	[smem:$0x645] =	sst s21;
	s16 =	sadd.s32 s16, s19  }
0x3d2: {  	(v2sf) =	vpush v12, $0x8;
	[smem:$0x643] =	sst s16  }
0x3d3: {  	s31 =	sadd.s32 s30, s29;
	s30 =	sld [smem:$0x5AB]  }
0x3d4: {  	(v2sf) =	vpush v12, $0xA;
	s29 =	sld [smem:$0x5AC]  }
0x3d5: {  	(v2sf) =	vpush v12, $0xB;
	s5 =	smul.u32 $0x431BE2E9, s0;
	s0 =	spop (v2sf)  }
0x3d6: {  	s3 =	smulhi.u32 $0x431BE2E9, s0;
	[smem:$0x63F] =	sst s1  }
0x3d7: {  	s0 =	sshra.s32 s0, $0x1F;
	s30 =	sadd.s32 s29, s30;
	s29 =	sld [smem:$0x5AD]  }
0x3d8: {  	s10 =	sadd.s32 s10, s13;
	(v2sf) =	vpush v12, $0x0;
	s1 =	smul.u32 $0x431BE2E9, s0;
	s0 =	spop (v2sf)  }
0x3d9: {  	(v2sf) =	vpush v12, $0x1;
	[smem:$0x640] =	sst s31;
	s31 =	smulhi.u32 $0x431BE2E9, s0;
	s0 =	sshra.s32 s0, $0x1F  }
0x3da: {  	[smem:$0x641] =	sst s30;
	s30 =	spop (v2sf);
	s26 =	sadd.s32 s26, s29  }
0x3db: {  	(v2sf) =	vpush v12, $0x2;
	s29 =	sshra.s32 s30, $0x1F;
	[smem:$0x642] =	sst s26;
	s26 =	smulhi.u32 $0x431BE2E9, s30  }
0x3dc: {  	s30 =	sadd.s32 s24, s28;
	s24 =	smul.u32 $0x431BE2E9, s29;
	s29 =	spop (v2sf);
	(v2sf) =	vpush v12, $0x3  }
0x3dd: {  	[smem:$0x646] =	sst s10;
	s1 =	sadd.s32 s1, s3;
	s0 =	smul.u32 $0x431BE2E9, s0  }
0x3de: {  	[smem:$0x647] =	sst s1;
	s23 =	smulhi.u32 $0x431BE2E9, s29;
	s29 =	sshra.s32 s29, $0x1F  }
0x3df: {  	s28 =	spop (v2sf);
	s21 =	smul.u32 $0x431BE2E9, s29  }
0x3e0: {  	s29 =	sadd.s32 s18, s20;
	s18 =	smulhi.u32 $0x431BE2E9, s28;
	s22 =	sshra.s32 s28, $0x1F  }
0x3e1: {  	s19 =	sadd.s32 s12, s15;
	s25 =	spop (v2sf);
	s16 =	smul.u32 $0x431BE2E9, s22  }
0x3e2: {  	s22 =	sadd.s32 s14, s17;
	s14 =	smulhi.u32 $0x431BE2E9, s25;
	s28 =	sshra.s32 s25, $0x1F  }
0x3e3: {  	s15 =	sadd.s32 s9, s11;
	s17 =	spop (v2sf);
	s12 =	smul.u32 $0x431BE2E9, s28  }
0x3e4: {  	s10 =	smulhi.u32 $0x431BE2E9, s17;
	s20 =	sshra.s32 s17, $0x1F;
	s25 =	spop (v2sf)  }
0x3e5: {  	s17 =	sadd.s32 s5, s6;
	s21 =	sadd.s32 s21, s23;
	s9 =	smul.u32 $0x431BE2E9, s20  }
0x3e6: {  	(v2sf) =	vpush v12, $0x4;
	s20 =	sadd.s32 s7, s8;
	s7 =	smulhi.u32 $0x431BE2E9, s25;
	s28 =	sshra.s32 s25, $0x1F  }
0x3e7: {  	s11 =	spop (v2sf);
	s23 =	sadd.s32 s16, s18;
	s5 =	smul.u32 $0x431BE2E9, s28  }
0x3e8: {  	s1 =	smulhi.u32 $0x431BE2E9, s11;
	s13 =	sshra.s32 s11, $0x1F;
	s8 =	spop (v2sf)  }
0x3e9: {  	s11 =	sadd.s32 s24, s26;
	[smem:$0x649] =	sst s23;
	s25 =	smul.u32 $0x431BE2E9, s13  }
0x3ea: {  	s26 =	sadd.s32 s12, s14;
	s6 =	smulhi.u32 $0x431BE2E9, s8;
	s13 =	spop (v2sf)  }
0x3eb: {  	s3 =	sshra.s32 s8, $0x1F;
	s24 =	smulhi.u32 $0x431BE2E9, s13;
	s28 =	spop (v2sf)  }
0x3ec: {  	s8 =	sshra.s32 s13, $0x1F;
	s13 =	smulhi.u32 $0x431BE2E9, s28;
	s14 =	sshra.s32 s28, $0x1F  }
0x3ed: {  	s12 =	sld [smem:$0x5AF];
	s16 =	smul.u32 $0x431BE2E9, s14  }
0x3ee: {  	[smem:$0x648] =	sst s11;
	s8 =	smul.u32 $0x431BE2E9, s8  }
0x3ef: {  	s31 =	sadd.s32 s0, s31;
	s0 =	sadd.s32 s16, s13;
	s16 =	sld [smem:$0x5AE]  }
0x3f0: {  	s5 =	sadd.s32 s5, s7;
	s23 =	sadd.s32 s8, s24;
	s8 =	sld [smem:$0x5B0]  }
0x3f1: {  	[smem:$0x64A] =	sst s5;
	s7 =	sshrl.u32 s12, $0x1F  }
0x3f2: {  	s18 =	sadd.s32 s9, s10;
	v59 =	vmov s7;
	s7 =	sld [smem:$0x5B6];
	s5 =	sshra.s32 s16, $0x1F  }
0x3f3: {  	s3 =	smul.u32 $0x431BE2E9, s3;
	[smem:$0x64B] =	sst s23;
	s9 =	sshra.s32 s8, $0x12;
	v57 =	vmov s5  }
0x3f4: {  	v13 =	vsel vm5, s9, v57;
	s9 =	sld [smem:$0x5B1]  }
0x3f5: {  	s28 =	sadd.s32 s3, s6;
	s24 =	spop (v2sf);
	s23 =	sld [smem:$0x5B3]  }
0x3f6: {  	s3 =	smulhi.u32 $0x431BE2E9, s24;
	s11 =	sshra.s32 s8, $0x1F;
	[smem:$0x64C] =	sst s0  }
0x3f7: {  	s6 =	sshra.s32 s24, $0x1F;
	v13 =	vsel vm12, s11, v13;
	s11 =	sld [smem:$0x5B5];
	s10 =	sshrl.u32 s9, $0x1F  }
0x3f8: {  	s13 =	sshrl.u32 s8, $0x1F;
	s0 =	smul.u32 $0x431BE2E9, s6;
	v14 =	vsel vm1, s10, v59;
	s10 =	sld [smem:$0x5B2]  }
0x3f9: {  	s8 =	sld [smem:$0x5B4];
	s24 =	sshra.s32 s23, $0x12;
	v60 =	vmov s13;
	s13 =	sshra.s32 s7, $0x12  }
0x3fa: {  	s0 =	sadd.s32 s0, s3;
	s3 =	sshra.s32 s23, $0x1F;
	s6 =	sshrl.u32 s11, $0x1F  }
0x3fb: {  	s5 =	sshrl.u32 s23, $0x1F;
	v13 =	vsel vm1, s24, v13;
	v62 =	vmov s6;
	s6 =	sld [smem:$0x5B7];
	s14 =	sshrl.u32 s10, $0x1F  }
0x3fc: {  	s23 =	sshra.s32 s7, $0x1F;
	v13 =	vsel vm13, s3, v13;
	v14 =	vsel vm2, s14, v14;
	s14 =	sshrl.u32 s7, $0x1F;
	s7 =	sld [smem:$0x5B8]  }
0x3fd: {  	v13 =	vsel vm2, s13, v13;
	s13 =	sld [smem:$0x5B9]  }
0x3fe: {  	s25 =	sadd.s32 s25, s1;
	v61 =	vnsel vm5, $0x0, v60;
	s1 =	sshrl.u32 s8, $0x1F;
	s24 =	sshrl.u32 s6, $0x1F  }
0x3ff: {  	v0 =	vsel vm3, s1, v14;
	v14 =	vsel vm1, s5, v61;
	v15 =	vsel vm1, s24, v62;
	s5 =	sshrl.u32 s7, $0x1F  }
0x400: {  	v14 =	vsel vm2, s14, v14;
	s14 =	sshrl.u32 s13, $0x1F;
	v15 =	vsel vm2, s5, v15;
	s5 =	sld [smem:$0x5BA]  }
0x401: {  	v14 =	vsel vm3, s14, v14;
	s14 =	sld [smem:$0x5BB]  }
0x402: {  	v13 =	vsel vm4, s23, v13;
	s23 =	sshra.s32 s13, $0x12  }
0x403: {  	v13 =	vsel vm3, s23, v13;
	s24 =	sshra.s32 s13, $0x1F;
	s13 =	sshrl.u32 s5, $0x1F  }
0x404: {  	v13 =	vsel vm15, s24, v13;
	s24 =	sshra.s32 s12, $0x12;
	s12 =	sshra.s32 s14, $0x12;
	v27 =	vsel vm3, s13, v15;
	s13 =	sld [smem:$0x5BC]  }
0x405: {  	v13 =	vsel vm6, s12, v13;
	s12 =	sld [smem:$0x5BD]  }
0x406: {  	vm9 =	vmmov vm4;
	s23 =	sshrl.u32 s14, $0x1F  }
0x407: {  	vm14 =	vmmov vm5;
	vm5 =	vmmov vm11;
	v14 =	vsel vm6, s23, v14;
	s3 =	sshrl.u32 s13, $0x1F  }
0x408: {  	vm4 =	vcmask $0x2724;
	v63 =	vmov s24;
	s24 =	sshra.s32 s14, $0x1F;
	s23 =	sshra.s32 s9, $0x12;
	s9 =	sshrl.u32 s12, $0x1F;
	v14 =	vsel vm7, s3, v14  }
0x409: {  	s1 =	sshra.s32 s8, $0x12;
	v15 =	vsel vm1, s23, v63;
	v13 =	vsel vm4, s24, v13;
	s23 =	sshrl.u32 s16, $0x1F;
	s24 =	sshra.s32 s13, $0x12;
	v14 =	vsel vm8, s9, v14  }
0x40a: {  	s14 =	sshra.s32 s10, $0x12;
	s10 =	sshra.s32 s6, $0x12;
	s8 =	sshra.s32 s13, $0x1F;
	v13 =	vsel vm7, s24, v13;
	v38 =	vsel vm11, s23, v14;
	vm11 =	vcmask $0x2F2C  }
0x40b: {  	s6 =	sld [smem:$0x5C2];
	s3 =	sshra.s32 s11, $0x12;
	s11 =	sshra.s32 s12, $0x12;
	v13 =	vsel vm11, s8, v13  }
0x40c: {  	s9 =	smov.u32 s16;
	v17 =	vmov s3;
	s16 =	sld [smem:$0x5BE];
	s23 =	sshra.s32 s12, $0x1F;
	v13 =	vsel vm8, s11, v13  }
0x40d: {  	s24 =	sld [smem:$0x5BF];
	v14 =	vsel vm1, s10, v17;
	s10 =	sshra.s32 s9, $0x12;
	v13 =	vsel vm0, s23, v13  }
0x40e: {  	v16 =	vsel vm2, s14, v15;
	s14 =	sshra.s32 s7, $0x12;
	v47 =	vsel vm5, s10, v13;
	s10 =	sld [smem:$0x5C0]  }
0x40f: {  	v14 =	vsel vm2, s14, v14;
	s14 =	sld [smem:$0x5C1];
	s13 =	sshra.s32 s16, $0x1F  }
0x410: {  	s9 =	sld [smem:$0x5C4];
	s7 =	sshra.s32 s24, $0x12;
	s12 =	sshrl.u32 s24, $0x1F;
	v18 =	vmov s13  }
0x411: {  	s11 =	sshra.s32 s24, $0x1F;
	v21 =	vmov s12;
	v15 =	vsel vm14, s7, v18;
	s13 =	sshrl.u32 s10, $0x1F  }
0x412: {  	s8 =	sshra.s32 s5, $0x12;
	s24 =	sshrl.u32 s14, $0x1F;
	s7 =	sshrl.u32 s6, $0x1F;
	v19 =	vsel vm12, s11, v15;
	v15 =	vnsel vm14, $0x0, v21;
	v20 =	vmov s13  }
0x413: {  	v46 =	vsel vm3, s8, v14;
	s12 =	sshrl.u32 s9, $0x1F;
	v15 =	vsel vm1, s24, v15;
	v14 =	vsel vm1, s7, v20;
	s7 =	sld [smem:$0x5C3]  }
0x414: {  	s23 =	sshra.s32 s14, $0x12;
	v22 =	vsel vm2, s12, v15;
	s12 =	sld [smem:$0x5C6]  }
0x415: {  	v45 =	vsel vm3, s1, v16;
	s1 =	sshra.s32 s6, $0x12;
	s5 =	sshra.s32 s14, $0x1F;
	v13 =	vsel vm1, s23, v19;
	s24 =	sld [smem:$0x5C7]  }
0x416: {  	s6 =	sld [smem:$0x5C5];
	s11 =	sshra.s32 s9, $0x12;
	v13 =	vsel vm13, s5, v13;
	s8 =	sshrl.u32 s7, $0x1F  }
0x417: {  	v13 =	vsel vm2, s11, v13;
	s13 =	sshra.s32 s9, $0x1F;
	s23 =	sshrl.u32 s12, $0x1F;
	v14 =	vsel vm2, s8, v14;
	s8 =	sld [smem:$0x5C8]  }
0x418: {  	v13 =	vsel vm9, s13, v13;
	s11 =	sshra.s32 s24, $0x12;
	v23 =	vmov s23;
	s23 =	sld [smem:$0x5C9]  }
0x419: {  	s14 =	sshrl.u32 s6, $0x1F;
	s9 =	sshrl.u32 s24, $0x1F;
	v13 =	vsel vm3, s11, v13;
	s11 =	sld [smem:$0x5CC]  }
0x41a: {  	s13 =	sshra.s32 s24, $0x1F;
	v48 =	vsel vm3, s14, v14;
	v14 =	vsel vm3, s9, v22;
	s9 =	sld [smem:$0x5CA];
	s14 =	sshrl.u32 s8, $0x1F  }
0x41b: {  	v13 =	vsel vm15, s13, v13;
	s13 =	sshra.s32 s23, $0x12;
	v15 =	vsel vm1, s14, v23;
	s14 =	sld [smem:$0x5CB]  }
0x41c: {  	v13 =	vsel vm6, s13, v13;
	s13 =	sld [smem:$0x5CD]  }
0x41d: {  	[smem:$0x64D] =	sst s0;
	s24 =	sshrl.u32 s23, $0x1F  }
0x41e: {  	s10 =	sshra.s32 s10, $0x12;
	v14 =	vsel vm6, s24, v14;
	s3 =	sshrl.u32 s9, $0x1F;
	s5 =	sshrl.u32 s14, $0x1F  }
0x41f: {  	s0 =	sshra.s32 s23, $0x1F;
	s23 =	sshrl.u32 s11, $0x1F;
	v15 =	vsel vm2, s3, v15;
	s24 =	sshrl.u32 s13, $0x1F;
	v14 =	vsel vm7, s5, v14  }
0x420: {  	v24 =	vmov s10;
	s10 =	sshra.s32 s12, $0x12;
	v15 =	vsel vm3, s23, v15;
	s23 =	sshrl.u32 s16, $0x1F;
	s5 =	sshra.s32 s9, $0x12;
	v14 =	vsel vm8, s24, v14  }
0x421: {  	v25 =	vmov s10;
	v13 =	vsel vm4, s0, v13;
	s9 =	sld [smem:$0x5CE];
	s24 =	sshra.s32 s14, $0x12;
	v49 =	vsel vm5, s23, v14;
	s23 =	sshra.s32 s8, $0x12  }
0x422: {  	s7 =	sshra.s32 s7, $0x12;
	[tilespmem:$0x1FDF0] =	vst v15;
	s12 =	sshra.s32 s14, $0x1F;
	v13 =	vsel vm7, s24, v13;
	v14 =	vsel vm1, s1, v24;
	v15 =	vsel vm1, s23, v25;
	s23 =	sld [smem:$0x5CF]  }
0x423: {  	s14 =	sshra.s32 s6, $0x12;
	v13 =	vsel vm11, s12, v13;
	v14 =	vsel vm2, s7, v14;
	s12 =	sld [smem:$0x5D0]  }
0x424: {  	s24 =	sshra.s32 s13, $0x12;
	v14 =	vsel vm3, s14, v14;
	s14 =	sld [smem:$0x5D1]  }
0x425: {  	s6 =	sshra.s32 s11, $0x12;
	s7 =	sshra.s32 s13, $0x1F;
	v13 =	vsel vm8, s24, v13  }
0x426: {  	s8 =	sshra.s32 s16, $0x12;
	v13 =	vsel vm0, s7, v13;
	s11 =	sshra.s32 s23, $0x1F;
	s13 =	sshrl.u32 s12, $0x1F  }
0x427: {  	s10 =	sshrl.u32 s9, $0x1F;
	[tilespmem:$0x1FE00] =	vst v14;
	v13 =	vsel vm5, s8, v13;
	v28 =	vmov s11;
	s24 =	sshra.s32 s14, $0x12;
	v30 =	vmov s13  }
0x428: {  	[tilespmem:$0x1FE10] =	vst v13;
	s8 =	sshra.s32 s14, $0x1F;
	v13 =	vsel vm14, s24, v28;
	v14 =	vsel vm1, s10, v30;
	s10 =	sld [smem:$0x5D3]  }
0x429: {  	s0 =	sshra.s32 s9, $0x12;
	v13 =	vsel vm12, s8, v13;
	s8 =	sld [smem:$0x5D2]  }
0x42a: {  	s7 =	sld [smem:$0x5D4];
	s3 =	sshra.s32 s12, $0x12;
	s16 =	sshrl.u32 s14, $0x1F  }
0x42b: {  	v31 =	vmov s16;
	s16 =	sld [smem:$0x5D5];
	s11 =	sshrl.u32 s10, $0x1F;
	s12 =	sshra.s32 s10, $0x12  }
0x42c: {  	s13 =	sshra.s32 s10, $0x1F;
	s10 =	sld [smem:$0x5D6];
	s9 =	sshrl.u32 s8, $0x1F  }
0x42d: {  	v14 =	vsel vm2, s9, v14;
	s9 =	sld [smem:$0x5D8]  }
0x42e: {  	v26 =	vsel vm2, s5, v15;
	s14 =	sshrl.u32 s7, $0x1F;
	v15 =	vnsel vm14, $0x0, v31;
	s24 =	sshrl.u32 s16, $0x1F  }
0x42f: {  	v15 =	vsel vm1, s11, v15;
	v13 =	vsel vm1, s12, v13;
	s11 =	sld [smem:$0x5D7];
	s12 =	sshra.s32 s16, $0x12;
	s5 =	sshrl.u32 s10, $0x1F  }
0x430: {  	v13 =	vsel vm13, s13, v13;
	s13 =	sshra.s32 s16, $0x1F;
	s16 =	sld [smem:$0x5D9];
	v50 =	vsel vm3, s14, v14;
	v33 =	vmov s5;
	s14 =	sshrl.u32 s9, $0x1F  }
0x431: {  	v32 =	vsel vm2, s24, v15;
	v15 =	vsel vm1, s14, v33;
	s14 =	sld [smem:$0x5DB]  }
0x432: {  	v29 =	vsel vm3, s6, v26;
	s6 =	sshrl.u32 s11, $0x1F  }
0x433: {  	vm10 =	vcmask $0x1714;
	v13 =	vsel vm2, s12, v13;
	v14 =	vsel vm3, s6, v32;
	s24 =	sshrl.u32 s16, $0x1F  }
0x434: {  	s12 =	sld [smem:$0x5DA];
	v13 =	vsel vm10, s13, v13;
	v14 =	vsel vm6, s24, v14;
	s13 =	sshrl.u32 s14, $0x1F  }
0x435: {  	v14 =	vsel vm7, s13, v14;
	s13 =	sld [smem:$0x5DD]  }
0x436: {  	s1 =	sshra.s32 s11, $0x1F;
	s24 =	sshra.s32 s11, $0x12;
	s11 =	sld [smem:$0x5DC]  }
0x437: {  	_ = 	snop  }
0x438: {  	s6 =	sshrl.u32 s12, $0x1F;
	v13 =	vsel vm3, s24, v13;
	s24 =	sshrl.u32 s13, $0x1F  }
0x439: {  	v15 =	vsel vm2, s6, v15;
	v13 =	vsel vm15, s1, v13;
	s6 =	sshrl.u32 s11, $0x1F;
	v14 =	vsel vm8, s24, v14;
	s24 =	sshra.s32 s8, $0x12;
	s8 =	sshra.s32 s16, $0x12  }
0x43a: {  	s5 =	sshra.s32 s9, $0x12;
	s9 =	sshra.s32 s16, $0x1F;
	v15 =	vsel vm3, s6, v15;
	s6 =	sshrl.u32 s23, $0x1F;
	v13 =	vsel vm6, s8, v13  }
0x43b: {  	vm9 =	vmmov vm5;
	s16 =	sshra.s32 s14, $0x12;
	s8 =	sshra.s32 s14, $0x1F;
	s14 =	sld [smem:$0x5E0];
	v13 =	vsel vm4, s9, v13  }
0x43c: {  	v34 =	vmov s3;
	s3 =	sshra.s32 s7, $0x12;
	s10 =	sshra.s32 s10, $0x12;
	v14 =	vsel vm9, s6, v14;
	v13 =	vsel vm7, s16, v13;
	s16 =	sld [smem:$0x5DE]  }
0x43d: {  	v35 =	vmov s10;
	s10 =	sshra.s32 s13, $0x1F;
	[tilespmem:$0x1FE40] =	vst v14;
	v14 =	vsel vm1, s0, v34;
	s9 =	sshra.s32 s13, $0x12;
	s13 =	sld [smem:$0x5DF]  }
0x43e: {  	s6 =	sshra.s32 s12, $0x12;
	v14 =	vsel vm2, s24, v14;
	s24 =	sshra.s32 s11, $0x12;
	s11 =	sshra.s32 s23, $0x12;
	v13 =	vsel vm11, s8, v13  }
0x43f: {  	v36 =	vsel vm1, s5, v35;
	v14 =	vsel vm3, s3, v14;
	s23 =	sshra.s32 s14, $0x12;
	v13 =	vsel vm8, s9, v13;
	s9 =	sld [smem:$0x5E1];
	s12 =	sshra.s32 s16, $0x1F  }
0x440: {  	[tilespmem:$0x1FE30] =	vst v14;
	v14 =	vsel vm2, s6, v36;
	s6 =	sshrl.u32 s13, $0x1F;
	s0 =	sshra.s32 s13, $0x12;
	s13 =	sld [smem:$0x5E3];
	v13 =	vsel vm0, s10, v13;
	v37 =	vmov s12  }
0x441: {  	s8 =	sshra.s32 s14, $0x1F;
	v13 =	vsel vm9, s11, v13;
	s11 =	sld [smem:$0x5E2];
	v39 =	vsel vm14, s23, v37  }
0x442: {  	(v2sf) =	vpush v12, $0x5;
	v26 =	vsel vm3, s24, v14;
	s10 =	sshrl.u32 s9, $0x1F;
	v14 =	vsel vm12, s8, v39;
	s8 =	sld [smem:$0x5E4]  }
0x443: {  	s24 =	sshrl.u32 s14, $0x1F;
	s3 =	sshra.s32 s9, $0x12;
	v40 =	vmov s10;
	s10 =	sld [smem:$0x5E5]  }
0x444: {  	v41 =	vmov s24;
	s14 =	sshra.s32 s13, $0x12;
	s23 =	sshrl.u32 s13, $0x1F;
	s24 =	sshra.s32 s13, $0x1F;
	v44 =	vmov s3  }
0x445: {  	s12 =	sshrl.u32 s11, $0x1F;
	v14 =	vsel vm1, s14, v14;
	s1 =	sshra.s32 s11, $0x12;
	v51 =	vsel vm1, s0, v44;
	s0 =	sld [smem:$0x5F4]  }
0x446: {  	[tilespmem:$0x1FE50] =	vst v13;
	v13 =	vsel vm1, s6, v40;
	v14 =	vsel vm13, s24, v14;
	s24 =	sld [smem:$0x5E8];
	s9 =	sshrl.u32 s8, $0x1F;
	s11 =	sshra.s32 s10, $0x12  }
0x447: {  	[tilespmem:$0x1FE20] =	vst v15;
	v15 =	vnsel vm14, $0x0, v41;
	v13 =	vsel vm2, s12, v13;
	s12 =	sshrl.u32 s10, $0x1F;
	s13 =	sshra.s32 s10, $0x1F;
	s10 =	sld [smem:$0x5E6]  }
0x448: {  	v42 =	vsel vm1, s23, v15;
	v13 =	vsel vm3, s9, v13;
	v14 =	vsel vm2, s11, v14;
	s9 =	sld [smem:$0x5E9]  }
0x449: {  	[tilespmem:$0x1FE60] =	vst v13;
	v13 =	vsel vm2, s12, v42;
	v14 =	vsel vm10, s13, v14;
	s12 =	sld [smem:$0x5E7];
	s11 =	sshra.s32 s24, $0x12  }
0x44a: {  	s14 =	sshrl.u32 s10, $0x1F;
	v14 =	vsel vm3, s11, v14;
	s11 =	sld [smem:$0x5EB]  }
0x44b: {  	s13 =	sshra.s32 s24, $0x1F;
	v43 =	vmov s14;
	s14 =	sld [smem:$0x5EA]  }
0x44c: {  	s7 =	sshra.s32 s8, $0x12;
	s8 =	sshrl.u32 s24, $0x1F;
	v14 =	vsel vm15, s13, v14;
	s13 =	sld [smem:$0x5EC]  }
0x44d: {  	s23 =	sshrl.u32 s12, $0x1F;
	s5 =	sshra.s32 s12, $0x12;
	s12 =	sld [smem:$0x5ED]  }
0x44e: {  	v13 =	vsel vm3, s8, v13;
	v15 =	vsel vm1, s23, v43;
	s23 =	sshrl.u32 s9, $0x1F;
	s6 =	sshrl.u32 s11, $0x1F;
	s24 =	sshrl.u32 s14, $0x1F  }
0x44f: {  	v15 =	vsel vm2, s23, v15;
	s8 =	sshrl.u32 s13, $0x1F;
	s23 =	sshra.s32 s14, $0x12;
	v13 =	vsel vm6, s24, v13;
	s24 =	sshra.s32 s14, $0x1F  }
0x450: {  	v14 =	vsel vm6, s23, v14;
	s14 =	sshrl.u32 s12, $0x1F;
	s23 =	sshra.s32 s10, $0x12;
	s10 =	sshra.s32 s13, $0x12;
	v13 =	vsel vm7, s8, v13  }
0x451: {  	v28 =	vsel vm3, s6, v15;
	s6 =	sshra.s32 s11, $0x12;
	s11 =	spop (v2sf);
	v14 =	vsel vm4, s24, v14;
	s8 =	sshrl.u32 s16, $0x1F;
	v13 =	vsel vm8, s14, v13  }
0x452: {  	s24 =	sshra.s32 s13, $0x1F;
	v52 =	vmov s23;
	s23 =	sld [smem:$0x5EE];
	v14 =	vsel vm7, s10, v14;
	s14 =	sshra.s32 s9, $0x12;
	v13 =	vsel vm9, s8, v13  }
0x453: {  	s9 =	sshra.s32 s12, $0x12;
	s10 =	sshra.s32 s12, $0x1F;
	v14 =	vsel vm11, s24, v14;
	s24 =	sld [smem:$0x5EF];
	[tilespmem:$0x1FE70] =	vst v13;
	v13 =	vsel vm2, s1, v51  }
0x454: {  	v53 =	vsel vm1, s5, v52;
	s12 =	sshra.s32 s11, $0x1F;
	s1 =	smulhi.u32 $0x431BE2E9, s11;
	s11 =	sld [smem:$0x5F0];
	v13 =	vsel vm3, s7, v13  }
0x455: {  	v14 =	vsel vm8, s9, v14;
	s7 =	sld [smem:$0x5F3];
	[tilespmem:$0x1FE80] =	vst v13;
	v13 =	vsel vm2, s14, v53  }
0x456: {  	v14 =	vsel vm0, s10, v14;
	s14 =	sshra.s32 s16, $0x12;
	v30 =	vsel vm3, s6, v13;
	s6 =	sld [smem:$0x5F1]  }
0x457: {  	s13 =	sshra.s32 s23, $0x1F;
	s16 =	smul.u32 $0x431BE2E9, s12;
	v55 =	vsel vm9, s14, v14;
	s14 =	sld [smem:$0x5F2]  }
0x458: {  	v54 =	vmov s13;
	s8 =	sshra.s32 s24, $0x12;
	s9 =	sshrl.u32 s24, $0x1F;
	s12 =	sshrl.u32 s11, $0x1F  }
0x459: {  	s10 =	sshra.s32 s24, $0x1F;
	v56 =	vsel vm14, s8, v54;
	v57 =	vmov s12;
	s12 =	sld [smem:$0x5F5];
	s13 =	sshrl.u32 s6, $0x1F  }
0x45a: {  	v59 =	vmov s9;
	v13 =	vsel vm12, s10, v56;
	s24 =	sadd.s32 s16, s1;
	s9 =	sshrl.u32 s7, $0x1F;
	s16 =	sshra.s32 s14, $0x12;
	v14 =	vsel vm1, s13, v57  }
0x45b: {  	s8 =	sshra.s32 s14, $0x1F;
	v13 =	vsel vm1, s16, v13;
	v14 =	vsel vm2, s9, v14;
	s9 =	sld [smem:$0x5F7]  }
0x45c: {  	v15 =	vnsel vm14, $0x0, v59;
	s10 =	sshrl.u32 s0, $0x1F;
	s3 =	sshrl.u32 s14, $0x1F;
	s14 =	sshra.s32 s12, $0x12;
	v13 =	vsel vm13, s8, v13  }
0x45d: {  	v15 =	vsel vm1, s3, v15;
	s13 =	sshrl.u32 s12, $0x1F;
	s16 =	sshra.s32 s12, $0x1F;
	s12 =	sld [smem:$0x5F6];
	v13 =	vsel vm2, s14, v13  }
0x45e: {  	v60 =	vsel vm2, s13, v15;
	v14 =	vsel vm3, s10, v14;
	v13 =	vsel vm10, s16, v13;
	s16 =	sld [smem:$0x5F9];
	s8 =	sshrl.u32 s9, $0x1F  }
0x45f: {  	[tilespmem:$0x1FEA0] =	vst v14;
	s14 =	sshra.s32 s9, $0x12;
	v14 =	vsel vm3, s8, v60;
	s8 =	sld [smem:$0x5F8]  }
0x460: {  	v13 =	vsel vm3, s14, v13;
	s14 =	sld [smem:$0x5FB]  }
0x461: {  	s5 =	sshrl.u32 s12, $0x1F  }
0x462: {  	v61 =	vmov s5;
	s13 =	sshrl.u32 s16, $0x1F;
	s10 =	sshrl.u32 s8, $0x1F  }
0x463: {  	v14 =	vsel vm6, s13, v14;
	s13 =	sshrl.u32 s14, $0x1F;
	v15 =	vsel vm1, s10, v61;
	s10 =	sld [smem:$0x5FA]  }
0x464: {  	v14 =	vsel vm7, s13, v14;
	s13 =	sld [smem:$0x5FD];
	_ =	sdelay $0x1  }
0x465: {  	s7 =	sshra.s32 s7, $0x12;
	s1 =	sshra.s32 s9, $0x1F;
	s9 =	sshrl.u32 s10, $0x1F  }
0x466: {  	v13 =	vsel vm15, s1, v13;
	s5 =	sshra.s32 s16, $0x12;
	s3 =	sshrl.u32 s13, $0x1F;
	v15 =	vsel vm2, s9, v15;
	s9 =	sld [smem:$0x5FC]  }
0x467: {  	v13 =	vsel vm6, s5, v13;
	s5 =	sshra.s32 s12, $0x12;
	s12 =	sshra.s32 s14, $0x1F;
	v14 =	vsel vm8, s3, v14;
	s3 =	sshra.s32 s11, $0x12  }
0x468: {  	v63 =	vmov s5;
	s11 =	sshra.s32 s16, $0x1F;
	s16 =	sshrl.u32 s23, $0x1F;
	v62 =	vmov s3;
	s3 =	sshra.s32 s6, $0x12  }
0x469: {  	v39 =	vsel vm9, s16, v14;
	v13 =	vsel vm4, s11, v13;
	s6 =	sshra.s32 s14, $0x12;
	s11 =	sshra.s32 s8, $0x12;
	v14 =	vsel vm1, s3, v62;
	s1 =	sshrl.u32 s9, $0x1F  }
0x46a: {  	s16 =	sshra.s32 s10, $0x12;
	v13 =	vsel vm7, s6, v13;
	s3 =	sshra.s32 s9, $0x12;
	s9 =	sld [smem:$0x600];
	v41 =	vsel vm3, s1, v15;
	v15 =	vsel vm1, s11, v63  }
0x46b: {  	s14 =	sshra.s32 s0, $0x12;
	s0 =	sshra.s32 s13, $0x12;
	v13 =	vsel vm11, s12, v13;
	v17 =	vsel vm2, s16, v15;
	s16 =	sld [smem:$0x5FE]  }
0x46c: {  	s5 =	sshra.s32 s13, $0x1F;
	v14 =	vsel vm2, s7, v14;
	v13 =	vsel vm8, s0, v13;
	s11 =	sld [smem:$0x5FF]  }
0x46d: {  	s7 =	sshra.s32 s23, $0x12;
	v43 =	vsel vm3, s14, v14;
	s14 =	sld [smem:$0x601];
	v13 =	vsel vm0, s5, v13  }
0x46e: {  	v44 =	vsel vm9, s7, v13;
	s7 =	sld [smem:$0x603];
	s6 =	sshra.s32 s16, $0x1F  }
0x46f: {  	s10 =	sshra.s32 s9, $0x12;
	s8 =	sshrl.u32 s11, $0x1F;
	v18 =	vmov s6  }
0x470: {  	s13 =	sshra.s32 s9, $0x1F;
	s23 =	sshrl.u32 s14, $0x1F;
	v19 =	vmov s8;
	s8 =	sld [smem:$0x602];
	v14 =	vsel vm14, s10, v18  }
0x471: {  	s12 =	sshrl.u32 s9, $0x1F;
	v13 =	vsel vm1, s23, v19;
	s9 =	sshra.s32 s7, $0x12;
	s23 =	sld [smem:$0x606];
	v14 =	vsel vm12, s13, v14  }
0x472: {  	v20 =	vmov s12;
	s12 =	sshra.s32 s7, $0x1F;
	s10 =	sshrl.u32 s7, $0x1F;
	s7 =	sld [smem:$0x604];
	v14 =	vsel vm1, s9, v14  }
0x473: {  	v14 =	vsel vm13, s12, v14;
	s12 =	sld [smem:$0x605]  }
0x474: {  	s0 =	sld [smem:$0x607]  }
0x475: {  	s1 =	sshra.s32 s14, $0x12;
	v15 =	vnsel vm14, $0x0, v20;
	s6 =	sshrl.u32 s8, $0x1F  }
0x476: {  	v21 =	vsel vm1, s10, v15;
	v13 =	vsel vm2, s6, v13;
	s9 =	sshrl.u32 s23, $0x1F;
	s13 =	sshrl.u32 s7, $0x1F;
	s14 =	sshrl.u32 s12, $0x1F  }
0x477: {  	v40 =	vsel vm3, s13, v13;
	v13 =	vsel vm2, s9, v21;
	s9 =	sld [smem:$0x608];
	v22 =	vmov s14;
	s14 =	sshrl.u32 s0, $0x1F  }
0x478: {  	v15 =	vsel vm1, s14, v22;
	s14 =	sld [smem:$0x60A]  }
0x479: {  	s10 =	sshra.s32 s23, $0x12  }
0x47a: {  	v14 =	vsel vm2, s10, v14;
	s13 =	sshra.s32 s23, $0x1F;
	s23 =	sshrl.u32 s9, $0x1F  }
0x47b: {  	s10 =	sld [smem:$0x609];
	v14 =	vsel vm10, s13, v14;
	v13 =	vsel vm3, s23, v13;
	s13 =	sshrl.u32 s14, $0x1F  }
0x47c: {  	s23 =	sshra.s32 s9, $0x12;
	v13 =	vsel vm6, s13, v13;
	s13 =	sld [smem:$0x60C]  }
0x47d: {  	v31 =	vsel vm3, s3, v17;
	s3 =	sshra.s32 s9, $0x1F;
	s9 =	sld [smem:$0x60B];
	v14 =	vsel vm3, s23, v14  }
0x47e: {  	v14 =	vsel vm15, s3, v14;
	s3 =	sshra.s32 s11, $0x12;
	s11 =	sld [smem:$0x60D]  }
0x47f: {  	s6 =	sshrl.u32 s10, $0x1F;
	s23 =	sshrl.u32 s13, $0x1F  }
0x480: {  	v15 =	vsel vm2, s6, v15;
	s6 =	sshrl.u32 s9, $0x1F;
	v13 =	vsel vm7, s23, v13;
	s23 =	sshra.s32 s14, $0x12  }
0x481: {  	v23 =	vmov s3;
	s3 =	sshra.s32 s8, $0x12;
	v37 =	vsel vm3, s6, v15;
	s6 =	sshrl.u32 s11, $0x1F;
	s14 =	sshra.s32 s14, $0x1F;
	v14 =	vsel vm6, s23, v14  }
0x482: {  	s8 =	smov.u32 s16;
	v13 =	vsel vm8, s6, v13;
	s23 =	sshrl.u32 s16, $0x1F;
	v14 =	vsel vm4, s14, v14;
	s14 =	sshra.s32 s12, $0x12  }
0x483: {  	v24 =	vsel vm1, s1, v23;
	s1 =	sshra.s32 s7, $0x12;
	s16 =	sshra.s32 s13, $0x12;
	v42 =	vsel vm9, s23, v13;
	s23 =	sshra.s32 s0, $0x12;
	v25 =	vmov s14  }
0x484: {  	s7 =	sshra.s32 s13, $0x1F;
	v13 =	vsel vm2, s3, v24;
	s0 =	sshra.s32 s10, $0x12;
	v14 =	vsel vm7, s16, v14;
	s16 =	sld [smem:$0x60E];
	v35 =	vsel vm1, s23, v25  }
0x485: {  	s12 =	sshra.s32 s11, $0x12;
	v33 =	vsel vm3, s1, v13;
	v14 =	vsel vm11, s7, v14;
	v13 =	vsel vm2, s0, v35;
	s0 =	sld [smem:$0x610]  }
0x486: {  	v14 =	vsel vm8, s12, v14;
	s12 =	sld [smem:$0x611]  }
0x487: {  	s14 =	sshra.s32 s11, $0x1F;
	s7 =	sld [smem:$0x60F]  }
0x488: {  	s13 =	sshra.s32 s16, $0x1F;
	v51 =	vsel vm0, s14, v14;
	s14 =	sld [smem:$0x612];
	s11 =	sshrl.u32 s0, $0x1F  }
0x489: {  	v36 =	vmov s13;
	s13 =	sshrl.u32 s12, $0x1F;
	s5 =	sshra.s32 s12, $0x12;
	s12 =	sld [smem:$0x613]  }
0x48a: {  	s10 =	sshra.s32 s9, $0x12;
	s23 =	sshra.s32 s8, $0x12;
	s8 =	sshra.s32 s7, $0x12;
	v53 =	vmov s11  }
0x48b: {  	v32 =	vsel vm3, s10, v13;
	s10 =	sshra.s32 s7, $0x1F;
	v52 =	vsel vm14, s8, v36;
	v13 =	vsel vm1, s13, v53;
	s13 =	sld [smem:$0x615]  }
0x48c: {  	s9 =	sshrl.u32 s7, $0x1F;
	v36 =	vsel vm9, s23, v51;
	v14 =	vsel vm12, s10, v52;
	s23 =	sshra.s32 s14, $0x12;
	s10 =	sshrl.u32 s12, $0x1F  }
0x48d: {  	v54 =	vmov s9;
	s3 =	sshra.s32 s0, $0x12;
	s9 =	sshra.s32 s14, $0x1F;
	v14 =	vsel vm1, s23, v14;
	v13 =	vsel vm2, s10, v13;
	s10 =	sld [smem:$0x616]  }
0x48e: {  	s8 =	sshrl.u32 s14, $0x1F;
	v14 =	vsel vm13, s9, v14;
	s9 =	sld [smem:$0x614];
	s14 =	sshra.s32 s13, $0x12  }
0x48f: {  	v15 =	vnsel vm14, $0x0, v54;
	s23 =	sshrl.u32 s13, $0x1F;
	s0 =	sshra.s32 s13, $0x1F;
	s13 =	sld [smem:$0x618];
	v14 =	vsel vm2, s14, v14  }
0x490: {  	[tilespmem:$0x1FE90] =	vst v55;
	v55 =	vsel vm1, s8, v15;
	s8 =	sshrl.u32 s10, $0x1F;
	v14 =	vsel vm10, s0, v14;
	s0 =	sld [smem:$0x617]  }
0x491: {  	s11 =	sshrl.u32 s9, $0x1F;
	v56 =	vmov s8;
	s8 =	sld [smem:$0x619]  }
0x492: {  	v34 =	vsel vm3, s11, v13;
	v13 =	vsel vm2, s23, v55;
	s14 =	sshrl.u32 s13, $0x1F  }
0x493: {  	v13 =	vsel vm3, s14, v13;
	s14 =	sld [smem:$0x61A];
	s11 =	sshrl.u32 s0, $0x1F  }
0x494: {  	s23 =	sshra.s32 s13, $0x12;
	v15 =	vsel vm1, s11, v56;
	s11 =	sshra.s32 s13, $0x1F;
	s13 =	sshrl.u32 s8, $0x1F  }
0x495: {  	v15 =	vsel vm2, s13, v15;
	s13 =	sld [smem:$0x61C]  }
0x496: {  	s1 =	sshra.s32 s12, $0x12;
	s12 =	sld [smem:$0x61D];
	v14 =	vsel vm3, s23, v14;
	s23 =	sshrl.u32 s14, $0x1F  }
0x497: {  	v57 =	vmov s3;
	s3 =	sshra.s32 s9, $0x12;
	v14 =	vsel vm15, s11, v14;
	v13 =	vsel vm6, s23, v13;
	s23 =	sshra.s32 s14, $0x12  }
0x498: {  	s11 =	sld [smem:$0x61B];
	s14 =	sshra.s32 s14, $0x1F;
	v14 =	vsel vm6, s23, v14;
	s7 =	sshrl.u32 s13, $0x1F  }
0x499: {  	s23 =	sshrl.u32 s12, $0x1F;
	v14 =	vsel vm4, s14, v14;
	s9 =	sshra.s32 s13, $0x12;
	s14 =	sshra.s32 s0, $0x12;
	v13 =	vsel vm7, s7, v13  }
0x49a: {  	s0 =	sshra.s32 s13, $0x1F;
	s13 =	sld [smem:$0x61F];
	v13 =	vsel vm8, s23, v13;
	s23 =	sshra.s32 s10, $0x12  }
0x49b: {  	v14 =	vsel vm7, s9, v14;
	v60 =	vmov s23;
	s23 =	sld [smem:$0x61E]  }
0x49c: {  	s6 =	sshrl.u32 s11, $0x1F;
	s9 =	sshra.s32 s12, $0x12;
	v14 =	vsel vm11, s0, v14;
	v61 =	vsel vm1, s14, v60;
	s14 =	sld [smem:$0x620]  }
0x49d: {  	v59 =	vsel vm1, s5, v57;
	v52 =	vsel vm3, s6, v15;
	s7 =	sshrl.u32 s16, $0x1F;
	s6 =	sshra.s32 s8, $0x12;
	s10 =	sshra.s32 s12, $0x1F;
	v14 =	vsel vm8, s9, v14  }
0x49e: {  	s8 =	sshra.s32 s11, $0x12;
	v51 =	vsel vm9, s7, v13;
	v13 =	vsel vm2, s1, v59;
	v14 =	vsel vm0, s10, v14;
	s10 =	sld [smem:$0x621];
	s12 =	sshra.s32 s23, $0x1F  }
0x49f: {  	s11 =	sshra.s32 s16, $0x12;
	v54 =	vsel vm3, s3, v13;
	v13 =	vsel vm2, s6, v61;
	v62 =	vmov s12;
	s16 =	sshra.s32 s14, $0x12;
	s12 =	sld [smem:$0x622]  }
0x4a0: {  	v57 =	vsel vm3, s8, v13;
	s8 =	sshrl.u32 s14, $0x1F;
	s9 =	sshra.s32 s14, $0x1F;
	s14 =	sld [smem:$0x623]  }
0x4a1: {  	v55 =	vsel vm9, s11, v14;
	s11 =	sshrl.u32 s10, $0x1F;
	s5 =	sshra.s32 s10, $0x12;
	s10 =	sld [smem:$0x624]  }
0x4a2: {  	v18 =	vmov s11;
	s11 =	sld [smem:$0x625]  }
0x4a3: {  	s1 =	sshrl.u32 s13, $0x1F;
	s3 =	sshra.s32 s13, $0x12;
	s13 =	sshrl.u32 s12, $0x1F  }
0x4a4: {  	v63 =	vsel vm14, s16, v62;
	v14 =	vsel vm1, s1, v18;
	s16 =	sshra.s32 s14, $0x12;
	s1 =	sshra.s32 s12, $0x12;
	s0 =	sshrl.u32 s14, $0x1F  }
0x4a5: {  	v19 =	vmov s8;
	v13 =	vsel vm12, s9, v63;
	s8 =	sshra.s32 s14, $0x1F;
	s9 =	sshrl.u32 s10, $0x1F;
	s12 =	sshrl.u32 s11, $0x1F  }
0x4a6: {  	v14 =	vsel vm2, s13, v14;
	s13 =	sshra.s32 s11, $0x12;
	s14 =	sshra.s32 s11, $0x1F;
	s11 =	sld [smem:$0x626]  }
0x4a7: {  	v35 =	vsel vm3, s9, v14;
	s9 =	sld [smem:$0x627]  }
0x4a8: {  	v15 =	vnsel vm14, $0x0, v19  }
0x4a9: {  	v13 =	vsel vm1, s16, v13;
	v15 =	vsel vm1, s0, v15;
	s16 =	sshrl.u32 s11, $0x1F  }
0x4aa: {  	v13 =	vsel vm13, s8, v13;
	v20 =	vsel vm2, s12, v15;
	s0 =	sshrl.u32 s9, $0x1F;
	v21 =	vmov s16;
	s16 =	sld [smem:$0x629]  }
0x4ab: {  	v13 =	vsel vm2, s13, v13;
	v14 =	vsel vm3, s0, v20;
	s0 =	sld [smem:$0x628]  }
0x4ac: {  	v13 =	vsel vm10, s14, v13;
	s14 =	sshra.s32 s9, $0x12;
	s6 =	sshra.s32 s9, $0x1F;
	s9 =	sld [smem:$0x62A]  }
0x4ad: {  	vm5 =	vmmov vm6;
	s13 =	sshrl.u32 s16, $0x1F  }
0x4ae: {  	s12 =	sshrl.u32 s0, $0x1F;
	v14 =	vsel vm5, s13, v14;
	s13 =	sld [smem:$0x62B]  }
0x4af: {  	v15 =	vsel vm1, s12, v21;
	s12 =	sshrl.u32 s9, $0x1F  }
0x4b0: {  	v13 =	vsel vm3, s14, v13;
	v15 =	vsel vm2, s12, v15;
	s12 =	sld [smem:$0x62C]  }
0x4b1: {  	v13 =	vsel vm15, s6, v13;
	s8 =	sshra.s32 s16, $0x12;
	s14 =	sshrl.u32 s13, $0x1F  }
0x4b2: {  	s16 =	sshra.s32 s16, $0x1F;
	v13 =	vsel vm5, s8, v13;
	v14 =	vsel vm7, s14, v14;
	s14 =	sld [smem:$0x62D]  }
0x4b3: {  	v13 =	vsel vm4, s16, v13;
	s16 =	sshra.s32 s11, $0x12;
	s6 =	sshrl.u32 s12, $0x1F  }
0x4b4: {  	v23 =	vmov s16;
	s16 =	sshra.s32 s23, $0x12;
	v56 =	vsel vm3, s6, v15;
	s6 =	sshra.s32 s10, $0x12  }
0x4b5: {  	s10 =	sshrl.u32 s23, $0x1F;
	s23 =	sld [smem:$0x62E];
	s7 =	sshrl.u32 s14, $0x1F  }
0x4b6: {  	v22 =	vmov s5;
	s5 =	sshra.s32 s0, $0x12;
	s0 =	sshra.s32 s13, $0x12;
	s11 =	sshra.s32 s12, $0x12;
	v14 =	vsel vm8, s7, v14  }
0x4b7: {  	s12 =	sshra.s32 s13, $0x1F;
	s7 =	sld [smem:$0x630];
	v53 =	vsel vm9, s10, v14;
	v14 =	vsel vm1, s3, v22;
	s10 =	sshra.s32 s9, $0x12  }
0x4b8: {  	v13 =	vsel vm7, s0, v13;
	v15 =	vsel vm1, s5, v23;
	s3 =	sshra.s32 s23, $0x12;
	v14 =	vsel vm2, s1, v14;
	s1 =	sshrl.u32 s23, $0x1F;
	s23 =	sld [smem:$0x62F]  }
0x4b9: {  	v13 =	vsel vm11, s12, v13;
	s13 =	sshra.s32 s14, $0x12;
	v24 =	vsel vm2, s10, v15;
	s10 =	sld [smem:$0x631]  }
0x4ba: {  	s14 =	sshra.s32 s14, $0x1F;
	v13 =	vsel vm8, s13, v13  }
0x4bb: {  	v13 =	vsel vm0, s14, v13;
	s14 =	sld [smem:$0x632];
	s0 =	sshra.s32 s23, $0x1F  }
0x4bc: {  	vm6 =	vmmov vm14;
	v61 =	vsel vm3, s11, v24;
	s9 =	sshrl.u32 s7, $0x1F;
	s11 =	sshra.s32 s10, $0x12;
	v25 =	vmov s0  }
0x4bd: {  	v60 =	vsel vm3, s6, v14;
	v62 =	vmov s9;
	v14 =	vsel vm6, s11, v25;
	s11 =	sld [smem:$0x634]  }
0x4be: {  	v59 =	vsel vm9, s16, v13;
	s16 =	sshrl.u32 s14, $0x1F;
	s9 =	sld [smem:$0x633];
	v13 =	vsel vm1, s1, v62  }
0x4bf: {  	s12 =	sshrl.u32 s10, $0x1F;
	s13 =	sshra.s32 s10, $0x1F;
	v13 =	vsel vm2, s16, v13;
	s16 =	sld [smem:$0x636]  }
0x4c0: {  	s6 =	sshra.s32 s7, $0x12;
	v63 =	vmov s12;
	v14 =	vsel vm12, s13, v14;
	s12 =	sshra.s32 s11, $0x12  }
0x4c1: {  	s10 =	sshrl.u32 s9, $0x1F;
	s7 =	sshra.s32 s9, $0x12;
	s9 =	sshra.s32 s11, $0x1F;
	v14 =	vsel vm1, s12, v14  }
0x4c2: {  	s12 =	sshra.s32 s16, $0x12;
	v14 =	vsel vm13, s9, v14  }
0x4c3: {  	v14 =	vsel vm2, s12, v14;
	s12 =	sld [smem:$0x638]  }
0x4c4: {  	v15 =	vnsel vm6, $0x0, v63;
	s13 =	sshrl.u32 s11, $0x1F  }
0x4c5: {  	s11 =	sshrl.u32 s16, $0x1F;
	v18 =	vsel vm1, s13, v15  }
0x4c6: {  	v62 =	vsel vm3, s10, v13;
	s13 =	sshra.s32 s16, $0x1F;
	v13 =	vsel vm2, s11, v18;
	s16 =	sshrl.u32 s12, $0x1F  }
0x4c7: {  	v13 =	vsel vm3, s16, v13;
	s16 =	sld [smem:$0x63A]  }
0x4c8: {  	s0 =	sld [smem:$0x635]  }
0x4c9: {  	s10 =	sld [smem:$0x637]  }
0x4ca: {  	v14 =	vsel vm10, s13, v14;
	s13 =	sshrl.u32 s16, $0x1F  }
0x4cb: {  	s1 =	sshra.s32 s14, $0x12;
	s14 =	sshrl.u32 s0, $0x1F;
	v13 =	vsel vm5, s13, v13;
	s13 =	sld [smem:$0x63C]  }
0x4cc: {  	v19 =	vmov s14;
	s14 =	sshrl.u32 s10, $0x1F  }
0x4cd: {  	v15 =	vsel vm1, s14, v19;
	s11 =	sld [smem:$0x639];
	s14 =	sshra.s32 s12, $0x12  }
0x4ce: {  	s5 =	sshra.s32 s12, $0x1F;
	s12 =	sld [smem:$0x63B];
	v14 =	vsel vm3, s14, v14;
	s14 =	sshrl.u32 s13, $0x1F  }
0x4cf: {  	v13 =	vsel vm7, s14, v13;
	s14 =	sld [smem:$0x63D]  }
0x4d0: {  	s0 =	sshra.s32 s0, $0x12;
	s9 =	sshrl.u32 s11, $0x1F  }
0x4d1: {  	v15 =	vsel vm2, s9, v15;
	v14 =	vsel vm15, s5, v14;
	s5 =	sshra.s32 s10, $0x12;
	s9 =	sshrl.u32 s12, $0x1F;
	s10 =	sshra.s32 s16, $0x12  }
0x4d2: {  	vm14 =	vmmov vm8;
	s8 =	sshra.s32 s11, $0x12;
	v23 =	vsel vm3, s9, v15;
	v14 =	vsel vm5, s10, v14;
	s10 =	sshra.s32 s16, $0x1F;
	s9 =	sshrl.u32 s14, $0x1F  }
0x4d3: {  	v22 =	vmov s0;
	s11 =	sshrl.u32 s23, $0x1F;
	v14 =	vsel vm4, s10, v14;
	v13 =	vsel vm14, s9, v13;
	s9 =	sshra.s32 s12, $0x12;
	s12 =	sshra.s32 s13, $0x12  }
0x4d4: {  	s13 =	sshra.s32 s13, $0x1F;
	v25 =	vsel vm9, s11, v13;
	v14 =	vsel vm7, s12, v14;
	v13 =	vsel vm1, s5, v22;
	s5 =	sld [smem:$0x640]  }
0x4d5: {  	s16 =	sshra.s32 s14, $0x12;
	v14 =	vsel vm11, s13, v14;
	s13 =	sld [smem:$0x63E]  }
0x4d6: {  	v14 =	vsel vm14, s16, v14;
	s16 =	sld [smem:$0x63F]  }
0x4d7: {  	s0 =	sld [smem:$0x643];
	s11 =	sshra.s32 s14, $0x1F  }
0x4d8: {  	v20 =	vmov s6;
	s12 =	sshra.s32 s23, $0x12;
	s10 =	sshrl.u32 s5, $0x1F;
	s14 =	sshrl.u32 s13, $0x1F  }
0x4d9: {  	v15 =	vsel vm1, s3, v20;
	v14 =	vsel vm0, s11, v14;
	s3 =	sshra.s32 s13, $0x12;
	s13 =	sld [smem:$0x641];
	s23 =	sshrl.u32 s16, $0x1F  }
0x4da: {  	vm8 =	vmmov vm6;
	v22 =	vsel vm9, s12, v14;
	s12 =	sshrl.u32 s30, $0x1F;
	s6 =	sshra.s32 s16, $0x12;
	s16 =	sshrl.u32 s29, $0x1F;
	v63 =	vmov s23  }
0x4db: {  	v21 =	vsel vm2, s1, v15;
	s23 =	sshra.s32 s17, $0x1F;
	v15 =	vmov s16;
	s16 =	sshrl.u32 s0, $0x1F;
	v18 =	vsel vm1, s14, v63;
	s14 =	sld [smem:$0x642]  }
0x4dc: {  	v13 =	vsel vm2, s8, v13;
	s8 =	sshrl.u32 s13, $0x1F;
	s1 =	sshra.s32 s13, $0x12;
	v20 =	vmov s23;
	s13 =	sshra.s32 s29, $0x12;
	v15 =	vnsel vm8, $0x0, v15  }
0x4dd: {  	v17 =	vld [tilespmem:$0xEF];
	v24 =	vsel vm3, s7, v21;
	s23 =	sld [smem:$0x644];
	v21 =	vsel vm8, s13, v20;
	v15 =	vsel vm1, s16, v15;
	s13 =	sshrl.u32 s22, $0x1F;
	s16 =	sshra.s32 s0, $0x1F  }
0x4de: {  	v19 =	vsel vm3, s9, v13;
	v14 =	vld [tilespmem:$0xF0];
	v13 =	vsel vm2, s10, v18;
	s9 =	sshrl.u32 s14, $0x1F;
	s7 =	sshra.s32 s14, $0x12;
	s14 =	sshra.s32 s29, $0x1F  }
0x4df: {  	v63 =	vsel vm3, s8, v13;
	v15 =	vsel vm2, s13, v15;
	v13 =	vsel vm12, s14, v21;
	s14 =	sshra.s32 s0, $0x12;
	s0 =	smov.u32 s19;
	s19 =	sshrl.u32 s19, $0x1F  }
0x4e0: {  	v20 =	vmov s12;
	s8 =	sshra.s32 s30, $0x12;
	v15 =	vsel vm3, s19, v15;
	s19 =	sld [smem:$0x646]  }
0x4e1: {  	(v2sf) =	vpush v12, $0x6;
	s30 =	sshrl.u32 s23, $0x1F;
	v16 =	vsel vm1, s9, v20;
	s9 =	sshra.s32 s23, $0x12;
	s23 =	sld [smem:$0x645];
	v13 =	vsel vm1, s14, v13  }
0x4e2: {  	(v2sf) =	vpush v12, $0x7;
	v17 =	vmul.u32 $0x6A37, v17;
	s13 =	sshra.s32 s22, $0x12;
	v13 =	vsel vm13, s16, v13  }
0x4e3: {  	vm6 =	vmmov vm5;
	v14 =	vmul.u32 $0x8DD9, v14;
	s14 =	sshra.s32 s22, $0x1F;
	v13 =	vsel vm2, s13, v13;
	s16 =	sshrl.u32 s19, $0x1F  }
0x4e4: {  	s29 =	sshrl.u32 s15, $0x1F;
	v16 =	vsel vm2, s30, v16;
	s22 =	sshra.s32 s0, $0x12;
	s30 =	sshrl.u32 s23, $0x1F;
	v13 =	vsel vm10, s14, v13;
	v15 =	vsel vm6, s16, v15  }
0x4e5: {  	v20 =	vsel vm3, s30, v16;
	s16 =	sshra.s32 s0, $0x1F;
	v16 =	vsel vm3, s22, v13;
	s22 =	sshrl.u32 s20, $0x1F;
	v15 =	vsel vm7, s29, v15  }
0x4e6: {  	vm5 =	vmmov vm11;
	s5 =	sshra.s32 s5, $0x12;
	s30 =	sshra.s32 s19, $0x12;
	v21 =	vsel vm14, s22, v15;
	v15 =	vsel vm15, s16, v16  }
0x4e7: {  	v18 =	vmov s6;
	s11 =	sshra.s32 s23, $0x12;
	s19 =	sshra.s32 s19, $0x1F;
	v13 =	vxor.u32 v14, v17;
	s22 =	sld [smem:$0x647];
	v15 =	vsel vm6, s30, v15  }
0x4e8: {  	s23 =	smov.u32 s15;
	s15 =	sshra.s32 s15, $0x12;
	v14 =	vsel vm1, s3, v18;
	v16 =	vmov s8;
	v15 =	vsel vm4, s19, v15;
	s19 =	sld [smem:$0x648]  }
0x4e9: {  	s10 =	sshra.s32 s23, $0x1F;
	v14 =	vsel vm2, s5, v14;
	s30 =	sshrl.u32 s31, $0x1F;
	v17 =	vsel vm1, s7, v16;
	v15 =	vsel vm7, s15, v15  }
0x4ea: {  	s16 =	sshra.s32 s20, $0x12;
	v16 =	vsel vm3, s1, v14;
	v18 =	vmov s30;
	s3 =	sshrl.u32 s22, $0x1F;
	v15 =	vsel vm5, s10, v15  }
0x4eb: {  	s6 =	sshra.s32 s20, $0x1F;
	v14 =	vsel vm2, s9, v17;
	v18 =	vsel vm1, s3, v18;
	s0 =	sshrl.u32 s19, $0x1F;
	v15 =	vsel vm14, s16, v15  }
0x4ec: {  	s15 =	sshrl.u32 s21, $0x1F;
	v17 =	vsel vm0, s6, v15;
	v15 =	vsel vm3, s11, v14;
	v14 =	vsel vm2, s0, v18  }
0x4ed: {  	v18 =	vsel vm3, s15, v14;
	v14 =	vcombine.low v46, v45;
	v46 =	vperm.xlane v38, v1;
	v38 =	vld [tilespmem:$0x1FFF0];
	_ =	sdelay $0x3  }
0x4ee: {  	v47 =	vperm.xlane v47, v1;
	v14 =	vperm.xlane v14, v58  }
0x4ef: {  	s29 =	spop (v2sf);
	vm5 =	vmmov vm14;
	vm14 =	vnez.u8 v38  }
0x4f0: {  	s13 =	sshra.s32 s17, $0x12;
	s23 =	sshrl.u32 s17, $0x1F;
	s17 =	smulhi.u32 $0x431BE2E9, s29;
	v14 =	vsel vm14, v47, v14;
	v47 =	vld [tilespmem:$0x1FDF0]  }
0x4f1: {  	v0 =	vcombine.low v27, v0;
	s8 =	smov.u32 s21;
	s5 =	spop (v2sf);
	s21 =	sld [smem:$0x649]  }
0x4f2: {  	v21 =	vsel vm9, s23, v21;
	s23 =	smov.u32 s31;
	s1 =	smulhi.u32 $0x431BE2E9, s5;
	s7 =	sshrl.u32 s25, $0x1F  }
0x4f3: {  	v0 =	vperm.xlane v0, v58;
	s9 =	sshra.s32 s5, $0x1F;
	s5 =	sld [smem:$0x64B];
	v27 =	vmov s7;
	s16 =	sshrl.u32 s26, $0x1F  }
0x4f4: {  	s31 =	sshra.s32 s29, $0x1F;
	s10 =	sshrl.u32 s21, $0x1F;
	s0 =	sld [smem:$0x64C];
	v45 =	vnsel vm8, $0x0, v27;
	v38 =	vmov s16  }
0x4f5: {  	s12 =	sshrl.u32 s28, $0x1F;
	s20 =	smul.u32 $0x431BE2E9, s31;
	s6 =	sld [smem:$0x64D];
	v0 =	vsel vm14, v46, v0;
	v46 =	vsel vm1, s10, v38;
	v38 =	vcombine.low v47, v48;
	v48 =	vld [tilespmem:$0x1FE00]  }
0x4f6: {  	s14 =	sshrl.u32 s18, $0x1F;
	s29 =	smov.u32 s18;
	s18 =	sshrl.u32 s5, $0x1F;
	v45 =	vsel vm1, s12, v45  }
0x4f7: {  	s11 =	sadd.s32 s20, s17;
	v17 =	vsel vm9, s13, v17;
	s13 =	smul.u32 $0x431BE2E9, s9;
	s17 =	sshrl.u32 s0, $0x1F;
	v45 =	vsel vm2, s18, v45  }
0x4f8: {  	s20 =	sshrl.u32 s6, $0x1F;
	v45 =	vsel vm3, s17, v45  }
0x4f9: {  	s15 =	sshrl.u32 s24, $0x1F;
	s3 =	sshrl.u32 s11, $0x1F;
	s9 =	sadd.s32 s13, s1;
	v45 =	vsel vm6, s20, v45  }
0x4fa: {  	(v2sf) =	vpush v13, $0xD;
	s1 =	smov.u32 s24;
	s24 =	sshra.s32 s21, $0x12;
	s16 =	sshra.s32 s9, $0x1F;
	v45 =	vsel vm7, s15, v45;
	v47 =	vcombine.low v29, v48  }
0x4fb: {  	[smem:$0x64F] =	sst s24;
	s24 =	sshra.s32 s25, $0x12;
	v29 =	vsel vm5, s3, v45;
	v45 =	vperm.xlane v38, v58;
	v38 =	vmov s16  }
0x4fc: {  	v0 =	vadd.s32 v0, v14;
	v14 =	vsel vm2, s14, v46;
	v46 =	vsel vm8, s24, v38;
	v38 =	vld [tilespmem:$0x1FE10];
	_ =	sdelay $0x1  }
0x4fd: {  	(v2sf) =	vpush v13, $0xC  }
0x4fe: {  	(v2sf) =	vpush v13, $0xE  }
0x4ff: {  	v48 =	vperm.xlane v49, v1  }
0x500: {  	v47 =	vperm.xlane v47, v58;
	v27 =	vperm.xlane v38, v1  }
0x501: {  	vm11 =	vmmov vm10;
	(v2sf) =	vpush v13, $0xF;
	v0 =	vmul.u32 $0xF423F, v0  }
0x502: {  	s30 =	sld [smem:$0x64A];
	(v2sf) =	vpush v13, $0x9;
	v45 =	vsel vm14, v48, v45;
	v27 =	vsel vm14, v27, v47  }
0x503: {  	s29 =	sshra.s32 s29, $0x12;
	(v2sf) =	vpush v13, $0x8;
	v0 =	vsub.s32 v2, v0;
	v2 =	vadd.s32 v45, v27  }
0x504: {  	[smem:$0x650] =	sst s29;
	s26 =	sshra.s32 s26, $0x12;
	vm10 =	vlt.s32 v0, $0x0;
	v48 =	vmul.u32 $0xF423F, v2;
	v2 =	vadd.s32 $0xF423F, v0  }
0x505: {  	s7 =	sshra.s32 s19, $0x12;
	s19 =	sshra.s32 s30, $0x12;
	[smem:$0x64E] =	sst s26;
	v38 =	vsel vm10, v2, v0;
	v0 =	vld [tilespmem:$0x1FE20]  }
0x506: {  	s8 =	sshra.s32 s8, $0x12;
	s31 =	sshrl.u32 s30, $0x1F;
	(v2sf) =	vpush v13, $0xA;
	[smem:$0x651] =	sst s19  }
0x507: {  	s26 =	sshra.s32 s28, $0x12;
	s28 =	sshra.s32 s28, $0x1F;
	s19 =	sshra.s32 s5, $0x1F  }
0x508: {  	s13 =	sshra.s32 s22, $0x12;
	s22 =	sshra.s32 s23, $0x12;
	s18 =	sshra.s32 s5, $0x12  }
0x509: {  	(v2sf) =	vpush v13, $0xB;
	s12 =	sshra.s32 s0, $0x12;
	s5 =	sshra.s32 s6, $0x1F;
	s23 =	sshrl.u32 s9, $0x1F  }
0x50a: {  	s25 =	sshra.s32 s25, $0x1F;
	s9 =	sshra.s32 s9, $0x12;
	s20 =	spop (v2sf);
	v50 =	vcombine.low v0, v50;
	v0 =	vld [tilespmem:$0x1FE30]  }
0x50b: {  	s10 =	sshra.s32 s0, $0x1F;
	(v2sf) =	vpush v13, $0x0;
	s21 =	smulhi.u32 $0x431BE2E9, s20;
	s29 =	sshra.s32 s20, $0x1F  }
0x50c: {  	s14 =	sshra.s32 s6, $0x12;
	v14 =	vsel vm3, s31, v14;
	s31 =	spop (v2sf);
	s30 =	smul.u32 $0x431BE2E9, s29  }
0x50d: {  	(v2sf) =	vpush v13, $0x1;
	s29 =	smulhi.u32 $0x431BE2E9, s31;
	s17 =	sshra.s32 s31, $0x1F;
	s0 =	spop (v2sf)  }
0x50e: {  	(v2sf) =	vpush v13, $0x2;
	s31 =	sshra.s32 s11, $0x12;
	s16 =	sshra.s32 s1, $0x12;
	v49 =	vmov s22;
	s22 =	smulhi.u32 $0x431BE2E9, s0  }
0x50f: {  	v29 =	vsel vm9, s23, v29;
	s23 =	smul.u32 $0x431BE2E9, s17;
	s17 =	sshra.s32 s1, $0x1F;
	s1 =	sshra.s32 s0, $0x1F;
	v46 =	vsel vm12, s25, v46;
	v26 =	vcombine.low v26, v0;
	v0 =	vld [tilespmem:$0x1FE40]  }
0x510: {  	s11 =	sshra.s32 s11, $0x1F;
	s3 =	spop (v2sf);
	s24 =	smul.u32 $0x431BE2E9, s1;
	v46 =	vsel vm1, s26, v46  }
0x511: {  	(v2sf) =	vpush v13, $0x3;
	s15 =	sadd.s32 s30, s21;
	v49 =	vsel vm1, s13, v49;
	s6 =	spop (v2sf);
	s25 =	smulhi.u32 $0x431BE2E9, s3;
	v46 =	vsel vm13, s28, v46  }
0x512: {  	s0 =	sshra.s32 s3, $0x1F;
	s30 =	smulhi.u32 $0x431BE2E9, s6;
	s21 =	spop (v2sf);
	v27 =	vsel vm2, s7, v49;
	v49 =	vsel vm2, s18, v46  }
0x513: {  	(v2sf) =	vpush v13, $0x4;
	s13 =	sshra.s32 s6, $0x1F;
	s6 =	sld [smem:$0x64E];
	s26 =	smul.u32 $0x431BE2E9, s0;
	v49 =	vsel vm11, s19, v49  }
0x514: {  	s20 =	sshra.s32 s21, $0x1F;
	s28 =	smul.u32 $0x431BE2E9, s13;
	v2 =	vsel vm3, s8, v27;
	v27 =	vsel vm3, s12, v49;
	s12 =	sld [smem:$0x64F];
	v47 =	vperm.xlane v0, v1;
	v0 =	vld [tilespmem:$0x1FE50]  }
0x515: {  	s0 =	spop (v2sf);
	s13 =	sadd.s32 s23, s29;
	s23 =	smulhi.u32 $0x431BE2E9, s21  }
0x516: {  	(v2sf) =	vpush v13, $0x5;
	s3 =	sadd.s32 s24, s22;
	s22 =	smulhi.u32 $0x431BE2E9, s0;
	s1 =	sshra.s32 s0, $0x1F;
	v3 =	vsub.s32 v3, v48;
	v48 =	vmov s6  }
0x517: {  	s21 =	sshrl.u32 s13, $0x1F;
	s24 =	smul.u32 $0x431BE2E9, s1;
	s1 =	sld [smem:$0x650];
	v46 =	vsel vm1, s12, v48;
	v48 =	vld [tilespmem:$0x100]  }
0x518: {  	(v2sf) =	vpush v13, $0x6;
	s13 =	sshra.s32 s13, $0x12;
	s7 =	spop (v2sf);
	s19 =	smul.u32 $0x431BE2E9, s20;
	v45 =	vperm.xlane v50, v58  }
0x519: {  	(v2sf) =	vpush v13, $0x7;
	s8 =	sshra.s32 s7, $0x1F;
	s6 =	sadd.s32 s26, s25;
	s25 =	smulhi.u32 $0x431BE2E9, s7;
	v49 =	vperm.xlane v26, v58;
	v0 =	vperm.xlane v0, v1  }
0x51a: {  	v34 =	vcombine.low v52, v34;
	s29 =	spop (v2sf);
	v27 =	vsel vm15, s10, v27;
	s26 =	smul.u32 $0x431BE2E9, s8;
	s10 =	sadd.s32 s28, s30  }
0x51b: {  	vm4 =	vmmov vm11;
	s18 =	sshrl.u32 s15, $0x1F;
	s28 =	smulhi.u32 $0x431BE2E9, s29;
	s7 =	sshrl.u32 s10, $0x1F;
	v45 =	vsel vm14, v47, v45;
	v0 =	vsel vm14, v0, v49;
	v49 =	vld [tilespmem:$0x1FE60]  }
0x51c: {  	s30 =	sshra.s32 s29, $0x1F;
	s8 =	spop (v2sf);
	vm10 =	vlt.s32 v3, $0x0;
	[smem:$0x652] =	sst s7;
	v0 =	vadd.s32 v45, v0;
	v45 =	vmul.u32 $0x8DD9, v48;
	v48 =	vld [tilespmem:$0x1FE70]  }
0x51d: {  	v27 =	vsel vm6, s14, v27;
	s14 =	sadd.s32 s19, s23;
	s7 =	smul.u32 $0x431BE2E9, s30;
	s30 =	sld [smem:$0x651];
	v50 =	vld [tilespmem:$0xFF];
	v26 =	vadd.s32 $0xF423F, v3;
	v0 =	vmul.u32 $0xF423F, v0  }
0x51e: {  	vm11 =	vmmov vm15;
	vm15 =	vcmask $0x2724;
	s23 =	smulhi.u32 $0x431BE2E9, s8;
	s29 =	sshra.s32 s8, $0x1F;
	s0 =	spop (v2sf);
	v26 =	vsel vm10, v26, v3  }
0x51f: {  	s20 =	sshrl.u32 s3, $0x1F;
	s29 =	smul.u32 $0x431BE2E9, s29;
	v3 =	vsel vm2, s1, v46;
	s1 =	sshra.s32 s0, $0x1F;
	vm10 =	vcmask $0x2F2C;
	v0 =	vsub.s32 v4, v0  }
0x520: {  	s19 =	sadd.s32 s24, s22;
	s24 =	spop (v2sf);
	v46 =	vcombine.low v28, v49;
	v28 =	vsel vm3, s30, v3;
	v3 =	vsel vm15, s5, v27;
	s30 =	smul.u32 $0x431BE2E9, s1;
	v49 =	vld [tilespmem:$0x1FE80]  }
0x521: {  	s12 =	sshrl.u32 s6, $0x1F;
	s22 =	sshra.s32 s24, $0x1F;
	v3 =	vsel vm7, s16, v3;
	s16 =	smulhi.u32 $0x431BE2E9, s0;
	v4 =	vperm.xlane v48, v1;
	v48 =	vmov s21  }
0x522: {  	s8 =	sshrl.u32 s14, $0x1F;
	s5 =	sshrl.u32 s19, $0x1F;
	s21 =	smul.u32 $0x431BE2E9, s22;
	v27 =	vperm.xlane v46, v58;
	v3 =	vsel vm10, s17, v3;
	v46 =	vmul.u32 $0x6A37, v50;
	v50 =	vld [tilespmem:$0x1FE90]  }
0x523: {  	v39 =	vperm.xlane v39, v1;
	v32 =	vcombine.low v32, v33;
	s17 =	sadd.s32 s26, s25;
	s25 =	smulhi.u32 $0x431BE2E9, s24;
	v47 =	vsel vm5, s31, v3;
	s31 =	spop (v2sf)  }
0x524: {  	v36 =	vperm.xlane v36, v1;
	v34 =	vperm.xlane v34, v58;
	s22 =	sadd.s32 s7, s28;
	v3 =	vxor.u32 v45, v46;
	s0 =	smulhi.u32 $0x431BE2E9, s31;
	s24 =	sshra.s32 s31, $0x1F  }
0x525: {  	vm8 =	vcmask $0x3734;
	s26 =	sshrl.u32 s17, $0x1F;
	s28 =	spop (v2sf);
	v30 =	vcombine.low v30, v49;
	(v2sf) =	vpush v3, $0xD;
	s1 =	smul.u32 $0x431BE2E9, s24  }
0x526: {  	v35 =	vcombine.low v56, v35;
	v23 =	vcombine.low v23, v62;
	[smem:$0x653] =	sst s26;
	v46 =	vsel vm8, s11, v47;
	s24 =	sadd.s32 s29, s23;
	s23 =	smulhi.u32 $0x431BE2E9, s28  }
0x527: {  	s26 =	sshra.s32 s28, $0x1F;
	s29 =	spop (v2sf);
	s28 =	sadd.s32 s21, s25;
	(v2sf) =	vpush v3, $0xC;
	v30 =	vperm.xlane v30, v58;
	v45 =	vperm.xlane v50, v1  }
0x528: {  	s11 =	sshrl.u32 s22, $0x1F;
	v49 =	vsel vm1, s18, v48;
	v48 =	vcombine.low v31, v43;
	v43 =	vmov s8;
	s31 =	spop (v2sf);
	s8 =	sshra.s32 s28, $0x1F  }
0x529: {  	v25 =	vperm.xlane v25, v1;
	v4 =	vsel vm14, v4, v27;
	s25 =	sadd.s32 s1, s0;
	s0 =	smulhi.u32 $0x431BE2E9, s31;
	s1 =	sshra.s32 s31, $0x1F;
	v50 =	vsel vm14, v45, v30;
	v45 =	vld [tilespmem:$0x1FEA0]  }
0x52a: {  	(v2sf) =	vpush v3, $0xE;
	v27 =	vperm.xlane v48, v58;
	v48 =	vmov s11;
	s11 =	sshra.s32 s14, $0x12;
	s14 =	sshra.s32 s19, $0x12;
	s18 =	smul.u32 $0x431BE2E9, s1  }
0x52b: {  	v19 =	vcombine.low v19, v24;
	v22 =	vperm.xlane v22, v1;
	s19 =	sld [smem:$0x652];
	s31 =	sshrl.u32 s25, $0x1F;
	v30 =	vsel vm9, s9, v46;
	s9 =	smul.u32 $0x431BE2E9, s26  }
0x52c: {  	vm0 =	vmmov vm6;
	vm6 =	vcmask $0x300;
	(v2sf) =	vpush v3, $0xF;
	s26 =	sadd.s32 s30, s16;
	s16 =	smulhi.u32 $0x431BE2E9, s29;
	s30 =	sshra.s32 s29, $0x1F  }
0x52d: {  	vm10 =	vlt.s32 v0, $0x0;
	[smem:$0x654] =	sst s14;
	s14 =	sshra.s32 s22, $0x1F;
	(v2sf) =	vpush v3, $0x9;
	v4 =	vadd.s32 v4, v50;
	s21 =	smul.u32 $0x431BE2E9, s30  }
0x52e: {  	v50 =	vperm.xlane v44, v1;
	s29 =	sshrl.u32 s26, $0x1F;
	s30 =	sshrl.u32 s28, $0x1F;
	(v2sf) =	vpush v3, $0x8;
	s23 =	sadd.s32 s9, s23;
	v41 =	vcombine.low v41, v45  }
0x52f: {  	v46 =	vadd.s32 $0xF423F, v0;
	v4 =	vmul.u32 $0xF423F, v4;
	(v2sf) =	vpush v3, $0xA;
	s9 =	sadd.s32 s21, s16;
	s21 =	sadd.s32 s18, s0;
	s18 =	sshra.s32 s15, $0x12  }
0x530: {  	v27 =	vsel vm14, v50, v27;
	s16 =	sshra.s32 s6, $0x12;
	s6 =	sshra.s32 s10, $0x12;
	s15 =	sshra.s32 s17, $0x12;
	v45 =	vsel vm2, s20, v49;
	v49 =	vperm.xlane v41, v58  }
0x531: {  	(v2sf) =	vpush v3, $0xB;
	v5 =	vsub.s32 v5, v4;
	s0 =	sshrl.u32 s9, $0x1F;
	s1 =	sshrl.u32 s21, $0x1F;
	[smem:$0x655] =	sst s15;
	v31 =	vsel vm3, s12, v45  }
0x532: {  	s17 =	sshra.s32 s21, $0x1F;
	s15 =	sshra.s32 s25, $0x12;
	s20 =	sshrl.u32 s24, $0x1F;
	v41 =	vcombine.low v37, v40;
	v47 =	vsel vm14, v39, v49;
	v49 =	vnsel vm6, $0x0, v48  }
0x533: {  	s10 =	sshra.s32 s9, $0x1F;
	s12 =	sshrl.u32 s23, $0x1F;
	v37 =	vsel vm1, s19, v43;
	s19 =	sshra.s32 s24, $0x12;
	v4 =	vadd.s32 v47, v27;
	v27 =	vsel vm1, s20, v49  }
0x534: {  	v44 =	vperm.xlane v42, v1;
	(v2sf) =	vpush v3, $0x0;
	s20 =	sshra.s32 s3, $0x12;
	s3 =	sshra.s32 s22, $0x12;
	v27 =	vsel vm2, s29, v27;
	s22 =	spop (v2sf)  }
0x535: {  	(v2sf) =	vpush v3, $0x1;
	s24 =	sshra.s32 s24, $0x1F;
	v37 =	vsel vm2, s5, v37;
	s5 =	sshra.s32 s28, $0x12;
	v27 =	vsel vm3, s30, v27;
	s28 =	smulhi.u32 $0x431BE2E9, s22  }
0x536: {  	v45 =	vperm.xlane v32, v58;
	(v2sf) =	vpush v3, $0x2;
	s29 =	sshra.s32 s26, $0x12;
	s7 =	spop (v2sf);
	v27 =	vsel vm0, s31, v27;
	s31 =	sld [smem:$0x653]  }
0x537: {  	(v2sf) =	vpush v3, $0x3;
	v50 =	vmul.u32 $0xF423F, v4;
	s30 =	sshra.s32 s22, $0x1F;
	s22 =	sshra.s32 s25, $0x1F;
	s25 =	smulhi.u32 $0x431BE2E9, s7;
	v27 =	vsel vm7, s12, v27  }
0x538: {  	v4 =	vsel vm10, v46, v0;
	s26 =	sshra.s32 s26, $0x1F;
	v46 =	vmov s17;
	s12 =	sshra.s32 s7, $0x1F;
	v27 =	vsel vm5, s0, v27;
	s0 =	smul.u32 $0x431BE2E9, s30  }
0x539: {  	v36 =	vsel vm14, v36, v45;
	s17 =	sshra.s32 s23, $0x12;
	v47 =	vsel vm6, s3, v46;
	s30 =	smul.u32 $0x431BE2E9, s12;
	v33 =	vsel vm3, s31, v37;
	s31 =	spop (v2sf)  }
0x53a: {  	v48 =	vmov s13;
	v32 =	vsel vm9, s1, v27;
	v27 =	vsel vm12, s14, v47;
	s14 =	sshra.s32 s23, $0x1F;
	s23 =	smulhi.u32 $0x431BE2E9, s31;
	s3 =	sshra.s32 s31, $0x1F  }
0x53b: {  	v49 =	vcombine.low v57, v54;
	v54 =	vmov s11;
	s12 =	sshra.s32 s9, $0x12;
	v27 =	vsel vm1, s19, v27;
	s7 =	spop (v2sf);
	s13 =	smul.u32 $0x431BE2E9, s3  }
0x53c: {  	vm10 =	vlt.s32 v5, $0x0;
	v0 =	vadd.s32 $0xF423F, v5;
	s9 =	sshra.s32 s21, $0x12;
	v27 =	vsel vm13, s24, v27;
	s24 =	smulhi.u32 $0x431BE2E9, s7;
	s3 =	sshra.s32 s7, $0x1F  }
0x53d: {  	v5 =	vsel vm10, v0, v5;
	v0 =	vsub.s32 v7, v50;
	v7 =	vperm.xlane v41, v58;
	s0 =	sadd.s32 s0, s28;
	s19 =	spop (v2sf);
	s21 =	smul.u32 $0x431BE2E9, s3  }
0x53e: {  	v50 =	vperm.xlane v51, v1;
	v51 =	vperm.xlane v55, v1;
	[smem:$0x657] =	sst s0;
	v27 =	vsel vm2, s29, v27;
	s28 =	smulhi.u32 $0x431BE2E9, s19;
	s3 =	sshra.s32 s19, $0x1F  }
0x53f: {  	v41 =	vperm.xlane v19, v58;
	v7 =	vsel vm14, v44, v7;
	s29 =	spop (v2sf);
	v27 =	vsel vm4, s26, v27;
	s26 =	smul.u32 $0x431BE2E9, s3  }
0x540: {  	vm10 =	vlt.s32 v0, $0x0;
	v7 =	vadd.s32 v7, v36;
	v36 =	vperm.xlane v49, v58;
	s7 =	sadd.s32 s30, s25;
	s1 =	smulhi.u32 $0x431BE2E9, s29;
	s30 =	sshra.s32 s29, $0x1F  }
0x541: {  	v52 =	vadd.s32 $0xF423F, v0;
	v34 =	vsel vm14, v50, v34;
	v37 =	vsel vm1, s18, v48;
	s18 =	sshrl.u32 s0, $0x1F;
	s31 =	spop (v2sf);
	s25 =	smul.u32 $0x431BE2E9, s30  }
0x542: {  	v37 =	vsel vm2, s20, v37;
	v36 =	vsel vm14, v51, v36;
	v27 =	vsel vm3, s5, v27;
	s5 =	sadd.s32 s13, s23;
	s23 =	smulhi.u32 $0x431BE2E9, s31;
	s0 =	sshra.s32 s31, $0x1F  }
0x543: {  	v57 =	vld [tilespmem:$0x10F];
	v22 =	vsel vm14, v22, v41;
	v36 =	vadd.s32 v34, v36;
	v34 =	vsel vm3, s16, v37;
	s3 =	spop (v2sf);
	s16 =	smul.u32 $0x431BE2E9, s0  }
0x544: {  	v48 =	vcombine.low v61, v60;
	v49 =	vperm.xlane v35, v58;
	v27 =	vsel vm11, s8, v27;
	s8 =	sadd.s32 s21, s24;
	s24 =	smulhi.u32 $0x431BE2E9, s3;
	s13 =	sshra.s32 s3, $0x1F  }
0x545: {  	v7 =	vmul.u32 $0xF423F, v7;
	(v2sf) =	vpush v3, $0x4;
	v51 =	vperm.xlane v53, v1;
	s21 =	spop (v2sf);
	s29 =	smul.u32 $0x431BE2E9, s13  }
0x546: {  	v40 =	vperm.xlane v48, v58;
	(v2sf) =	vpush v3, $0x5;
	s31 =	sld [smem:$0x654];
	s11 =	sadd.s32 s26, s28;
	v27 =	vsel vm0, s15, v27;
	s26 =	smulhi.u32 $0x431BE2E9, s21  }
0x547: {  	v55 =	vld [tilespmem:$0x110];
	v39 =	vsub.s32 v6, v7;
	v6 =	vsel vm10, v52, v0;
	s13 =	sshra.s32 s21, $0x1F;
	s28 =	spop (v2sf);
	v27 =	vsel vm15, s22, v27;
	s22 =	sshrl.u32 s11, $0x1F  }
0x548: {  	s19 =	sshrl.u32 s7, $0x1F;
	v7 =	vsel vm1, s6, v54;
	v52 =	vperm.xlane v59, v1;
	v54 =	vmul.u32 $0x6A37, v57;
	[smem:$0x656] =	sst s22;
	s22 =	smul.u32 $0x431BE2E9, s13  }
0x549: {  	v59 =	vperm.xlane v23, v58;
	(v2sf) =	vpush v3, $0x6;
	v36 =	vmul.u32 $0xF423F, v36;
	s30 =	sshra.s32 s28, $0x1F;
	s13 =	sadd.s32 s25, s1;
	s1 =	smulhi.u32 $0x431BE2E9, s28  }
0x54a: {  	v57 =	vmov s19;
	(v2sf) =	vpush v3, $0x7;
	v40 =	vsel vm14, v52, v40;
	s3 =	spop (v2sf);
	s25 =	smul.u32 $0x431BE2E9, s30  }
0x54b: {  	v61 =	vsel vm1, s18, v57;
	vm0 =	vcmask $0x2F2C;
	v27 =	vsel vm7, s17, v27;
	s28 =	sld [smem:$0x655];
	s30 =	spop (v2sf)  }
0x54c: {  	v0 =	vsub.s32 v8, v36;
	v8 =	vmul.u32 $0x8DD9, v55;
	s6 =	sadd.s32 s16, s23;
	s23 =	smulhi.u32 $0x431BE2E9, s3;
	v53 =	vsel vm0, s14, v27;
	s14 =	sshra.s32 s30, $0x1F  }
0x54d: {  	v55 =	vsel vm14, v51, v49;
	v7 =	vsel vm2, s31, v7;
	s17 =	sshra.s32 s3, $0x1F;
	v56 =	vsel vm5, s12, v53;
	s12 =	smul.u32 $0x431BE2E9, s14  }
0x54e: {  	v42 =	vsel vm14, v25, v59;
	v36 =	vadd.s32 v55, v40;
	v35 =	vsel vm3, s28, v7;
	s28 =	smul.u32 $0x431BE2E9, s17  }
0x54f: {  	s20 =	sshrl.u32 s5, $0x1F;
	v50 =	vadd.s32 $0xF423F, v0;
	vm15 =	vlt.s32 v0, $0x0;
	v40 =	vmul.u32 $0xF423F, v36;
	s17 =	sadd.s32 s29, s24;
	s24 =	smulhi.u32 $0x431BE2E9, s30  }
0x550: {  	s15 =	sshrl.u32 s8, $0x1F;
	v62 =	vsel vm2, s20, v61;
	s16 =	sshrl.u32 s6, $0x1F;
	s22 =	sadd.s32 s22, s26;
	v7 =	vxor.u32 v8, v54;
	v8 =	vsel vm15, v50, v0  }
0x551: {  	v0 =	vsub.s32 v9, v40;
	v9 =	vadd.s32 v42, v22;
	(v2sf) =	vpush v7, $0xD;
	s23 =	sadd.s32 s28, s23;
	s28 =	sadd.s32 s12, s24;
	s12 =	sld [smem:$0x656]  }
0x552: {  	s21 =	sshrl.u32 s13, $0x1F;
	s18 =	sadd.s32 s25, s1;
	s14 =	sshrl.u32 s22, $0x1F;
	vm15 =	vlt.s32 v0, $0x0;
	v43 =	vadd.s32 $0xF423F, v0;
	v44 =	vmul.u32 $0xF423F, v9  }
0x553: {  	s20 =	sshrl.u32 s18, $0x1F;
	s19 =	sshrl.u32 s17, $0x1F;
	v48 =	vmov s14;
	s14 =	sshra.s32 s13, $0x12;
	v9 =	vsel vm15, v43, v0;
	v0 =	vmov s21  }
0x554: {  	v45 =	vsel vm3, s15, v62;
	(v2sf) =	vpush v7, $0xC;
	s15 =	sshrl.u32 s28, $0x1F;
	s31 =	spop (v2sf);
	v0 =	vsel vm1, s12, v0;
	s12 =	sshra.s32 s11, $0x12  }
0x555: {  	s11 =	sshra.s32 s6, $0x12;
	s26 =	smulhi.u32 $0x431BE2E9, s31;
	s0 =	sshra.s32 s31, $0x1F  }
0x556: {  	v60 =	vsel vm8, s10, v56;
	s6 =	sshra.s32 s28, $0x1F;
	s3 =	spop (v2sf);
	s10 =	smul.u32 $0x431BE2E9, s0  }
0x557: {  	(v2sf) =	vpush v7, $0xE;
	v0 =	vsel vm2, s16, v0;
	s16 =	sshra.s32 s22, $0x1F;
	s1 =	smulhi.u32 $0x431BE2E9, s3;
	s30 =	sshra.s32 s3, $0x1F  }
0x558: {  	v23 =	vsel vm9, s9, v60;
	s31 =	spop (v2sf);
	v49 =	vsel vm3, s19, v0;
	s19 =	sshra.s32 s28, $0x12;
	s9 =	smul.u32 $0x431BE2E9, s30  }
0x559: {  	v15 =	vcombine.low v15, v16;
	v16 =	vnsel vm6, $0x0, v48;
	(v2sf) =	vpush v7, $0xF;
	s29 =	smulhi.u32 $0x431BE2E9, s31;
	s25 =	sshra.s32 s31, $0x1F;
	s3 =	spop (v2sf)  }
0x55a: {  	v20 =	vcombine.low v20, v63;
	v0 =	vsel vm1, s20, v16;
	s31 =	sshrl.u32 s23, $0x1F;
	s0 =	smul.u32 $0x431BE2E9, s25;
	s30 =	sadd.s32 s10, s26  }
0x55b: {  	v14 =	vcombine.low v14, v18;
	(v2sf) =	vpush v7, $0x9;
	s10 =	smulhi.u32 $0x431BE2E9, s3;
	s24 =	sshra.s32 s3, $0x1F;
	v0 =	vsel vm2, s31, v0;
	s31 =	sshra.s32 s23, $0x1F  }
0x55c: {  	v21 =	vperm.xlane v21, v1;
	v2 =	vcombine.low v28, v2;
	s26 =	sadd.s32 s9, s1;
	s9 =	smul.u32 $0x431BE2E9, s24;
	s20 =	sshra.s32 s30, $0x1F  }
0x55d: {  	v15 =	vperm.xlane v15, v58;
	v14 =	vperm.xlane v14, v58;
	(v2sf) =	vpush v7, $0x8;
	s25 =	sadd.s32 s0, s29;
	s0 =	sshrl.u32 s30, $0x1F;
	s29 =	sld [smem:$0x657]  }
0x55e: {  	v2 =	vperm.xlane v2, v58;
	vm12 =	vmmov vm13;
	v47 =	vperm.xlane v20, v58;
	s3 =	sshrl.u32 s26, $0x1F;
	s28 =	sshra.s32 s26, $0x12;
	s24 =	sadd.s32 s9, s10  }
0x55f: {  	vm13 =	vmmov vm4;
	vm4 =	vmmov vm5;
	(v2sf) =	vpush v7, $0xA;
	s21 =	sshrl.u32 s25, $0x1F;
	s9 =	sshra.s32 s7, $0x12;
	s13 =	sshra.s32 s24, $0x1F  }
0x560: {  	vm0 =	vmmov vm8;
	vm5 =	vcmask $0x704;
	s1 =	sshra.s32 s29, $0x12;
	s29 =	sshra.s32 s5, $0x12;
	s5 =	sshra.s32 s22, $0x12;
	v51 =	vmov s13  }
0x561: {  	v50 =	vperm.xlane v17, v1;
	vm8 =	vcmask $0x2320;
	s7 =	sshra.s32 s8, $0x12;
	s8 =	sshra.s32 s17, $0x12;
	s22 =	sshra.s32 s23, $0x12;
	v17 =	vsel vm6, s5, v51  }
0x562: {  	(v2sf) =	vpush v7, $0xB;
	v0 =	vsel vm3, s15, v0;
	s23 =	sshra.s32 s30, $0x12;
	s30 =	spop (v2sf);
	v52 =	vsel vm5, s16, v17;
	s16 =	sshra.s32 s26, $0x1F  }
0x563: {  	vm10 =	vlt.s32 v39, $0x0;
	v37 =	vadd.s32 $0xF423F, v39;
	v0 =	vsel vm8, s0, v0;
	s0 =	smulhi.u32 $0x431BE2E9, s30;
	s15 =	sshra.s32 s30, $0x1F;
	s26 =	spop (v2sf)  }
0x564: {  	v21 =	vsel vm14, v21, v47;
	v19 =	vsel vm10, v37, v39;
	s17 =	sshra.s32 s18, $0x12;
	s18 =	sshra.s32 s18, $0x1F;
	s5 =	smul.u32 $0x431BE2E9, s15;
	(v2sf) =	vpush v7, $0x0  }
0x565: {  	s10 =	sshrl.u32 s24, $0x1F;
	v0 =	vsel vm7, s3, v0;
	v16 =	vsel vm1, s17, v52;
	s3 =	smulhi.u32 $0x431BE2E9, s26;
	s13 =	sshra.s32 s26, $0x1F;
	(v2sf) =	vpush v7, $0x1  }
0x566: {  	v57 =	vcombine.low v33, v31;
	s17 =	sshra.s32 s25, $0x12;
	v16 =	vsel vm12, s18, v16;
	s15 =	smul.u32 $0x431BE2E9, s13;
	s30 =	spop (v2sf);
	(v2sf) =	vpush v7, $0x2  }
0x567: {  	v55 =	vperm.xlane v30, v1;
	s18 =	sshra.s32 s25, $0x1F;
	v16 =	vsel vm2, s22, v16;
	s22 =	smulhi.u32 $0x431BE2E9, s30;
	s26 =	sshra.s32 s30, $0x1F;
	(v2sf) =	vpush v7, $0x3  }
0x568: {  	vm11 =	vcmask $0x2724;
	v53 =	vperm.xlane v29, v1;
	s0 =	sadd.s32 s5, s0;
	s30 =	spop (v2sf);
	s5 =	smul.u32 $0x431BE2E9, s26;
	(v2sf) =	vpush v7, $0x4  }
0x569: {  	v61 =	vperm.xlane v32, v1;
	v2 =	vsel vm14, v55, v2;
	s13 =	sshra.s32 s24, $0x12;
	s25 =	smulhi.u32 $0x431BE2E9, s30;
	s24 =	sshra.s32 s30, $0x1F;
	(v2sf) =	vpush v7, $0x5  }
0x56a: {  	v14 =	vsel vm14, v53, v14;
	v16 =	vsel vm13, s31, v16;
	s3 =	sadd.s32 s15, s3;
	s31 =	spop (v2sf);
	s15 =	smul.u32 $0x431BE2E9, s24;
	(v2sf) =	vpush v7, $0x6  }
0x56b: {  	v59 =	vcombine.low v35, v34;
	v54 =	vmov s9;
	s9 =	smulhi.u32 $0x431BE2E9, s31;
	s30 =	sshra.s32 s31, $0x1F;
	(v2sf) =	vpush v7, $0x7  }
0x56c: {  	v15 =	vsel vm14, v50, v15;
	vm15 =	vmmov vm12;
	v16 =	vsel vm3, s19, v16;
	s31 =	spop (v2sf);
	s19 =	smul.u32 $0x431BE2E9, s30  }
0x56d: {  	v2 =	vadd.s32 v14, v2;
	v10 =	vsub.s32 v10, v44;
	v0 =	vsel vm4, s21, v0;
	s21 =	sshrl.u32 s0, $0x1F;
	s30 =	smulhi.u32 $0x431BE2E9, s31;
	s31 =	sshra.s32 s31, $0x1F  }
0x56e: {  	v15 =	vadd.s32 v21, v15;
	v18 =	vsel vm1, s1, v54;
	vm5 =	vcmask $0x1F1C;
	s26 =	spop (v2sf);
	s1 =	sadd.s32 s15, s25;
	s15 =	smul.u32 $0x431BE2E9, s31  }
0x56f: {  	v2 =	vmul.u32 $0xF423F, v2;
	v15 =	vmul.u32 $0xF423F, v15;
	v16 =	vsel vm5, s6, v16;
	s31 =	sshra.s32 s26, $0x1F;
	s6 =	sadd.s32 s19, s9;
	s19 =	smulhi.u32 $0x431BE2E9, s26  }
0x570: {  	v30 =	vmov s14;
	vm10 =	vlt.s32 v10, $0x0;
	v46 =	vadd.s32 $0xF423F, v10;
	s24 =	sshrl.u32 s3, $0x1F;
	s3 =	sshra.s32 s3, $0x12;
	s26 =	smul.u32 $0x431BE2E9, s31  }
0x571: {  	v12 =	vsub.s32 v12, v2;
	v2 =	vperm.xlane v57, v58;
	v15 =	vsub.s32 v11, v15;
	s5 =	sadd.s32 s5, s22;
	s31 =	spop (v2sf);
	s9 =	sadd.s32 s15, s30  }
0x572: {  	v0 =	vsel vm9, s10, v0;
	v60 =	vsel vm2, s29, v18;
	v16 =	vsel vm8, s23, v16;
	s29 =	sshra.s32 s31, $0x1F;
	s10 =	sadd.s32 s26, s19;
	s19 =	smulhi.u32 $0x431BE2E9, s31  }
0x573: {  	v11 =	vsel vm10, v46, v10;
	v34 =	vsel vm1, s12, v30;
	v31 =	vsel vm11, s20, v16;
	s15 =	sshrl.u32 s6, $0x1F;
	s20 =	smul.u32 $0x431BE2E9, s29;
	s30 =	spop (v2sf)  }
0x574: {  	v56 =	vadd.s32 $0xF423F, v15;
	vm12 =	vlt.s32 v15, $0x0;
	v35 =	vsel vm7, s28, v31;
	s28 =	smulhi.u32 $0x431BE2E9, s30;
	s26 =	sshra.s32 s30, $0x1F;
	s31 =	spop (v2sf)  }
0x575: {  	v20 =	vcombine.low v49, v45;
	v10 =	vsel vm12, v56, v15;
	v62 =	vld [tilespmem:$0x120];
	vm12 =	vcmask $0x2F2C;
	s12 =	sadd.s32 s20, s19;
	s19 =	smul.u32 $0x431BE2E9, s26;
	s30 =	spop (v2sf)  }
0x576: {  	v37 =	vsel vm14, v61, v2;
	v2 =	vsel vm2, s11, v34;
	v32 =	vld [tilespmem:$0x11F];
	v39 =	vsel vm12, s16, v35;
	s11 =	smulhi.u32 $0x431BE2E9, s31;
	s31 =	sshra.s32 s31, $0x1F;
	s26 =	spop (v2sf)  }
0x577: {  	v33 =	vperm.xlane v23, v1;
	v46 =	vperm.xlane v20, v58;
	s23 =	sshrl.u32 s9, $0x1F;
	v18 =	vsel vm4, s17, v39;
	s17 =	smul.u32 $0x431BE2E9, s31;
	s16 =	spop (v2sf)  }
0x578: {  	v2 =	vsel vm3, s8, v2;
	v47 =	vperm.xlane v0, v1;
	v17 =	vsel vm3, s7, v60;
	s29 =	smulhi.u32 $0x431BE2E9, s30;
	s30 =	sshra.s32 s30, $0x1F;
	s20 =	spop (v2sf)  }
0x579: {  	v43 =	vcombine.low v2, v17;
	v2 =	vmov s24;
	s14 =	sshrl.u32 s10, $0x1F;
	v40 =	vsel vm0, s18, v18;
	s18 =	smul.u32 $0x431BE2E9, s30;
	s24 =	spop (v2sf)  }
0x57a: {  	v63 =	vperm.xlane v59, v58;
	vm6 =	vmmov vm4;
	v45 =	vmov s23;
	s19 =	sadd.s32 s19, s28;
	s23 =	smulhi.u32 $0x431BE2E9, s26;
	s31 =	spop (v2sf)  }
0x57b: {  	v17 =	vsel vm14, v47, v46;
	v41 =	vmul.u32 $0x8DD9, v62;
	v42 =	vmul.u32 $0x6A37, v32;
	s8 =	sadd.s32 s17, s11;
	s11 =	smulhi.u32 $0x431BE2E9, s31;
	s28 =	sshra.s32 s31, $0x1F  }
0x57c: {  	v0 =	vperm.xlane v43, v58;
	v53 =	vmov s3;
	v48 =	vsel vm1, s15, v45;
	s15 =	sadd.s32 s18, s29;
	s29 =	sshra.s32 s26, $0x1F;
	s30 =	smul.u32 $0x431BE2E9, s28  }
0x57d: {  	s22 =	sshrl.u32 s5, $0x1F;
	v44 =	vsel vm1, s21, v2;
	v2 =	vxor.u32 v41, v42;
	s7 =	sshrl.u32 s12, $0x1F;
	v20 =	vsel vm2, s14, v48;
	s17 =	smul.u32 $0x431BE2E9, s29  }
0x57e: {  	s25 =	sshrl.u32 s1, $0x1F;
	v50 =	vsel vm2, s22, v44;
	(v2sf) =	vpush v2, $0xD;
	v20 =	vsel vm3, s7, v20;
	s7 =	sadd.s32 s30, s11  }
0x57f: {  	v22 =	vsel vm3, s25, v50;
	vm4 =	vcmask $0x300;
	(v2sf) =	vpush v2, $0xC;
	s21 =	sshrl.u32 s19, $0x1F;
	s11 =	sadd.s32 s17, s23;
	s23 =	sshra.s32 s7, $0x1F  }
0x580: {  	s0 =	sshra.s32 s0, $0x12;
	v20 =	vcombine.low v20, v22;
	s22 =	smulhi.u32 $0x431BE2E9, s16;
	v51 =	vmov s21;
	s26 =	sshra.s32 s19, $0x12;
	v52 =	vmov s23  }
0x581: {  	s16 =	sshra.s32 s16, $0x1F;
	s19 =	sshra.s32 s19, $0x1F;
	v22 =	vnsel vm4, $0x0, v51;
	s31 =	sshrl.u32 s8, $0x1F;
	v23 =	vsel vm4, s26, v52;
	vm4 =	vcmask $0x704  }
0x582: {  	v49 =	vsel vm9, s13, v40;
	s16 =	smul.u32 $0x431BE2E9, s16;
	s14 =	sshrl.u32 s15, $0x1F;
	v22 =	vsel vm1, s31, v22;
	s31 =	sshra.s32 s8, $0x12;
	v23 =	vsel vm4, s19, v23  }
0x583: {  	v21 =	vperm.xlane v49, v1;
	(v2sf) =	vpush v2, $0xE;
	s29 =	smulhi.u32 $0x431BE2E9, s24;
	s8 =	sshra.s32 s8, $0x1F;
	s30 =	sshra.s32 s24, $0x1F;
	v23 =	vsel vm1, s31, v23  }
0x584: {  	(v2sf) =	vpush v2, $0xF;
	v22 =	vsel vm2, s14, v22;
	s14 =	sadd.s32 s16, s22;
	s24 =	sshra.s32 s15, $0x12;
	s22 =	smul.u32 $0x431BE2E9, s30;
	v23 =	vsel vm15, s8, v23  }
0x585: {  	v24 =	vsel vm1, s0, v53;
	s25 =	smulhi.u32 $0x431BE2E9, s20;
	s20 =	sshra.s32 s20, $0x1F;
	(v2sf) =	vpush v2, $0x9;
	s26 =	sshra.s32 s15, $0x1F;
	v23 =	vsel vm2, s24, v23  }
0x586: {  	v0 =	vsel vm14, v21, v0;
	s20 =	smul.u32 $0x431BE2E9, s20;
	(v2sf) =	vpush v2, $0x8;
	s13 =	sadd.s32 s22, s29;
	s29 =	sshra.s32 s11, $0x12;
	v23 =	vsel vm13, s26, v23  }
0x587: {  	v57 =	vperm.xlane v20, v58;
	(v2sf) =	vpush v2, $0xA;
	s28 =	sshrl.u32 s11, $0x1F;
	s30 =	sshra.s32 s11, $0x1F;
	v23 =	vsel vm3, s29, v23  }
0x588: {  	(v2sf) =	vpush v2, $0xB;
	s18 =	sadd.s32 s20, s25;
	v22 =	vsel vm3, s28, v22;
	s23 =	sshrl.u32 s14, $0x1F;
	s31 =	sshra.s32 s14, $0x12;
	v23 =	vsel vm5, s30, v23  }
0x589: {  	(v2sf) =	vpush v2, $0x0;
	s25 =	sshrl.u32 s18, $0x1F;
	v22 =	vsel vm8, s23, v22;
	s11 =	sshra.s32 s9, $0x12;
	s15 =	sshra.s32 s14, $0x1F;
	v23 =	vsel vm8, s31, v23  }
0x58a: {  	s6 =	sshra.s32 s6, $0x12;
	s16 =	sshra.s32 s18, $0x12;
	v22 =	vsel vm7, s25, v22;
	s28 =	sshrl.u32 s13, $0x1F;
	v54 =	vmov s11;
	v23 =	vsel vm11, s15, v23  }
0x58b: {  	s20 =	sshra.s32 s18, $0x1F;
	s19 =	sshra.s32 s10, $0x12;
	v22 =	vsel vm6, s28, v22;
	v25 =	vsel vm1, s6, v54;
	s8 =	sshra.s32 s5, $0x12;
	v23 =	vsel vm7, s16, v23  }
0x58c: {  	s1 =	sshra.s32 s1, $0x12;
	s25 =	sshra.s32 s13, $0x12;
	v25 =	vsel vm2, s19, v25;
	v24 =	vsel vm2, s8, v24;
	s24 =	sshra.s32 s12, $0x12;
	v23 =	vsel vm12, s20, v23  }
0x58d: {  	v24 =	vsel vm3, s1, v24;
	v25 =	vsel vm3, s24, v25;
	s29 =	sshrl.u32 s7, $0x1F;
	s30 =	sshra.s32 s13, $0x1F;
	v23 =	vsel vm6, s25, v23  }
0x58e: {  	s9 =	sshra.s32 s7, $0x12;
	v56 =	vcombine.low v25, v24;
	v55 =	vsel vm9, s29, v22;
	v23 =	vsel vm0, s30, v23  }
0x58f: {  	[tilespmem:$0x2D0] =	vst v4;
	(v2sf) =	vpush v2, $0x1;
	v4 =	vperm.xlane v55, v1;
	v59 =	vsel vm9, s9, v23  }
0x590: {  	v0 =	vadd.s32 v17, v0;
	s17 =	spop (v2sf);
	v61 =	vperm.xlane v56, v58;
	v62 =	vperm.xlane v59, v1  }
0x591: {  	v16 =	vsel vm14, v33, v63;
	v0 =	vmul.u32 $0xF423F, v0;
	(v2sf) =	vpush v2, $0x2;
	s21 =	spop (v2sf)  }
0x592: {  	(v2sf) =	vpush v2, $0x3;
	s18 =	smulhi.u32 $0x431BE2E9, s21;
	s3 =	sshra.s32 s21, $0x1F;
	s26 =	spop (v2sf);
	v4 =	vsel vm14, v4, v57;
	v63 =	vsel vm14, v62, v61  }
0x593: {  	(v2sf) =	vpush v2, $0x4;
	s19 =	smul.u32 $0x431BE2E9, s3;
	s0 =	sshra.s32 s26, $0x1F;
	v4 =	vadd.s32 v4, v63  }
0x594: {  	v0 =	vsub.s32 v3, v0;
	(v2sf) =	vpush v2, $0x5;
	s24 =	smul.u32 $0x431BE2E9, s0;
	s31 =	spop (v2sf);
	v4 =	vmul.u32 $0xF423F, v4  }
0x595: {  	v3 =	vadd.s32 $0xF423F, v0;
	(v2sf) =	vpush v2, $0x6;
	vm5 =	vmmov vm7;
	s21 =	smulhi.u32 $0x431BE2E9, s31  }
0x596: {  	s8 =	sshra.s32 s17, $0x1F;
	s16 =	smulhi.u32 $0x431BE2E9, s17;
	vm12 =	vmmov vm6;
	vm6 =	vlt.s32 v0, $0x0;
	v4 =	vsub.s32 v7, v4  }
0x597: {  	s1 =	sshra.s32 s31, $0x1F;
	s17 =	smul.u32 $0x431BE2E9, s8;
	v0 =	vsel vm6, v3, v0;
	vm7 =	vlt.s32 v4, $0x0;
	v3 =	vadd.s32 $0xF423F, v4  }
0x598: {  	s10 =	spop (v2sf);
	s1 =	smul.u32 $0x431BE2E9, s1;
	[tilespmem:$0x370] =	vst v0;
	v0 =	vsel vm7, v3, v4;
	v3 =	vld [tilespmem:$0x12F]  }
0x599: {  	(v2sf) =	vpush v2, $0x7;
	s22 =	spop (v2sf);
	s20 =	smulhi.u32 $0x431BE2E9, s26;
	[tilespmem:$0x380] =	vst v0;
	v0 =	vld [tilespmem:$0x130]  }
0x59a: {  	s23 =	spop (v2sf);
	s26 =	smulhi.u32 $0x431BE2E9, s22  }
0x59b: {  	s31 =	sshra.s32 s22, $0x1F;
	s28 =	spop (v2sf);
	s25 =	smulhi.u32 $0x431BE2E9, s10  }
0x59c: {  	[smem:$0x658] =	sst s1;
	s1 =	smul.u32 $0x431BE2E9, s31  }
0x59d: {  	s22 =	smulhi.u32 $0x431BE2E9, s23;
	s6 =	sshra.s32 s23, $0x1F;
	s29 =	spop (v2sf)  }
0x59e: {  	s30 =	sshra.s32 s10, $0x1F;
	s23 =	smulhi.u32 $0x431BE2E9, s28;
	s11 =	spop (v2sf);
	v3 =	vmul.u32 $0x6A37, v3;
	v0 =	vmul.u32 $0x8DD9, v0  }
0x59f: {  	s5 =	smul.u32 $0x431BE2E9, s30;
	[smem:$0x659] =	sst s1  }
0x5a0: {  	s7 =	sshra.s32 s28, $0x1F;
	s1 =	smul.u32 $0x431BE2E9, s6;
	s12 =	spop (v2sf);
	v3 =	vxor.u32 v0, v3  }
0x5a1: {  	s28 =	smulhi.u32 $0x431BE2E9, s29;
	s8 =	sshra.s32 s29, $0x1F;
	s13 =	spop (v2sf);
	(v2sf) =	vpush v3, $0xD  }
0x5a2: {  	s10 =	smul.u32 $0x431BE2E9, s8;
	s3 =	spop (v2sf)  }
0x5a3: {  	s29 =	smulhi.u32 $0x431BE2E9, s11;
	s14 =	spop (v2sf);
	(v2sf) =	vpush v3, $0xC  }
0x5a4: {  	s9 =	sshra.s32 s11, $0x1F;
	[smem:$0x65A] =	sst s1;
	s1 =	smul.u32 $0x431BE2E9, s7  }
0x5a5: {  	s8 =	smul.u32 $0x431BE2E9, s9;
	s0 =	spop (v2sf);
	(v2sf) =	vpush v3, $0xE  }
0x5a6: {  	s11 =	smulhi.u32 $0x431BE2E9, s12;
	s12 =	sshra.s32 s12, $0x1F  }
0x5a7: {  	s7 =	smul.u32 $0x431BE2E9, s12  }
0x5a8: {  	s30 =	smulhi.u32 $0x431BE2E9, s13;
	s31 =	sshra.s32 s13, $0x1F;
	s15 =	spop (v2sf);
	(v2sf) =	vpush v3, $0xF  }
0x5a9: {  	s9 =	smul.u32 $0x431BE2E9, s31  }
0x5aa: {  	[smem:$0x65D] =	sst s30;
	s30 =	smulhi.u32 $0x431BE2E9, s3;
	(v2sf) =	vpush v3, $0x9  }
0x5ab: {  	s31 =	smulhi.u32 $0x431BE2E9, s14  }
0x5ac: {  	s12 =	smulhi.u32 $0x431BE2E9, s0;
	s0 =	sshra.s32 s0, $0x1F  }
0x5ad: {  	[smem:$0x65C] =	sst s11;
	s6 =	sshra.s32 s3, $0x1F;
	s3 =	smul.u32 $0x431BE2E9, s0  }
0x5ae: {  	s11 =	sshra.s32 s14, $0x1F;
	s13 =	smulhi.u32 $0x431BE2E9, s15;
	s14 =	sshra.s32 s15, $0x1F  }
0x5af: {  	[smem:$0x65E] =	sst s12;
	s0 =	smul.u32 $0x431BE2E9, s14;
	(v2sf) =	vpush v3, $0x8  }
0x5b0: {  	[smem:$0x65F] =	sst s13;
	(v2sf) =	vpush v3, $0xA;
	s15 =	spop (v2sf)  }
0x5b1: {  	[smem:$0x660] =	sst s0;
	s12 =	smulhi.u32 $0x431BE2E9, s15;
	s0 =	sshra.s32 s15, $0x1F  }
0x5b2: {  	s13 =	spop (v2sf);
	s0 =	smul.u32 $0x431BE2E9, s0  }
0x5b3: {  	s14 =	smulhi.u32 $0x431BE2E9, s13  }
0x5b4: {  	s15 =	spop (v2sf);
	[smem:$0x662] =	sst s0;
	s0 =	sshra.s32 s13, $0x1F  }
0x5b5: {  	(v2sf) =	vpush v3, $0xB;
	[smem:$0x661] =	sst s12;
	s0 =	smul.u32 $0x431BE2E9, s0  }
0x5b6: {  	(v2sf) =	vpush v3, $0x0;
	s12 =	smulhi.u32 $0x431BE2E9, s15;
	[smem:$0x663] =	sst s14  }
0x5b7: {  	s13 =	spop (v2sf);
	[smem:$0x664] =	sst s0;
	s0 =	sshra.s32 s15, $0x1F  }
0x5b8: {  	[smem:$0x665] =	sst s12;
	s0 =	smul.u32 $0x431BE2E9, s0  }
0x5b9: {  	(v2sf) =	vpush v3, $0x1;
	s14 =	smulhi.u32 $0x431BE2E9, s13;
	s15 =	spop (v2sf)  }
0x5ba: {  	s12 =	smulhi.u32 $0x431BE2E9, s15;
	[smem:$0x666] =	sst s0;
	s0 =	sshra.s32 s13, $0x1F  }
0x5bb: {  	(v2sf) =	vpush v3, $0x2;
	[smem:$0x667] =	sst s14;
	s0 =	smul.u32 $0x431BE2E9, s0  }
0x5bc: {  	[smem:$0x669] =	sst s12  }
0x5bd: {  	[smem:$0x668] =	sst s0;
	s0 =	sshra.s32 s15, $0x1F  }
0x5be: {  	(v2sf) =	vpush v3, $0x3;
	s13 =	spop (v2sf);
	s0 =	smul.u32 $0x431BE2E9, s0  }
0x5bf: {  	s14 =	smulhi.u32 $0x431BE2E9, s13;
	s15 =	spop (v2sf)  }
0x5c0: {  	(v2sf) =	vpush v3, $0x4;
	s12 =	smulhi.u32 $0x431BE2E9, s15;
	[smem:$0x66A] =	sst s0;
	s0 =	sshra.s32 s13, $0x1F  }
0x5c1: {  	[smem:$0x66B] =	sst s14;
	s0 =	smul.u32 $0x431BE2E9, s0  }
0x5c2: {  	[smem:$0x66D] =	sst s12  }
0x5c3: {  	[smem:$0x66C] =	sst s0;
	s0 =	sshra.s32 s15, $0x1F  }
0x5c4: {  	(v2sf) =	vpush v3, $0x5;
	s13 =	spop (v2sf);
	s0 =	smul.u32 $0x431BE2E9, s0  }
0x5c5: {  	s14 =	smulhi.u32 $0x431BE2E9, s13;
	s15 =	spop (v2sf)  }
0x5c6: {  	s12 =	smulhi.u32 $0x431BE2E9, s15;
	[smem:$0x66E] =	sst s0;
	s0 =	sshra.s32 s13, $0x1F  }
0x5c7: {  	v17 =	vld [tilespmem:$0x13F];
	[smem:$0x66F] =	sst s14;
	s0 =	smul.u32 $0x431BE2E9, s0  }
0x5c8: {  	v0 =	vld [tilespmem:$0x140];
	(v2sf) =	vpush v3, $0x6;
	[smem:$0x671] =	sst s12;
	s13 =	spop (v2sf)  }
0x5c9: {  	s14 =	smulhi.u32 $0x431BE2E9, s13;
	[smem:$0x670] =	sst s0;
	s0 =	sshra.s32 s15, $0x1F  }
0x5ca: {  	s15 =	spop (v2sf);
	s12 =	smul.u32 $0x431BE2E9, s0  }
0x5cb: {  	[smem:$0x672] =	sst s14;
	s0 =	sshra.s32 s13, $0x1F;
	s14 =	smulhi.u32 $0x431BE2E9, s15  }
0x5cc: {  	[smem:$0x65B] =	sst s1;
	(v2sf) =	vpush v3, $0x7;
	s13 =	smul.u32 $0x431BE2E9, s0;
	s0 =	sshra.s32 s15, $0x1F  }
0x5cd: {  	v4 =	vmul.u32 $0x6A37, v17;
	v0 =	vmul.u32 $0x8DD9, v0;
	s1 =	smul.u32 $0x431BE2E9, s0;
	s0 =	spop (v2sf)  }
0x5ce: {  	s15 =	smulhi.u32 $0x431BE2E9, s0  }
0x5cf: {  	v4 =	vxor.u32 v0, v4;
	[smem:$0x673] =	sst s14;
	s14 =	spop (v2sf)  }
0x5d0: {  	(v2sf) =	vpush v4, $0xD;
	[smem:$0x674] =	sst s15;
	s15 =	smulhi.u32 $0x431BE2E9, s14;
	s14 =	sshra.s32 s14, $0x1F  }
0x5d1: {  	s14 =	smul.u32 $0x431BE2E9, s14;
	_ =	sdelay $0x1  }
0x5d2: {  	[smem:$0x676] =	sst s14;
	s14 =	spop (v2sf)  }
0x5d3: {  	(v2sf) =	vpush v4, $0xC;
	[smem:$0x675] =	sst s15;
	s15 =	smulhi.u32 $0x431BE2E9, s14;
	s14 =	sshra.s32 s14, $0x1F  }
0x5d4: {  	s14 =	smul.u32 $0x431BE2E9, s14;
	_ =	sdelay $0x1  }
0x5d5: {  	[smem:$0x678] =	sst s14;
	s14 =	spop (v2sf)  }
0x5d6: {  	(v2sf) =	vpush v4, $0xE;
	[smem:$0x677] =	sst s15;
	s15 =	smulhi.u32 $0x431BE2E9, s14;
	s14 =	sshra.s32 s14, $0x1F  }
0x5d7: {  	s14 =	smul.u32 $0x431BE2E9, s14;
	_ =	sdelay $0x1  }
0x5d8: {  	[smem:$0x67A] =	sst s14;
	s14 =	spop (v2sf)  }
0x5d9: {  	(v2sf) =	vpush v4, $0xF;
	[smem:$0x679] =	sst s15;
	s15 =	smulhi.u32 $0x431BE2E9, s14;
	s14 =	sshra.s32 s14, $0x1F  }
0x5da: {  	s14 =	smul.u32 $0x431BE2E9, s14;
	_ =	sdelay $0x1  }
0x5db: {  	[smem:$0x67C] =	sst s14;
	s14 =	spop (v2sf)  }
0x5dc: {  	(v2sf) =	vpush v4, $0x9;
	[smem:$0x67B] =	sst s15;
	s15 =	smulhi.u32 $0x431BE2E9, s14;
	s14 =	sshra.s32 s14, $0x1F  }
0x5dd: {  	s14 =	smul.u32 $0x431BE2E9, s14;
	_ =	sdelay $0x1  }
0x5de: {  	[smem:$0x67E] =	sst s14;
	s14 =	spop (v2sf)  }
0x5df: {  	(v2sf) =	vpush v4, $0x8;
	[smem:$0x67D] =	sst s15;
	s15 =	smulhi.u32 $0x431BE2E9, s14;
	s14 =	sshra.s32 s14, $0x1F  }
0x5e0: {  	s14 =	smul.u32 $0x431BE2E9, s14;
	_ =	sdelay $0x1  }
0x5e1: {  	[smem:$0x680] =	sst s14;
	s14 =	spop (v2sf)  }
0x5e2: {  	(v2sf) =	vpush v4, $0xA;
	[smem:$0x67F] =	sst s15;
	s15 =	smulhi.u32 $0x431BE2E9, s14;
	s14 =	sshra.s32 s14, $0x1F  }
0x5e3: {  	s14 =	smul.u32 $0x431BE2E9, s14;
	_ =	sdelay $0x1  }
0x5e4: {  	[smem:$0x682] =	sst s14;
	s14 =	spop (v2sf)  }
0x5e5: {  	(v2sf) =	vpush v4, $0xB;
	[smem:$0x681] =	sst s15;
	s15 =	smulhi.u32 $0x431BE2E9, s14;
	s14 =	sshra.s32 s14, $0x1F  }
0x5e6: {  	s14 =	smul.u32 $0x431BE2E9, s14;
	_ =	sdelay $0x1  }
0x5e7: {  	[smem:$0x684] =	sst s14;
	s14 =	spop (v2sf)  }
0x5e8: {  	(v2sf) =	vpush v4, $0x0;
	[smem:$0x683] =	sst s15;
	s15 =	smulhi.u32 $0x431BE2E9, s14;
	s14 =	sshra.s32 s14, $0x1F  }
0x5e9: {  	s14 =	smul.u32 $0x431BE2E9, s14;
	_ =	sdelay $0x1  }
0x5ea: {  	[smem:$0x686] =	sst s14;
	s14 =	spop (v2sf)  }
0x5eb: {  	(v2sf) =	vpush v4, $0x1;
	[smem:$0x685] =	sst s15;
	s15 =	smulhi.u32 $0x431BE2E9, s14;
	s14 =	sshra.s32 s14, $0x1F  }
0x5ec: {  	s14 =	smul.u32 $0x431BE2E9, s14;
	_ =	sdelay $0x1  }
0x5ed: {  	[smem:$0x688] =	sst s14;
	s14 =	spop (v2sf)  }
0x5ee: {  	(v2sf) =	vpush v4, $0x2;
	[smem:$0x687] =	sst s15;
	s15 =	smulhi.u32 $0x431BE2E9, s14;
	s14 =	sshra.s32 s14, $0x1F  }
0x5ef: {  	s14 =	smul.u32 $0x431BE2E9, s14;
	_ =	sdelay $0x1  }
0x5f0: {  	[smem:$0x68A] =	sst s14;
	s14 =	spop (v2sf)  }
0x5f1: {  	(v2sf) =	vpush v4, $0x3;
	[smem:$0x689] =	sst s15;
	s15 =	smulhi.u32 $0x431BE2E9, s14;
	s14 =	sshra.s32 s14, $0x1F  }
0x5f2: {  	s14 =	smul.u32 $0x431BE2E9, s14;
	_ =	sdelay $0x1  }
0x5f3: {  	[smem:$0x68C] =	sst s14;
	s14 =	spop (v2sf)  }
0x5f4: {  	(v2sf) =	vpush v4, $0x4;
	[smem:$0x68B] =	sst s15;
	s15 =	smulhi.u32 $0x431BE2E9, s14;
	s14 =	sshra.s32 s14, $0x1F  }
0x5f5: {  	s14 =	smul.u32 $0x431BE2E9, s14;
	_ =	sdelay $0x1  }
0x5f6: {  	[smem:$0x68E] =	sst s14;
	s14 =	spop (v2sf)  }
0x5f7: {  	(v2sf) =	vpush v4, $0x5;
	[smem:$0x68D] =	sst s15;
	s15 =	smulhi.u32 $0x431BE2E9, s14;
	s14 =	sshra.s32 s14, $0x1F  }
0x5f8: {  	s14 =	smul.u32 $0x431BE2E9, s14;
	_ =	sdelay $0x1  }
0x5f9: {  	[tilespmem:$0x2F0] =	vst v6;
	v60 =	vadd.s32 v37, v16;
	v18 =	vld [tilespmem:$0x14F];
	[smem:$0x690] =	sst s14;
	s14 =	spop (v2sf)  }
0x5fa: {  	v6 =	vmul.u32 $0xF423F, v60;
	v0 =	vld [tilespmem:$0x150];
	(v2sf) =	vpush v4, $0x6;
	[smem:$0x68F] =	sst s15;
	s15 =	smulhi.u32 $0x431BE2E9, s14;
	s14 =	sshra.s32 s14, $0x1F  }
0x5fb: {  	s14 =	smul.u32 $0x431BE2E9, s14  }
0x5fc: {  	v6 =	vsub.s32 v13, v6  }
0x5fd: {  	v15 =	vadd.s32 $0xF423F, v6;
	vm15 =	vlt.s32 v6, $0x0;
	[smem:$0x692] =	sst s14;
	s14 =	spop (v2sf)  }
0x5fe: {  	[tilespmem:$0x2E0] =	vst v5;
	v5 =	vsel vm15, v15, v6;
	(v2sf) =	vpush v4, $0x7;
	[smem:$0x691] =	sst s15;
	s15 =	smulhi.u32 $0x431BE2E9, s14;
	s14 =	sshra.s32 s14, $0x1F  }
0x5ff: {  	[tilespmem:$0x360] =	vst v5;
	v5 =	vmul.u32 $0x6A37, v18;
	v0 =	vmul.u32 $0x8DD9, v0;
	s14 =	smul.u32 $0x431BE2E9, s14;
	_ =	sdelay $0x1  }
0x600: {  	v6 =	vxor.u32 v0, v5;
	[smem:$0x694] =	sst s14;
	s14 =	spop (v2sf)  }
0x601: {  	(v2sf) =	vpush v6, $0xD;
	[smem:$0x693] =	sst s15;
	s15 =	smulhi.u32 $0x431BE2E9, s14;
	s14 =	sshra.s32 s14, $0x1F  }
0x602: {  	s14 =	smul.u32 $0x431BE2E9, s14;
	_ =	sdelay $0x1  }
0x603: {  	[smem:$0x696] =	sst s14;
	s14 =	spop (v2sf)  }
0x604: {  	(v2sf) =	vpush v6, $0xC;
	[smem:$0x695] =	sst s15;
	s15 =	smulhi.u32 $0x431BE2E9, s14;
	s14 =	sshra.s32 s14, $0x1F  }
0x605: {  	s14 =	smul.u32 $0x431BE2E9, s14;
	_ =	sdelay $0x1  }
0x606: {  	[smem:$0x698] =	sst s14;
	s14 =	spop (v2sf)  }
0x607: {  	(v2sf) =	vpush v6, $0xE;
	[smem:$0x697] =	sst s15;
	s15 =	smulhi.u32 $0x431BE2E9, s14;
	s14 =	sshra.s32 s14, $0x1F  }
0x608: {  	s14 =	smul.u32 $0x431BE2E9, s14;
	_ =	sdelay $0x1  }
0x609: {  	[smem:$0x69A] =	sst s14;
	s14 =	spop (v2sf)  }
0x60a: {  	(v2sf) =	vpush v6, $0xF;
	[smem:$0x699] =	sst s15;
	s15 =	smulhi.u32 $0x431BE2E9, s14;
	s14 =	sshra.s32 s14, $0x1F  }
0x60b: {  	s14 =	smul.u32 $0x431BE2E9, s14;
	_ =	sdelay $0x1  }
0x60c: {  	[smem:$0x69C] =	sst s14;
	s14 =	spop (v2sf)  }
0x60d: {  	(v2sf) =	vpush v6, $0x9;
	[smem:$0x69B] =	sst s15;
	s15 =	smulhi.u32 $0x431BE2E9, s14;
	s14 =	sshra.s32 s14, $0x1F  }
0x60e: {  	s14 =	smul.u32 $0x431BE2E9, s14;
	_ =	sdelay $0x1  }
0x60f: {  	[smem:$0x69E] =	sst s14;
	s14 =	spop (v2sf)  }
0x610: {  	(v2sf) =	vpush v6, $0x8;
	[smem:$0x69D] =	sst s15;
	s15 =	smulhi.u32 $0x431BE2E9, s14;
	s14 =	sshra.s32 s14, $0x1F  }
0x611: {  	s14 =	smul.u32 $0x431BE2E9, s14;
	_ =	sdelay $0x1  }
0x612: {  	[smem:$0x6A0] =	sst s14;
	s14 =	spop (v2sf)  }
0x613: {  	(v2sf) =	vpush v6, $0xA;
	[smem:$0x69F] =	sst s15;
	s15 =	smulhi.u32 $0x431BE2E9, s14;
	s14 =	sshra.s32 s14, $0x1F  }
0x614: {  	s14 =	smul.u32 $0x431BE2E9, s14;
	_ =	sdelay $0x1  }
0x615: {  	[smem:$0x6A2] =	sst s14;
	s14 =	spop (v2sf)  }
0x616: {  	(v2sf) =	vpush v6, $0xB;
	[smem:$0x6A1] =	sst s15;
	s15 =	smulhi.u32 $0x431BE2E9, s14;
	s14 =	sshra.s32 s14, $0x1F  }
0x617: {  	s14 =	smul.u32 $0x431BE2E9, s14;
	_ =	sdelay $0x1  }
0x618: {  	[smem:$0x6A4] =	sst s14;
	s14 =	spop (v2sf)  }
0x619: {  	(v2sf) =	vpush v6, $0x0;
	[smem:$0x6A3] =	sst s15;
	s15 =	smulhi.u32 $0x431BE2E9, s14;
	s14 =	sshra.s32 s14, $0x1F  }
0x61a: {  	s14 =	smul.u32 $0x431BE2E9, s14;
	_ =	sdelay $0x1  }
0x61b: {  	[smem:$0x6A6] =	sst s14;
	s14 =	spop (v2sf)  }
0x61c: {  	(v2sf) =	vpush v6, $0x1;
	[smem:$0x6A5] =	sst s15;
	s15 =	smulhi.u32 $0x431BE2E9, s14;
	s14 =	sshra.s32 s14, $0x1F  }
0x61d: {  	s14 =	smul.u32 $0x431BE2E9, s14;
	_ =	sdelay $0x1  }
0x61e: {  	[smem:$0x6A8] =	sst s14;
	s14 =	spop (v2sf)  }
0x61f: {  	(v2sf) =	vpush v6, $0x2;
	[smem:$0x6A7] =	sst s15;
	s15 =	smulhi.u32 $0x431BE2E9, s14;
	s14 =	sshra.s32 s14, $0x1F  }
0x620: {  	s14 =	smul.u32 $0x431BE2E9, s14;
	_ =	sdelay $0x1  }
0x621: {  	[smem:$0x6AA] =	sst s14;
	s14 =	spop (v2sf)  }
0x622: {  	(v2sf) =	vpush v6, $0x3;
	[smem:$0x6A9] =	sst s15;
	s15 =	smulhi.u32 $0x431BE2E9, s14;
	s14 =	sshra.s32 s14, $0x1F  }
0x623: {  	s14 =	smul.u32 $0x431BE2E9, s14;
	_ =	sdelay $0x1  }
0x624: {  	[smem:$0x6AC] =	sst s14;
	s14 =	spop (v2sf)  }
0x625: {  	(v2sf) =	vpush v6, $0x4;
	[smem:$0x6AB] =	sst s15;
	s15 =	smulhi.u32 $0x431BE2E9, s14;
	s14 =	sshra.s32 s14, $0x1F  }
0x626: {  	s14 =	smul.u32 $0x431BE2E9, s14;
	_ =	sdelay $0x1  }
0x627: {  	[smem:$0x6AE] =	sst s14;
	s14 =	spop (v2sf)  }
0x628: {  	(v2sf) =	vpush v6, $0x5;
	[smem:$0x6AD] =	sst s15;
	s15 =	smulhi.u32 $0x431BE2E9, s14;
	s14 =	sshra.s32 s14, $0x1F  }
0x629: {  	s14 =	smul.u32 $0x431BE2E9, s14;
	_ =	sdelay $0x1  }
0x62a: {  	[tilespmem:$0x300] =	vst v19;
	v19 =	vld [tilespmem:$0x15F];
	[smem:$0x6B0] =	sst s14;
	s14 =	spop (v2sf)  }
0x62b: {  	v0 =	vld [tilespmem:$0x160];
	(v2sf) =	vpush v6, $0x6;
	[smem:$0x6AF] =	sst s15;
	s15 =	smulhi.u32 $0x431BE2E9, s14;
	s14 =	sshra.s32 s14, $0x1F  }
0x62c: {  	s14 =	smul.u32 $0x431BE2E9, s14;
	_ =	sdelay $0x1  }
0x62d: {  	[smem:$0x6B2] =	sst s14;
	s14 =	spop (v2sf)  }
0x62e: {  	(v2sf) =	vpush v6, $0x7;
	[smem:$0x6B1] =	sst s15;
	s15 =	smulhi.u32 $0x431BE2E9, s14;
	s14 =	sshra.s32 s14, $0x1F  }
0x62f: {  	v5 =	vmul.u32 $0x6A37, v19;
	v0 =	vmul.u32 $0x8DD9, v0;
	s14 =	smul.u32 $0x431BE2E9, s14;
	_ =	sdelay $0x1  }
0x630: {  	v7 =	vxor.u32 v0, v5;
	[smem:$0x6B4] =	sst s14;
	s14 =	spop (v2sf)  }
0x631: {  	(v2sf) =	vpush v7, $0xD;
	[smem:$0x6B3] =	sst s15;
	s15 =	smulhi.u32 $0x431BE2E9, s14;
	s14 =	sshra.s32 s14, $0x1F  }
0x632: {  	s14 =	smul.u32 $0x431BE2E9, s14;
	_ =	sdelay $0x1  }
0x633: {  	[smem:$0x6B6] =	sst s14;
	s14 =	spop (v2sf)  }
0x634: {  	(v2sf) =	vpush v7, $0xC;
	[smem:$0x6B5] =	sst s15;
	s15 =	smulhi.u32 $0x431BE2E9, s14;
	s14 =	sshra.s32 s14, $0x1F  }
0x635: {  	s14 =	smul.u32 $0x431BE2E9, s14;
	_ =	sdelay $0x1  }
0x636: {  	[smem:$0x6B8] =	sst s14;
	s14 =	spop (v2sf)  }
0x637: {  	(v2sf) =	vpush v7, $0xE;
	[smem:$0x6B7] =	sst s15;
	s15 =	smulhi.u32 $0x431BE2E9, s14;
	s14 =	sshra.s32 s14, $0x1F  }
0x638: {  	s14 =	smul.u32 $0x431BE2E9, s14;
	_ =	sdelay $0x1  }
0x639: {  	[smem:$0x6BA] =	sst s14;
	s14 =	spop (v2sf)  }
0x63a: {  	(v2sf) =	vpush v7, $0xF;
	[smem:$0x6B9] =	sst s15;
	s15 =	smulhi.u32 $0x431BE2E9, s14;
	s14 =	sshra.s32 s14, $0x1F  }
0x63b: {  	s14 =	smul.u32 $0x431BE2E9, s14;
	_ =	sdelay $0x1  }
0x63c: {  	[smem:$0x6BC] =	sst s14;
	s14 =	spop (v2sf)  }
0x63d: {  	(v2sf) =	vpush v7, $0x9;
	[smem:$0x6BB] =	sst s15;
	s15 =	smulhi.u32 $0x431BE2E9, s14;
	s14 =	sshra.s32 s14, $0x1F  }
0x63e: {  	s14 =	smul.u32 $0x431BE2E9, s14;
	_ =	sdelay $0x1  }
0x63f: {  	[smem:$0x6BE] =	sst s14;
	s14 =	spop (v2sf)  }
0x640: {  	(v2sf) =	vpush v7, $0x8;
	[smem:$0x6BD] =	sst s15;
	s15 =	smulhi.u32 $0x431BE2E9, s14;
	s14 =	sshra.s32 s14, $0x1F  }
0x641: {  	s14 =	smul.u32 $0x431BE2E9, s14;
	_ =	sdelay $0x1  }
0x642: {  	[smem:$0x6C0] =	sst s14;
	s14 =	spop (v2sf)  }
0x643: {  	(v2sf) =	vpush v7, $0xA;
	[smem:$0x6BF] =	sst s15;
	s15 =	smulhi.u32 $0x431BE2E9, s14;
	s14 =	sshra.s32 s14, $0x1F  }
0x644: {  	s14 =	smul.u32 $0x431BE2E9, s14;
	_ =	sdelay $0x1  }
0x645: {  	[smem:$0x6C2] =	sst s14;
	s14 =	spop (v2sf)  }
0x646: {  	(v2sf) =	vpush v7, $0xB;
	[smem:$0x6C1] =	sst s15;
	s15 =	smulhi.u32 $0x431BE2E9, s14;
	s14 =	sshra.s32 s14, $0x1F  }
0x647: {  	s14 =	smul.u32 $0x431BE2E9, s14;
	_ =	sdelay $0x1  }
0x648: {  	[smem:$0x6C4] =	sst s14;
	s14 =	spop (v2sf)  }
0x649: {  	(v2sf) =	vpush v7, $0x0;
	[smem:$0x6C3] =	sst s15;
	s15 =	smulhi.u32 $0x431BE2E9, s14;
	s14 =	sshra.s32 s14, $0x1F  }
0x64a: {  	s14 =	smul.u32 $0x431BE2E9, s14;
	_ =	sdelay $0x1  }
0x64b: {  	[smem:$0x6C6] =	sst s14;
	s14 =	spop (v2sf)  }
0x64c: {  	(v2sf) =	vpush v7, $0x1;
	[smem:$0x6C5] =	sst s15;
	s15 =	smulhi.u32 $0x431BE2E9, s14;
	s14 =	sshra.s32 s14, $0x1F  }
0x64d: {  	s14 =	smul.u32 $0x431BE2E9, s14;
	_ =	sdelay $0x1  }
0x64e: {  	[smem:$0x6C8] =	sst s14;
	s14 =	spop (v2sf)  }
0x64f: {  	(v2sf) =	vpush v7, $0x2;
	[smem:$0x6C7] =	sst s15;
	s15 =	smulhi.u32 $0x431BE2E9, s14;
	s14 =	sshra.s32 s14, $0x1F  }
0x650: {  	s14 =	smul.u32 $0x431BE2E9, s14;
	_ =	sdelay $0x1  }
0x651: {  	[smem:$0x6CA] =	sst s14;
	s14 =	spop (v2sf)  }
0x652: {  	(v2sf) =	vpush v7, $0x3;
	[smem:$0x6C9] =	sst s15;
	s15 =	smulhi.u32 $0x431BE2E9, s14;
	s14 =	sshra.s32 s14, $0x1F  }
0x653: {  	s14 =	smul.u32 $0x431BE2E9, s14;
	_ =	sdelay $0x1  }
0x654: {  	[smem:$0x6CC] =	sst s14;
	s14 =	spop (v2sf)  }
0x655: {  	(v2sf) =	vpush v7, $0x4;
	[smem:$0x6CB] =	sst s15;
	s15 =	smulhi.u32 $0x431BE2E9, s14;
	s14 =	sshra.s32 s14, $0x1F  }
0x656: {  	s14 =	smul.u32 $0x431BE2E9, s14;
	_ =	sdelay $0x1  }
0x657: {  	[smem:$0x6CE] =	sst s14;
	s14 =	spop (v2sf)  }
0x658: {  	(v2sf) =	vpush v7, $0x5;
	[smem:$0x6CD] =	sst s15;
	s15 =	smulhi.u32 $0x431BE2E9, s14;
	s14 =	sshra.s32 s14, $0x1F  }
0x659: {  	s14 =	smul.u32 $0x431BE2E9, s14;
	_ =	sdelay $0x1  }
0x65a: {  	v20 =	vld [tilespmem:$0x16F];
	[smem:$0x6D0] =	sst s14;
	s14 =	spop (v2sf)  }
0x65b: {  	v0 =	vld [tilespmem:$0x170];
	(v2sf) =	vpush v7, $0x6;
	[smem:$0x6CF] =	sst s15;
	s15 =	smulhi.u32 $0x431BE2E9, s14;
	s14 =	sshra.s32 s14, $0x1F  }
0x65c: {  	s14 =	smul.u32 $0x431BE2E9, s14;
	_ =	sdelay $0x1  }
0x65d: {  	[smem:$0x6D2] =	sst s14;
	s14 =	spop (v2sf)  }
0x65e: {  	(v2sf) =	vpush v7, $0x7;
	[smem:$0x6D1] =	sst s15;
	s15 =	smulhi.u32 $0x431BE2E9, s14;
	s14 =	sshra.s32 s14, $0x1F  }
0x65f: {  	v5 =	vmul.u32 $0x6A37, v20;
	v0 =	vmul.u32 $0x8DD9, v0;
	s14 =	smul.u32 $0x431BE2E9, s14;
	_ =	sdelay $0x1  }
0x660: {  	v5 =	vxor.u32 v0, v5;
	[smem:$0x6D4] =	sst s14;
	s14 =	spop (v2sf)  }
0x661: {  	(v2sf) =	vpush v5, $0xD;
	[smem:$0x6D3] =	sst s15;
	s15 =	smulhi.u32 $0x431BE2E9, s14;
	s14 =	sshra.s32 s14, $0x1F  }
0x662: {  	s14 =	smul.u32 $0x431BE2E9, s14;
	_ =	sdelay $0x1  }
0x663: {  	[smem:$0x6D6] =	sst s14;
	s14 =	spop (v2sf)  }
0x664: {  	(v2sf) =	vpush v5, $0xC;
	[smem:$0x6D5] =	sst s15;
	s15 =	smulhi.u32 $0x431BE2E9, s14;
	s14 =	sshra.s32 s14, $0x1F  }
0x665: {  	s14 =	smul.u32 $0x431BE2E9, s14;
	_ =	sdelay $0x1  }
0x666: {  	[smem:$0x6D8] =	sst s14;
	s14 =	spop (v2sf)  }
0x667: {  	(v2sf) =	vpush v5, $0xE;
	[smem:$0x6D7] =	sst s15;
	s15 =	smulhi.u32 $0x431BE2E9, s14;
	s14 =	sshra.s32 s14, $0x1F  }
0x668: {  	s14 =	smul.u32 $0x431BE2E9, s14;
	_ =	sdelay $0x1  }
0x669: {  	[smem:$0x6DA] =	sst s14;
	s14 =	spop (v2sf)  }
0x66a: {  	(v2sf) =	vpush v5, $0xF;
	[smem:$0x6D9] =	sst s15;
	s15 =	smulhi.u32 $0x431BE2E9, s14;
	s14 =	sshra.s32 s14, $0x1F  }
0x66b: {  	s14 =	smul.u32 $0x431BE2E9, s14;
	_ =	sdelay $0x1  }
0x66c: {  	[smem:$0x6DC] =	sst s14;
	s14 =	spop (v2sf)  }
0x66d: {  	(v2sf) =	vpush v5, $0x9;
	[smem:$0x6DB] =	sst s15;
	s15 =	smulhi.u32 $0x431BE2E9, s14;
	s14 =	sshra.s32 s14, $0x1F  }
0x66e: {  	s14 =	smul.u32 $0x431BE2E9, s14;
	_ =	sdelay $0x1  }
0x66f: {  	[smem:$0x6DE] =	sst s14;
	s14 =	spop (v2sf)  }
0x670: {  	(v2sf) =	vpush v5, $0x8;
	[smem:$0x6DD] =	sst s15;
	s15 =	smulhi.u32 $0x431BE2E9, s14;
	s14 =	sshra.s32 s14, $0x1F  }
0x671: {  	s14 =	smul.u32 $0x431BE2E9, s14;
	_ =	sdelay $0x1  }
0x672: {  	[smem:$0x6E0] =	sst s14;
	s14 =	spop (v2sf)  }
0x673: {  	(v2sf) =	vpush v5, $0xA;
	[smem:$0x6DF] =	sst s15;
	s15 =	smulhi.u32 $0x431BE2E9, s14;
	s14 =	sshra.s32 s14, $0x1F  }
0x674: {  	s14 =	smul.u32 $0x431BE2E9, s14;
	_ =	sdelay $0x1  }
0x675: {  	[smem:$0x6E2] =	sst s14;
	s14 =	spop (v2sf)  }
0x676: {  	(v2sf) =	vpush v5, $0xB;
	[smem:$0x6E1] =	sst s15;
	s15 =	smulhi.u32 $0x431BE2E9, s14;
	s14 =	sshra.s32 s14, $0x1F  }
0x677: {  	s14 =	smul.u32 $0x431BE2E9, s14;
	_ =	sdelay $0x1  }
0x678: {  	[smem:$0x6E4] =	sst s14;
	s14 =	spop (v2sf)  }
0x679: {  	(v2sf) =	vpush v5, $0x0;
	[smem:$0x6E3] =	sst s15;
	s15 =	smulhi.u32 $0x431BE2E9, s14;
	s14 =	sshra.s32 s14, $0x1F  }
0x67a: {  	s14 =	smul.u32 $0x431BE2E9, s14;
	_ =	sdelay $0x1  }
0x67b: {  	[smem:$0x6E6] =	sst s14;
	s14 =	spop (v2sf)  }
0x67c: {  	(v2sf) =	vpush v5, $0x1;
	[smem:$0x6E5] =	sst s15;
	s15 =	smulhi.u32 $0x431BE2E9, s14;
	s14 =	sshra.s32 s14, $0x1F  }
0x67d: {  	s14 =	smul.u32 $0x431BE2E9, s14;
	_ =	sdelay $0x1  }
0x67e: {  	[smem:$0x6E8] =	sst s14;
	s14 =	spop (v2sf)  }
0x67f: {  	(v2sf) =	vpush v5, $0x2;
	[smem:$0x6E7] =	sst s15;
	s15 =	smulhi.u32 $0x431BE2E9, s14;
	s14 =	sshra.s32 s14, $0x1F  }
0x680: {  	s14 =	smul.u32 $0x431BE2E9, s14;
	_ =	sdelay $0x1  }
0x681: {  	[smem:$0x6EA] =	sst s14;
	s14 =	spop (v2sf)  }
0x682: {  	(v2sf) =	vpush v5, $0x3;
	[smem:$0x6E9] =	sst s15;
	s15 =	smulhi.u32 $0x431BE2E9, s14;
	s14 =	sshra.s32 s14, $0x1F  }
0x683: {  	s14 =	smul.u32 $0x431BE2E9, s14;
	_ =	sdelay $0x1  }
0x684: {  	[smem:$0x6EC] =	sst s14;
	s14 =	spop (v2sf)  }
0x685: {  	(v2sf) =	vpush v5, $0x4;
	[smem:$0x6EB] =	sst s15;
	s15 =	smulhi.u32 $0x431BE2E9, s14;
	s14 =	sshra.s32 s14, $0x1F  }
0x686: {  	s14 =	smul.u32 $0x431BE2E9, s14;
	_ =	sdelay $0x1  }
0x687: {  	[smem:$0x6EE] =	sst s14;
	s14 =	spop (v2sf)  }
0x688: {  	(v2sf) =	vpush v5, $0x5;
	[smem:$0x6ED] =	sst s15;
	s15 =	smulhi.u32 $0x431BE2E9, s14;
	s14 =	sshra.s32 s14, $0x1F  }
0x689: {  	s14 =	smul.u32 $0x431BE2E9, s14;
	_ =	sdelay $0x1  }
0x68a: {  	v21 =	vld [tilespmem:$0x17F];
	s18 =	sadd.s32 s19, s18;
	[smem:$0x6F0] =	sst s14;
	s14 =	spop (v2sf)  }
0x68b: {  	v0 =	vld [tilespmem:$0x180];
	(v2sf) =	vpush v5, $0x6;
	[smem:$0x6EF] =	sst s15;
	s15 =	smulhi.u32 $0x431BE2E9, s14;
	s14 =	sshra.s32 s14, $0x1F  }
0x68c: {  	[smem:$0x764] =	sst s18;
	s17 =	sadd.s32 s17, s16;
	s14 =	smul.u32 $0x431BE2E9, s14  }
0x68d: {  	[smem:$0x765] =	sst s17  }
0x68e: {  	[smem:$0x6F2] =	sst s14;
	s14 =	spop (v2sf)  }
0x68f: {  	(v2sf) =	vpush v5, $0x7;
	[smem:$0x6F1] =	sst s15;
	s15 =	smulhi.u32 $0x431BE2E9, s14;
	s14 =	sshra.s32 s14, $0x1F  }
0x690: {  	[tilespmem:$0x310] =	vst v8;
	v8 =	vmul.u32 $0x6A37, v21;
	s19 =	sadd.s32 s24, s20;
	s20 =	sld [smem:$0x658];
	v0 =	vmul.u32 $0x8DD9, v0;
	s14 =	smul.u32 $0x431BE2E9, s14  }
0x691: {  	[smem:$0x767] =	sst s19  }
0x692: {  	v8 =	vxor.u32 v0, v8;
	[smem:$0x6F4] =	sst s14;
	s14 =	spop (v2sf)  }
0x693: {  	(v2sf) =	vpush v8, $0xD;
	[smem:$0x6F3] =	sst s15;
	s15 =	smulhi.u32 $0x431BE2E9, s14;
	s14 =	sshra.s32 s14, $0x1F  }
0x694: {  	s5 =	sadd.s32 s5, s25;
	s25 =	sld [smem:$0x659];
	s14 =	smul.u32 $0x431BE2E9, s14  }
0x695: {  	[smem:$0x76C] =	sst s5  }
0x696: {  	s10 =	sadd.s32 s10, s28;
	[smem:$0x6F6] =	sst s14;
	s14 =	spop (v2sf)  }
0x697: {  	(v2sf) =	vpush v8, $0xC;
	[smem:$0x6F5] =	sst s15;
	s15 =	smulhi.u32 $0x431BE2E9, s14;
	s14 =	sshra.s32 s14, $0x1F  }
0x698: {  	[smem:$0x763] =	sst s10;
	s8 =	sadd.s32 s8, s29;
	s14 =	smul.u32 $0x431BE2E9, s14  }
0x699: {  	s6 =	smul.u32 $0x431BE2E9, s6;
	[smem:$0x766] =	sst s8;
	(v2sf) =	vpush v8, $0xE  }
0x69a: {  	[smem:$0x6F8] =	sst s14;
	s14 =	spop (v2sf)  }
0x69b: {  	(v2sf) =	vpush v8, $0xF;
	[smem:$0x6F7] =	sst s15;
	s15 =	smulhi.u32 $0x431BE2E9, s14;
	s14 =	sshra.s32 s14, $0x1F  }
0x69c: {  	s28 =	sld [smem:$0x65C];
	s14 =	smul.u32 $0x431BE2E9, s14  }
0x69d: {  	s29 =	sld [smem:$0x65D];
	(v2sf) =	vpush v8, $0x9  }
0x69e: {  	s6 =	sadd.s32 s6, s30;
	(v2sf) =	vpush v8, $0x8;
	[smem:$0x6FA] =	sst s14;
	s14 =	spop (v2sf)  }
0x69f: {  	[smem:$0x6F9] =	sst s15;
	s15 =	smulhi.u32 $0x431BE2E9, s14;
	s14 =	sshra.s32 s14, $0x1F  }
0x6a0: {  	s7 =	sadd.s32 s7, s28;
	[smem:$0x76D] =	sst s6;
	s14 =	smul.u32 $0x431BE2E9, s14  }
0x6a1: {  	[smem:$0x769] =	sst s7;
	(v2sf) =	vpush v8, $0xA  }
0x6a2: {  	s7 =	sadd.s32 s9, s29;
	(v2sf) =	vpush v8, $0xB;
	[smem:$0x6FC] =	sst s14;
	s14 =	spop (v2sf)  }
0x6a3: {  	[smem:$0x6FB] =	sst s15;
	s15 =	smulhi.u32 $0x431BE2E9, s14;
	s14 =	sshra.s32 s14, $0x1F  }
0x6a4: {  	[smem:$0x76B] =	sst s7;
	s14 =	smul.u32 $0x431BE2E9, s14  }
0x6a5: {  	s11 =	smul.u32 $0x431BE2E9, s11;
	s29 =	sld [smem:$0x65F]  }
0x6a6: {  	(v2sf) =	vpush v8, $0x0;
	[smem:$0x6FE] =	sst s14;
	s14 =	spop (v2sf)  }
0x6a7: {  	s30 =	sld [smem:$0x660];
	s16 =	smulhi.u32 $0x431BE2E9, s14;
	s14 =	sshra.s32 s14, $0x1F  }
0x6a8: {  	s17 =	smul.u32 $0x431BE2E9, s14;
	s14 =	spop (v2sf)  }
0x6a9: {  	[smem:$0x6FD] =	sst s15;
	s18 =	smulhi.u32 $0x431BE2E9, s14;
	s14 =	sshra.s32 s14, $0x1F  }
0x6aa: {  	s15 =	sadd.s32 s20, s21;
	s21 =	spop (v2sf);
	s19 =	smul.u32 $0x431BE2E9, s14  }
0x6ab: {  	[smem:$0x768] =	sst s15;
	s15 =	smulhi.u32 $0x431BE2E9, s21;
	s24 =	sshra.s32 s21, $0x1F  }
0x6ac: {  	s14 =	sadd.s32 s25, s26;
	s26 =	spop (v2sf);
	s21 =	sld [smem:$0x65A]  }
0x6ad: {  	s20 =	smul.u32 $0x431BE2E9, s24;
	s25 =	spop (v2sf)  }
0x6ae: {  	(v2sf) =	vpush v8, $0x1;
	s24 =	sld [smem:$0x65B];
	s10 =	smulhi.u32 $0x431BE2E9, s25  }
0x6af: {  	[smem:$0x76A] =	sst s14;
	s14 =	sadd.s32 s21, s22;
	s21 =	smulhi.u32 $0x431BE2E9, s26  }
0x6b0: {  	(v2sf) =	vpush v8, $0x2;
	s5 =	sshra.s32 s26, $0x1F;
	s26 =	spop (v2sf);
	[smem:$0x76E] =	sst s14  }
0x6b1: {  	s14 =	sadd.s32 s24, s23;
	s8 =	smulhi.u32 $0x431BE2E9, s26;
	s23 =	spop (v2sf)  }
0x6b2: {  	s24 =	sadd.s32 s11, s31;
	[smem:$0x770] =	sst s14;
	s14 =	smul.u32 $0x431BE2E9, s5  }
0x6b3: {  	s5 =	sshra.s32 s25, $0x1F;
	s9 =	smulhi.u32 $0x431BE2E9, s23;
	[smem:$0x76F] =	sst s24  }
0x6b4: {  	s22 =	smul.u32 $0x431BE2E9, s5;
	s5 =	sshra.s32 s26, $0x1F;
	s26 =	sld [smem:$0x65E]  }
0x6b5: {  	s7 =	smul.u32 $0x431BE2E9, s5;
	s5 =	sshra.s32 s23, $0x1F;
	s25 =	spop (v2sf)  }
0x6b6: {  	s11 =	smul.u32 $0x431BE2E9, s5;
	s5 =	sadd.s32 s30, s29;
	s29 =	sld [smem:$0x663]  }
0x6b7: {  	s23 =	smulhi.u32 $0x431BE2E9, s25;
	s30 =	sld [smem:$0x664]  }
0x6b8: {  	s28 =	sshra.s32 s25, $0x1F;
	s3 =	sadd.s32 s3, s26;
	s26 =	sld [smem:$0x661]  }
0x6b9: {  	s25 =	smul.u32 $0x431BE2E9, s28;
	s28 =	sld [smem:$0x662]  }
0x6ba: {  	[smem:$0x762] =	sst s5  }
0x6bb: {  	[smem:$0x771] =	sst s3  }
0x6bc: {  	s5 =	sadd.s32 s28, s26;
	s28 =	sld [smem:$0x665]  }
0x6bd: {  	(v2sf) =	vpush v8, $0x3;
	s31 =	spop (v2sf);
	[smem:$0x773] =	sst s5  }
0x6be: {  	s24 =	smulhi.u32 $0x431BE2E9, s31;
	s5 =	sadd.s32 s30, s29;
	s29 =	sld [smem:$0x666]  }
0x6bf: {  	s3 =	sshra.s32 s31, $0x1F;
	s31 =	spop (v2sf);
	s30 =	sld [smem:$0x667]  }
0x6c0: {  	s26 =	smul.u32 $0x431BE2E9, s3;
	[smem:$0x774] =	sst s5;
	s3 =	sshra.s32 s31, $0x1F  }
0x6c1: {  	s5 =	sadd.s32 s29, s28;
	s28 =	smulhi.u32 $0x431BE2E9, s31;
	s31 =	sld [smem:$0x668]  }
0x6c2: {  	(v2sf) =	vpush v8, $0x4;
	s29 =	sld [smem:$0x669]  }
0x6c3: {  	[smem:$0x776] =	sst s5  }
0x6c4: {  	s5 =	sadd.s32 s31, s30;
	s31 =	sld [smem:$0x66A]  }
0x6c5: {  	s6 =	sld [smem:$0x66B]  }
0x6c6: {  	[smem:$0x778] =	sst s5  }
0x6c7: {  	s5 =	sadd.s32 s31, s29;
	s31 =	sld [smem:$0x66C]  }
0x6c8: {  	(v2sf) =	vpush v8, $0x5  }
0x6c9: {  	v22 =	vld [tilespmem:$0x18F];
	[smem:$0x77B] =	sst s5  }
0x6ca: {  	v0 =	vld [tilespmem:$0x190];
	s5 =	sadd.s32 s31, s6;
	s6 =	sld [smem:$0x66D]  }
0x6cb: {  	s31 =	sld [smem:$0x66E]  }
0x6cc: {  	s30 =	smul.u32 $0x431BE2E9, s3;
	s3 =	spop (v2sf)  }
0x6cd: {  	s29 =	smulhi.u32 $0x431BE2E9, s3;
	[smem:$0x779] =	sst s5  }
0x6ce: {  	s3 =	sshra.s32 s3, $0x1F;
	s5 =	sadd.s32 s31, s6;
	s6 =	sld [smem:$0x670]  }
0x6cf: {  	[tilespmem:$0x320] =	vst v9;
	v9 =	vmul.u32 $0x6A37, v22;
	v0 =	vmul.u32 $0x8DD9, v0;
	s3 =	smul.u32 $0x431BE2E9, s3;
	[smem:$0x77D] =	sst s5  }
0x6d0: {  	(v2sf) =	vpush v8, $0x6;
	s5 =	sld [smem:$0x66F]  }
0x6d1: {  	v9 =	vxor.u32 v0, v9;
	(v2sf) =	vpush v8, $0x7;
	[smem:$0x6FF] =	sst s3;
	s3 =	spop (v2sf)  }
0x6d2: {  	(v2sf) =	vpush v9, $0xD;
	s31 =	smulhi.u32 $0x431BE2E9, s3;
	s3 =	sshra.s32 s3, $0x1F  }
0x6d3: {  	[tilespmem:$0x2B0] =	vst v38;
	(v2sf) =	vpush v9, $0xC;
	s3 =	smul.u32 $0x431BE2E9, s3;
	s5 =	sadd.s32 s6, s5;
	s6 =	sld [smem:$0x671]  }
0x6d4: {  	[tilespmem:$0x2C0] =	vst v26;
	(v2sf) =	vpush v9, $0xE  }
0x6d5: {  	vm10 =	vlt.s32 v12, $0x0;
	v36 =	vadd.s32 $0xF423F, v12;
	[tilespmem:$0x330] =	vst v11;
	(v2sf) =	vpush v9, $0xF;
	[smem:$0x700] =	sst s3  }
0x6d6: {  	[tilespmem:$0x340] =	vst v10;
	v16 =	vsel vm10, v36, v12;
	(v2sf) =	vpush v9, $0x9;
	[smem:$0x77F] =	sst s5;
	s5 =	sadd.s32 s12, s6  }
0x6d7: {  	[tilespmem:$0x350] =	vst v16;
	s3 =	spop (v2sf);
	(v2sf) =	vpush v9, $0x8;
	[smem:$0x775] =	sst s5  }
0x6d8: {  	s5 =	sld [smem:$0x672];
	_ =	sdelay $0x2  }
0x6d9: {  	s0 =	sshra.s32 s0, $0x1F;
	s5 =	sadd.s32 s13, s5;
	s13 =	sld [smem:$0x673]  }
0x6da: {  	s0 =	smul.u32 $0x431BE2E9, s0  }
0x6db: {  	s6 =	smulhi.u32 $0x431BE2E9, s3;
	s3 =	sshra.s32 s3, $0x1F;
	[smem:$0x777] =	sst s5  }
0x6dc: {  	s12 =	smul.u32 $0x431BE2E9, s3;
	s1 =	sadd.s32 s1, s13;
	s13 =	sld [smem:$0x674]  }
0x6dd: {  	s3 =	spop (v2sf);
	[smem:$0x77A] =	sst s1  }
0x6de: {  	s5 =	smulhi.u32 $0x431BE2E9, s3;
	s1 =	sshra.s32 s3, $0x1F;
	s3 =	sld [smem:$0x675]  }
0x6df: {  	s1 =	smul.u32 $0x431BE2E9, s1;
	s0 =	sadd.s32 s0, s13;
	s13 =	sld [smem:$0x676]  }
0x6e0: {  	_ = 	snop  }
0x6e1: {  	[smem:$0x701] =	sst s1  }
0x6e2: {  	s1 =	sadd.s32 s13, s3;
	s3 =	sld [smem:$0x678]  }
0x6e3: {  	[smem:$0x77E] =	sst s1  }
0x6e4: {  	s1 =	sld [smem:$0x677];
	_ =	sdelay $0x1  }
0x6e5: {  	[smem:$0x77C] =	sst s0  }
0x6e6: {  	s1 =	sadd.s32 s3, s1;
	s3 =	sld [smem:$0x67A]  }
0x6e7: {  	s0 =	spop (v2sf);
	[smem:$0x780] =	sst s1  }
0x6e8: {  	s13 =	smulhi.u32 $0x431BE2E9, s0;
	s0 =	sshra.s32 s0, $0x1F;
	s1 =	sld [smem:$0x679]  }
0x6e9: {  	s0 =	smul.u32 $0x431BE2E9, s0;
	_ =	sdelay $0x1  }
0x6ea: {  	[smem:$0x702] =	sst s0;
	s0 =	spop (v2sf);
	s1 =	sadd.s32 s3, s1  }
0x6eb: {  	s3 =	smulhi.u32 $0x431BE2E9, s0;
	[smem:$0x781] =	sst s1  }
0x6ec: {  	s1 =	sld [smem:$0x67B]  }
0x6ed: {  	[smem:$0x703] =	sst s3  }
0x6ee: {  	s3 =	sld [smem:$0x67C];
	_ =	sdelay $0x2  }
0x6ef: {  	s1 =	sadd.s32 s3, s1;
	s3 =	sld [smem:$0x67E]  }
0x6f0: {  	[smem:$0x772] =	sst s1  }
0x6f1: {  	s0 =	sshra.s32 s0, $0x1F;
	s1 =	sld [smem:$0x67D]  }
0x6f2: {  	s0 =	smul.u32 $0x431BE2E9, s0;
	_ =	sdelay $0x1  }
0x6f3: {  	[smem:$0x704] =	sst s0;
	s0 =	spop (v2sf);
	s1 =	sadd.s32 s3, s1  }
0x6f4: {  	s3 =	smulhi.u32 $0x431BE2E9, s0;
	[smem:$0x782] =	sst s1  }
0x6f5: {  	s1 =	sld [smem:$0x67F]  }
0x6f6: {  	[smem:$0x705] =	sst s3  }
0x6f7: {  	s3 =	sld [smem:$0x680];
	_ =	sdelay $0x2  }
0x6f8: {  	s1 =	sadd.s32 s3, s1;
	s3 =	sld [smem:$0x682]  }
0x6f9: {  	[smem:$0x784] =	sst s1  }
0x6fa: {  	s0 =	sshra.s32 s0, $0x1F;
	s1 =	sld [smem:$0x681]  }
0x6fb: {  	s0 =	smul.u32 $0x431BE2E9, s0;
	_ =	sdelay $0x1  }
0x6fc: {  	[smem:$0x706] =	sst s0;
	s0 =	spop (v2sf);
	s1 =	sadd.s32 s3, s1  }
0x6fd: {  	s3 =	smulhi.u32 $0x431BE2E9, s0;
	[smem:$0x786] =	sst s1  }
0x6fe: {  	s1 =	sld [smem:$0x683]  }
0x6ff: {  	[smem:$0x707] =	sst s3  }
0x700: {  	s3 =	sld [smem:$0x684];
	_ =	sdelay $0x2  }
0x701: {  	s1 =	sadd.s32 s3, s1;
	s3 =	sld [smem:$0x686]  }
0x702: {  	[smem:$0x787] =	sst s1  }
0x703: {  	s0 =	sshra.s32 s0, $0x1F;
	s1 =	sld [smem:$0x685]  }
0x704: {  	s0 =	smul.u32 $0x431BE2E9, s0;
	_ =	sdelay $0x1  }
0x705: {  	[smem:$0x708] =	sst s0;
	s0 =	spop (v2sf);
	s1 =	sadd.s32 s3, s1  }
0x706: {  	s3 =	smulhi.u32 $0x431BE2E9, s0;
	[smem:$0x78B] =	sst s1  }
0x707: {  	s1 =	sld [smem:$0x687]  }
0x708: {  	[smem:$0x709] =	sst s3  }
0x709: {  	s3 =	sld [smem:$0x688];
	_ =	sdelay $0x2  }
0x70a: {  	s1 =	sadd.s32 s3, s1;
	s3 =	sld [smem:$0x68A]  }
0x70b: {  	[smem:$0x789] =	sst s1  }
0x70c: {  	s0 =	sshra.s32 s0, $0x1F;
	s1 =	sld [smem:$0x689]  }
0x70d: {  	s0 =	smul.u32 $0x431BE2E9, s0;
	_ =	sdelay $0x1  }
0x70e: {  	[smem:$0x70A] =	sst s0;
	s0 =	spop (v2sf);
	s1 =	sadd.s32 s3, s1  }
0x70f: {  	s3 =	smulhi.u32 $0x431BE2E9, s0;
	[smem:$0x78D] =	sst s1  }
0x710: {  	s1 =	sld [smem:$0x68B]  }
0x711: {  	[smem:$0x70B] =	sst s3  }
0x712: {  	s3 =	sld [smem:$0x68C];
	_ =	sdelay $0x2  }
0x713: {  	s1 =	sadd.s32 s3, s1;
	s3 =	sld [smem:$0x68E]  }
0x714: {  	[smem:$0x78F] =	sst s1  }
0x715: {  	(v2sf) =	vpush v9, $0xA;
	s0 =	sshra.s32 s0, $0x1F;
	s1 =	sld [smem:$0x68D]  }
0x716: {  	s0 =	smul.u32 $0x431BE2E9, s0;
	_ =	sdelay $0x1  }
0x717: {  	[smem:$0x70C] =	sst s0;
	s0 =	spop (v2sf);
	s1 =	sadd.s32 s3, s1  }
0x718: {  	s3 =	smulhi.u32 $0x431BE2E9, s0;
	[smem:$0x785] =	sst s1  }
0x719: {  	s1 =	sld [smem:$0x68F]  }
0x71a: {  	[smem:$0x70D] =	sst s3  }
0x71b: {  	s3 =	sld [smem:$0x690];
	_ =	sdelay $0x2  }
0x71c: {  	s1 =	sadd.s32 s3, s1;
	s3 =	sld [smem:$0x692]  }
0x71d: {  	[smem:$0x788] =	sst s1  }
0x71e: {  	(v2sf) =	vpush v9, $0xB;
	s0 =	sshra.s32 s0, $0x1F;
	s1 =	sld [smem:$0x691]  }
0x71f: {  	s0 =	smul.u32 $0x431BE2E9, s0;
	_ =	sdelay $0x1  }
0x720: {  	[smem:$0x70E] =	sst s0;
	s0 =	spop (v2sf);
	s1 =	sadd.s32 s3, s1  }
0x721: {  	s3 =	smulhi.u32 $0x431BE2E9, s0;
	[smem:$0x78A] =	sst s1  }
0x722: {  	s1 =	sld [smem:$0x693]  }
0x723: {  	[smem:$0x70F] =	sst s3  }
0x724: {  	s3 =	sld [smem:$0x694];
	_ =	sdelay $0x2  }
0x725: {  	s1 =	sadd.s32 s3, s1;
	s3 =	sld [smem:$0x696]  }
0x726: {  	[smem:$0x78C] =	sst s1  }
0x727: {  	(v2sf) =	vpush v9, $0x0;
	s0 =	sshra.s32 s0, $0x1F;
	s1 =	sld [smem:$0x695]  }
0x728: {  	s0 =	smul.u32 $0x431BE2E9, s0;
	_ =	sdelay $0x1  }
0x729: {  	[smem:$0x710] =	sst s0;
	s0 =	spop (v2sf);
	s1 =	sadd.s32 s3, s1  }
0x72a: {  	s3 =	smulhi.u32 $0x431BE2E9, s0;
	[smem:$0x78E] =	sst s1  }
0x72b: {  	s1 =	sld [smem:$0x697]  }
0x72c: {  	[smem:$0x711] =	sst s3  }
0x72d: {  	s3 =	sld [smem:$0x698];
	_ =	sdelay $0x2  }
0x72e: {  	s1 =	sadd.s32 s3, s1;
	s3 =	sld [smem:$0x69A]  }
0x72f: {  	[smem:$0x790] =	sst s1  }
0x730: {  	(v2sf) =	vpush v9, $0x1;
	s0 =	sshra.s32 s0, $0x1F;
	s1 =	sld [smem:$0x699]  }
0x731: {  	s0 =	smul.u32 $0x431BE2E9, s0;
	_ =	sdelay $0x1  }
0x732: {  	[smem:$0x712] =	sst s0;
	s0 =	spop (v2sf);
	s1 =	sadd.s32 s3, s1  }
0x733: {  	s3 =	smulhi.u32 $0x431BE2E9, s0;
	[smem:$0x791] =	sst s1  }
0x734: {  	s1 =	sld [smem:$0x69B]  }
0x735: {  	[smem:$0x713] =	sst s3  }
0x736: {  	s3 =	sld [smem:$0x69C];
	_ =	sdelay $0x2  }
0x737: {  	s1 =	sadd.s32 s3, s1;
	s3 =	sld [smem:$0x69E]  }
0x738: {  	[smem:$0x783] =	sst s1  }
0x739: {  	(v2sf) =	vpush v9, $0x2;
	s0 =	sshra.s32 s0, $0x1F;
	s1 =	sld [smem:$0x69D]  }
0x73a: {  	s0 =	smul.u32 $0x431BE2E9, s0;
	_ =	sdelay $0x1  }
0x73b: {  	[smem:$0x714] =	sst s0;
	s0 =	spop (v2sf);
	s1 =	sadd.s32 s3, s1  }
0x73c: {  	s3 =	smulhi.u32 $0x431BE2E9, s0;
	[smem:$0x795] =	sst s1  }
0x73d: {  	s1 =	sld [smem:$0x69F]  }
0x73e: {  	[smem:$0x715] =	sst s3  }
0x73f: {  	s3 =	sld [smem:$0x6A0];
	_ =	sdelay $0x2  }
0x740: {  	s1 =	sadd.s32 s3, s1;
	s3 =	sld [smem:$0x6A2]  }
0x741: {  	[smem:$0x794] =	sst s1  }
0x742: {  	(v2sf) =	vpush v9, $0x3;
	s0 =	sshra.s32 s0, $0x1F;
	s1 =	sld [smem:$0x6A1]  }
0x743: {  	s0 =	smul.u32 $0x431BE2E9, s0;
	_ =	sdelay $0x1  }
0x744: {  	[smem:$0x716] =	sst s0;
	s0 =	spop (v2sf);
	s1 =	sadd.s32 s3, s1  }
0x745: {  	s3 =	smulhi.u32 $0x431BE2E9, s0;
	[smem:$0x797] =	sst s1  }
0x746: {  	s1 =	sld [smem:$0x6A3]  }
0x747: {  	[smem:$0x717] =	sst s3  }
0x748: {  	s3 =	sld [smem:$0x6A4];
	_ =	sdelay $0x2  }
0x749: {  	s1 =	sadd.s32 s3, s1;
	s3 =	sld [smem:$0x6A6]  }
0x74a: {  	[smem:$0x798] =	sst s1  }
0x74b: {  	(v2sf) =	vpush v9, $0x4;
	s0 =	sshra.s32 s0, $0x1F;
	s1 =	sld [smem:$0x6A5]  }
0x74c: {  	s0 =	smul.u32 $0x431BE2E9, s0;
	_ =	sdelay $0x1  }
0x74d: {  	[smem:$0x718] =	sst s0;
	s0 =	spop (v2sf);
	s1 =	sadd.s32 s3, s1  }
0x74e: {  	s3 =	smulhi.u32 $0x431BE2E9, s0;
	[smem:$0x79B] =	sst s1  }
0x74f: {  	s1 =	sld [smem:$0x6A7]  }
0x750: {  	[smem:$0x719] =	sst s3  }
0x751: {  	s3 =	sld [smem:$0x6A8];
	_ =	sdelay $0x2  }
0x752: {  	s1 =	sadd.s32 s3, s1;
	s3 =	sld [smem:$0x6AA]  }
0x753: {  	[smem:$0x79A] =	sst s1  }
0x754: {  	(v2sf) =	vpush v9, $0x5;
	s0 =	sshra.s32 s0, $0x1F;
	s1 =	sld [smem:$0x6A9]  }
0x755: {  	s0 =	smul.u32 $0x431BE2E9, s0;
	_ =	sdelay $0x1  }
0x756: {  	[smem:$0x71A] =	sst s0;
	s0 =	spop (v2sf);
	s1 =	sadd.s32 s3, s1  }
0x757: {  	s3 =	smulhi.u32 $0x431BE2E9, s0;
	[smem:$0x79D] =	sst s1  }
0x758: {  	s1 =	sld [smem:$0x6AB]  }
0x759: {  	[smem:$0x71B] =	sst s3  }
0x75a: {  	s3 =	sld [smem:$0x6AC];
	_ =	sdelay $0x2  }
0x75b: {  	s1 =	sadd.s32 s3, s1;
	s3 =	sld [smem:$0x6AE]  }
0x75c: {  	[smem:$0x79F] =	sst s1  }
0x75d: {  	(v2sf) =	vpush v9, $0x6;
	s0 =	sshra.s32 s0, $0x1F;
	s1 =	sld [smem:$0x6AD]  }
0x75e: {  	s0 =	smul.u32 $0x431BE2E9, s0;
	_ =	sdelay $0x1  }
0x75f: {  	[smem:$0x71C] =	sst s0;
	s0 =	spop (v2sf);
	s1 =	sadd.s32 s3, s1  }
0x760: {  	s3 =	smulhi.u32 $0x431BE2E9, s0;
	[smem:$0x793] =	sst s1  }
0x761: {  	s1 =	sld [smem:$0x6AF]  }
0x762: {  	[smem:$0x71D] =	sst s3  }
0x763: {  	s3 =	sld [smem:$0x6B0];
	_ =	sdelay $0x2  }
0x764: {  	s1 =	sadd.s32 s3, s1;
	s3 =	sld [smem:$0x6B2]  }
0x765: {  	[smem:$0x796] =	sst s1  }
0x766: {  	(v2sf) =	vpush v9, $0x7;
	s0 =	sshra.s32 s0, $0x1F;
	s1 =	sld [smem:$0x6B1]  }
0x767: {  	s0 =	smul.u32 $0x431BE2E9, s0;
	_ =	sdelay $0x1  }
0x768: {  	v0 =	vld [tilespmem:$0x1A0];
	[smem:$0x71E] =	sst s0;
	s0 =	spop (v2sf);
	s1 =	sadd.s32 s3, s1  }
0x769: {  	v23 =	vld [tilespmem:$0x19F];
	s3 =	smulhi.u32 $0x431BE2E9, s0;
	[smem:$0x799] =	sst s1  }
0x76a: {  	s1 =	sld [smem:$0x6B3]  }
0x76b: {  	[smem:$0x71F] =	sst s3  }
0x76c: {  	s3 =	sld [smem:$0x6B4];
	_ =	sdelay $0x1  }
0x76d: {  	v0 =	vmul.u32 $0x8DD9, v0;
	v10 =	vmul.u32 $0x6A37, v23  }
0x76e: {  	s1 =	sadd.s32 s3, s1;
	s3 =	sld [smem:$0x6B6]  }
0x76f: {  	v10 =	vxor.u32 v0, v10;
	[smem:$0x79C] =	sst s1  }
0x770: {  	(v2sf) =	vpush v10, $0xD;
	s0 =	sshra.s32 s0, $0x1F;
	s1 =	sld [smem:$0x6B5]  }
0x771: {  	s0 =	smul.u32 $0x431BE2E9, s0;
	_ =	sdelay $0x1  }
0x772: {  	[smem:$0x720] =	sst s0;
	s0 =	spop (v2sf);
	s1 =	sadd.s32 s3, s1  }
0x773: {  	s3 =	smulhi.u32 $0x431BE2E9, s0;
	[smem:$0x79E] =	sst s1  }
0x774: {  	s1 =	sld [smem:$0x6B7]  }
0x775: {  	[smem:$0x721] =	sst s3  }
0x776: {  	s3 =	sld [smem:$0x6B8];
	_ =	sdelay $0x2  }
0x777: {  	s1 =	sadd.s32 s3, s1;
	s3 =	sld [smem:$0x6BA]  }
0x778: {  	[smem:$0x7A0] =	sst s1  }
0x779: {  	(v2sf) =	vpush v10, $0xC;
	s0 =	sshra.s32 s0, $0x1F;
	s1 =	sld [smem:$0x6B9]  }
0x77a: {  	s0 =	smul.u32 $0x431BE2E9, s0;
	_ =	sdelay $0x1  }
0x77b: {  	[smem:$0x722] =	sst s0;
	s0 =	spop (v2sf);
	s1 =	sadd.s32 s3, s1  }
0x77c: {  	s3 =	smulhi.u32 $0x431BE2E9, s0;
	[smem:$0x7A1] =	sst s1  }
0x77d: {  	s1 =	sld [smem:$0x6BB]  }
0x77e: {  	[smem:$0x723] =	sst s3  }
0x77f: {  	s3 =	sld [smem:$0x6BC];
	_ =	sdelay $0x2  }
0x780: {  	s1 =	sadd.s32 s3, s1;
	s3 =	sld [smem:$0x6BE]  }
0x781: {  	[smem:$0x792] =	sst s1  }
0x782: {  	(v2sf) =	vpush v10, $0xE;
	s0 =	sshra.s32 s0, $0x1F;
	s1 =	sld [smem:$0x6BD]  }
0x783: {  	s0 =	smul.u32 $0x431BE2E9, s0;
	_ =	sdelay $0x1  }
0x784: {  	[smem:$0x724] =	sst s0;
	s0 =	spop (v2sf);
	s1 =	sadd.s32 s3, s1  }
0x785: {  	s3 =	smulhi.u32 $0x431BE2E9, s0;
	[smem:$0x7A5] =	sst s1  }
0x786: {  	s1 =	sld [smem:$0x6BF]  }
0x787: {  	[smem:$0x725] =	sst s3  }
0x788: {  	s3 =	sld [smem:$0x6C0];
	_ =	sdelay $0x2  }
0x789: {  	s1 =	sadd.s32 s3, s1;
	s3 =	sld [smem:$0x6C2]  }
0x78a: {  	[smem:$0x7A4] =	sst s1  }
0x78b: {  	(v2sf) =	vpush v10, $0xF;
	s0 =	sshra.s32 s0, $0x1F;
	s1 =	sld [smem:$0x6C1]  }
0x78c: {  	s0 =	smul.u32 $0x431BE2E9, s0;
	_ =	sdelay $0x1  }
0x78d: {  	[smem:$0x726] =	sst s0;
	s0 =	spop (v2sf);
	s1 =	sadd.s32 s3, s1  }
0x78e: {  	s3 =	smulhi.u32 $0x431BE2E9, s0;
	[smem:$0x7A7] =	sst s1  }
0x78f: {  	s1 =	sld [smem:$0x6C3]  }
0x790: {  	[smem:$0x727] =	sst s3  }
0x791: {  	s3 =	sld [smem:$0x6C4];
	_ =	sdelay $0x2  }
0x792: {  	s1 =	sadd.s32 s3, s1;
	s3 =	sld [smem:$0x6C6]  }
0x793: {  	[smem:$0x7A8] =	sst s1  }
0x794: {  	(v2sf) =	vpush v10, $0x9;
	s0 =	sshra.s32 s0, $0x1F;
	s1 =	sld [smem:$0x6C5]  }
0x795: {  	s0 =	smul.u32 $0x431BE2E9, s0;
	_ =	sdelay $0x1  }
0x796: {  	[smem:$0x728] =	sst s0;
	s0 =	spop (v2sf);
	s1 =	sadd.s32 s3, s1  }
0x797: {  	s3 =	smulhi.u32 $0x431BE2E9, s0;
	[smem:$0x7AC] =	sst s1  }
0x798: {  	s1 =	sld [smem:$0x6C7]  }
0x799: {  	[smem:$0x729] =	sst s3  }
0x79a: {  	s3 =	sld [smem:$0x6C8];
	_ =	sdelay $0x2  }
0x79b: {  	s1 =	sadd.s32 s3, s1;
	s3 =	sld [smem:$0x6CA]  }
0x79c: {  	[smem:$0x7AA] =	sst s1  }
0x79d: {  	(v2sf) =	vpush v10, $0x8;
	s0 =	sshra.s32 s0, $0x1F;
	s1 =	sld [smem:$0x6C9]  }
0x79e: {  	s0 =	smul.u32 $0x431BE2E9, s0;
	_ =	sdelay $0x1  }
0x79f: {  	[smem:$0x72A] =	sst s0;
	s0 =	spop (v2sf);
	s1 =	sadd.s32 s3, s1  }
0x7a0: {  	s3 =	smulhi.u32 $0x431BE2E9, s0;
	[smem:$0x7AE] =	sst s1  }
0x7a1: {  	s1 =	sld [smem:$0x6CB]  }
0x7a2: {  	[smem:$0x72B] =	sst s3  }
0x7a3: {  	s3 =	sld [smem:$0x6CC];
	_ =	sdelay $0x2  }
0x7a4: {  	s1 =	sadd.s32 s3, s1;
	s3 =	sld [smem:$0x6CE]  }
0x7a5: {  	[smem:$0x7B0] =	sst s1  }
0x7a6: {  	(v2sf) =	vpush v10, $0xA;
	s0 =	sshra.s32 s0, $0x1F;
	s1 =	sld [smem:$0x6CD]  }
0x7a7: {  	s0 =	smul.u32 $0x431BE2E9, s0;
	_ =	sdelay $0x1  }
0x7a8: {  	[smem:$0x72C] =	sst s0;
	s0 =	spop (v2sf);
	s1 =	sadd.s32 s3, s1  }
0x7a9: {  	s3 =	smulhi.u32 $0x431BE2E9, s0;
	[smem:$0x7A3] =	sst s1  }
0x7aa: {  	s1 =	sld [smem:$0x6CF]  }
0x7ab: {  	[smem:$0x72D] =	sst s3  }
0x7ac: {  	s3 =	sld [smem:$0x6D0];
	_ =	sdelay $0x2  }
0x7ad: {  	s1 =	sadd.s32 s3, s1;
	s3 =	sld [smem:$0x6D2]  }
0x7ae: {  	[smem:$0x7A6] =	sst s1  }
0x7af: {  	(v2sf) =	vpush v10, $0xB;
	s0 =	sshra.s32 s0, $0x1F;
	s1 =	sld [smem:$0x6D1]  }
0x7b0: {  	s0 =	smul.u32 $0x431BE2E9, s0;
	_ =	sdelay $0x1  }
0x7b1: {  	[smem:$0x72E] =	sst s0;
	s0 =	spop (v2sf);
	s1 =	sadd.s32 s3, s1  }
0x7b2: {  	s3 =	smulhi.u32 $0x431BE2E9, s0;
	[smem:$0x7A9] =	sst s1  }
0x7b3: {  	s1 =	sld [smem:$0x6D3]  }
0x7b4: {  	[smem:$0x72F] =	sst s3  }
0x7b5: {  	s3 =	sld [smem:$0x6D4];
	_ =	sdelay $0x2  }
0x7b6: {  	s1 =	sadd.s32 s3, s1;
	s3 =	sld [smem:$0x6D6]  }
0x7b7: {  	[smem:$0x7AB] =	sst s1  }
0x7b8: {  	(v2sf) =	vpush v10, $0x0;
	s0 =	sshra.s32 s0, $0x1F;
	s1 =	sld [smem:$0x6D5]  }
0x7b9: {  	s0 =	smul.u32 $0x431BE2E9, s0;
	_ =	sdelay $0x1  }
0x7ba: {  	[smem:$0x730] =	sst s0;
	s0 =	spop (v2sf);
	s1 =	sadd.s32 s3, s1  }
0x7bb: {  	s3 =	smulhi.u32 $0x431BE2E9, s0;
	[smem:$0x7AD] =	sst s1  }
0x7bc: {  	s1 =	sld [smem:$0x6D7]  }
0x7bd: {  	[smem:$0x731] =	sst s3  }
0x7be: {  	s3 =	sld [smem:$0x6D8];
	_ =	sdelay $0x2  }
0x7bf: {  	s1 =	sadd.s32 s3, s1;
	s3 =	sld [smem:$0x6DA]  }
0x7c0: {  	[smem:$0x7AF] =	sst s1  }
0x7c1: {  	(v2sf) =	vpush v10, $0x1;
	s0 =	sshra.s32 s0, $0x1F;
	s1 =	sld [smem:$0x6D9]  }
0x7c2: {  	s0 =	smul.u32 $0x431BE2E9, s0;
	_ =	sdelay $0x1  }
0x7c3: {  	[smem:$0x732] =	sst s0;
	s0 =	spop (v2sf);
	s1 =	sadd.s32 s3, s1  }
0x7c4: {  	s3 =	smulhi.u32 $0x431BE2E9, s0;
	[smem:$0x7B1] =	sst s1  }
0x7c5: {  	s1 =	sld [smem:$0x6DB]  }
0x7c6: {  	[smem:$0x733] =	sst s3  }
0x7c7: {  	s3 =	sld [smem:$0x6DC];
	_ =	sdelay $0x2  }
0x7c8: {  	s1 =	sadd.s32 s3, s1;
	s3 =	sld [smem:$0x6DE]  }
0x7c9: {  	[smem:$0x7A2] =	sst s1  }
0x7ca: {  	(v2sf) =	vpush v10, $0x2;
	s0 =	sshra.s32 s0, $0x1F;
	s1 =	sld [smem:$0x6DD]  }
0x7cb: {  	s0 =	smul.u32 $0x431BE2E9, s0;
	_ =	sdelay $0x1  }
0x7cc: {  	[smem:$0x734] =	sst s0;
	s0 =	spop (v2sf);
	s1 =	sadd.s32 s3, s1  }
0x7cd: {  	s3 =	smulhi.u32 $0x431BE2E9, s0;
	[smem:$0x7B3] =	sst s1  }
0x7ce: {  	s1 =	sld [smem:$0x6DF]  }
0x7cf: {  	[smem:$0x735] =	sst s3  }
0x7d0: {  	s3 =	sld [smem:$0x6E0];
	_ =	sdelay $0x2  }
0x7d1: {  	s1 =	sadd.s32 s3, s1;
	s3 =	sld [smem:$0x6E2]  }
0x7d2: {  	[smem:$0x7B4] =	sst s1  }
0x7d3: {  	(v2sf) =	vpush v10, $0x3;
	s0 =	sshra.s32 s0, $0x1F;
	s1 =	sld [smem:$0x6E1]  }
0x7d4: {  	s0 =	smul.u32 $0x431BE2E9, s0;
	_ =	sdelay $0x1  }
0x7d5: {  	[smem:$0x736] =	sst s0;
	s0 =	spop (v2sf);
	s1 =	sadd.s32 s3, s1  }
0x7d6: {  	s3 =	smulhi.u32 $0x431BE2E9, s0;
	[smem:$0x7B6] =	sst s1  }
0x7d7: {  	s1 =	sld [smem:$0x6E3]  }
0x7d8: {  	[smem:$0x737] =	sst s3  }
0x7d9: {  	s3 =	sld [smem:$0x6E4];
	_ =	sdelay $0x2  }
0x7da: {  	s1 =	sadd.s32 s3, s1;
	s3 =	sld [smem:$0x6E6]  }
0x7db: {  	[smem:$0x7B8] =	sst s1  }
0x7dc: {  	(v2sf) =	vpush v10, $0x4;
	s0 =	sshra.s32 s0, $0x1F;
	s1 =	sld [smem:$0x6E5]  }
0x7dd: {  	s0 =	smul.u32 $0x431BE2E9, s0;
	_ =	sdelay $0x1  }
0x7de: {  	[smem:$0x738] =	sst s0;
	s0 =	spop (v2sf);
	s1 =	sadd.s32 s3, s1  }
0x7df: {  	s3 =	smulhi.u32 $0x431BE2E9, s0;
	[smem:$0x7BB] =	sst s1  }
0x7e0: {  	s1 =	sld [smem:$0x6E7]  }
0x7e1: {  	[smem:$0x739] =	sst s3  }
0x7e2: {  	s3 =	sld [smem:$0x6E8];
	_ =	sdelay $0x2  }
0x7e3: {  	s1 =	sadd.s32 s3, s1;
	s3 =	sld [smem:$0x6EA]  }
0x7e4: {  	[smem:$0x7B9] =	sst s1  }
0x7e5: {  	(v2sf) =	vpush v10, $0x5;
	s0 =	sshra.s32 s0, $0x1F;
	s1 =	sld [smem:$0x6E9]  }
0x7e6: {  	s0 =	smul.u32 $0x431BE2E9, s0;
	_ =	sdelay $0x1  }
0x7e7: {  	[smem:$0x73A] =	sst s0;
	s0 =	spop (v2sf);
	s1 =	sadd.s32 s3, s1  }
0x7e8: {  	s3 =	smulhi.u32 $0x431BE2E9, s0;
	[smem:$0x7BD] =	sst s1  }
0x7e9: {  	s1 =	sld [smem:$0x6EB]  }
0x7ea: {  	[smem:$0x73B] =	sst s3  }
0x7eb: {  	s3 =	sld [smem:$0x6EC];
	_ =	sdelay $0x2  }
0x7ec: {  	s1 =	sadd.s32 s3, s1;
	s3 =	sld [smem:$0x6EE]  }
0x7ed: {  	[smem:$0x7BF] =	sst s1  }
0x7ee: {  	(v2sf) =	vpush v10, $0x6;
	s0 =	sshra.s32 s0, $0x1F;
	s1 =	sld [smem:$0x6ED]  }
0x7ef: {  	s0 =	smul.u32 $0x431BE2E9, s0;
	_ =	sdelay $0x1  }
0x7f0: {  	[smem:$0x73C] =	sst s0;
	s0 =	spop (v2sf);
	s1 =	sadd.s32 s3, s1  }
0x7f1: {  	s3 =	smulhi.u32 $0x431BE2E9, s0;
	[smem:$0x7B5] =	sst s1  }
0x7f2: {  	s1 =	sld [smem:$0x6EF]  }
0x7f3: {  	[smem:$0x73D] =	sst s3  }
0x7f4: {  	s3 =	sld [smem:$0x6F0];
	_ =	sdelay $0x2  }
0x7f5: {  	s1 =	sadd.s32 s3, s1;
	s3 =	sld [smem:$0x6F2]  }
0x7f6: {  	[smem:$0x7B7] =	sst s1  }
0x7f7: {  	s17 =	sadd.s32 s17, s16;
	(v2sf) =	vpush v10, $0x7;
	s0 =	sshra.s32 s0, $0x1F;
	s1 =	sld [smem:$0x6F1]  }
0x7f8: {  	s18 =	sadd.s32 s19, s18;
	[smem:$0x7C5] =	sst s17;
	s0 =	smul.u32 $0x431BE2E9, s0  }
0x7f9: {  	[smem:$0x7C7] =	sst s18  }
0x7fa: {  	v24 =	vld [tilespmem:$0x1AF];
	[smem:$0x73E] =	sst s0;
	s0 =	spop (v2sf);
	s1 =	sadd.s32 s3, s1  }
0x7fb: {  	v0 =	vld [tilespmem:$0x1B0];
	s3 =	smulhi.u32 $0x431BE2E9, s0;
	[smem:$0x7BA] =	sst s1  }
0x7fc: {  	s1 =	sld [smem:$0x6F3]  }
0x7fd: {  	[smem:$0x73F] =	sst s3  }
0x7fe: {  	s19 =	sadd.s32 s20, s15;
	s3 =	sld [smem:$0x6F4]  }
0x7ff: {  	s21 =	sadd.s32 s14, s21;
	[smem:$0x7C8] =	sst s19  }
0x800: {  	[smem:$0x7CB] =	sst s21;
	v11 =	vmul.u32 $0x6A37, v24;
	v0 =	vmul.u32 $0x8DD9, v0  }
0x801: {  	s1 =	sadd.s32 s3, s1;
	s3 =	sld [smem:$0x6F6]  }
0x802: {  	v11 =	vxor.u32 v0, v11;
	[smem:$0x7BC] =	sst s1  }
0x803: {  	s22 =	sadd.s32 s22, s10;
	(v2sf) =	vpush v11, $0xD;
	s0 =	sshra.s32 s0, $0x1F;
	s1 =	sld [smem:$0x6F5]  }
0x804: {  	[smem:$0x7CA] =	sst s22;
	s18 =	sadd.s32 s7, s8;
	s0 =	smul.u32 $0x431BE2E9, s0  }
0x805: {  	[smem:$0x7CD] =	sst s18  }
0x806: {  	[smem:$0x740] =	sst s0;
	s0 =	spop (v2sf);
	s1 =	sadd.s32 s3, s1  }
0x807: {  	s3 =	smulhi.u32 $0x431BE2E9, s0;
	[smem:$0x7BE] =	sst s1  }
0x808: {  	s1 =	sld [smem:$0x6F7]  }
0x809: {  	[smem:$0x741] =	sst s3  }
0x80a: {  	s19 =	sadd.s32 s11, s9;
	s3 =	sld [smem:$0x6F8]  }
0x80b: {  	s21 =	sadd.s32 s25, s23;
	[smem:$0x7CF] =	sst s19  }
0x80c: {  	[smem:$0x7C3] =	sst s21  }
0x80d: {  	s1 =	sadd.s32 s3, s1;
	s3 =	sld [smem:$0x6FA]  }
0x80e: {  	[smem:$0x7C0] =	sst s1  }
0x80f: {  	s22 =	sadd.s32 s26, s24;
	(v2sf) =	vpush v11, $0xC;
	s0 =	sshra.s32 s0, $0x1F;
	s1 =	sld [smem:$0x6F9]  }
0x810: {  	s24 =	sadd.s32 s30, s28;
	[smem:$0x7C6] =	sst s22;
	s0 =	smul.u32 $0x431BE2E9, s0  }
0x811: {  	[smem:$0x7C9] =	sst s24  }
0x812: {  	(v2sf) =	vpush v11, $0xE;
	[smem:$0x742] =	sst s0;
	s0 =	spop (v2sf);
	s1 =	sadd.s32 s3, s1  }
0x813: {  	s3 =	smulhi.u32 $0x431BE2E9, s0;
	[smem:$0x7C1] =	sst s1  }
0x814: {  	(v2sf) =	vpush v11, $0xF;
	s1 =	sld [smem:$0x6FB]  }
0x815: {  	[smem:$0x743] =	sst s3  }
0x816: {  	s3 =	sld [smem:$0x6FC]  }
0x817: {  	s26 =	sld [smem:$0x6FF];
	(v2sf) =	vpush v11, $0x9  }
0x818: {  	s18 =	sld [smem:$0x702];
	(v2sf) =	vpush v11, $0x8  }
0x819: {  	s1 =	sadd.s32 s3, s1;
	s3 =	sld [smem:$0x6FE]  }
0x81a: {  	[smem:$0x7B2] =	sst s1  }
0x81b: {  	(v2sf) =	vpush v11, $0xA;
	s0 =	sshra.s32 s0, $0x1F;
	s1 =	sld [smem:$0x6FD]  }
0x81c: {  	s21 =	sld [smem:$0x704];
	s0 =	smul.u32 $0x431BE2E9, s0  }
0x81d: {  	s22 =	sld [smem:$0x705]  }
0x81e: {  	[smem:$0x744] =	sst s0;
	s0 =	spop (v2sf);
	s1 =	sadd.s32 s3, s1  }
0x81f: {  	s3 =	smulhi.u32 $0x431BE2E9, s0;
	s0 =	sshra.s32 s0, $0x1F;
	[smem:$0x7C4] =	sst s1  }
0x820: {  	s16 =	smul.u32 $0x431BE2E9, s0;
	s1 =	sadd.s32 s26, s29;
	s29 =	sld [smem:$0x700]  }
0x821: {  	[smem:$0x745] =	sst s3;
	s3 =	spop (v2sf)  }
0x822: {  	(v2sf) =	vpush v11, $0xB;
	s26 =	sld [smem:$0x708];
	s17 =	smulhi.u32 $0x431BE2E9, s3;
	s0 =	sshra.s32 s3, $0x1F  }
0x823: {  	s20 =	spop (v2sf);
	s15 =	smul.u32 $0x431BE2E9, s0  }
0x824: {  	[smem:$0x7CC] =	sst s1;
	s14 =	smulhi.u32 $0x431BE2E9, s20  }
0x825: {  	s1 =	sadd.s32 s29, s31;
	s31 =	sadd.s32 s12, s6;
	s12 =	sld [smem:$0x701]  }
0x826: {  	s0 =	sshra.s32 s20, $0x1F;
	s3 =	spop (v2sf);
	s29 =	sld [smem:$0x709]  }
0x827: {  	s10 =	smul.u32 $0x431BE2E9, s0;
	s0 =	sshra.s32 s3, $0x1F;
	s20 =	spop (v2sf)  }
0x828: {  	[smem:$0x7CE] =	sst s1;
	s9 =	smul.u32 $0x431BE2E9, s0  }
0x829: {  	(v2sf) =	vpush v11, $0x0;
	[smem:$0x7D0] =	sst s31;
	s8 =	smulhi.u32 $0x431BE2E9, s20;
	s0 =	sshra.s32 s20, $0x1F  }
0x82a: {  	s23 =	spop (v2sf);
	s11 =	smul.u32 $0x431BE2E9, s0  }
0x82b: {  	s20 =	sld [smem:$0x703];
	s25 =	smulhi.u32 $0x431BE2E9, s23  }
0x82c: {  	(v2sf) =	vpush v11, $0x1;
	s0 =	sshra.s32 s23, $0x1F;
	s1 =	sadd.s32 s12, s5;
	s23 =	sld [smem:$0x706]  }
0x82d: {  	[smem:$0x7D1] =	sst s1  }
0x82e: {  	s1 =	sadd.s32 s18, s13;
	s18 =	sld [smem:$0x70C]  }
0x82f: {  	[smem:$0x746] =	sst s25  }
0x830: {  	[smem:$0x7C2] =	sst s1  }
0x831: {  	s28 =	spop (v2sf);
	s25 =	sld [smem:$0x707]  }
0x832: {  	s0 =	smul.u32 $0x431BE2E9, s0;
	s1 =	sadd.s32 s21, s20;
	s20 =	sld [smem:$0x70D]  }
0x833: {  	(v2sf) =	vpush v11, $0x2;
	s30 =	smulhi.u32 $0x431BE2E9, s28;
	s21 =	sld [smem:$0x70E]  }
0x834: {  	[smem:$0x747] =	sst s0  }
0x835: {  	(v2sf) =	vpush v11, $0x3;
	[smem:$0x748] =	sst s30  }
0x836: {  	[smem:$0x7D2] =	sst s1  }
0x837: {  	s7 =	smulhi.u32 $0x431BE2E9, s3;
	s30 =	sld [smem:$0x70A]  }
0x838: {  	s3 =	spop (v2sf);
	s1 =	sadd.s32 s23, s22;
	s23 =	sld [smem:$0x70F]  }
0x839: {  	s5 =	smulhi.u32 $0x431BE2E9, s3;
	s0 =	sshra.s32 s28, $0x1F;
	[smem:$0x7D4] =	sst s1  }
0x83a: {  	s6 =	smul.u32 $0x431BE2E9, s0;
	s0 =	sshra.s32 s3, $0x1F;
	s3 =	sld [smem:$0x70B]  }
0x83b: {  	(v2sf) =	vpush v11, $0x4;
	s19 =	spop (v2sf);
	s1 =	sadd.s32 s26, s25;
	s26 =	sld [smem:$0x711]  }
0x83c: {  	s13 =	smul.u32 $0x431BE2E9, s0;
	[smem:$0x7D6] =	sst s1  }
0x83d: {  	(v2sf) =	vpush v11, $0x5;
	s0 =	sshra.s32 s19, $0x1F;
	s1 =	sadd.s32 s30, s29;
	s30 =	sld [smem:$0x713]  }
0x83e: {  	s0 =	smul.u32 $0x431BE2E9, s0;
	[smem:$0x7D8] =	sst s1  }
0x83f: {  	s1 =	sadd.s32 s18, s3;
	s3 =	sld [smem:$0x71D]  }
0x840: {  	[smem:$0x749] =	sst s0  }
0x841: {  	s12 =	smulhi.u32 $0x431BE2E9, s19;
	[smem:$0x7DC] =	sst s1  }
0x842: {  	s1 =	sadd.s32 s21, s20;
	s20 =	sld [smem:$0x716];
	s24 =	spop (v2sf)  }
0x843: {  	(v2sf) =	vpush v11, $0x6;
	[smem:$0x7DA] =	sst s1;
	s28 =	smulhi.u32 $0x431BE2E9, s24  }
0x844: {  	s0 =	sshra.s32 s24, $0x1F;
	s31 =	spop (v2sf);
	s24 =	sld [smem:$0x710]  }
0x845: {  	s0 =	smul.u32 $0x431BE2E9, s0;
	[smem:$0x74A] =	sst s28  }
0x846: {  	s19 =	smulhi.u32 $0x431BE2E9, s31;
	s28 =	sld [smem:$0x712]  }
0x847: {  	[smem:$0x74B] =	sst s0  }
0x848: {  	v25 =	vld [tilespmem:$0x1BF];
	[smem:$0x74C] =	sst s19  }
0x849: {  	v0 =	vld [tilespmem:$0x1C0];
	(v2sf) =	vpush v11, $0x7;
	s0 =	sshra.s32 s31, $0x1F;
	s31 =	sld [smem:$0x714]  }
0x84a: {  	s22 =	spop (v2sf);
	s19 =	sld [smem:$0x715]  }
0x84b: {  	s25 =	smulhi.u32 $0x431BE2E9, s22;
	s1 =	sadd.s32 s24, s23;
	s23 =	sld [smem:$0x718]  }
0x84c: {  	s29 =	spop (v2sf);
	[smem:$0x7DE] =	sst s1  }
0x84d: {  	s18 =	smulhi.u32 $0x431BE2E9, s29;
	[smem:$0x74E] =	sst s25  }
0x84e: {  	v12 =	vmul.u32 $0x6A37, v25;
	v0 =	vmul.u32 $0x8DD9, v0;
	s25 =	sld [smem:$0x719]  }
0x84f: {  	[smem:$0x750] =	sst s18  }
0x850: {  	v13 =	vxor.u32 v0, v12;
	s0 =	smul.u32 $0x431BE2E9, s0;
	s1 =	sadd.s32 s28, s26;
	s26 =	sld [smem:$0x71A]  }
0x851: {  	(v2sf) =	vpush v13, $0xD;
	s18 =	sld [smem:$0x71E]  }
0x852: {  	s21 =	spop (v2sf);
	[smem:$0x74D] =	sst s0  }
0x853: {  	s24 =	smulhi.u32 $0x431BE2E9, s21;
	[smem:$0x7E0] =	sst s1  }
0x854: {  	s0 =	sshra.s32 s22, $0x1F;
	s22 =	sld [smem:$0x717]  }
0x855: {  	[smem:$0x752] =	sst s24  }
0x856: {  	s1 =	sadd.s32 s31, s30;
	s30 =	sld [smem:$0x71C]  }
0x857: {  	s24 =	sld [smem:$0x722]  }
0x858: {  	(v2sf) =	vpush v13, $0xC;
	s28 =	spop (v2sf);
	[smem:$0x7D5] =	sst s1  }
0x859: {  	s31 =	smulhi.u32 $0x431BE2E9, s28;
	s1 =	sadd.s32 s20, s19;
	s20 =	sld [smem:$0x71F]  }
0x85a: {  	[smem:$0x7D7] =	sst s1  }
0x85b: {  	s0 =	smul.u32 $0x431BE2E9, s0;
	[smem:$0x754] =	sst s31  }
0x85c: {  	s31 =	sld [smem:$0x726]  }
0x85d: {  	[smem:$0x74F] =	sst s0  }
0x85e: {  	s0 =	sshra.s32 s29, $0x1F;
	s29 =	sld [smem:$0x71B]  }
0x85f: {  	(v2sf) =	vpush v13, $0xE;
	s1 =	sadd.s32 s23, s22;
	s23 =	sld [smem:$0x721]  }
0x860: {  	s19 =	spop (v2sf);
	[smem:$0x7D9] =	sst s1  }
0x861: {  	s22 =	smulhi.u32 $0x431BE2E9, s19;
	s1 =	sadd.s32 s26, s25;
	s26 =	sld [smem:$0x723]  }
0x862: {  	[smem:$0x7DB] =	sst s1  }
0x863: {  	s0 =	smul.u32 $0x431BE2E9, s0;
	[smem:$0x756] =	sst s22  }
0x864: {  	s22 =	sld [smem:$0x729]  }
0x865: {  	(v2sf) =	vpush v13, $0xF;
	[smem:$0x751] =	sst s0  }
0x866: {  	s0 =	sshra.s32 s21, $0x1F;
	s21 =	sld [smem:$0x720]  }
0x867: {  	s25 =	spop (v2sf);
	s1 =	sadd.s32 s30, s29;
	s30 =	sld [smem:$0x725]  }
0x868: {  	s29 =	smulhi.u32 $0x431BE2E9, s25;
	[smem:$0x7DD] =	sst s1;
	s1 =	sadd.s32 s18, s3  }
0x869: {  	s0 =	smul.u32 $0x431BE2E9, s0;
	[smem:$0x7DF] =	sst s1  }
0x86a: {  	[smem:$0x758] =	sst s29  }
0x86b: {  	[smem:$0x753] =	sst s0  }
0x86c: {  	s0 =	sshra.s32 s28, $0x1F;
	s28 =	sld [smem:$0x724]  }
0x86d: {  	s1 =	sadd.s32 s21, s20;
	s20 =	sld [smem:$0x728]  }
0x86e: {  	s18 =	spop (v2sf);
	[smem:$0x7E1] =	sst s1  }
0x86f: {  	s21 =	smulhi.u32 $0x431BE2E9, s18;
	s1 =	sadd.s32 s24, s23;
	s23 =	sld [smem:$0x72A]  }
0x870: {  	s0 =	smul.u32 $0x431BE2E9, s0;
	[smem:$0x7D3] =	sst s1  }
0x871: {  	[smem:$0x75A] =	sst s21  }
0x872: {  	[smem:$0x755] =	sst s0  }
0x873: {  	s0 =	sshra.s32 s19, $0x1F;
	s19 =	sld [smem:$0x727]  }
0x874: {  	s24 =	spop (v2sf);
	s1 =	sadd.s32 s28, s26;
	s26 =	sld [smem:$0x72C]  }
0x875: {  	s28 =	smulhi.u32 $0x431BE2E9, s24;
	[smem:$0x7E2] =	sst s1;
	s1 =	sadd.s32 s31, s30  }
0x876: {  	s0 =	smul.u32 $0x431BE2E9, s0;
	[smem:$0x7E3] =	sst s1  }
0x877: {  	[smem:$0x75C] =	sst s28  }
0x878: {  	(v2sf) =	vpush v13, $0x9;
	[smem:$0x757] =	sst s0;
	s0 =	sshra.s32 s25, $0x1F  }
0x879: {  	(v2sf) =	vpush v13, $0x8;
	s1 =	sadd.s32 s20, s19;
	s25 =	sld [smem:$0x72B];
	s0 =	smul.u32 $0x431BE2E9, s0  }
0x87a: {  	(v2sf) =	vpush v13, $0xA;
	[smem:$0x7E6] =	sst s1  }
0x87b: {  	(v2sf) =	vpush v13, $0xB;
	s1 =	sadd.s32 s23, s22;
	[smem:$0x759] =	sst s0;
	s0 =	sshra.s32 s18, $0x1F  }
0x87c: {  	(v2sf) =	vpush v13, $0x0;
	[smem:$0x7E7] =	sst s1;
	s1 =	sadd.s32 s26, s25;
	s0 =	smul.u32 $0x431BE2E9, s0  }
0x87d: {  	(v2sf) =	vpush v13, $0x1;
	[smem:$0x7EB] =	sst s1  }
0x87e: {  	(v2sf) =	vpush v13, $0x2;
	[smem:$0x75B] =	sst s0  }
0x87f: {  	(v2sf) =	vpush v13, $0x3  }
0x880: {  	s29 =	sld [smem:$0x72D]  }
0x881: {  	s30 =	sld [smem:$0x72E]  }
0x882: {  	s18 =	sld [smem:$0x72F]  }
0x883: {  	s19 =	sld [smem:$0x730]  }
0x884: {  	s21 =	sld [smem:$0x731]  }
0x885: {  	s22 =	sld [smem:$0x732]  }
0x886: {  	s0 =	sshra.s32 s24, $0x1F;
	s24 =	sld [smem:$0x733]  }
0x887: {  	s0 =	smul.u32 $0x431BE2E9, s0;
	s25 =	sld [smem:$0x734]  }
0x888: {  	s31 =	spop (v2sf);
	s28 =	sld [smem:$0x735]  }
0x889: {  	s3 =	sld [smem:$0x737];
	s20 =	smulhi.u32 $0x431BE2E9, s31  }
0x88a: {  	[smem:$0x75D] =	sst s0  }
0x88b: {  	[smem:$0x75E] =	sst s20  }
0x88c: {  	s23 =	spop (v2sf);
	s1 =	sadd.s32 s30, s29;
	s30 =	sld [smem:$0x736]  }
0x88d: {  	s0 =	sshra.s32 s31, $0x1F;
	s26 =	smulhi.u32 $0x431BE2E9, s23;
	s20 =	sld [smem:$0x739]  }
0x88e: {  	s29 =	smul.u32 $0x431BE2E9, s0;
	s0 =	sshra.s32 s23, $0x1F;
	s23 =	sld [smem:$0x73B]  }
0x88f: {  	[smem:$0x7EC] =	sst s1  }
0x890: {  	[smem:$0x75F] =	sst s26  }
0x891: {  	s1 =	sadd.s32 s19, s18;
	s18 =	sld [smem:$0x738]  }
0x892: {  	s31 =	spop (v2sf);
	[dreg:$0x1d] =	wrdreg s1  }
0x893: {  	s0 =	smul.u32 $0x431BE2E9, s0;
	s1 =	sadd.s32 s22, s21;
	s21 =	sld [smem:$0x73A]  }
0x894: {  	s19 =	smulhi.u32 $0x431BE2E9, s31;
	[dreg:$0x1e] =	wrdreg s1  }
0x895: {  	[smem:$0x760] =	sst s0  }
0x896: {  	[smem:$0x761] =	sst s19  }
0x897: {  	s1 =	sadd.s32 s25, s24;
	s24 =	sld [smem:$0x73C]  }
0x898: {  	s25 =	sld [smem:$0x73D]  }
0x899: {  	s19 =	sld [smem:$0x741]  }
0x89a: {  	[smem:$0x7E5] =	sst s1  }
0x89b: {  	s1 =	sadd.s32 s30, s28;
	s30 =	sld [smem:$0x73E]  }
0x89c: {  	[smem:$0x7E8] =	sst s1  }
0x89d: {  	s1 =	sadd.s32 s18, s3;
	s3 =	sld [smem:$0x73F]  }
0x89e: {  	s18 =	sld [smem:$0x740]  }
0x89f: {  	s22 =	spop (v2sf);
	[smem:$0x7E9] =	sst s1  }
0x8a0: {  	s0 =	sshra.s32 s31, $0x1F;
	s1 =	sadd.s32 s21, s20;
	s20 =	sld [smem:$0x742]  }
0x8a1: {  	s31 =	spop (v2sf);
	[smem:$0x7EA] =	sst s1;
	s1 =	sadd.s32 s24, s23  }
0x8a2: {  	s28 =	smul.u32 $0x431BE2E9, s0;
	s0 =	sshra.s32 s22, $0x1F;
	[smem:$0x7ED] =	sst s1  }
0x8a3: {  	s24 =	smulhi.u32 $0x431BE2E9, s31;
	s1 =	sadd.s32 s30, s25;
	s30 =	sld [smem:$0x743]  }
0x8a4: {  	s25 =	smul.u32 $0x431BE2E9, s0;
	s0 =	sshra.s32 s31, $0x1F;
	s31 =	sld [smem:$0x744]  }
0x8a5: {  	[smem:$0x7EE] =	sst s1  }
0x8a6: {  	(v2sf) =	vpush v13, $0x4;
	s1 =	sadd.s32 s18, s3;
	s3 =	sld [smem:$0x745]  }
0x8a7: {  	s18 =	sadd.s32 s15, s17;
	s15 =	sadd.s32 s13, s5;
	s5 =	sld [smem:$0x74A]  }
0x8a8: {  	[smem:$0x7EF] =	sst s1  }
0x8a9: {  	[smem:$0x7F2] =	sst s18  }
0x8aa: {  	(v2sf) =	vpush v13, $0x5;
	s1 =	sadd.s32 s20, s19;
	s19 =	sadd.s32 s10, s14;
	s10 =	sld [smem:$0x748]  }
0x8ab: {  	s26 =	smulhi.u32 $0x431BE2E9, s22;
	[smem:$0x7F5] =	sst s15  }
0x8ac: {  	(v2sf) =	vpush v13, $0x6;
	s21 =	spop (v2sf);
	[smem:$0x7E4] =	sst s1  }
0x8ad: {  	s23 =	smulhi.u32 $0x431BE2E9, s21;
	[smem:$0x7F4] =	sst s19  }
0x8ae: {  	s1 =	sadd.s32 s31, s30;
	s31 =	sadd.s32 s9, s7;
	s9 =	sld [smem:$0x747]  }
0x8af: {  	s22 =	smul.u32 $0x431BE2E9, s0;
	s0 =	sshra.s32 s21, $0x1F;
	[smem:$0x7F0] =	sst s1  }
0x8b0: {  	v0 =	vld [tilespmem:$0x1D0];
	s20 =	smul.u32 $0x431BE2E9, s0;
	s1 =	sadd.s32 s16, s3;
	[smem:$0x7F6] =	sst s31  }
0x8b1: {  	v26 =	vld [tilespmem:$0x1CF];
	s16 =	spop (v2sf);
	s3 =	sadd.s32 s11, s8;
	s8 =	sld [smem:$0x746]  }
0x8b2: {  	[smem:$0x7F1] =	sst s1;
	s21 =	smulhi.u32 $0x431BE2E9, s16  }
0x8b3: {  	s0 =	sshra.s32 s16, $0x1F;
	s30 =	spop (v2sf);
	[dreg:$0x1b] =	wrdreg s3  }
0x8b4: {  	s3 =	sld [smem:$0x750];
	s18 =	smul.u32 $0x431BE2E9, s0  }
0x8b5: {  	(v2sf) =	vpush v13, $0x7;
	s19 =	smulhi.u32 $0x431BE2E9, s30;
	s0 =	sshra.s32 s30, $0x1F;
	s7 =	spop (v2sf)  }
0x8b6: {  	v0 =	vmul.u32 $0x8DD9, v0;
	v12 =	vmul.u32 $0x6A37, v26;
	s30 =	sld [smem:$0x749];
	s16 =	smul.u32 $0x431BE2E9, s0  }
0x8b7: {  	s17 =	smulhi.u32 $0x431BE2E9, s7;
	s0 =	sshra.s32 s7, $0x1F;
	s7 =	sld [smem:$0x74C]  }
0x8b8: {  	v12 =	vxor.u32 v0, v12;
	s1 =	sadd.s32 s9, s8;
	s8 =	sld [smem:$0x74D]  }
0x8b9: {  	(v2sf) =	vpush v12, $0xD;
	s11 =	spop (v2sf);
	[dreg:$0x1a] =	wrdreg s1  }
0x8ba: {  	(v2sf) =	vpush v12, $0xC;
	s1 =	sadd.s32 s6, s10;
	s14 =	smul.u32 $0x431BE2E9, s0;
	s6 =	sld [smem:$0x74B]  }
0x8bb: {  	s0 =	sshra.s32 s11, $0x1F;
	s31 =	spop (v2sf);
	[dreg:$0x11] =	wrdreg s1  }
0x8bc: {  	s1 =	sadd.s32 s30, s12;
	s12 =	smul.u32 $0x431BE2E9, s0;
	s30 =	sld [smem:$0x74E]  }
0x8bd: {  	s13 =	smulhi.u32 $0x431BE2E9, s31;
	s0 =	sshra.s32 s31, $0x1F;
	s31 =	sld [smem:$0x74F]  }
0x8be: {  	[smem:$0x7F7] =	sst s1  }
0x8bf: {  	s1 =	sadd.s32 s6, s5;
	s5 =	sld [smem:$0x751]  }
0x8c0: {  	[smem:$0x7F8] =	sst s1  }
0x8c1: {  	s1 =	sadd.s32 s8, s7;
	s7 =	sld [smem:$0x752]  }
0x8c2: {  	s8 =	sld [smem:$0x753]  }
0x8c3: {  	s15 =	smulhi.u32 $0x431BE2E9, s11;
	[smem:$0x7F9] =	sst s1  }
0x8c4: {  	s9 =	spop (v2sf);
	s1 =	sadd.s32 s31, s30;
	s30 =	sld [smem:$0x754]  }
0x8c5: {  	s11 =	smul.u32 $0x431BE2E9, s0;
	s31 =	sld [smem:$0x755]  }
0x8c6: {  	s10 =	smulhi.u32 $0x431BE2E9, s9;
	s0 =	sshra.s32 s9, $0x1F;
	[smem:$0x7FA] =	sst s1  }
0x8c7: {  	s9 =	smul.u32 $0x431BE2E9, s0;
	s1 =	sadd.s32 s5, s3;
	s3 =	sld [smem:$0x758]  }
0x8c8: {  	s6 =	spop (v2sf);
	[dreg:$0x1f] =	wrdreg s1;
	s1 =	sadd.s32 s8, s7  }
0x8c9: {  	s0 =	sshra.s32 s6, $0x1F;
	s5 =	spop (v2sf);
	[dreg:$0x1c] =	wrdreg s1  }
0x8ca: {  	s8 =	smulhi.u32 $0x431BE2E9, s6;
	s1 =	sadd.s32 s31, s30;
	s30 =	sld [smem:$0x756]  }
0x8cb: {  	s7 =	smul.u32 $0x431BE2E9, s0;
	s31 =	sld [smem:$0x757]  }
0x8cc: {  	(v2sf) =	vpush v12, $0xE;
	s6 =	smulhi.u32 $0x431BE2E9, s5;
	s0 =	sshra.s32 s5, $0x1F;
	s5 =	sld [smem:$0x759]  }
0x8cd: {  	[smem:$0x7F3] =	sst s1  }
0x8ce: {  	s1 =	sadd.s32 s31, s30;
	s30 =	sld [smem:$0x75A]  }
0x8cf: {  	(v2sf) =	vpush v12, $0xF;
	s31 =	sld [smem:$0x75B]  }
0x8d0: {  	[dreg:$0x19] =	wrdreg s1;
	s1 =	sadd.s32 s5, s3  }
0x8d1: {  	(v2sf) =	vpush v12, $0x9;
	[dreg:$0x16] =	wrdreg s1  }
0x8d2: {  	(v2sf) =	vpush v12, $0x8;
	s1 =	sadd.s32 s31, s30;
	s30 =	sld [smem:$0x75D]  }
0x8d3: {  	[dreg:$0x18] =	wrdreg s1  }
0x8d4: {  	s1 =	sld [smem:$0x75C]  }
0x8d5: {  	s25 =	sadd.s32 s25, s26  }
0x8d6: {  	[dreg:$0x10] =	wrdreg s25;
	(v2sf) =	vpush v12, $0xA  }
0x8d7: {  	s22 =	sadd.s32 s22, s24;
	s1 =	sadd.s32 s30, s1;
	s30 =	sld [smem:$0x75E]  }
0x8d8: {  	[dreg:$0x14] =	wrdreg s22;
	s20 =	sadd.s32 s20, s23;
	(v2sf) =	vpush v12, $0xB  }
0x8d9: {  	[dreg:$0xf] =	wrdreg s20  }
0x8da: {  	(v2sf) =	vpush v12, $0x0;
	s5 =	smul.u32 $0x431BE2E9, s0;
	s31 =	sadd.s32 s29, s30;
	s29 =	sld [smem:$0x75F]  }
0x8db: {  	s18 =	sadd.s32 s18, s21;
	s0 =	spop (v2sf);
	s30 =	sld [smem:$0x760]  }
0x8dc: {  	[dreg:$0xe] =	wrdreg s18;
	(v2sf) =	vpush v12, $0x1;
	s3 =	smulhi.u32 $0x431BE2E9, s0;
	s0 =	sshra.s32 s0, $0x1F  }
0x8dd: {  	[dreg:$0x17] =	wrdreg s1;
	s1 =	smul.u32 $0x431BE2E9, s0  }
0x8de: {  	(v2sf) =	vpush v12, $0x2;
	s0 =	spop (v2sf);
	s29 =	sadd.s32 s30, s29;
	s30 =	sld [smem:$0x761]  }
0x8df: {  	[dreg:$0x13] =	wrdreg s31;
	s31 =	smulhi.u32 $0x431BE2E9, s0  }
0x8e0: {  	(v2sf) =	vpush v12, $0x3;
	s0 =	sshra.s32 s0, $0x1F;
	[dreg:$0x15] =	wrdreg s29;
	s29 =	spop (v2sf)  }
0x8e1: {  	s0 =	smul.u32 $0x431BE2E9, s0;
	s28 =	sadd.s32 s28, s30;
	s30 =	spop (v2sf)  }
0x8e2: {  	[dreg:$0x12] =	wrdreg s28;
	s28 =	smulhi.u32 $0x431BE2E9, s29  }
0x8e3: {  	s16 =	sadd.s32 s16, s19;
	(v2sf) =	vpush v12, $0x4;
	s29 =	sshra.s32 s29, $0x1F;
	s22 =	smulhi.u32 $0x431BE2E9, s30  }
0x8e4: {  	[dreg:$0xd] =	wrdreg s16;
	s25 =	smul.u32 $0x431BE2E9, s29;
	s29 =	sshra.s32 s30, $0x1F  }
0x8e5: {  	s14 =	sadd.s32 s14, s17;
	s30 =	spop (v2sf);
	s20 =	smul.u32 $0x431BE2E9, s29  }
0x8e6: {  	[dreg:$0xc] =	wrdreg s14;
	s18 =	smulhi.u32 $0x431BE2E9, s30;
	s24 =	sshra.s32 s30, $0x1F  }
0x8e7: {  	s11 =	sadd.s32 s11, s13;
	s26 =	spop (v2sf);
	s16 =	smul.u32 $0x431BE2E9, s24  }
0x8e8: {  	[dreg:$0xb] =	wrdreg s11;
	s14 =	smulhi.u32 $0x431BE2E9, s26;
	s29 =	sshra.s32 s26, $0x1F  }
0x8e9: {  	s19 =	sadd.s32 s12, s15;
	s30 =	spop (v2sf);
	s12 =	smul.u32 $0x431BE2E9, s29  }
0x8ea: {  	s21 =	sadd.s32 s9, s10;
	s11 =	smulhi.u32 $0x431BE2E9, s30;
	s15 =	sshra.s32 s30, $0x1F  }
0x8eb: {  	s7 =	sadd.s32 s7, s8;
	s17 =	spop (v2sf);
	s9 =	smul.u32 $0x431BE2E9, s15  }
0x8ec: {  	[dreg:$0xa] =	wrdreg s7;
	s7 =	smulhi.u32 $0x431BE2E9, s17;
	s23 =	sshra.s32 s17, $0x1F  }
0x8ed: {  	s24 =	sadd.s32 s5, s6;
	s29 =	spop (v2sf);
	s26 =	smul.u32 $0x431BE2E9, s23  }
0x8ee: {  	s30 =	sadd.s32 s1, s3;
	s1 =	smulhi.u32 $0x431BE2E9, s29;
	s8 =	sshra.s32 s29, $0x1F  }
0x8ef: {  	s23 =	sadd.s32 s0, s31;
	s13 =	spop (v2sf);
	s29 =	sadd.s32 s25, s28  }
0x8f0: {  	s25 =	sadd.s32 s20, s22;
	s20 =	sadd.s32 s16, s18;
	s10 =	smul.u32 $0x431BE2E9, s8  }
0x8f1: {  	s22 =	sadd.s32 s12, s14;
	s16 =	sld [smem:$0x762];
	s15 =	smulhi.u32 $0x431BE2E9, s13  }
0x8f2: {  	s31 =	sadd.s32 s10, s1;
	s10 =	sld [smem:$0x763];
	s17 =	spop (v2sf)  }
0x8f3: {  	s14 =	sld [smem:$0x765];
	s18 =	smulhi.u32 $0x431BE2E9, s17;
	s8 =	sshra.s32 s17, $0x1F  }
0x8f4: {  	s3 =	sshra.s32 s13, $0x1F;
	s5 =	sshra.s32 s16, $0x1F;
	s8 =	smul.u32 $0x431BE2E9, s8  }
0x8f5: {  	vm7 =	vcmask $0x300;
	s28 =	sadd.s32 s9, s11;
	v0 =	vmov s5;
	s11 =	sshra.s32 s10, $0x12;
	s17 =	sld [smem:$0x766]  }
0x8f6: {  	s3 =	smul.u32 $0x431BE2E9, s3;
	v0 =	vsel vm7, s11, v0;
	s11 =	sld [smem:$0x769];
	s9 =	sadd.s32 s8, s18  }
0x8f7: {  	s12 =	sshrl.u32 s10, $0x1F;
	[dreg:$0x8] =	wrdreg s9  }
0x8f8: {  	s26 =	sadd.s32 s26, s7;
	s7 =	sadd.s32 s3, s15;
	v28 =	vmov s12;
	s9 =	sld [smem:$0x764]  }
0x8f9: {  	[dreg:$0x9] =	wrdreg s7;
	v15 =	vnsel vm7, $0x0, v28;
	s3 =	sshrl.u32 s17, $0x1F  }
0x8fa: {  	vm15 =	vcmask $0x704;
	s7 =	sld [smem:$0x767];
	s1 =	sshra.s32 s10, $0x1F;
	s12 =	sshrl.u32 s11, $0x1F;
	v15 =	vsel vm1, s3, v15  }
0x8fb: {  	v0 =	vsel vm15, s1, v0;
	s18 =	sshra.s32 s17, $0x12;
	v29 =	vsel vm2, s12, v15;
	s12 =	sld [smem:$0x76A];
	s13 =	sshrl.u32 s9, $0x1F  }
0x8fc: {  	vm14 =	vcmask $0xF0C;
	s15 =	sshrl.u32 s14, $0x1F;
	s6 =	sshra.s32 s17, $0x1F;
	s17 =	sld [smem:$0x76B];
	v0 =	vsel vm1, s18, v0;
	v27 =	vmov s13  }
0x8fd: {  	s8 =	sshrl.u32 s7, $0x1F;
	v0 =	vsel vm14, s6, v0;
	s6 =	sld [smem:$0x768];
	v14 =	vsel vm1, s15, v27  }
0x8fe: {  	s13 =	sshra.s32 s11, $0x12;
	s15 =	sshrl.u32 s12, $0x1F;
	v14 =	vsel vm2, s8, v14;
	s8 =	sld [smem:$0x76C]  }
0x8ff: {  	s1 =	sshra.s32 s14, $0x12;
	s14 =	sshra.s32 s11, $0x1F;
	v0 =	vsel vm2, s13, v0;
	v30 =	vmov s15;
	s15 =	sld [smem:$0x76D]  }
0x900: {  	s10 =	sshrl.u32 s6, $0x1F;
	v0 =	vsel vm13, s14, v0;
	s14 =	sld [smem:$0x76F]  }
0x901: {  	s11 =	sshra.s32 s17, $0x12;
	v19 =	vsel vm3, s10, v14;
	s10 =	sld [smem:$0x76E]  }
0x902: {  	vm0 =	vcmask $0x1F1C;
	s13 =	sshra.s32 s17, $0x1F;
	v0 =	vsel vm3, s11, v0;
	s11 =	sld [smem:$0x770]  }
0x903: {  	s18 =	sshrl.u32 s17, $0x1F;
	v0 =	vsel vm0, s13, v0;
	s13 =	sld [smem:$0x771]  }
0x904: {  	v14 =	vsel vm3, s18, v29;
	s3 =	sshrl.u32 s8, $0x1F;
	s5 =	sshrl.u32 s15, $0x1F  }
0x905: {  	s18 =	sshrl.u32 s14, $0x1F;
	v15 =	vsel vm1, s3, v30;
	v14 =	vsel vm8, s5, v14;
	s17 =	sshrl.u32 s10, $0x1F  }
0x906: {  	vm6 =	vmmov vm8;
	s5 =	sshrl.u32 s11, $0x1F;
	v15 =	vsel vm2, s17, v15;
	v14 =	vsel vm5, s18, v14;
	s17 =	sshrl.u32 s13, $0x1F  }
0x907: {  	vm8 =	vmmov vm12;
	s18 =	sshra.s32 s15, $0x12;
	v20 =	vsel vm3, s5, v15;
	v14 =	vsel vm12, s17, v14;
	s17 =	sshra.s32 s9, $0x12  }
0x908: {  	v0 =	vsel vm6, s18, v0;
	s18 =	sshra.s32 s15, $0x1F;
	s9 =	sshrl.u32 s16, $0x1F;
	vm12 =	vcmask $0x2724;
	v31 =	vmov s17;
	s17 =	sshra.s32 s12, $0x12  }
0x909: {  	s15 =	sshra.s32 s7, $0x12;
	s7 =	sshra.s32 s8, $0x12;
	s8 =	sshra.s32 s14, $0x1F;
	v49 =	vsel vm9, s9, v14;
	v14 =	vsel vm1, s1, v31;
	v32 =	vmov s17  }
0x90a: {  	v0 =	vsel vm12, s18, v0;
	s18 =	sshra.s32 s14, $0x12;
	s9 =	sshra.s32 s10, $0x12;
	v14 =	vsel vm2, s15, v14;
	v15 =	vsel vm1, s7, v32;
	s15 =	sld [smem:$0x772]  }
0x90b: {  	s10 =	sshra.s32 s11, $0x12;
	s11 =	sshra.s32 s13, $0x12;
	v33 =	vsel vm2, s9, v15;
	s9 =	sld [smem:$0x775]  }
0x90c: {  	vm4 =	vmmov vm9;
	vm9 =	vcmask $0x2F2C;
	s12 =	sshra.s32 s13, $0x1F;
	s13 =	sshra.s32 s16, $0x12;
	s16 =	sld [smem:$0x773];
	v0 =	vsel vm5, s18, v0  }
0x90d: {  	vm11 =	vcmask $0x3734;
	s18 =	sld [smem:$0x774];
	v0 =	vsel vm9, s8, v0;
	s14 =	sshra.s32 s15, $0x1F  }
0x90e: {  	s6 =	sshra.s32 s6, $0x12;
	v0 =	vsel vm8, s11, v0;
	v57 =	vsel vm3, s10, v33;
	v34 =	vmov s14;
	s10 =	sshra.s32 s9, $0x12;
	s14 =	sld [smem:$0x777]  }
0x90f: {  	v0 =	vsel vm11, s12, v0;
	s11 =	sshrl.u32 s9, $0x1F;
	s12 =	sshra.s32 s9, $0x1F;
	s9 =	sld [smem:$0x778]  }
0x910: {  	v56 =	vsel vm3, s6, v14;
	s17 =	sshrl.u32 s16, $0x1F;
	s1 =	sshra.s32 s16, $0x12;
	v14 =	vsel vm7, s10, v34;
	v35 =	vmov s11;
	s11 =	sld [smem:$0x776]  }
0x911: {  	s8 =	sshrl.u32 s18, $0x1F;
	s10 =	sld [smem:$0x779];
	v14 =	vsel vm15, s12, v14;
	s16 =	sshra.s32 s14, $0x12  }
0x912: {  	s0 =	sshra.s32 s18, $0x12;
	v51 =	vsel vm4, s13, v0;
	v0 =	vmov s8;
	s12 =	sld [smem:$0x77A];
	s18 =	sshra.s32 s14, $0x1F;
	v14 =	vsel vm1, s16, v14  }
0x913: {  	v0 =	vsel vm1, s17, v0;
	s13 =	sshrl.u32 s11, $0x1F;
	v14 =	vsel vm14, s18, v14;
	s18 =	sld [smem:$0x77C]  }
0x914: {  	v15 =	vnsel vm7, $0x0, v35;
	s17 =	sshrl.u32 s14, $0x1F;
	s7 =	sshrl.u32 s9, $0x1F;
	v0 =	vsel vm2, s13, v0  }
0x915: {  	s8 =	sshrl.u32 s10, $0x1F;
	s13 =	sshrl.u32 s12, $0x1F;
	v52 =	vsel vm3, s7, v0;
	v0 =	vsel vm1, s17, v15  }
0x916: {  	v36 =	vmov s8;
	s7 =	sld [smem:$0x77B];
	v0 =	vsel vm2, s13, v0;
	s8 =	sshrl.u32 s18, $0x1F  }
0x917: {  	v0 =	vsel vm3, s8, v0;
	s8 =	sld [smem:$0x77D];
	_ =	sdelay $0x1  }
0x918: {  	s14 =	sshra.s32 s12, $0x12;
	s17 =	sshrl.u32 s7, $0x1F  }
0x919: {  	v14 =	vsel vm2, s14, v14;
	s14 =	sld [smem:$0x77E];
	v15 =	vsel vm1, s17, v36;
	s13 =	sshrl.u32 s8, $0x1F  }
0x91a: {  	v15 =	vsel vm2, s13, v15;
	s13 =	sld [smem:$0x780]  }
0x91b: {  	s3 =	sshra.s32 s11, $0x12;
	s11 =	sld [smem:$0x781];
	s16 =	sshra.s32 s12, $0x1F  }
0x91c: {  	s12 =	sld [smem:$0x77F];
	v14 =	vsel vm13, s16, v14;
	s16 =	sshrl.u32 s14, $0x1F;
	s17 =	sshra.s32 s18, $0x12  }
0x91d: {  	v0 =	vsel vm6, s16, v0;
	s18 =	sshra.s32 s18, $0x1F;
	v14 =	vsel vm3, s17, v14;
	s16 =	sshrl.u32 s13, $0x1F  }
0x91e: {  	v37 =	vmov s0;
	s0 =	sshra.s32 s9, $0x12;
	s17 =	sshrl.u32 s11, $0x1F;
	v14 =	vsel vm0, s18, v14;
	s18 =	sshra.s32 s14, $0x12;
	v0 =	vsel vm5, s16, v0  }
0x91f: {  	s6 =	sshrl.u32 s12, $0x1F;
	s9 =	sshra.s32 s14, $0x1F;
	s14 =	sshrl.u32 s15, $0x1F;
	v14 =	vsel vm6, s18, v14;
	v0 =	vsel vm8, s17, v0  }
0x920: {  	v54 =	vsel vm3, s6, v15;
	s6 =	sshra.s32 s8, $0x12;
	s17 =	sshra.s32 s10, $0x12;
	v53 =	vsel vm4, s14, v0;
	v0 =	vsel vm1, s1, v37  }
0x921: {  	v14 =	vsel vm12, s9, v14;
	s8 =	sshra.s32 s12, $0x12;
	s18 =	sshra.s32 s13, $0x12;
	s16 =	sshra.s32 s7, $0x12;
	v38 =	vmov s17;
	v0 =	vsel vm2, s3, v0  }
0x922: {  	s12 =	sshra.s32 s15, $0x12;
	s15 =	sld [smem:$0x783];
	s9 =	sshra.s32 s13, $0x1F;
	v14 =	vsel vm5, s18, v14;
	v15 =	vsel vm1, s16, v38;
	v0 =	vsel vm3, s0, v0  }
0x923: {  	v14 =	vsel vm9, s9, v14;
	s10 =	sshra.s32 s11, $0x12;
	s16 =	sld [smem:$0x784];
	[tilespmem:$0x1FEB0] =	vst v0;
	v0 =	vsel vm2, s6, v15  }
0x924: {  	s13 =	sld [smem:$0x782];
	s11 =	sshra.s32 s11, $0x1F;
	v14 =	vsel vm8, s10, v14;
	v0 =	vsel vm3, s8, v0  }
0x925: {  	s18 =	sld [smem:$0x785];
	[tilespmem:$0x1FEC0] =	vst v0;
	v0 =	vsel vm11, s11, v14  }
0x926: {  	s17 =	sshrl.u32 s16, $0x1F;
	v0 =	vsel vm4, s12, v0;
	s12 =	sld [smem:$0x786]  }
0x927: {  	s14 =	sshra.s32 s15, $0x1F;
	[tilespmem:$0x1FED0] =	vst v0;
	v0 =	vmov s17;
	s17 =	sld [smem:$0x788]  }
0x928: {  	s1 =	sshrl.u32 s13, $0x1F;
	v39 =	vmov s14;
	s9 =	sshra.s32 s18, $0x12  }
0x929: {  	s10 =	sshrl.u32 s18, $0x1F;
	s14 =	sld [smem:$0x787];
	v14 =	vsel vm7, s9, v39;
	s11 =	sshra.s32 s18, $0x1F  }
0x92a: {  	s0 =	sshra.s32 s13, $0x12;
	v14 =	vsel vm15, s11, v14;
	s13 =	sshrl.u32 s12, $0x1F;
	s18 =	sshra.s32 s17, $0x12  }
0x92b: {  	v40 =	vmov s10;
	v0 =	vsel vm1, s1, v0;
	s1 =	sshra.s32 s12, $0x12;
	s12 =	sld [smem:$0x78A];
	s10 =	sshra.s32 s17, $0x1F;
	v14 =	vsel vm1, s18, v14  }
0x92c: {  	v14 =	vsel vm14, s10, v14;
	s10 =	sld [smem:$0x789]  }
0x92d: {  	s18 =	sld [smem:$0x78C]  }
0x92e: {  	v15 =	vnsel vm7, $0x0, v40;
	s5 =	sshra.s32 s16, $0x12;
	s16 =	sshrl.u32 s14, $0x1F;
	v0 =	vsel vm2, s13, v0;
	s8 =	sshrl.u32 s17, $0x1F  }
0x92f: {  	v55 =	vsel vm3, s16, v0;
	v0 =	vsel vm1, s8, v15;
	s13 =	sshrl.u32 s12, $0x1F;
	s11 =	sshrl.u32 s10, $0x1F  }
0x930: {  	(v2sf) =	vpush v12, $0x5;
	v0 =	vsel vm2, s13, v0;
	s9 =	sshrl.u32 s18, $0x1F;
	v41 =	vmov s11;
	s11 =	sld [smem:$0x78B]  }
0x931: {  	v0 =	vsel vm3, s9, v0;
	s9 =	sld [smem:$0x78D];
	_ =	sdelay $0x1  }
0x932: {  	s6 =	sshra.s32 s14, $0x12;
	s14 =	sshra.s32 s12, $0x12;
	s17 =	sshrl.u32 s11, $0x1F  }
0x933: {  	v14 =	vsel vm2, s14, v14;
	s14 =	sld [smem:$0x78E];
	s13 =	sshrl.u32 s9, $0x1F;
	v15 =	vsel vm1, s17, v41  }
0x934: {  	v15 =	vsel vm2, s13, v15;
	s13 =	sld [smem:$0x790]  }
0x935: {  	s16 =	sshra.s32 s12, $0x1F;
	s3 =	sshra.s32 s11, $0x12;
	s11 =	sld [smem:$0x791]  }
0x936: {  	v14 =	vsel vm13, s16, v14;
	s16 =	sshrl.u32 s14, $0x1F;
	s17 =	sshra.s32 s18, $0x12  }
0x937: {  	s12 =	sld [smem:$0x78F];
	v0 =	vsel vm6, s16, v0;
	s18 =	sshra.s32 s18, $0x1F;
	v14 =	vsel vm3, s17, v14;
	s16 =	sshrl.u32 s13, $0x1F  }
0x938: {  	v14 =	vsel vm0, s18, v14;
	s17 =	sshrl.u32 s11, $0x1F;
	s18 =	sshra.s32 s14, $0x12;
	v0 =	vsel vm5, s16, v0  }
0x939: {  	v14 =	vsel vm6, s18, v14;
	s18 =	sshrl.u32 s15, $0x1F;
	v0 =	vsel vm8, s17, v0  }
0x93a: {  	v42 =	vmov s5;
	s8 =	sshrl.u32 s12, $0x1F;
	v0 =	vsel vm4, s18, v0  }
0x93b: {  	s7 =	sshra.s32 s12, $0x12;
	s16 =	sshra.s32 s10, $0x12;
	s17 =	sshra.s32 s14, $0x1F;
	[tilespmem:$0x1FF10] =	vst v0;
	v0 =	vsel vm1, s0, v42  }
0x93c: {  	s10 =	sshra.s32 s13, $0x12;
	v43 =	vmov s16;
	s16 =	sshra.s32 s15, $0x12;
	s15 =	sld [smem:$0x792];
	v14 =	vsel vm12, s17, v14;
	v0 =	vsel vm2, s1, v0  }
0x93d: {  	s9 =	sshra.s32 s9, $0x12;
	s12 =	sshra.s32 s13, $0x1F;
	v14 =	vsel vm5, s10, v14;
	s10 =	sld [smem:$0x793];
	v0 =	vsel vm3, s6, v0  }
0x93e: {  	s13 =	sshra.s32 s11, $0x12;
	s14 =	sshra.s32 s11, $0x1F;
	s18 =	spop (v2sf);
	[tilespmem:$0x1FEF0] =	vst v0;
	v0 =	vsel vm1, s3, v43  }
0x93f: {  	s0 =	smulhi.u32 $0x431BE2E9, s18;
	s17 =	sshra.s32 s15, $0x1F;
	v0 =	vsel vm2, s9, v0;
	s9 =	sshra.s32 s18, $0x1F  }
0x940: {  	v44 =	vmov s17;
	s6 =	sld [smem:$0x797];
	s11 =	sshra.s32 s10, $0x12;
	s3 =	smul.u32 $0x431BE2E9, s9  }
0x941: {  	v14 =	vsel vm9, s12, v14;
	v45 =	vsel vm7, s11, v44;
	s11 =	sld [smem:$0x794]  }
0x942: {  	v14 =	vsel vm8, s13, v14;
	v0 =	vsel vm3, s7, v0;
	s7 =	sld [smem:$0x795];
	s0 =	sadd.s32 s3, s0  }
0x943: {  	[tilespmem:$0x1FF00] =	vst v0;
	v0 =	vsel vm11, s14, v14;
	[smem:$0x7FB] =	sst s0  }
0x944: {  	s12 =	sshrl.u32 s11, $0x1F;
	v0 =	vsel vm4, s16, v0;
	s0 =	sld [smem:$0x798]  }
0x945: {  	s17 =	sld [smem:$0x796];
	[tilespmem:$0x1FF20] =	vst v0;
	v0 =	vmov s12;
	s16 =	sshrl.u32 s7, $0x1F  }
0x946: {  	v15 =	vsel vm3, s8, v15;
	s13 =	sshra.s32 s10, $0x1F;
	s9 =	sshrl.u32 s6, $0x1F;
	s14 =	sshrl.u32 s10, $0x1F;
	v0 =	vsel vm1, s16, v0  }
0x947: {  	v14 =	vsel vm15, s13, v45;
	v46 =	vmov s14;
	v0 =	vsel vm2, s9, v0;
	s13 =	sshrl.u32 s0, $0x1F  }
0x948: {  	[tilespmem:$0x1FEE0] =	vst v15;
	s18 =	sshra.s32 s17, $0x12;
	s14 =	sld [smem:$0x799];
	v15 =	vnsel vm7, $0x0, v46;
	s12 =	sshrl.u32 s17, $0x1F;
	v0 =	vsel vm3, s13, v0  }
0x949: {  	s10 =	sshra.s32 s17, $0x1F;
	v14 =	vsel vm1, s18, v14;
	[tilespmem:$0x1FF30] =	vst v0;
	v0 =	vsel vm1, s12, v15;
	s12 =	sld [smem:$0x79A]  }
0x94a: {  	v14 =	vsel vm14, s10, v14;
	s10 =	sld [smem:$0x79C];
	_ =	sdelay $0x1  }
0x94b: {  	s16 =	sshra.s32 s14, $0x12;
	s17 =	sshrl.u32 s14, $0x1F;
	s8 =	sshrl.u32 s12, $0x1F  }
0x94c: {  	s18 =	sshra.s32 s14, $0x1F;
	s14 =	sshra.s32 s10, $0x12;
	v47 =	vmov s8;
	s8 =	sld [smem:$0x79B]  }
0x94d: {  	v14 =	vsel vm2, s16, v14;
	s16 =	sshra.s32 s10, $0x1F;
	s13 =	sshrl.u32 s10, $0x1F;
	s10 =	sld [smem:$0x79D]  }
0x94e: {  	v14 =	vsel vm13, s18, v14  }
0x94f: {  	v14 =	vsel vm3, s14, v14;
	s14 =	sld [smem:$0x79E];
	v0 =	vsel vm2, s17, v0;
	s9 =	sshrl.u32 s8, $0x1F  }
0x950: {  	v0 =	vsel vm3, s13, v0;
	s17 =	sshrl.u32 s10, $0x1F;
	s13 =	sld [smem:$0x7A0];
	v15 =	vsel vm1, s9, v47  }
0x951: {  	v15 =	vsel vm2, s17, v15;
	s17 =	sshra.s32 s11, $0x12;
	s11 =	sld [smem:$0x7A1]  }
0x952: {  	s18 =	sshrl.u32 s14, $0x1F  }
0x953: {  	v14 =	vsel vm0, s16, v14;
	s16 =	sshra.s32 s14, $0x12;
	v0 =	vsel vm6, s18, v0;
	s5 =	sshrl.u32 s13, $0x1F  }
0x954: {  	v14 =	vsel vm6, s16, v14;
	s18 =	sshra.s32 s14, $0x1F;
	v0 =	vsel vm5, s5, v0;
	s14 =	sshrl.u32 s11, $0x1F  }
0x955: {  	v14 =	vsel vm12, s18, v14;
	s18 =	sshra.s32 s13, $0x12;
	v48 =	vmov s17;
	s17 =	sshrl.u32 s15, $0x1F;
	v0 =	vsel vm8, s14, v0  }
0x956: {  	s16 =	sshra.s32 s7, $0x12;
	s7 =	sshra.s32 s12, $0x12;
	s12 =	sshra.s32 s13, $0x1F;
	v14 =	vsel vm5, s18, v14;
	v0 =	vsel vm4, s17, v0  }
0x957: {  	v14 =	vsel vm9, s12, v14;
	s9 =	sld [smem:$0x79F];
	[tilespmem:$0x1FF40] =	vst v0;
	v0 =	vsel vm1, s16, v48;
	s16 =	sshra.s32 s11, $0x12  }
0x958: {  	v14 =	vsel vm8, s16, v14;
	s16 =	sld [smem:$0x7A2]  }
0x959: {  	s6 =	sshra.s32 s6, $0x12;
	s14 =	sshra.s32 s8, $0x12;
	s8 =	sld [smem:$0x7A3]  }
0x95a: {  	v50 =	vmov s7;
	s13 =	sshra.s32 s0, $0x12;
	s7 =	sshra.s32 s15, $0x12;
	s15 =	sld [smem:$0x7A6];
	v0 =	vsel vm2, s6, v0  }
0x95b: {  	s3 =	sshrl.u32 s9, $0x1F;
	s17 =	sshra.s32 s10, $0x12;
	v39 =	vsel vm3, s13, v0;
	v0 =	vsel vm1, s14, v50;
	s0 =	sshra.s32 s16, $0x1F  }
0x95c: {  	s6 =	sshra.s32 s9, $0x12;
	s9 =	sshra.s32 s8, $0x12;
	s13 =	sld [smem:$0x7A5];
	v0 =	vsel vm2, s17, v0;
	v59 =	vmov s0  }
0x95d: {  	s18 =	sshra.s32 s11, $0x1F;
	s11 =	sshra.s32 s8, $0x1F;
	v43 =	vsel vm3, s6, v0;
	v0 =	vsel vm7, s9, v59;
	s9 =	sld [smem:$0x7A4]  }
0x95e: {  	s10 =	sshrl.u32 s8, $0x1F;
	v0 =	vsel vm15, s11, v0;
	s11 =	sld [smem:$0x7A9]  }
0x95f: {  	v14 =	vsel vm11, s18, v14;
	v61 =	vmov s10;
	s18 =	sshrl.u32 s15, $0x1F  }
0x960: {  	v36 =	vsel vm3, s3, v15;
	v37 =	vsel vm4, s7, v14;
	s17 =	sshra.s32 s15, $0x12;
	v15 =	vnsel vm7, $0x0, v61;
	s7 =	sld [smem:$0x7A7];
	s12 =	sshrl.u32 s9, $0x1F  }
0x961: {  	v15 =	vsel vm1, s18, v15;
	s14 =	sshrl.u32 s13, $0x1F;
	v0 =	vsel vm1, s17, v0;
	s17 =	sld [smem:$0x7AB];
	v60 =	vmov s12;
	s12 =	sshrl.u32 s11, $0x1F  }
0x962: {  	s3 =	sshra.s32 s13, $0x12;
	s0 =	sshra.s32 s15, $0x1F;
	v62 =	vsel vm2, s12, v15;
	s12 =	sld [smem:$0x7AA]  }
0x963: {  	s8 =	sshrl.u32 s7, $0x1F;
	v0 =	vsel vm14, s0, v0;
	s0 =	sld [smem:$0x7A8];
	s13 =	sshra.s32 s11, $0x12;
	v14 =	vsel vm1, s14, v60  }
0x964: {  	v0 =	vsel vm2, s13, v0;
	s14 =	sshra.s32 s11, $0x1F;
	v14 =	vsel vm2, s8, v14;
	s8 =	sld [smem:$0x7AC]  }
0x965: {  	v0 =	vsel vm13, s14, v0;
	s14 =	sld [smem:$0x7AF];
	s15 =	sshrl.u32 s12, $0x1F  }
0x966: {  	s11 =	sshra.s32 s17, $0x12;
	s10 =	sshrl.u32 s0, $0x1F;
	v63 =	vmov s15;
	s15 =	sld [smem:$0x7AD]  }
0x967: {  	s13 =	sshra.s32 s17, $0x1F;
	v14 =	vsel vm3, s10, v14;
	v0 =	vsel vm3, s11, v0;
	s10 =	sld [smem:$0x7AE]  }
0x968: {  	s18 =	sshrl.u32 s17, $0x1F;
	v0 =	vsel vm0, s13, v0;
	s13 =	sld [smem:$0x7B1]  }
0x969: {  	[tilespmem:$0x1FF50] =	vst v14;
	v14 =	vsel vm3, s18, v62;
	s5 =	sshrl.u32 s8, $0x1F;
	s6 =	sshrl.u32 s15, $0x1F  }
0x96a: {  	s11 =	sld [smem:$0x7B0];
	s18 =	sshrl.u32 s14, $0x1F;
	v15 =	vsel vm1, s5, v63;
	s17 =	sshrl.u32 s10, $0x1F;
	v14 =	vsel vm6, s6, v14  }
0x96b: {  	v15 =	vsel vm2, s17, v15;
	s17 =	sshrl.u32 s13, $0x1F;
	v14 =	vsel vm5, s18, v14  }
0x96c: {  	s18 =	sshra.s32 s15, $0x12;
	v14 =	vsel vm8, s17, v14;
	s17 =	sshra.s32 s9, $0x12;
	s9 =	sshrl.u32 s16, $0x1F  }
0x96d: {  	s6 =	sshrl.u32 s11, $0x1F;
	v0 =	vsel vm6, s18, v0;
	s18 =	sshra.s32 s15, $0x1F;
	v14 =	vsel vm4, s9, v14;
	v18 =	vmov s17;
	s17 =	sshra.s32 s12, $0x12  }
0x96e: {  	v15 =	vsel vm3, s6, v15;
	s15 =	sshra.s32 s7, $0x12;
	s7 =	sshra.s32 s8, $0x12;
	s8 =	sshra.s32 s14, $0x1F;
	[tilespmem:$0x1FF80] =	vst v14;
	v14 =	vsel vm1, s3, v18;
	v21 =	vmov s17  }
0x96f: {  	[tilespmem:$0x1FF60] =	vst v15;
	v0 =	vsel vm12, s18, v0;
	s18 =	sshra.s32 s14, $0x12;
	s9 =	sshra.s32 s10, $0x12;
	v14 =	vsel vm2, s15, v14;
	v15 =	vsel vm1, s7, v21;
	s15 =	sld [smem:$0x7B2]  }
0x970: {  	s10 =	sshra.s32 s11, $0x12;
	s11 =	sshra.s32 s13, $0x12;
	v23 =	vsel vm2, s9, v15;
	s9 =	sld [smem:$0x7B5]  }
0x971: {  	s12 =	sshra.s32 s13, $0x1F;
	s13 =	sshra.s32 s16, $0x12;
	s16 =	sld [smem:$0x7B3];
	v0 =	vsel vm5, s18, v0  }
0x972: {  	s18 =	sld [smem:$0x7B4];
	v22 =	vsel vm9, s8, v0;
	s14 =	sshra.s32 s15, $0x1F  }
0x973: {  	s0 =	sshra.s32 s0, $0x12;
	v24 =	vsel vm8, s11, v22;
	v40 =	vsel vm3, s10, v23;
	v26 =	vmov s14;
	s10 =	sshra.s32 s9, $0x12;
	s14 =	sld [smem:$0x7B7]  }
0x974: {  	v25 =	vsel vm11, s12, v24;
	s11 =	sshrl.u32 s9, $0x1F;
	s12 =	sshra.s32 s9, $0x1F;
	s9 =	sld [smem:$0x7B8]  }
0x975: {  	s17 =	sshrl.u32 s16, $0x1F;
	s3 =	sshra.s32 s16, $0x12;
	v15 =	vsel vm7, s10, v26;
	s10 =	sld [smem:$0x7B9]  }
0x976: {  	s8 =	sshrl.u32 s18, $0x1F;
	v15 =	vsel vm15, s12, v15;
	s12 =	sld [smem:$0x7B6];
	s16 =	sshra.s32 s14, $0x12  }
0x977: {  	s1 =	sshra.s32 s18, $0x12;
	v28 =	vmov s11;
	s11 =	sld [smem:$0x7BA];
	s18 =	sshra.s32 s14, $0x1F;
	v15 =	vsel vm1, s16, v15  }
0x978: {  	v0 =	vsel vm3, s0, v14;
	v27 =	vmov s8;
	v15 =	vsel vm14, s18, v15;
	s18 =	sld [smem:$0x7BC]  }
0x979: {  	[tilespmem:$0x1FF70] =	vst v0;
	v0 =	vsel vm4, s13, v25;
	v14 =	vsel vm1, s17, v27;
	v16 =	vnsel vm7, $0x0, v28;
	s17 =	sshrl.u32 s14, $0x1F;
	s13 =	sshrl.u32 s12, $0x1F  }
0x97a: {  	s0 =	sshrl.u32 s9, $0x1F;
	v29 =	vsel vm1, s17, v16;
	s8 =	sshrl.u32 s10, $0x1F;
	v14 =	vsel vm2, s13, v14;
	s13 =	sshrl.u32 s11, $0x1F  }
0x97b: {  	[tilespmem:$0x1FF90] =	vst v0;
	v30 =	vmov s8;
	v0 =	vsel vm3, s0, v14;
	v14 =	vsel vm2, s13, v29;
	s0 =	sld [smem:$0x7BB];
	s8 =	sshrl.u32 s18, $0x1F  }
0x97c: {  	v14 =	vsel vm3, s8, v14;
	s8 =	sld [smem:$0x7BD]  }
0x97d: {  	s14 =	sshra.s32 s11, $0x12;
	s5 =	sshra.s32 s12, $0x12;
	s12 =	sld [smem:$0x7C1]  }
0x97e: {  	v15 =	vsel vm2, s14, v15;
	s14 =	sld [smem:$0x7BE];
	s17 =	sshrl.u32 s0, $0x1F  }
0x97f: {  	s16 =	sshra.s32 s11, $0x1F;
	s11 =	sld [smem:$0x7BF];
	v16 =	vsel vm1, s17, v30;
	s13 =	sshrl.u32 s8, $0x1F  }
0x980: {  	v15 =	vsel vm13, s16, v15;
	s17 =	sshra.s32 s18, $0x12;
	v16 =	vsel vm2, s13, v16;
	s13 =	sld [smem:$0x7C0]  }
0x981: {  	v31 =	vmov s1;
	s1 =	sshra.s32 s9, $0x12;
	s16 =	sshrl.u32 s14, $0x1F;
	s18 =	sshra.s32 s18, $0x1F;
	v15 =	vsel vm3, s17, v15  }
0x982: {  	s7 =	sshrl.u32 s11, $0x1F;
	s9 =	sshra.s32 s14, $0x1F;
	v15 =	vsel vm0, s18, v15;
	s18 =	sshra.s32 s14, $0x12  }
0x983: {  	v14 =	vsel vm6, s16, v14;
	s17 =	sshrl.u32 s12, $0x1F;
	s6 =	sshra.s32 s8, $0x12;
	v15 =	vsel vm6, s18, v15;
	s16 =	sshrl.u32 s13, $0x1F  }
0x984: {  	s14 =	smov.u32 s15;
	v15 =	vsel vm12, s9, v15;
	s9 =	sld [smem:$0x7C4];
	v14 =	vsel vm5, s16, v14;
	s16 =	sshrl.u32 s15, $0x1F  }
0x985: {  	[tilespmem:$0x1FFA0] =	vst v0;
	v0 =	vsel vm3, s7, v16;
	s15 =	sld [smem:$0x7C2];
	v14 =	vsel vm8, s17, v14;
	s17 =	sshra.s32 s0, $0x12;
	s0 =	sshra.s32 s13, $0x12  }
0x986: {  	s18 =	sshra.s32 s10, $0x12;
	[tilespmem:$0x1FFB0] =	vst v0;
	s10 =	sshra.s32 s13, $0x1F;
	v0 =	vsel vm4, s16, v14;
	v15 =	vsel vm5, s0, v15;
	s16 =	sld [smem:$0x7C3]  }
0x987: {  	s8 =	sshra.s32 s11, $0x12;
	s11 =	sshra.s32 s12, $0x12;
	s0 =	sld [smem:$0x7CA];
	v15 =	vsel vm9, s10, v15  }
0x988: {  	v32 =	vsel vm1, s3, v31;
	s12 =	sshra.s32 s12, $0x1F;
	v33 =	vmov s18;
	s13 =	sshra.s32 s15, $0x1F;
	v15 =	vsel vm8, s11, v15;
	s11 =	sld [smem:$0x7C5]  }
0x989: {  	s14 =	sshra.s32 s14, $0x12;
	v14 =	vsel vm2, s5, v32;
	v34 =	vsel vm1, s17, v33;
	s10 =	sshrl.u32 s9, $0x1F;
	v35 =	vmov s13;
	s13 =	sld [smem:$0x7C6]  }
0x98a: {  	v50 =	vsel vm3, s1, v14;
	v14 =	vsel vm2, s6, v34;
	s1 =	sshra.s32 s9, $0x12;
	s17 =	sshrl.u32 s16, $0x1F;
	s18 =	sshra.s32 s16, $0x12  }
0x98b: {  	v42 =	vsel vm3, s8, v14;
	v38 =	vsel vm11, s12, v15;
	s8 =	sshra.s32 s16, $0x1F;
	v41 =	vsel vm7, s18, v35;
	s18 =	sld [smem:$0x7C7];
	s12 =	sshrl.u32 s11, $0x1F  }
0x98c: {  	[tilespmem:$0x1FFC0] =	vst v0;
	v0 =	vsel vm4, s14, v38;
	s3 =	sshra.s32 s11, $0x12;
	s14 =	sshra.s32 s13, $0x12;
	v44 =	vmov s12;
	s12 =	sld [smem:$0x7C8]  }
0x98d: {  	v45 =	vmov s17;
	s16 =	sshrl.u32 s13, $0x1F;
	s17 =	sshra.s32 s13, $0x1F;
	v14 =	vsel vm1, s10, v44;
	s10 =	sld [smem:$0x7C9]  }
0x98e: {  	v15 =	vsel vm15, s8, v41;
	s8 =	sshrl.u32 s18, $0x1F;
	s6 =	sshra.s32 s18, $0x12;
	s18 =	sld [smem:$0x7CC]  }
0x98f: {  	v16 =	vnsel vm7, $0x0, v45;
	v15 =	vsel vm1, s14, v15;
	v14 =	vsel vm2, s8, v14;
	s9 =	sshrl.u32 s12, $0x1F;
	s5 =	sshra.s32 s12, $0x12;
	s12 =	sld [smem:$0x7D1]  }
0x990: {  	v46 =	vsel vm1, s16, v16;
	v15 =	vsel vm14, s17, v15;
	s11 =	sshra.s32 s10, $0x12;
	v47 =	vsel vm3, s9, v14;
	s13 =	sshrl.u32 s10, $0x1F;
	s9 =	sld [smem:$0x7CB]  }
0x991: {  	s14 =	sshra.s32 s10, $0x1F;
	s10 =	sld [smem:$0x7CD];
	v15 =	vsel vm2, s11, v15;
	v14 =	vsel vm2, s13, v46;
	s11 =	sshrl.u32 s18, $0x1F  }
0x992: {  	s16 =	sshrl.u32 s0, $0x1F;
	s13 =	sshra.s32 s18, $0x12;
	v15 =	vsel vm13, s14, v15;
	v14 =	vsel vm3, s11, v14;
	s11 =	sld [smem:$0x7CF]  }
0x993: {  	v48 =	vmov s16;
	s17 =	sshrl.u32 s9, $0x1F;
	v15 =	vsel vm3, s13, v15;
	s13 =	sld [smem:$0x7D0]  }
0x994: {  	v16 =	vsel vm1, s17, v48;
	s17 =	sld [smem:$0x7CE]  }
0x995: {  	v59 =	vmov s3;
	s14 =	sshra.s32 s18, $0x1F;
	s16 =	sshrl.u32 s10, $0x1F;
	s3 =	sshra.s32 s9, $0x12  }
0x996: {  	v15 =	vsel vm0, s14, v15;
	s14 =	sshrl.u32 s15, $0x1F;
	s7 =	sshrl.u32 s11, $0x1F;
	s9 =	sshra.s32 s11, $0x12  }
0x997: {  	v16 =	vsel vm2, s16, v16;
	s8 =	sshrl.u32 s13, $0x1F;
	s18 =	sshrl.u32 s17, $0x1F;
	s16 =	sshra.s32 s17, $0x12  }
0x998: {  	s17 =	sshra.s32 s17, $0x1F;
	v14 =	vsel vm6, s18, v14;
	v15 =	vsel vm6, s16, v15;
	s18 =	sshrl.u32 s12, $0x1F;
	s16 =	sshra.s32 s13, $0x12  }
0x999: {  	v60 =	vsel vm1, s1, v59;
	v14 =	vsel vm5, s8, v14;
	v15 =	vsel vm12, s17, v15;
	s17 =	sshra.s32 s0, $0x12;
	s0 =	sshra.s32 s13, $0x1F;
	s13 =	sld [smem:$0x7D2]  }
0x99a: {  	s11 =	sshra.s32 s12, $0x1F;
	v14 =	vsel vm8, s18, v14;
	v15 =	vsel vm5, s16, v15;
	s18 =	sshra.s32 s10, $0x12;
	v61 =	vmov s17;
	s16 =	sld [smem:$0x7D3]  }
0x99b: {  	s10 =	sshra.s32 s12, $0x12;
	s12 =	sshra.s32 s15, $0x12;
	s15 =	sld [smem:$0x7D4];
	v48 =	vsel vm4, s14, v14;
	v14 =	vsel vm2, s6, v60;
	v62 =	vsel vm1, s3, v61  }
0x99c: {  	v38 =	vsel vm3, s5, v14;
	v14 =	vsel vm2, s18, v62;
	s18 =	sld [smem:$0x7D5]  }
0x99d: {  	v15 =	vsel vm9, s0, v15;
	s14 =	sshra.s32 s16, $0x1F  }
0x99e: {  	v15 =	vsel vm8, s10, v15;
	s17 =	sshrl.u32 s15, $0x1F;
	s3 =	sshra.s32 s15, $0x12;
	s15 =	sld [smem:$0x7D7]  }
0x99f: {  	s5 =	sshrl.u32 s13, $0x1F;
	s1 =	sshra.s32 s13, $0x12;
	v15 =	vsel vm11, s11, v15;
	v63 =	vmov s14;
	s10 =	sshra.s32 s18, $0x12  }
0x9a0: {  	s13 =	sld [smem:$0x7D6];
	v27 =	vsel vm3, s9, v14;
	v44 =	vsel vm4, s12, v15;
	s11 =	sshrl.u32 s18, $0x1F;
	s12 =	sshra.s32 s18, $0x1F;
	v21 =	vsel vm7, s10, v63  }
0x9a1: {  	v22 =	vmov s17;
	v23 =	vmov s11;
	s17 =	sshra.s32 s15, $0x12;
	s11 =	sld [smem:$0x7D9];
	v14 =	vsel vm15, s12, v21  }
0x9a2: {  	s9 =	sld [smem:$0x7D8];
	s0 =	sshra.s32 s15, $0x1F;
	v14 =	vsel vm1, s17, v14  }
0x9a3: {  	v41 =	vsel vm3, s7, v16;
	s14 =	sshrl.u32 s13, $0x1F;
	s7 =	sshra.s32 s13, $0x12;
	v14 =	vsel vm14, s0, v14;
	s0 =	sld [smem:$0x7DA]  }
0x9a4: {  	v15 =	vsel vm1, s5, v22;
	s18 =	sshrl.u32 s15, $0x1F;
	s17 =	sld [smem:$0x7DB];
	s13 =	sshra.s32 s11, $0x12  }
0x9a5: {  	v15 =	vsel vm2, s14, v15;
	v16 =	vnsel vm7, $0x0, v23;
	s12 =	sshrl.u32 s11, $0x1F;
	s14 =	sshra.s32 s11, $0x1F;
	s11 =	sld [smem:$0x7DC];
	v14 =	vsel vm2, s13, v14  }
0x9a6: {  	v16 =	vsel vm1, s18, v16;
	v14 =	vsel vm13, s14, v14;
	s14 =	sld [smem:$0x7DF];
	s15 =	sshrl.u32 s0, $0x1F  }
0x9a7: {  	v24 =	vsel vm2, s12, v16;
	s12 =	sshra.s32 s17, $0x12;
	v25 =	vmov s15;
	s15 =	sld [smem:$0x7DD]  }
0x9a8: {  	s10 =	sshrl.u32 s9, $0x1F;
	s13 =	sshra.s32 s17, $0x1F;
	v14 =	vsel vm3, s12, v14;
	s12 =	sld [smem:$0x7DE]  }
0x9a9: {  	s5 =	sshra.s32 s9, $0x12;
	s18 =	sshrl.u32 s17, $0x1F;
	v14 =	vsel vm0, s13, v14;
	s13 =	sld [smem:$0x7E1]  }
0x9aa: {  	v46 =	vsel vm3, s10, v15;
	s10 =	sld [smem:$0x7E0];
	v15 =	vsel vm3, s18, v24;
	s8 =	sshrl.u32 s11, $0x1F;
	s9 =	sshrl.u32 s15, $0x1F  }
0x9ab: {  	s6 =	sshra.s32 s11, $0x12;
	v16 =	vsel vm1, s8, v25;
	s18 =	sshrl.u32 s14, $0x1F;
	s17 =	sshrl.u32 s12, $0x1F;
	v15 =	vsel vm6, s9, v15  }
0x9ac: {  	s11 =	sshra.s32 s0, $0x12;
	v16 =	vsel vm2, s17, v16;
	s17 =	sshrl.u32 s13, $0x1F;
	v15 =	vsel vm5, s18, v15;
	s18 =	sshra.s32 s15, $0x12  }
0x9ad: {  	s9 =	sshrl.u32 s10, $0x1F;
	v15 =	vsel vm8, s17, v15;
	v14 =	vsel vm6, s18, v14;
	s17 =	sshra.s32 s15, $0x1F;
	s18 =	sshrl.u32 s16, $0x1F  }
0x9ae: {  	v45 =	vsel vm4, s18, v15;
	v14 =	vsel vm12, s17, v14;
	s17 =	sshra.s32 s14, $0x12;
	s18 =	sshra.s32 s14, $0x1F;
	s14 =	sld [smem:$0x7E3]  }
0x9af: {  	v28 =	vmov s11;
	s15 =	sshra.s32 s12, $0x12;
	s12 =	sshra.s32 s16, $0x12;
	s16 =	sld [smem:$0x7E4];
	v14 =	vsel vm5, s17, v14  }
0x9b0: {  	s0 =	sshra.s32 s13, $0x12;
	v59 =	vsel vm3, s9, v16;
	v16 =	vsel vm1, s6, v28;
	v14 =	vsel vm9, s18, v14;
	s18 =	sld [smem:$0x7E5]  }
0x9b1: {  	v26 =	vmov s3;
	s11 =	sshra.s32 s13, $0x1F;
	s13 =	sld [smem:$0x7E2];
	v29 =	vsel vm2, s15, v16;
	v14 =	vsel vm8, s0, v14;
	s15 =	sshrl.u32 s14, $0x1F  }
0x9b2: {  	v15 =	vsel vm1, s1, v26;
	s17 =	sshra.s32 s16, $0x1F;
	v14 =	vsel vm11, s11, v14;
	v32 =	vmov s15;
	s15 =	sld [smem:$0x7E8]  }
0x9b3: {  	v15 =	vsel vm2, s7, v15;
	v30 =	vmov s17;
	s11 =	sshra.s32 s18, $0x12;
	v60 =	vsel vm4, s12, v14;
	s12 =	sld [smem:$0x7E6]  }
0x9b4: {  	v63 =	vsel vm3, s5, v15;
	s8 =	sshrl.u32 s18, $0x1F;
	v15 =	vsel vm7, s11, v30;
	s11 =	sld [smem:$0x7E9]  }
0x9b5: {  	v31 =	vmov s8  }
0x9b6: {  	s3 =	sshra.s32 s10, $0x12;
	s10 =	sshrl.u32 s13, $0x1F;
	v14 =	vnsel vm7, $0x0, v31;
	s17 =	sshrl.u32 s15, $0x1F  }
0x9b7: {  	s6 =	sshrl.u32 s12, $0x1F;
	s7 =	sshra.s32 s12, $0x12;
	v14 =	vsel vm1, s17, v14;
	s12 =	sshrl.u32 s11, $0x1F  }
0x9b8: {  	s1 =	sshra.s32 s13, $0x12;
	s13 =	sshra.s32 s18, $0x1F;
	v14 =	vsel vm2, s12, v14;
	s12 =	sld [smem:$0x7EA]  }
0x9b9: {  	v35 =	vsel vm3, s3, v29;
	s3 =	sshra.s32 s14, $0x12;
	s14 =	sld [smem:$0x7E7];
	v15 =	vsel vm15, s13, v15;
	s18 =	sshra.s32 s15, $0x12  }
0x9ba: {  	s0 =	sshra.s32 s15, $0x1F;
	v15 =	vsel vm1, s18, v15  }
0x9bb: {  	v16 =	vsel vm1, s10, v32;
	v15 =	vsel vm14, s0, v15;
	s0 =	sshrl.u32 s12, $0x1F  }
0x9bc: {  	s5 =	sshrl.u32 s14, $0x1F;
	v16 =	vsel vm2, s6, v16;
	v14 =	vsel vm3, s0, v14;
	s0 =	sld [smem:$0x7EC]  }
0x9bd: {  	v61 =	vsel vm3, s5, v16;
	s5 =	sld [smem:$0x7EB]  }
0x9be: {  	s8 =	sshra.s32 s14, $0x12;
	s13 =	sshra.s32 s11, $0x12  }
0x9bf: {  	s15 =	sld [smem:$0x7ED];
	s14 =	sshra.s32 s11, $0x1F;
	v15 =	vsel vm2, s13, v15;
	s17 =	sshrl.u32 s0, $0x1F  }
0x9c0: {  	v15 =	vsel vm13, s14, v15;
	s14 =	sld [smem:$0x7EE];
	s13 =	sshrl.u32 s5, $0x1F;
	v33 =	vmov s17  }
0x9c1: {  	v16 =	vsel vm1, s13, v33;
	s13 =	sld [smem:$0x7EF]  }
0x9c2: {  	s18 =	sshrl.u32 s15, $0x1F;
	s6 =	sshra.s32 s5, $0x12;
	s11 =	sshra.s32 s12, $0x12  }
0x9c3: {  	s12 =	sshra.s32 s12, $0x1F;
	s10 =	sshrl.u32 s14, $0x1F;
	v15 =	vsel vm3, s11, v15;
	s11 =	rddreg [dreg:$0x1d];
	v14 =	vsel vm6, s18, v14  }
0x9c4: {  	s5 =	sld [smem:$0x7F2];
	v14 =	vsel vm5, s10, v14;
	s17 =	sshrl.u32 s11, $0x1F;
	s18 =	sshrl.u32 s13, $0x1F  }
0x9c5: {  	v15 =	vsel vm0, s12, v15;
	s12 =	rddreg [dreg:$0x1e];
	v16 =	vsel vm2, s17, v16;
	s17 =	sshrl.u32 s16, $0x1F;
	v14 =	vsel vm8, s18, v14;
	s18 =	sshra.s32 s15, $0x12  }
0x9c6: {  	s10 =	sshrl.u32 s12, $0x1F;
	v62 =	vsel vm4, s17, v14;
	v34 =	vsel vm6, s18, v15;
	s17 =	sshra.s32 s0, $0x12;
	s0 =	sshra.s32 s15, $0x1F  }
0x9c7: {  	v21 =	vmov s3;
	s3 =	sshra.s32 s12, $0x12;
	s18 =	sshra.s32 s11, $0x12;
	s11 =	sshra.s32 s14, $0x12;
	v14 =	vsel vm12, s0, v34  }
0x9c8: {  	s12 =	sshra.s32 s14, $0x1F;
	v14 =	vsel vm5, s11, v14;
	s11 =	sshra.s32 s16, $0x12;
	s16 =	sld [smem:$0x7F0]  }
0x9c9: {  	s14 =	sshra.s32 s13, $0x12;
	v22 =	vmov s17;
	s17 =	sld [smem:$0x7F1];
	v14 =	vsel vm9, s12, v14  }
0x9ca: {  	v15 =	vsel vm1, s1, v21;
	v14 =	vsel vm8, s14, v14;
	s14 =	sld [smem:$0x7F3]  }
0x9cb: {  	v15 =	vsel vm2, s7, v15;
	s7 =	sshrl.u32 s16, $0x1F;
	s1 =	sshra.s32 s16, $0x12;
	s16 =	sld [smem:$0x7F5]  }
0x9cc: {  	v33 =	vsel vm3, s10, v16;
	s15 =	sshra.s32 s13, $0x1F;
	v16 =	vsel vm1, s6, v22  }
0x9cd: {  	s10 =	sshrl.u32 s5, $0x1F;
	s13 =	sld [smem:$0x7F4];
	v16 =	vsel vm2, s18, v16;
	s18 =	sshrl.u32 s17, $0x1F;
	v14 =	vsel vm11, s15, v14  }
0x9ce: {  	v23 =	vmov s18;
	v32 =	vsel vm4, s11, v14;
	s11 =	sld [smem:$0x7F7];
	s12 =	sshra.s32 s14, $0x1F;
	s18 =	sshrl.u32 s16, $0x1F  }
0x9cf: {  	v29 =	vsel vm3, s8, v15;
	s8 =	sshra.s32 s17, $0x12;
	v24 =	vmov s12;
	s17 =	sshra.s32 s16, $0x12;
	v30 =	vmov s18;
	s18 =	sld [smem:$0x7F8]  }
0x9d0: {  	v28 =	vsel vm3, s3, v16;
	s3 =	sshra.s32 s5, $0x12;
	s5 =	sshra.s32 s13, $0x12;
	v25 =	vsel vm1, s7, v23;
	s0 =	sshra.s32 s16, $0x1F;
	v26 =	vsel vm7, s17, v24  }
0x9d1: {  	s15 =	sshrl.u32 s13, $0x1F;
	v14 =	vsel vm2, s10, v25;
	s10 =	sld [smem:$0x7F6];
	s12 =	sshra.s32 s11, $0x12;
	v15 =	vsel vm15, s0, v26  }
0x9d2: {  	v34 =	vsel vm3, s15, v14;
	s13 =	sshrl.u32 s11, $0x1F;
	s15 =	sshra.s32 s11, $0x1F;
	v21 =	vnsel vm7, $0x0, v30;
	v31 =	vsel vm1, s12, v15;
	s12 =	sshrl.u32 s18, $0x1F  }
0x9d3: {  	v15 =	vsel vm1, s13, v21;
	v14 =	vsel vm14, s15, v31;
	s13 =	sshra.s32 s18, $0x12;
	s15 =	sshra.s32 s18, $0x1F;
	s18 =	sld [smem:$0x7F9]  }
0x9d4: {  	s16 =	rddreg [dreg:$0x1b]  }
0x9d5: {  	s17 =	sshrl.u32 s16, $0x1F;
	s9 =	sshra.s32 s16, $0x12  }
0x9d6: {  	s16 =	rddreg [dreg:$0x1a];
	s11 =	sshra.s32 s14, $0x12;
	v15 =	vsel vm2, s12, v15;
	v14 =	vsel vm2, s13, v14;
	s13 =	sshrl.u32 s18, $0x1F  }
0x9d7: {  	s7 =	sshrl.u32 s10, $0x1F;
	s6 =	sshra.s32 s10, $0x12;
	v22 =	vmov s17;
	v15 =	vsel vm3, s13, v15;
	s13 =	sld [smem:$0x7FA]  }
0x9d8: {  	s17 =	sshrl.u32 s16, $0x1F;
	s0 =	rddreg [dreg:$0x1c];
	v16 =	vsel vm1, s7, v22;
	s7 =	sshra.s32 s16, $0x12  }
0x9d9: {  	v16 =	vsel vm2, s17, v16;
	v14 =	vsel vm13, s15, v14;
	s16 =	sshra.s32 s18, $0x12;
	s17 =	sshra.s32 s18, $0x1F;
	s18 =	rddreg [dreg:$0x11]  }
0x9da: {  	v23 =	vmov s8;
	s8 =	sshra.s32 s0, $0x1F;
	v14 =	vsel vm3, s16, v14;
	s12 =	sshrl.u32 s18, $0x1F;
	s15 =	sshrl.u32 s13, $0x1F  }
0x9db: {  	s10 =	sshra.s32 s18, $0x12;
	v14 =	vsel vm0, s17, v14;
	s17 =	sshrl.u32 s0, $0x1F;
	v15 =	vsel vm6, s15, v15;
	s15 =	rddreg [dreg:$0x1f]  }
0x9dc: {  	v26 =	vsel vm3, s12, v16;
	v16 =	vsel vm1, s1, v23;
	s1 =	sshra.s32 s0, $0x12;
	s18 =	sshra.s32 s13, $0x12;
	s16 =	sshrl.u32 s15, $0x1F  }
0x9dd: {  	s0 =	sshrl.u32 s14, $0x1F;
	s14 =	rddreg [dreg:$0x19];
	v14 =	vsel vm6, s18, v14;
	v15 =	vsel vm5, s16, v15;
	s16 =	sshra.s32 s13, $0x1F  }
0x9de: {  	s18 =	sshra.s32 s15, $0x1F;
	v15 =	vsel vm8, s17, v15;
	s17 =	sshra.s32 s15, $0x12;
	v14 =	vsel vm12, s16, v14;
	s15 =	rddreg [dreg:$0x16]  }
0x9df: {  	v25 =	vmov s9;
	v14 =	vsel vm5, s17, v14;
	s17 =	rddreg [dreg:$0x18]  }
0x9e0: {  	v31 =	vsel vm4, s0, v15;
	v15 =	vsel vm1, s6, v25;
	s6 =	rddreg [dreg:$0x17]  }
0x9e1: {  	v17 =	vld [tilespmem:$0x1E0];
	s16 =	sshrl.u32 s15, $0x1F;
	s9 =	sshra.s32 s15, $0x12;
	s15 =	rddreg [dreg:$0x13]  }
0x9e2: {  	(v2sf) =	vpush v12, $0x6;
	v24 =	vsel vm2, s3, v16;
	s3 =	sshra.s32 s14, $0x12;
	v30 =	vmov s16;
	s16 =	rddreg [dreg:$0x15]  }
0x9e3: {  	v16 =	vld [tilespmem:$0x1DF];
	v24 =	vsel vm3, s5, v24;
	v14 =	vsel vm9, s18, v14;
	s18 =	sshrl.u32 s17, $0x1F;
	s5 =	sshra.s32 s17, $0x12;
	s17 =	rddreg [dreg:$0x12]  }
0x9e4: {  	s13 =	sshrl.u32 s14, $0x1F;
	s14 =	sshrl.u32 s6, $0x1F;
	v15 =	vsel vm2, s7, v15;
	s7 =	rddreg [dreg:$0x14]  }
0x9e5: {  	v14 =	vsel vm8, s1, v14;
	s1 =	sshra.s32 s6, $0x12;
	v18 =	vsel vm1, s13, v30;
	s13 =	sshrl.u32 s15, $0x1F;
	s6 =	sshra.s32 s15, $0x12  }
0x9e6: {  	v17 =	vmul.u32 $0x8DD9, v17;
	s15 =	sshrl.u32 s16, $0x1F;
	v22 =	vsel vm3, s10, v15;
	s10 =	sshra.s32 s16, $0x12;
	s12 =	sshrl.u32 s7, $0x1F  }
0x9e7: {  	(v2sf) =	vpush v12, $0x7;
	s16 =	sshra.s32 s7, $0x12;
	v14 =	vsel vm11, s8, v14;
	v21 =	vsel vm2, s18, v18;
	s18 =	sshra.s32 s21, $0x1F;
	s8 =	sshra.s32 s17, $0x12  }
0x9e8: {  	v16 =	vmul.u32 $0x6A37, v16;
	v30 =	vsel vm4, s11, v14;
	s11 =	sshrl.u32 s17, $0x1F;
	v23 =	vmov s18;
	s17 =	smov.u32 s7;
	s18 =	rddreg [dreg:$0x10]  }
0x9e9: {  	v25 =	vsel vm3, s14, v21;
	v21 =	vmov s12;
	s14 =	rddreg [dreg:$0xf];
	v15 =	vsel vm7, s16, v23;
	s12 =	sshrl.u32 s18, $0x1F;
	s0 =	sshra.s32 s17, $0x1F  }
0x9ea: {  	v17 =	vxor.u32 v17, v16;
	s7 =	sshra.s32 s18, $0x12;
	s16 =	sshrl.u32 s14, $0x1F;
	s18 =	sshra.s32 s14, $0x12;
	v23 =	vmov s15;
	v15 =	vsel vm15, s0, v15  }
0x9eb: {  	v14 =	vnsel vm7, $0x0, v21;
	s17 =	sshra.s32 s14, $0x1F;
	v16 =	vsel vm1, s13, v23;
	s0 =	smov.u32 s19;
	v15 =	vsel vm1, s18, v15;
	s18 =	rddreg [dreg:$0xe]  }
0x9ec: {  	v14 =	vsel vm1, s16, v14;
	v16 =	vsel vm2, s11, v16;
	s11 =	sshra.s32 s0, $0x1F;
	s16 =	sshra.s32 s18, $0x12;
	v15 =	vsel vm14, s17, v15  }
0x9ed: {  	s14 =	sshrl.u32 s18, $0x1F;
	s18 =	sshra.s32 s18, $0x1F;
	s17 =	rddreg [dreg:$0xd];
	v15 =	vsel vm2, s16, v15  }
0x9ee: {  	v57 =	vcombine.low v57, v56;
	v14 =	vsel vm2, s14, v14;
	s14 =	sshrl.u32 s17, $0x1F;
	s15 =	sshra.s32 s17, $0x12;
	s16 =	rddreg [dreg:$0xc];
	v15 =	vsel vm13, s18, v15  }
0x9ef: {  	(v2sf) =	vpush v17, $0xD;
	s0 =	rddreg [dreg:$0xb];
	s17 =	sshra.s32 s17, $0x1F;
	v14 =	vsel vm3, s14, v14;
	s13 =	sshrl.u32 s16, $0x1F;
	v15 =	vsel vm3, s15, v15  }
0x9f0: {  	v18 =	vmov s9;
	s14 =	sshra.s32 s16, $0x12;
	s16 =	sshra.s32 s16, $0x1F;
	v14 =	vsel vm6, s13, v14;
	s13 =	sshrl.u32 s19, $0x1F;
	v15 =	vsel vm0, s17, v15  }
0x9f1: {  	v21 =	vsel vm3, s12, v16;
	s18 =	sshra.s32 s19, $0x12;
	s19 =	spop (v2sf);
	v14 =	vsel vm5, s13, v14;
	s13 =	sshrl.u32 s0, $0x1F;
	v15 =	vsel vm6, s14, v15  }
0x9f2: {  	v16 =	vmov s10;
	s15 =	smulhi.u32 $0x431BE2E9, s19;
	s12 =	sshra.s32 s19, $0x1F;
	s19 =	sshrl.u32 s21, $0x1F;
	v14 =	vsel vm8, s13, v14;
	v15 =	vsel vm12, s16, v15  }
0x9f3: {  	v23 =	vsel vm4, s19, v14;
	v14 =	vsel vm1, s3, v18;
	v15 =	vsel vm5, s18, v15  }
0x9f4: {  	v16 =	vsel vm1, s6, v16;
	s17 =	sshra.s32 s0, $0x12;
	v14 =	vsel vm2, s5, v14;
	v15 =	vsel vm9, s11, v15  }
0x9f5: {  	s9 =	sshra.s32 s0, $0x1F;
	v18 =	vsel vm3, s1, v14;
	v14 =	vsel vm2, s8, v16;
	v15 =	vsel vm8, s17, v15  }
0x9f6: {  	s0 =	smov.u32 s25;
	v16 =	vsel vm11, s9, v15;
	v15 =	vsel vm3, s7, v14;
	v14 =	vperm.xlane v57, v58;
	v57 =	vld [tilespmem:$0x1FFF0]  }
0x9f7: {  	v19 =	vcombine.low v20, v19;
	(v2sf) =	vpush v17, $0xC;
	s12 =	smul.u32 $0x431BE2E9, s12;
	s19 =	spop (v2sf);
	s3 =	sshra.s32 s21, $0x12  }
0x9f8: {  	s21 =	rddreg [dreg:$0xa];
	s14 =	smulhi.u32 $0x431BE2E9, s19;
	s13 =	sshra.s32 s19, $0x1F  }
0x9f9: {  	v49 =	vperm.xlane v49, v1;
	v19 =	vperm.xlane v19, v58;
	(v2sf) =	vpush v17, $0xE;
	s16 =	sshrl.u32 s30, $0x1F;
	s5 =	smul.u32 $0x431BE2E9, s13;
	s13 =	sshrl.u32 s24, $0x1F  }
0x9fa: {  	[tilespmem:$0x1FFD0] =	vst v0;
	v0 =	vperm.xlane v51, v1;
	s10 =	sshrl.u32 s21, $0x1F;
	(v2sf) =	vpush v17, $0xF;
	s18 =	sshrl.u32 s23, $0x1F;
	s19 =	sshrl.u32 s29, $0x1F;
	v56 =	vmov s13  }
0x9fb: {  	s11 =	sadd.s32 s12, s15;
	s1 =	sshrl.u32 s25, $0x1F;
	(v2sf) =	vpush v17, $0x9;
	s17 =	sshrl.u32 s28, $0x1F;
	v20 =	vsel vm1, s10, v56;
	vm9 =	vnez.u8 v57  }
0x9fc: {  	s15 =	sshrl.u32 s20, $0x1F;
	s25 =	smov.u32 s22;
	s12 =	sshra.s32 s21, $0x12;
	v56 =	vmov s17;
	v19 =	vsel vm9, v49, v19;
	v49 =	vmov s1  }
0x9fd: {  	s21 =	sshrl.u32 s31, $0x1F;
	s8 =	sshra.s32 s30, $0x12;
	v16 =	vsel vm4, s3, v16;
	s3 =	sshrl.u32 s26, $0x1F;
	v57 =	vnsel vm7, $0x0, v56;
	v49 =	vsel vm1, s19, v49  }
0x9fe: {  	s13 =	sshra.s32 s24, $0x12;
	s6 =	sadd.s32 s5, s14;
	s5 =	sshrl.u32 s22, $0x1F;
	v0 =	vsel vm9, v0, v14;
	v14 =	vsel vm1, s3, v57;
	v57 =	vld [tilespmem:$0x1FEB0];
	v56 =	vsel vm2, s15, v49  }
0x9ff: {  	(v2sf) =	vpush v17, $0x8;
	s30 =	sshra.s32 s25, $0x12;
	s14 =	rddreg [dreg:$0x9];
	s9 =	sshra.s32 s0, $0x12;
	v0 =	vadd.s32 v19, v0;
	v19 =	vsel vm3, s5, v56;
	v56 =	vld [tilespmem:$0x1FEC0]  }
0xa00: {  	s0 =	spop (v2sf);
	(v2sf) =	vpush v17, $0xA;
	s22 =	sshrl.u32 s14, $0x1F;
	s3 =	sld [smem:$0x7FB]  }
0xa01: {  	v20 =	vsel vm2, s16, v20;
	s16 =	sshra.s32 s0, $0x1F;
	s1 =	smulhi.u32 $0x431BE2E9, s0;
	s0 =	rddreg [dreg:$0x8];
	v14 =	vsel vm2, s21, v14;
	v0 =	vmul.u32 $0xF423F, v0  }
0xa02: {  	s7 =	sshra.s32 s29, $0x12;
	s29 =	sshra.s32 s20, $0x12;
	(v2sf) =	vpush v17, $0xB;
	s20 =	sshrl.u32 s0, $0x1F;
	v14 =	vsel vm3, s22, v14  }
0xa03: {  	s24 =	sshra.s32 s28, $0x1F;
	v20 =	vsel vm3, s18, v20;
	s18 =	sshra.s32 s6, $0x1F;
	s21 =	sshrl.u32 s3, $0x1F;
	v14 =	vsel vm6, s20, v14;
	v0 =	vsub.s32 v2, v0  }
0xa04: {  	s10 =	sshra.s32 s23, $0x12;
	[smem:$0x7FD] =	sst s30;
	s23 =	sshra.s32 s28, $0x12;
	v2 =	vsel vm5, s21, v14;
	v14 =	vmov s18;
	v51 =	vcombine.low v56, v57;
	v56 =	vld [tilespmem:$0x1FED0]  }
0xa05: {  	s25 =	sshra.s32 s26, $0x12;
	s30 =	sshra.s32 s31, $0x12;
	[smem:$0x7FC] =	sst s29;
	(v2sf) =	vpush v17, $0x0;
	v49 =	vcombine.low v54, v52;
	v14 =	vsel vm7, s23, v14  }
0xa06: {  	s26 =	sshra.s32 s26, $0x1F;
	s28 =	spop (v2sf);
	s29 =	sshrl.u32 s11, $0x1F;
	(v2sf) =	vpush v17, $0x1;
	v52 =	vperm.xlane v53, v1;
	v14 =	vsel vm15, s24, v14  }
0xa07: {  	s16 =	smul.u32 $0x431BE2E9, s16;
	s22 =	sshra.s32 s31, $0x1F;
	s31 =	sshrl.u32 s6, $0x1F;
	v49 =	vperm.xlane v49, v58;
	v2 =	vsel vm8, s29, v2;
	v57 =	vsel vm1, s25, v14  }
0xa08: {  	s17 =	smulhi.u32 $0x431BE2E9, s28;
	vm10 =	vlt.s32 v0, $0x0;
	v14 =	vsel vm4, s31, v2;
	v2 =	vsel vm14, s26, v57  }
0xa09: {  	s19 =	sshra.s32 s14, $0x1F;
	s21 =	sshra.s32 s28, $0x1F;
	s28 =	spop (v2sf);
	v57 =	vmov s13;
	v51 =	vperm.xlane v51, v58;
	v53 =	vperm.xlane v56, v1;
	v56 =	vld [tilespmem:$0x1FEE0]  }
0xa0a: {  	s20 =	sshra.s32 s14, $0x12;
	s23 =	smulhi.u32 $0x431BE2E9, s28;
	s5 =	sshra.s32 s28, $0x1F;
	v52 =	vsel vm9, v52, v49;
	v54 =	vsel vm1, s12, v57;
	v2 =	vsel vm2, s30, v2  }
0xa0b: {  	s14 =	sshra.s32 s3, $0x12;
	s29 =	spop (v2sf);
	s24 =	smul.u32 $0x431BE2E9, s5;
	v57 =	vld [tilespmem:$0x1FF00];
	v2 =	vsel vm13, s22, v2;
	v51 =	vsel vm9, v53, v51;
	v53 =	vadd.s32 $0xF423F, v0  }
0xa0c: {  	s15 =	sshra.s32 s3, $0x1F;
	s3 =	spop (v2sf);
	s25 =	smulhi.u32 $0x431BE2E9, s29;
	v49 =	vsel vm10, v53, v0;
	v0 =	vadd.s32 v52, v51;
	v53 =	vsel vm3, s20, v2;
	v2 =	vld [tilespmem:$0x1FEF0]  }
0xa0d: {  	(v2sf) =	vpush v17, $0x2;
	s31 =	sshra.s32 s29, $0x1F;
	s29 =	smulhi.u32 $0x431BE2E9, s3;
	v0 =	vmul.u32 $0xF423F, v0  }
0xa0e: {  	s1 =	sadd.s32 s16, s1;
	s5 =	spop (v2sf);
	s28 =	smul.u32 $0x431BE2E9, s31;
	v51 =	vcombine.low v56, v55;
	v56 =	vld [tilespmem:$0x1FF20]  }
0xa0f: {  	s26 =	sshra.s32 s3, $0x1F;
	s31 =	sshra.s32 s5, $0x1F;
	s3 =	spop (v2sf);
	v0 =	vsub.s32 v3, v0;
	v3 =	vld [tilespmem:$0x1FF10]  }
0xa10: {  	v37 =	vperm.xlane v37, v1;
	(v2sf) =	vpush v17, $0x3;
	s12 =	sshra.s32 s6, $0x12;
	s6 =	sadd.s32 s24, s23;
	s23 =	smul.u32 $0x431BE2E9, s31  }
0xa11: {  	v43 =	vcombine.low v43, v39;
	s16 =	sshra.s32 s0, $0x1F;
	s18 =	sshra.s32 s0, $0x12;
	(v2sf) =	vpush v17, $0x4;
	s24 =	smulhi.u32 $0x431BE2E9, s3;
	v2 =	vcombine.low v57, v2  }
0xa12: {  	(v2sf) =	vpush v17, $0x5;
	s31 =	spop (v2sf);
	s22 =	smulhi.u32 $0x431BE2E9, s5;
	s5 =	sshra.s32 s3, $0x1F;
	v52 =	vsel vm2, s8, v54;
	v53 =	vsel vm0, s19, v53  }
0xa13: {  	s3 =	sshra.s32 s31, $0x1F;
	s19 =	smulhi.u32 $0x431BE2E9, s31;
	s31 =	sld [smem:$0x7FC];
	v53 =	vsel vm6, s18, v53;
	v51 =	vperm.xlane v51, v58;
	v2 =	vperm.xlane v2, v58  }
0xa14: {  	s8 =	sadd.s32 s28, s25;
	s25 =	smul.u32 $0x431BE2E9, s5;
	s5 =	spop (v2sf);
	v57 =	vmov s9;
	v56 =	vperm.xlane v56, v1;
	v3 =	vperm.xlane v3, v1  }
0xa15: {  	(v2sf) =	vpush v17, $0x6;
	s30 =	spop (v2sf);
	v53 =	vsel vm12, s16, v53;
	v57 =	vsel vm1, s7, v57  }
0xa16: {  	s21 =	smul.u32 $0x431BE2E9, s21;
	s16 =	sshra.s32 s30, $0x1F;
	v2 =	vsel vm9, v56, v2;
	v3 =	vsel vm9, v3, v51;
	v51 =	vsel vm2, s31, v57;
	v57 =	vld [tilespmem:$0x1FF40]  }
0xa17: {  	vm13 =	vcmask $0x2F2C;
	v53 =	vsel vm5, s14, v53;
	s7 =	sadd.s32 s23, s22;
	s22 =	smulhi.u32 $0x431BE2E9, s30;
	s30 =	sld [smem:$0x7FD];
	v2 =	vadd.s32 v3, v2  }
0xa18: {  	s0 =	sadd.s32 s21, s17;
	s13 =	sshra.s32 s11, $0x12;
	s21 =	smul.u32 $0x431BE2E9, s26;
	(v2sf) =	vpush v17, $0x7;
	v54 =	vld [tilespmem:$0x1F0];
	v56 =	vsel vm13, s15, v53;
	v2 =	vmul.u32 $0xF423F, v2  }
0xa19: {  	s17 =	sshrl.u32 s1, $0x1F;
	s11 =	sshra.s32 s11, $0x1F;
	v52 =	vsel vm3, s10, v52;
	v55 =	vld [tilespmem:$0x1EF];
	vm13 =	vmmov vm11;
	v56 =	vsel vm8, s13, v56  }
0xa1a: {  	s26 =	smul.u32 $0x431BE2E9, s3;
	s20 =	sshrl.u32 s0, $0x1F;
	s10 =	sadd.s32 s21, s29;
	v39 =	vsel vm3, s30, v51;
	v2 =	vsub.s32 v4, v2;
	v4 =	vperm.xlane v43, v58  }
0xa1b: {  	s21 =	sshrl.u32 s6, $0x1F;
	s29 =	smulhi.u32 $0x431BE2E9, s5;
	s28 =	sshra.s32 s5, $0x1F;
	v3 =	vld [tilespmem:$0x1FF30];
	v56 =	vsel vm11, s11, v56;
	v53 =	vperm.xlane v57, v1;
	v57 =	vmov s20  }
0xa1c: {  	s18 =	sshrl.u32 s8, $0x1F;
	s28 =	smul.u32 $0x431BE2E9, s28;
	s3 =	spop (v2sf);
	vm11 =	vlt.s32 v2, $0x0;
	v57 =	vsel vm1, s17, v57;
	v51 =	vsel vm9, v37, v4  }
0xa1d: {  	s14 =	sadd.s32 s25, s24;
	s24 =	smulhi.u32 $0x431BE2E9, s3;
	s9 =	sshrl.u32 s10, $0x1F;
	v37 =	vsel vm4, s12, v56;
	v56 =	vld [tilespmem:$0x1FF60];
	v43 =	vsel vm2, s21, v57;
	v57 =	vadd.s32 $0xF423F, v2  }
0xa1e: {  	v54 =	vmul.u32 $0x8DD9, v54;
	s23 =	smul.u32 $0x431BE2E9, s16;
	s16 =	sshra.s32 s3, $0x1F;
	s3 =	sshrl.u32 s14, $0x1F;
	v55 =	vmul.u32 $0x6A37, v55;
	v4 =	vsel vm11, v57, v2;
	v2 =	vld [tilespmem:$0x1FF50]  }
0xa1f: {  	s25 =	smul.u32 $0x431BE2E9, s16;
	s16 =	sadd.s32 s26, s19;
	s31 =	spop (v2sf);
	v57 =	vld [tilespmem:$0x1FF70]  }
0xa20: {  	v50 =	vcombine.low v42, v50;
	s15 =	sadd.s32 s28, s29;
	s26 =	smulhi.u32 $0x431BE2E9, s31;
	s30 =	sshra.s32 s31, $0x1F;
	v36 =	vcombine.low v36, v3;
	v3 =	vxor.u32 v54, v55  }
0xa21: {  	s31 =	spop (v2sf);
	s11 =	sshrl.u32 s15, $0x1F;
	s28 =	smul.u32 $0x431BE2E9, s30;
	(v2sf) =	vpush v3, $0xD  }
0xa22: {  	v50 =	vperm.xlane v50, v58;
	vm10 =	vlt.s32 v0, $0x0;
	s13 =	smulhi.u32 $0x431BE2E9, s31;
	s30 =	sshra.s32 s31, $0x1F;
	s31 =	spop (v2sf);
	v54 =	vmov s11  }
0xa23: {  	s5 =	sshrl.u32 s7, $0x1F;
	s20 =	sadd.s32 s23, s22;
	s23 =	smulhi.u32 $0x431BE2E9, s31;
	v36 =	vperm.xlane v36, v58;
	(v2sf) =	vpush v3, $0xC;
	v2 =	vcombine.low v56, v2;
	v56 =	vld [tilespmem:$0x1FF80]  }
0xa24: {  	s19 =	sshrl.u32 s16, $0x1F;
	s17 =	smul.u32 $0x431BE2E9, s30;
	s30 =	sshra.s32 s31, $0x1F;
	v54 =	vnsel vm7, $0x0, v54;
	(v2sf) =	vpush v3, $0xE;
	v40 =	vcombine.low v40, v57;
	v57 =	vld [tilespmem:$0x1FF90]  }
0xa25: {  	s29 =	sshrl.u32 s20, $0x1F;
	s31 =	spop (v2sf);
	s12 =	smul.u32 $0x431BE2E9, s30;
	v53 =	vsel vm9, v53, v36;
	(v2sf) =	vpush v3, $0xF;
	v36 =	vadd.s32 $0xF423F, v0  }
0xa26: {  	s22 =	sadd.s32 s25, s24;
	s24 =	smulhi.u32 $0x431BE2E9, s31;
	s30 =	sshra.s32 s31, $0x1F;
	v43 =	vsel vm3, s18, v43;
	v54 =	vsel vm1, s29, v54;
	v36 =	vsel vm10, v36, v0  }
0xa27: {  	s11 =	sshra.s32 s6, $0x12;
	s31 =	spop (v2sf);
	s25 =	smul.u32 $0x431BE2E9, s30;
	v0 =	vadd.s32 v53, v51;
	v51 =	vmov s5;
	(v2sf) =	vpush v3, $0x9  }
0xa28: {  	s21 =	sadd.s32 s28, s26;
	s17 =	sadd.s32 s17, s13;
	s18 =	smulhi.u32 $0x431BE2E9, s31;
	v51 =	vsel vm1, s9, v51;
	v2 =	vperm.xlane v2, v58;
	v53 =	vperm.xlane v56, v1  }
0xa29: {  	s28 =	sshra.s32 s31, $0x1F;
	s12 =	sadd.s32 s12, s23;
	s23 =	sshrl.u32 s22, $0x1F;
	(v2sf) =	vpush v3, $0x8;
	v40 =	vperm.xlane v40, v58;
	v55 =	vperm.xlane v57, v1  }
0xa2a: {  	s26 =	sshrl.u32 s21, $0x1F;
	s13 =	sshra.s32 s1, $0x12;
	s30 =	smul.u32 $0x431BE2E9, s28;
	v51 =	vsel vm2, s3, v51;
	v57 =	vsel vm2, s23, v54;
	v2 =	vsel vm9, v53, v2  }
0xa2b: {  	s1 =	sshra.s32 s14, $0x12;
	s29 =	sshra.s32 s15, $0x12;
	s15 =	sshra.s32 s15, $0x1F;
	v56 =	vsel vm9, v55, v40;
	v40 =	vsel vm3, s19, v51;
	v51 =	vsel vm3, s26, v57;
	v57 =	vld [tilespmem:$0x1FFB0]  }
0xa2c: {  	v41 =	vcombine.low v41, v47;
	v48 =	vperm.xlane v48, v1;
	s31 =	sshrl.u32 s17, $0x1F;
	s5 =	sadd.s32 s25, s24;
	s9 =	sadd.s32 s30, s18;
	v2 =	vadd.s32 v2, v56;
	v56 =	vld [tilespmem:$0x1FFA0]  }
0xa2d: {  	v27 =	vcombine.low v27, v38;
	v44 =	vperm.xlane v44, v1;
	s25 =	sshrl.u32 s12, $0x1F;
	s24 =	sshra.s32 s17, $0x12;
	(v2sf) =	vpush v3, $0xA;
	s14 =	sshra.s32 s9, $0x1F  }
0xa2e: {  	v46 =	vcombine.low v59, v46;
	s28 =	sshrl.u32 s5, $0x1F;
	s18 =	sshra.s32 s0, $0x12;
	s0 =	sshra.s32 s16, $0x12;
	(v2sf) =	vpush v3, $0xB;
	v55 =	vmov s14  }
0xa2f: {  	v27 =	vperm.xlane v27, v58;
	s30 =	sshrl.u32 s9, $0x1F;
	s3 =	sshra.s32 s10, $0x12;
	s10 =	sshra.s32 s7, $0x12;
	v54 =	vsel vm6, s31, v51;
	v51 =	vsel vm7, s29, v55  }
0xa30: {  	v46 =	vperm.xlane v46, v58;
	v0 =	vmul.u32 $0xF423F, v0;
	s7 =	sshra.s32 s22, $0x12;
	s31 =	sshra.s32 s20, $0x12;
	s16 =	spop (v2sf);
	v51 =	vsel vm15, s15, v51  }
0xa31: {  	v45 =	vperm.xlane v45, v1;
	s19 =	sshra.s32 s20, $0x1F;
	v55 =	vld [tilespmem:$0x1FFC0];
	s29 =	smulhi.u32 $0x431BE2E9, s16;
	s14 =	sshra.s32 s16, $0x1F;
	v53 =	vcombine.low v57, v56;
	v56 =	vsel vm1, s31, v51  }
0xa32: {  	v0 =	vsub.s32 v6, v0;
	s23 =	sshra.s32 s21, $0x12;
	s26 =	spop (v2sf);
	(v2sf) =	vpush v3, $0x0;
	s14 =	smul.u32 $0x431BE2E9, s14;
	v57 =	vsel vm14, s19, v56  }
0xa33: {  	v6 =	vsel vm5, s25, v54;
	s25 =	sshra.s32 s26, $0x1F;
	(v2sf) =	vpush v3, $0x1;
	s31 =	smulhi.u32 $0x431BE2E9, s26;
	s26 =	spop (v2sf);
	v56 =	vsel vm2, s7, v57;
	v57 =	vld [tilespmem:$0x1FFD0]  }
0xa34: {  	s20 =	sshra.s32 s22, $0x1F;
	v2 =	vmul.u32 $0xF423F, v2;
	v6 =	vsel vm8, s28, v6;
	s16 =	smul.u32 $0x431BE2E9, s25;
	s28 =	spop (v2sf);
	(v2sf) =	vpush v3, $0x2  }
0xa35: {  	vm10 =	vlt.s32 v0, $0x0;
	v42 =	vsel vm4, s30, v6;
	v51 =	vadd.s32 $0xF423F, v0;
	s6 =	sadd.s32 s14, s29;
	s25 =	smulhi.u32 $0x431BE2E9, s26;
	s22 =	sshra.s32 s26, $0x1F  }
0xa36: {  	s14 =	sshra.s32 s12, $0x1F;
	v6 =	vsel vm10, v51, v0;
	v0 =	vsub.s32 v7, v2;
	v7 =	vperm.xlane v55, v1;
	s26 =	sshra.s32 s12, $0x12;
	s12 =	smul.u32 $0x431BE2E9, s22  }
0xa37: {  	s21 =	sshra.s32 s21, $0x1F;
	s19 =	sshra.s32 s17, $0x1F;
	vm10 =	vcmask $0x1714;
	v2 =	vperm.xlane v53, v58;
	v53 =	vmov s18;
	s18 =	smulhi.u32 $0x431BE2E9, s28  }
0xa38: {  	s17 =	sshra.s32 s28, $0x1F;
	s29 =	spop (v2sf);
	(v2sf) =	vpush v3, $0x3;
	s7 =	sadd.s32 s16, s31;
	v51 =	vsel vm10, s20, v56;
	v54 =	vperm.xlane v57, v1  }
0xa39: {  	s22 =	smul.u32 $0x431BE2E9, s17;
	s30 =	sshra.s32 s29, $0x1F;
	s31 =	spop (v2sf);
	(v2sf) =	vpush v3, $0x4;
	v51 =	vsel vm3, s23, v51;
	v57 =	vsel vm1, s13, v53;
	v53 =	vld [tilespmem:$0x200]  }
0xa3a: {  	v2 =	vsel vm9, v7, v2;
	s23 =	smul.u32 $0x431BE2E9, s30;
	s28 =	sshra.s32 s31, $0x1F;
	v55 =	vsel vm0, s21, v51;
	v7 =	vsel vm9, v54, v50;
	v54 =	vld [tilespmem:$0x1FF]  }
0xa3b: {  	v28 =	vcombine.low v28, v29;
	v32 =	vperm.xlane v32, v1;
	s8 =	sshra.s32 s8, $0x12;
	s15 =	sshra.s32 s5, $0x12;
	v56 =	vsel vm6, s24, v55;
	s24 =	smul.u32 $0x431BE2E9, s28  }
0xa3c: {  	v34 =	vcombine.low v26, v34;
	s16 =	sshra.s32 s5, $0x1F;
	vm10 =	vlt.s32 v0, $0x0;
	(v2sf) =	vpush v3, $0x5;
	s13 =	smulhi.u32 $0x431BE2E9, s29;
	s29 =	spop (v2sf)  }
0xa3d: {  	s5 =	sshra.s32 s9, $0x12;
	v38 =	vsel vm12, s19, v56;
	v57 =	vsel vm2, s11, v57;
	s11 =	smulhi.u32 $0x431BE2E9, s31;
	s31 =	spop (v2sf);
	(v2sf) =	vpush v3, $0x6  }
0xa3e: {  	s17 =	sshrl.u32 s6, $0x1F;
	s19 =	smulhi.u32 $0x431BE2E9, s29;
	s30 =	sshra.s32 s29, $0x1F;
	v50 =	vperm.xlane v41, v58;
	v41 =	vsel vm3, s8, v57;
	v57 =	vmov s10  }
0xa3f: {  	s9 =	sadd.s32 s12, s25;
	s8 =	sadd.s32 s22, s18;
	s18 =	smul.u32 $0x431BE2E9, s30;
	(v2sf) =	vpush v3, $0x7;
	v53 =	vmul.u32 $0x8DD9, v53;
	v54 =	vmul.u32 $0x6A37, v54  }
0xa40: {  	s21 =	sshrl.u32 s7, $0x1F;
	v51 =	vadd.s32 $0xF423F, v0;
	s22 =	smulhi.u32 $0x431BE2E9, s31;
	s25 =	sshra.s32 s31, $0x1F;
	v47 =	vsel vm1, s3, v57;
	v57 =	vsel vm5, s26, v38  }
0xa41: {  	s10 =	sadd.s32 s23, s13;
	s25 =	smul.u32 $0x431BE2E9, s25;
	v38 =	vsel vm10, v51, v0;
	v0 =	vadd.s32 v2, v7;
	s28 =	spop (v2sf);
	v7 =	vxor.u32 v53, v54  }
0xa42: {  	v31 =	vperm.xlane v31, v1;
	v15 =	vcombine.low v15, v18;
	s23 =	smulhi.u32 $0x431BE2E9, s28;
	s29 =	sshra.s32 s28, $0x1F;
	s30 =	spop (v2sf);
	(v2sf) =	vpush v7, $0xD  }
0xa43: {  	v22 =	vcombine.low v22, v24;
	v21 =	vcombine.low v21, v25;
	s20 =	smul.u32 $0x431BE2E9, s29;
	s13 =	sshra.s32 s30, $0x1F;
	s31 =	spop (v2sf);
	(v2sf) =	vpush v7, $0xC  }
0xa44: {  	v16 =	vperm.xlane v16, v1;
	v15 =	vperm.xlane v15, v58;
	s7 =	sshra.s32 s7, $0x12;
	s11 =	sadd.s32 s24, s11;
	s26 =	smul.u32 $0x431BE2E9, s13  }
0xa45: {  	v27 =	vsel vm9, v44, v27;
	vm12 =	vcmask $0x2F2C;
	s3 =	sshrl.u32 s9, $0x1F;
	s24 =	sshrl.u32 s11, $0x1F;
	v54 =	vsel vm2, s1, v47;
	s1 =	smulhi.u32 $0x431BE2E9, s30  }
0xa46: {  	v15 =	vsel vm9, v16, v15;
	v14 =	vperm.xlane v14, v1;
	v55 =	vsel vm12, s14, v57;
	s13 =	sadd.s32 s18, s19;
	s28 =	smulhi.u32 $0x431BE2E9, s31;
	s14 =	sshra.s32 s31, $0x1F  }
0xa47: {  	v42 =	vperm.xlane v42, v1;
	v59 =	vmov s21;
	v47 =	vsel vm8, s15, v55;
	s19 =	sshrl.u32 s13, $0x1F;
	s18 =	spop (v2sf);
	s21 =	smul.u32 $0x431BE2E9, s14  }
0xa48: {  	v56 =	vcombine.low v35, v63;
	v63 =	vperm.xlane v60, v1;
	v57 =	vsel vm13, s16, v47;
	s14 =	sadd.s32 s25, s22;
	s22 =	smulhi.u32 $0x431BE2E9, s18;
	s25 =	sshra.s32 s18, $0x1F  }
0xa49: {  	v2 =	vsel vm9, v48, v50;
	v44 =	vsel vm3, s0, v54;
	s0 =	sshrl.u32 s10, $0x1F;
	v35 =	vsel vm4, s5, v57;
	s29 =	spop (v2sf);
	s5 =	smul.u32 $0x431BE2E9, s25  }
0xa4a: {  	v2 =	vadd.s32 v2, v27;
	v27 =	vperm.xlane v56, v58;
	v47 =	vsel vm1, s17, v59;
	s16 =	sadd.s32 s20, s23;
	s23 =	smulhi.u32 $0x431BE2E9, s29;
	s17 =	sshra.s32 s29, $0x1F  }
0xa4b: {  	v0 =	vmul.u32 $0xF423F, v0;
	v50 =	vsel vm9, v45, v46;
	v48 =	vperm.xlane v30, v1;
	s30 =	sshrl.u32 s16, $0x1F;
	s25 =	spop (v2sf);
	s31 =	smul.u32 $0x431BE2E9, s17  }
0xa4c: {  	v2 =	vmul.u32 $0xF423F, v2;
	v51 =	vsel vm9, v63, v27;
	s18 =	sadd.s32 s26, s1;
	(v2sf) =	vpush v7, $0xE;
	s1 =	smulhi.u32 $0x431BE2E9, s25;
	s17 =	sshra.s32 s25, $0x1F  }
0xa4d: {  	v53 =	vmov s24;
	v27 =	vsel vm2, s3, v47;
	s20 =	sadd.s32 s21, s28;
	(v2sf) =	vpush v7, $0xF;
	s3 =	smul.u32 $0x431BE2E9, s17;
	s26 =	spop (v2sf)  }
0xa4e: {  	v55 =	vsel vm1, s0, v53;
	v56 =	vmov s30;
	s21 =	smulhi.u32 $0x431BE2E9, s26;
	s28 =	sshra.s32 s26, $0x1F;
	s30 =	spop (v2sf);
	(v2sf) =	vpush v7, $0x9  }
0xa4f: {  	s12 =	sshrl.u32 s8, $0x1F;
	v0 =	vsub.s32 v5, v0;
	s15 =	sshrl.u32 s14, $0x1F;
	v55 =	vsel vm2, s19, v55;
	s29 =	smul.u32 $0x431BE2E9, s28;
	(v2sf) =	vpush v7, $0x8  }
0xa50: {  	vm10 =	vlt.s32 v0, $0x0;
	s0 =	sshrl.u32 s18, $0x1F;
	v29 =	vsel vm3, s15, v55;
	s15 =	sshra.s32 s16, $0x1F;
	s17 =	sadd.s32 s5, s22;
	(v2sf) =	vpush v7, $0xA  }
0xa51: {  	v63 =	vperm.xlane v62, v1;
	v2 =	vsub.s32 v8, v2;
	s3 =	sadd.s32 s3, s1;
	s1 =	sadd.s32 s29, s21;
	s21 =	spop (v2sf);
	(v2sf) =	vpush v7, $0xB  }
0xa52: {  	v5 =	vadd.s32 v50, v51;
	vm12 =	vlt.s32 v2, $0x0;
	s22 =	sshra.s32 s6, $0x12;
	s5 =	sadd.s32 s31, s23;
	s23 =	spop (v2sf);
	(v2sf) =	vpush v7, $0x0  }
0xa53: {  	v60 =	vmul.u32 $0xF423F, v5;
	v54 =	vcombine.low v33, v61;
	v53 =	vnsel vm7, $0x0, v56;
	s6 =	sshra.s32 s14, $0x12;
	s19 =	sshra.s32 s20, $0x1F;
	s26 =	sshrl.u32 s20, $0x1F  }
0xa54: {  	v59 =	vadd.s32 $0xF423F, v2;
	v57 =	vadd.s32 $0xF423F, v0;
	v5 =	vsel vm1, s0, v53;
	s31 =	smulhi.u32 $0x431BE2E9, s30;
	s25 =	sshra.s32 s30, $0x1F;
	s28 =	sshrl.u32 s17, $0x1F  }
0xa55: {  	v61 =	vperm.xlane v54, v58;
	v54 =	vperm.xlane v28, v58;
	v5 =	vsel vm2, s26, v5;
	s30 =	sshrl.u32 s3, $0x1F;
	s26 =	sshra.s32 s8, $0x12;
	s24 =	smul.u32 $0x431BE2E9, s25  }
0xa56: {  	v8 =	vsel vm10, v57, v0;
	v0 =	vsub.s32 v9, v60;
	s8 =	sshra.s32 s10, $0x12;
	s10 =	sshra.s32 s11, $0x12;
	v5 =	vsel vm3, s28, v5;
	s29 =	sshrl.u32 s5, $0x1F  }
0xa57: {  	v32 =	vsel vm9, v32, v54;
	s25 =	sshra.s32 s9, $0x12;
	s9 =	sshra.s32 s13, $0x12;
	s0 =	sadd.s32 s24, s31;
	v56 =	vsel vm6, s29, v5;
	v5 =	vsel vm12, v59, v2  }
0xa58: {  	s13 =	sshra.s32 s16, $0x12;
	s28 =	sshra.s32 s18, $0x12;
	v2 =	vsel vm9, v63, v61;
	vm12 =	vlt.s32 v0, $0x0;
	v59 =	vadd.s32 $0xF423F, v0;
	s14 =	sshra.s32 s0, $0x1F  }
0xa59: {  	s31 =	sshrl.u32 s1, $0x1F;
	v57 =	vsel vm5, s30, v56;
	v9 =	vsel vm12, v59, v0;
	v61 =	vmov s14;
	s16 =	smulhi.u32 $0x431BE2E9, s21;
	s30 =	sshra.s32 s21, $0x1F  }
0xa5a: {  	s29 =	sshra.s32 s18, $0x1F;
	v0 =	vadd.s32 v2, v32;
	v60 =	vsel vm8, s31, v57;
	s31 =	sshra.s32 s20, $0x12;
	v24 =	vsel vm7, s13, v61;
	s18 =	smul.u32 $0x431BE2E9, s30  }
0xa5b: {  	v2 =	vperm.xlane v34, v58;
	v34 =	vsel vm15, s15, v24;
	s20 =	smulhi.u32 $0x431BE2E9, s23;
	s21 =	sshra.s32 s23, $0x1F;
	s23 =	spop (v2sf);
	(v2sf) =	vpush v7, $0x1  }
0xa5c: {  	v63 =	vperm.xlane v22, v58;
	s24 =	sshrl.u32 s0, $0x1F;
	v22 =	vsel vm1, s28, v34;
	s21 =	smul.u32 $0x431BE2E9, s21;
	s28 =	spop (v2sf);
	(v2sf) =	vpush v7, $0x2  }
0xa5d: {  	v26 =	vsel vm4, s24, v60;
	v46 =	vsel vm14, s29, v22;
	s14 =	smulhi.u32 $0x431BE2E9, s23;
	s24 =	sshra.s32 s23, $0x1F;
	s29 =	spop (v2sf);
	(v2sf) =	vpush v7, $0x3  }
0xa5e: {  	v62 =	vmov s7;
	v28 =	vsel vm3, s12, v27;
	s11 =	sshra.s32 s5, $0x12;
	s15 =	smul.u32 $0x431BE2E9, s24;
	s30 =	spop (v2sf);
	(v2sf) =	vpush v7, $0x4  }
0xa5f: {  	v45 =	vsel vm1, s22, v62;
	vm12 =	vcmask $0x1714;
	s22 =	sshra.s32 s28, $0x1F;
	s7 =	sadd.s32 s18, s16;
	s18 =	spop (v2sf);
	(v2sf) =	vpush v7, $0x5  }
0xa60: {  	s13 =	sshra.s32 s17, $0x12;
	v24 =	vsel vm2, s25, v45;
	v47 =	vsel vm2, s31, v46;
	s31 =	smul.u32 $0x431BE2E9, s22;
	s22 =	spop (v2sf);
	(v2sf) =	vpush v7, $0x6  }
0xa61: {  	s17 =	sshra.s32 s17, $0x1F;
	v22 =	vsel vm3, s26, v24;
	s12 =	smulhi.u32 $0x431BE2E9, s28;
	v24 =	vsel vm12, s19, v47;
	s25 =	spop (v2sf);
	(v2sf) =	vpush v7, $0x7  }
0xa62: {  	v51 =	vperm.xlane v21, v58;
	v50 =	vmov s10;
	v24 =	vsel vm3, s13, v24;
	s13 =	sshrl.u32 s7, $0x1F;
	s19 =	smulhi.u32 $0x431BE2E9, s29;
	s26 =	sshra.s32 s29, $0x1F  }
0xa63: {  	v33 =	vcombine.low v40, v43;
	v53 =	vperm.xlane v23, v1;
	v25 =	vsel vm1, s8, v50;
	s10 =	sadd.s32 s21, s20;
	s7 =	sshra.s32 s7, $0x12;
	s23 =	smul.u32 $0x431BE2E9, s26  }
0xa64: {  	v40 =	vcombine.low v44, v41;
	v43 =	vperm.xlane v35, v1;
	v54 =	vsel vm2, s9, v25;
	s14 =	sadd.s32 s15, s14;
	s28 =	smulhi.u32 $0x431BE2E9, s30;
	s29 =	sshra.s32 s30, $0x1F  }
0xa65: {  	v41 =	vcombine.low v29, v28;
	v55 =	vsel vm9, v53, v51;
	v56 =	vsel vm3, s6, v54;
	s21 =	sshrl.u32 s10, $0x1F;
	s10 =	sshra.s32 s10, $0x12;
	s30 =	smul.u32 $0x431BE2E9, s29  }
0xa66: {  	v27 =	vsel vm9, v48, v63;
	v0 =	vmul.u32 $0xF423F, v0;
	v2 =	vsel vm9, v31, v2;
	s8 =	sadd.s32 s31, s12;
	s31 =	smulhi.u32 $0x431BE2E9, s18;
	s24 =	sshra.s32 s18, $0x1F  }
0xa67: {  	v32 =	vcombine.low v39, v52;
	v2 =	vadd.s32 v2, v27;
	v24 =	vsel vm0, s17, v24;
	s17 =	sshrl.u32 s14, $0x1F;
	s16 =	smul.u32 $0x431BE2E9, s24;
	s9 =	sadd.s32 s23, s19  }
0xa68: {  	v0 =	vsub.s32 v10, v0;
	v10 =	vadd.s32 v55, v15;
	v2 =	vmul.u32 $0xF423F, v2;
	s15 =	sadd.s32 s30, s28;
	s26 =	smulhi.u32 $0x431BE2E9, s22;
	s22 =	sshra.s32 s22, $0x1F  }
0xa69: {  	v39 =	vperm.xlane v37, v1;
	v31 =	vcombine.low v19, v20;
	v10 =	vmul.u32 $0xF423F, v10;
	s20 =	sshrl.u32 s9, $0x1F;
	s28 =	sshrl.u32 s15, $0x1F;
	s22 =	smul.u32 $0x431BE2E9, s22  }
0xa6a: {  	vm10 =	vlt.s32 v0, $0x0;
	v59 =	vadd.s32 $0xF423F, v0;
	v2 =	vsub.s32 v11, v2;
	s23 =	smulhi.u32 $0x431BE2E9, s25;
	s29 =	sshra.s32 s25, $0x1F;
	s30 =	spop (v2sf)  }
0xa6b: {  	v13 =	vsub.s32 v13, v10;
	v11 =	vsel vm10, v59, v0;
	v57 =	vsel vm6, s11, v24;
	s24 =	smul.u32 $0x431BE2E9, s29;
	s11 =	sadd.s32 s22, s26;
	s26 =	spop (v2sf)  }
0xa6c: {  	vm12 =	vlt.s32 v2, $0x0;
	v60 =	vadd.s32 $0xF423F, v2;
	v61 =	vmov s21;
	s21 =	smulhi.u32 $0x431BE2E9, s30;
	s25 =	sshra.s32 s30, $0x1F;
	s29 =	spop (v2sf)  }
0xa6d: {  	v0 =	vadd.s32 $0xF423F, v13;
	v63 =	vsel vm12, v60, v2;
	s12 =	sadd.s32 s16, s31;
	v62 =	vmov s28;
	s19 =	smul.u32 $0x431BE2E9, s25;
	s16 =	spop (v2sf)  }
0xa6e: {  	vm12 =	vlt.s32 v13, $0x0;
	v2 =	vsel vm1, s13, v61;
	v30 =	vsel vm1, s20, v62;
	s20 =	smulhi.u32 $0x431BE2E9, s26;
	s28 =	sshra.s32 s26, $0x1F;
	s13 =	spop (v2sf)  }
0xa6f: {  	v13 =	vsel vm12, v0, v13;
	v34 =	vmov s10;
	v0 =	vsel vm2, s17, v2;
	s31 =	sshrl.u32 s12, $0x1F;
	s17 =	smul.u32 $0x431BE2E9, s28;
	s10 =	spop (v2sf)  }
0xa70: {  	v19 =	vperm.xlane v32, v58;
	v18 =	vperm.xlane v31, v58;
	s14 =	sshra.s32 s14, $0x12;
	v2 =	vsel vm2, s31, v30;
	s31 =	smulhi.u32 $0x431BE2E9, s29;
	s26 =	spop (v2sf)  }
0xa71: {  	v20 =	vperm.xlane v33, v58;
	v45 =	vperm.xlane v41, v58;
	v21 =	vsel vm1, s7, v34;
	s30 =	sshrl.u32 s11, $0x1F;
	s28 =	smulhi.u32 $0x431BE2E9, s26;
	s7 =	sshra.s32 s26, $0x1F  }
0xa72: {  	v19 =	vsel vm9, v39, v19;
	v14 =	vsel vm9, v14, v18;
	s18 =	sshrl.u32 s8, $0x1F;
	v2 =	vsel vm3, s30, v2;
	s25 =	sshra.s32 s29, $0x1F;
	s30 =	smul.u32 $0x431BE2E9, s7  }
0xa73: {  	s5 =	sshra.s32 s5, $0x1F;
	v18 =	vperm.xlane v40, v58;
	v21 =	vsel vm2, s14, v21;
	s8 =	sshra.s32 s8, $0x12;
	v0 =	vsel vm3, s18, v0;
	s18 =	smul.u32 $0x431BE2E9, s25  }
0xa74: {  	v20 =	vsel vm9, v42, v20;
	v15 =	vcombine.low v56, v22;
	v21 =	vsel vm3, s8, v21;
	s8 =	sshra.s32 s3, $0x12;
	s29 =	sadd.s32 s24, s23;
	s6 =	sadd.s32 s30, s28  }
0xa75: {  	v14 =	vadd.s32 v14, v19;
	v47 =	vperm.xlane v26, v1;
	v18 =	vsel vm9, v43, v18;
	s7 =	sadd.s32 s18, s31;
	s31 =	sshra.s32 s15, $0x12;
	s15 =	sshra.s32 s6, $0x1F  }
0xa76: {  	v14 =	vmul.u32 $0xF423F, v14;
	v15 =	vperm.xlane v15, v58;
	s9 =	sshra.s32 s9, $0x12;
	s12 =	sshra.s32 s12, $0x12;
	s18 =	sshra.s32 s29, $0x12;
	v46 =	vmov s15  }
0xa77: {  	v18 =	vadd.s32 v20, v18;
	v19 =	vsel vm9, v47, v45;
	s19 =	sadd.s32 s19, s21;
	s17 =	sadd.s32 s17, s20;
	s20 =	sshra.s32 s29, $0x1F;
	v24 =	vsel vm7, s18, v46  }
0xa78: {  	s11 =	sshra.s32 s11, $0x12;
	s22 =	sshrl.u32 s19, $0x1F;
	v0 =	vcombine.low v2, v0;
	s23 =	sshra.s32 s19, $0x12;
	v44 =	vmov s31;
	v50 =	vsel vm15, s20, v24  }
0xa79: {  	v18 =	vmul.u32 $0xF423F, v18;
	s21 =	sshrl.u32 s29, $0x1F;
	s24 =	sshrl.u32 s17, $0x1F;
	s25 =	sshra.s32 s19, $0x1F;
	v23 =	vsel vm1, s9, v44;
	v51 =	vsel vm1, s23, v50  }
0xa7a: {  	v0 =	vperm.xlane v0, v58;
	s26 =	smulhi.u32 $0x431BE2E9, s16;
	s16 =	sshra.s32 s16, $0x1F;
	s28 =	sshra.s32 s17, $0x12;
	v48 =	vsel vm2, s12, v23;
	v52 =	vsel vm14, s25, v51  }
0xa7b: {  	s16 =	smul.u32 $0x431BE2E9, s16;
	s29 =	sshrl.u32 s7, $0x1F;
	s17 =	sshra.s32 s17, $0x1F;
	v2 =	vsel vm3, s11, v48;
	vm14 =	vcmask $0x1714;
	v20 =	vsel vm2, s28, v52  }
0xa7c: {  	v53 =	vmov s21;
	s31 =	sshra.s32 s7, $0x12;
	s30 =	smulhi.u32 $0x431BE2E9, s13;
	s13 =	sshra.s32 s13, $0x1F;
	v2 =	vcombine.low v2, v21;
	v20 =	vsel vm14, s17, v20  }
0xa7d: {  	s7 =	sshra.s32 s7, $0x1F;
	s13 =	smul.u32 $0x431BE2E9, s13;
	s11 =	sadd.s32 s16, s26;
	v21 =	vnsel vm7, $0x0, v53;
	vm7 =	vcmask $0x2F2C;
	v20 =	vsel vm3, s31, v20  }
0xa7e: {  	s19 =	sshra.s32 s11, $0x12;
	vm15 =	vcmask $0x2724;
	v21 =	vsel vm1, s22, v21;
	s17 =	smulhi.u32 $0x431BE2E9, s10;
	s10 =	sshra.s32 s10, $0x1F;
	v20 =	vsel vm0, s7, v20  }
0xa7f: {  	s21 =	sshra.s32 s11, $0x1F;
	s20 =	sadd.s32 s13, s30;
	v16 =	vsel vm15, s5, v57;
	v21 =	vsel vm2, s24, v21;
	s10 =	smul.u32 $0x431BE2E9, s10;
	v20 =	vsel vm6, s19, v20  }
0xa80: {  	s3 =	sshra.s32 s3, $0x1F;
	s9 =	sshra.s32 s1, $0x12;
	s23 =	sshra.s32 s20, $0x12;
	v2 =	vperm.xlane v2, v58;
	v16 =	vsel vm5, s8, v16;
	v20 =	vsel vm15, s21, v20  }
0xa81: {  	[tilespmem:$0x390] =	vst v49;
	s22 =	sshrl.u32 s11, $0x1F;
	v21 =	vsel vm3, s29, v21;
	s25 =	sshra.s32 s20, $0x1F;
	v16 =	vsel vm7, s3, v16;
	s5 =	sadd.s32 s10, s17;
	v20 =	vsel vm5, s23, v20  }
0xa82: {  	[tilespmem:$0x3B0] =	vst v4;
	s1 =	sshra.s32 s1, $0x1F;
	s24 =	sshrl.u32 s20, $0x1F;
	v21 =	vsel vm6, s22, v21;
	v16 =	vsel vm8, s9, v16;
	s28 =	sshra.s32 s5, $0x12;
	v20 =	vsel vm7, s25, v20  }
0xa83: {  	[tilespmem:$0x3A0] =	vst v36;
	s0 =	sshra.s32 s0, $0x12;
	v21 =	vsel vm5, s24, v21;
	v16 =	vsel vm13, s1, v16;
	s26 =	sshrl.u32 s5, $0x1F;
	s30 =	sshra.s32 s5, $0x1F;
	v20 =	vsel vm8, s28, v20  }
0xa84: {  	[tilespmem:$0x3C0] =	vst v6;
	s29 =	sshrl.u32 s6, $0x1F;
	s31 =	sshra.s32 s6, $0x12;
	v54 =	vsel vm4, s0, v16;
	v55 =	vsel vm8, s26, v21;
	v57 =	vsel vm13, s30, v20  }
0xa85: {  	[tilespmem:$0x3D0] =	vst v38;
	v4 =	vperm.xlane v54, v1;
	v56 =	vsel vm4, s29, v55;
	v16 =	vsel vm4, s31, v57  }
0xa86: {  	[tilespmem:$0x3E0] =	vst v8;
	v60 =	vsub.s32 v12, v14;
	v6 =	vperm.xlane v56, v1;
	v59 =	vperm.xlane v16, v1  }
0xa87: {  	[tilespmem:$0x3F0] =	vst v5;
	vm12 =	vlt.s32 v60, $0x0;
	v61 =	vsub.s32 v17, v18;
	v4 =	vsel vm9, v4, v15  }
0xa88: {  	[tilespmem:$0x400] =	vst v9;
	v4 =	vadd.s32 v19, v4;
	v0 =	vsel vm9, v6, v0;
	v2 =	vsel vm9, v59, v2  }
0xa89: {  	[tilespmem:$0x410] =	vst v11;
	v62 =	vadd.s32 $0xF423F, v61;
	v4 =	vmul.u32 $0xF423F, v4;
	v0 =	vadd.s32 v0, v2  }
0xa8a: {  	[tilespmem:$0x420] =	vst v63;
	vm13 =	vlt.s32 v61, $0x0;
	v2 =	vadd.s32 $0xF423F, v60;
	v0 =	vmul.u32 $0xF423F, v0  }
0xa8b: {  	[tilespmem:$0x430] =	vst v13;
	v63 =	vsel vm13, v62, v61;
	v3 =	vsub.s32 v3, v4;
	v2 =	vsel vm12, v2, v60  }
0xa8c: {  	vm14 =	vlt.s32 v3, $0x0;
	[tilespmem:$0x440] =	vst v2;
	v2 =	vadd.s32 $0xF423F, v3;
	v0 =	vsub.s32 v7, v0  }
0xa8d: {  	[tilespmem:$0x450] =	vst v63;
	v2 =	vsel vm14, v2, v3;
	vm15 =	vlt.s32 v0, $0x0;
	v3 =	vadd.s32 $0xF423F, v0  }
0xa8e: {  	[tilespmem:$0x460] =	vst v2;
	v0 =	vsel vm15, v3, v0  }
0xa8f: {  	s1 =	simm.s32 $0x280;
	[tilespmem:$0x470] =	vst v0  }
0xa90: {  	v0 =	vld [tilespmem:s1+$0x0];
	_ =	sdelay $0x4  }
0xa91: {  	v2 =	vshll.u32 v0, $0x4  }
0xa92: {  	(v2sf) =	vpush v2, $0x0  }
0xa93: {  	(v2sf) =	vpush v2, $0x1  }
0xa94: {  	(v2sf) =	vpush v2, $0x2;
	_ =	sdelay $0x1  }
0xa95: {  	(v2sf) =	vpush v2, $0x4;
	_ =	sdelay $0x1  }
0xa96: {  	(v2sf) =	vpush v2, $0x3  }
0xa97: {  	(v2sf) =	vpush v2, $0x5  }
0xa98: {  	s3 =	simm.s32 $0x2000;
	s0 =	simm.s32 $0x0;
	(v2sf) =	vpush v2, $0x6  }
.LBB2_2:
0xa99: {  	p1 =	sne.s32 s3, $0x3E000  }
0xa9a: {  	s14 =	sadd.s32 $0x500, s0;
	s8 =	sadd.s32 $0xA00, s0;
	s5 =	smov.u32 s3  }
0xa9b: {  	s3 =	sadd.s32 $0x2000, s3;
	s11 =	sadd.s32 $0x800, s0;
	s6 =	sadd.s32 $0xA80, s0;
	(v2sf) =	vpush v2, $0x7  }
0xa9c: {  	s13 =	sadd.s32 $0x700, s0;
	s10 =	sadd.s32 $0x880, s0;
	s7 =	sadd.s32 $0xB00, s0  }
0xa9d: {  	s15 =	sadd.s32 $0x480, s0;
	s16 =	sadd.s32 $0x680, s0;
	(v2sf) =	vpush v2, $0x8  }
0xa9e: {  	s17 =	sadd.s32 $0x780, s0;
	s1 =	sadd.s32 $0x10, s1  }
0xa9f: {  	s18 =	sadd.s32 $0x580, s0;
	s9 =	sadd.s32 $0x980, s0;
	s12 =	spop (v2sf);
	(v2sf) =	vpush v2, $0x9  }
0xaa0: {  	s19 =	sand.u32 $0x1FFFFFF0, s12;
	s12 =	sadd.s32 $0x900, s0;
	s20 =	spop (v2sf)  }
0xaa1: {  	s19 =	sadd.s32 s4, s19;
	s20 =	sand.u32 $0x1FFFFFF0, s20;
	s21 =	spop (v2sf);
	(v2sf) =	vpush v2, $0xA  }
0xaa2: {  	[tilespmem:s15], [sflag:$0x1] =	stream.linear.gather [hbm4b:s19+s2], $0x80, $0x38;
	[tilespmem:$0x10480] =	vst v63  }
0xaa3: {  	s15 =	sadd.s32 s4, s20;
	s19 =	sadd.s32 $0x600, s0;
	s20 =	spop (v2sf);
	(v2sf) =	vpush v2, $0xB  }
0xaa4: {  	[tilespmem:s14], [sflag:$0x1] =	stream.linear.gather [hbm4b:s15+s2], $0x80, $0x38;
	[tilespmem:$0x10480] =	vst v63  }
0xaa5: {  	s14 =	sand.u32 $0x1FFFFFF0, s21;
	s15 =	sand.u32 $0x1FFFFFF0, s20;
	s20 =	spop (v2sf);
	(v2sf) =	vpush v2, $0xC  }
0xaa6: {  	s14 =	sadd.s32 s4, s14;
	s20 =	sand.u32 $0x1FFFFFF0, s20;
	s21 =	spop (v2sf)  }
0xaa7: {  	[tilespmem:s18], [sflag:$0x1] =	stream.linear.gather [hbm4b:s14+s2], $0x80, $0x38;
	(v2sf) =	vpush v2, $0xD;
	[tilespmem:$0x10480] =	vst v63  }
0xaa8: {  	s14 =	sadd.s32 s4, s20;
	s18 =	sand.u32 $0x1FFFFFF0, s21;
	s20 =	spop (v2sf)  }
0xaa9: {  	[tilespmem:s19], [sflag:$0x1] =	stream.linear.gather [hbm4b:s14+s2], $0x80, $0x38;
	(v2sf) =	vpush v2, $0xE;
	[tilespmem:$0x10480] =	vst v63  }
0xaaa: {  	s14 =	sadd.s32 s4, s15;
	s15 =	sand.u32 $0x1FFFFFF0, s20;
	s19 =	spop (v2sf)  }
0xaab: {  	[tilespmem:s16], [sflag:$0x1] =	stream.linear.gather [hbm4b:s14+s2], $0x80, $0x38;
	(v2sf) =	vpush v2, $0xF;
	[tilespmem:$0x10480] =	vst v63  }
0xaac: {  	s14 =	sadd.s32 s4, s18;
	s16 =	sand.u32 $0x1FFFFFF0, s19;
	s18 =	spop (v2sf)  }
0xaad: {  	[tilespmem:s13], [sflag:$0x1] =	stream.linear.gather [hbm4b:s14+s2], $0x80, $0x38;
	[tilespmem:$0x10480] =	vst v63  }
0xaae: {  	s13 =	sadd.s32 s4, s15;
	s14 =	sand.u32 $0x1FFFFFF0, s18;
	s15 =	spop (v2sf)  }
0xaaf: {  	[tilespmem:s17], [sflag:$0x1] =	stream.linear.gather [hbm4b:s13+s2], $0x80, $0x38;
	[tilespmem:$0x10480] =	vst v63  }
0xab0: {  	s13 =	sadd.s32 s4, s16;
	s15 =	sand.u32 $0x1FFFFFF0, s15;
	s16 =	spop (v2sf)  }
0xab1: {  	[tilespmem:s11], [sflag:$0x1] =	stream.linear.gather [hbm4b:s13+s2], $0x80, $0x38;
	[tilespmem:$0x10480] =	vst v63  }
0xab2: {  	s11 =	sadd.s32 s4, s14;
	s13 =	sand.u32 $0x1FFFFFF0, s16;
	s14 =	spop (v2sf)  }
0xab3: {  	[tilespmem:s10], [sflag:$0x1] =	stream.linear.gather [hbm4b:s11+s2], $0x80, $0x38;
	[tilespmem:$0x10480] =	vst v63  }
0xab4: {  	s10 =	sadd.s32 s4, s15;
	s11 =	sand.u32 $0x1FFFFFF0, s14;
	s14 =	spop (v2sf)  }
0xab5: {  	[tilespmem:s12], [sflag:$0x1] =	stream.linear.gather [hbm4b:s10+s2], $0x80, $0x38;
	[tilespmem:$0x10480] =	vst v63  }
0xab6: {  	s10 =	sadd.s32 s4, s13;
	s12 =	sand.u32 $0x1FFFFFF0, s14;
	s13 =	spop (v2sf)  }
0xab7: {  	[tilespmem:s9], [sflag:$0x1] =	stream.linear.gather [hbm4b:s10+s2], $0x80, $0x38;
	[tilespmem:$0x10480] =	vst v63  }
0xab8: {  	s9 =	sadd.s32 s4, s11;
	s10 =	sand.u32 $0x1FFFFFF0, s13;
	s11 =	spop (v2sf)  }
0xab9: {  	[tilespmem:s8], [sflag:$0x1] =	stream.linear.gather [hbm4b:s9+s2], $0x80, $0x38;
	[tilespmem:$0x10480] =	vst v63  }
0xaba: {  	s8 =	sadd.s32 s4, s12;
	s9 =	sand.u32 $0x1FFFFFF0, s11;
	s11 =	spop (v2sf)  }
0xabb: {  	[tilespmem:s6], [sflag:$0x1] =	stream.linear.gather [hbm4b:s8+s2], $0x80, $0x38;
	[tilespmem:$0x10480] =	vst v63  }
0xabc: {  	s6 =	sadd.s32 s4, s10;
	s8 =	sand.u32 $0x1FFFFFF0, s11  }
0xabd: {  	[tilespmem:s7], [sflag:$0x1] =	stream.linear.gather [hbm4b:s6+s2], $0x80, $0x38;
	[tilespmem:$0x10480] =	vst v63  }
0xabe: {  	s6 =	sadd.s32 $0xB80, s0;
	s7 =	sadd.s32 s4, s9  }
0xabf: {  	[tilespmem:s6], [sflag:$0x1] =	stream.linear.gather [hbm4b:s7+s2], $0x80, $0x38;
	[tilespmem:$0x10480] =	vst v63  }
0xac0: {  	s0 =	sadd.s32 $0xC00, s0;
	s6 =	sadd.s32 s4, s8  }
0xac1: {  	[tilespmem:s0], [sflag:$0x1] =	stream.linear.gather [hbm4b:s6+s2], $0x80, $0x38;
	[tilespmem:$0x10480] =	vst v63  }
0xac2: {  	v0 =	vld [tilespmem:s1+$0x0];
	_ =	sdelay $0x4  }
0xac3: {  	v2 =	vshll.u32 v0, $0x4  }
0xac4: {  	(v2sf) =	vpush v2, $0x0  }
0xac5: {  	(v2sf) =	vpush v2, $0x1  }
0xac6: {  	(v2sf) =	vpush v2, $0x2;
	_ =	sdelay $0x1  }
0xac7: {  	(v2sf) =	vpush v2, $0x4  }
.Ltmp0:
0xac8: {  	(pc) =	sbr.rel @p1 .LBB2_2-.Ltmp0, $3  }
0xac9: {  	(v2sf) =	vpush v2, $0x3  }
0xaca: {  	(v2sf) =	vpush v2, $0x5;
	_ =	sdelay $0x1  }
0xacb: {  	s0 =	sshra.s32 s5, $0x2;
	(v2sf) =	vpush v2, $0x6  }
0xacc: {  	_ =	sdelay $0x1  }
0xacd: {  	s6 =	sadd.s32 $0x500, s0;
	s5 =	sadd.s32 $0xA00, s0  }
0xace: {  	s7 =	sadd.s32 $0x800, s0;
	s1 =	sadd.s32 $0xA80, s0;
	(v2sf) =	vpush v2, $0x7;
	s8 =	sadd.s32 $0x700, s0  }
0xacf: {  	s9 =	sadd.s32 $0x880, s0;
	s3 =	sadd.s32 $0xB00, s0;
	s10 =	sadd.s32 $0x480, s0  }
0xad0: {  	s11 =	sadd.s32 $0x680, s0;
	s12 =	sadd.s32 $0x780, s0;
	(v2sf) =	vpush v2, $0x8;
	s13 =	spop (v2sf)  }
0xad1: {  	s14 =	sadd.s32 $0x580, s0;
	s13 =	sand.u32 $0x1FFFFFF0, s13;
	s15 =	spop (v2sf)  }
0xad2: {  	(v2sf) =	vpush v2, $0x9;
	s13 =	sadd.s32 s4, s13;
	s15 =	sand.u32 $0x1FFFFFF0, s15;
	s16 =	spop (v2sf)  }
0xad3: {  	[tilespmem:s10], [sflag:$0x1] =	stream.linear.gather [hbm4b:s13+s2], $0x80, $0x38;
	[tilespmem:$0x10480] =	vst v63  }
0xad4: {  	s17 =	sadd.s32 $0x600, s0;
	(v2sf) =	vpush v2, $0xA;
	s30 =	sadd.s32 s4, s15;
	s31 =	spop (v2sf)  }
0xad5: {  	[tilespmem:s6], [sflag:$0x1] =	stream.linear.gather [hbm4b:s30+s2], $0x80, $0x38;
	[tilespmem:$0x10480] =	vst v63  }
0xad6: {  	s10 =	sadd.s32 $0x980, s0;
	s18 =	sand.u32 $0x1FFFFFF0, s16;
	(v2sf) =	vpush v2, $0xB;
	s19 =	spop (v2sf)  }
0xad7: {  	s13 =	sadd.s32 s4, s18;
	s6 =	sadd.s32 $0x900, s0;
	s16 =	sand.u32 $0x1FFFFFF0, s19  }
0xad8: {  	(v2sf) =	vpush v2, $0xC;
	[tilespmem:s14], [sflag:$0x1] =	stream.linear.gather [hbm4b:s13+s2], $0x80, $0x38;
	[tilespmem:$0x10480] =	vst v63  }
0xad9: {  	s20 =	sand.u32 $0x1FFFFFF0, s31;
	s21 =	spop (v2sf);
	s22 =	sadd.s32 s4, s16  }
0xada: {  	(v2sf) =	vpush v2, $0xD;
	[tilespmem:s17], [sflag:$0x1] =	stream.linear.gather [hbm4b:s22+s2], $0x80, $0x38;
	[tilespmem:$0x10480] =	vst v63  }
0xadb: {  	s13 =	sadd.s32 s4, s20;
	s14 =	sand.u32 $0x1FFFFFF0, s21;
	s23 =	spop (v2sf)  }
0xadc: {  	(v2sf) =	vpush v2, $0xE;
	[tilespmem:s11], [sflag:$0x1] =	stream.linear.gather [hbm4b:s13+s2], $0x80, $0x38;
	[tilespmem:$0x10480] =	vst v63  }
0xadd: {  	s14 =	sadd.s32 s4, s14;
	s24 =	sand.u32 $0x1FFFFFF0, s23;
	s25 =	spop (v2sf)  }
0xade: {  	(v2sf) =	vpush v2, $0xF;
	[tilespmem:s8], [sflag:$0x1] =	stream.linear.gather [hbm4b:s14+s2], $0x80, $0x38;
	[tilespmem:$0x10480] =	vst v63  }
0xadf: {  	s26 =	sand.u32 $0x1FFFFFF0, s25;
	s28 =	spop (v2sf);
	s11 =	sadd.s32 s4, s24  }
0xae0: {  	[tilespmem:s12], [sflag:$0x1] =	stream.linear.gather [hbm4b:s11+s2], $0x80, $0x38;
	[tilespmem:$0x10480] =	vst v63  }
0xae1: {  	s29 =	sand.u32 $0x1FFFFFF0, s28;
	s8 =	sadd.s32 s4, s26;
	s30 =	spop (v2sf)  }
0xae2: {  	[tilespmem:s7], [sflag:$0x1] =	stream.linear.gather [hbm4b:s8+s2], $0x80, $0x38;
	[tilespmem:$0x10480] =	vst v63  }
0xae3: {  	s11 =	sadd.s32 s4, s29;
	s31 =	sand.u32 $0x1FFFFFF0, s30;
	s12 =	spop (v2sf)  }
0xae4: {  	[tilespmem:s9], [sflag:$0x1] =	stream.linear.gather [hbm4b:s11+s2], $0x80, $0x38;
	[tilespmem:$0x10480] =	vst v63  }
0xae5: {  	s8 =	sand.u32 $0x1FFFFFF0, s12;
	s7 =	sadd.s32 s4, s31;
	s13 =	spop (v2sf)  }
0xae6: {  	[tilespmem:s6], [sflag:$0x1] =	stream.linear.gather [hbm4b:s7+s2], $0x80, $0x38;
	[tilespmem:$0x10480] =	vst v63  }
0xae7: {  	s8 =	sadd.s32 s4, s8;
	s14 =	sand.u32 $0x1FFFFFF0, s13;
	s15 =	spop (v2sf)  }
0xae8: {  	[tilespmem:s10], [sflag:$0x1] =	stream.linear.gather [hbm4b:s8+s2], $0x80, $0x38;
	[tilespmem:$0x10480] =	vst v63  }
0xae9: {  	s6 =	sadd.s32 s4, s14;
	s7 =	sand.u32 $0x1FFFFFF0, s15;
	s16 =	spop (v2sf)  }
0xaea: {  	[tilespmem:s5], [sflag:$0x1] =	stream.linear.gather [hbm4b:s6+s2], $0x80, $0x38;
	[tilespmem:$0x10480] =	vst v63  }
0xaeb: {  	s17 =	sand.u32 $0x1FFFFFF0, s16;
	s7 =	sadd.s32 s4, s7;
	s18 =	spop (v2sf)  }
0xaec: {  	[tilespmem:s1], [sflag:$0x1] =	stream.linear.gather [hbm4b:s7+s2], $0x80, $0x38;
	[tilespmem:$0x10480] =	vst v63  }
0xaed: {  	s19 =	sand.u32 $0x1FFFFFF0, s18;
	s20 =	spop (v2sf);
	s5 =	sadd.s32 s4, s17  }
0xaee: {  	[tilespmem:s3], [sflag:$0x1] =	stream.linear.gather [hbm4b:s5+s2], $0x80, $0x38;
	[tilespmem:$0x10480] =	vst v63  }
0xaef: {  	s22 =	sadd.s32 $0xB80, s0;
	s21 =	sand.u32 $0x1FFFFFF0, s20;
	s1 =	sadd.s32 s4, s19  }
0xaf0: {  	[tilespmem:s22], [sflag:$0x1] =	stream.linear.gather [hbm4b:s1+s2], $0x80, $0x38;
	[tilespmem:$0x10480] =	vst v63  }
0xaf1: {  	s23 =	sadd.s32 $0xC00, s0;
	s25 =	simm.s32 $0x1;
	s24 =	sadd.s32 s4, s21  }
0xaf2: {  	[tilespmem:s23], [sflag:$0x1] =	stream.linear.gather [hbm4b:s24+s2], $0x80, $0x38;
	[tilespmem:$0x10480] =	vst v63  }
0xaf3: {  	_ =	swait.ge [sflag:s25], $0x10000  }
0xaf4: {  	s28 =	simm.s32 $0x480;
	[sflag:s25] =	ssyncset.done $0x0  }
0xaf5: {  	s29 =	simm.s32 $0x2;
	s26 =	rddreg [dreg:$0x5];
	[sflag:s25] =	ssyncadd.s32 $0xFFFF0000  }
0xaf6: {  	[hbm4b:s26+s2] =	stream.linear.scatter [tilespmem:s28], [sflag:$0x2], $0x10000, $0x38;
	[tilespmem:$0x10480] =	vst v63  }
0xaf7: {  	_ =	swait.ge [sflag:s29], $0x10000  }
0xaf8: {  	s30 =	rddreg [dreg:$0x7]  }
0xaf9: {  	s31 =	rddreg [dreg:$0x6];
	s3 =	sadd.s32 $0x1, s30  }
0xafa: {  	p1 =	sne.s32 s3, s31  }
.Ltmp1:
0xafb: {  	_ = 	snop;
	(pc) =	sbr.rel @p1 .LBB2_1-.Ltmp1, $3  }
0xafc: {  	_ =	sdelay $0x1  }
0xafd: {  	[sflag:s29] =	ssyncset.done $0x0  }
0xafe: {  	[sflag:s29] =	ssyncadd.s32 $0xFFFF0000  }
0xaff: {  	_ =	sfence.sel $0x180000  }
0xb00: {  	[bflag:$0x0] =	sbarrier.arrive $0xFFFF  }
0xb01: {  	_ =	strace $0x90000047  }
0xb02: {  	s0 =	stileid.u32;
	[bflag:$0x2] =	sbarrier.arrive $0xFFFF  }
0xb03: {  	p0 =	sne.s32 s0, $0x0;
	s0 =	rddreg [dreg:$0x2]  }
0xb04: {  	s0 =	sadd.s32 @!p0 $0x100000, s0  }
0xb05: {  	[sflag:s0] =	ssyncadd.tile.s32 @!p0 $0x1;
	_ =	shalt  }
.Lfunc_end2:
_tile_overlayer_lowered:
.L_overlay_start_2:
0xb06: {  	(tag) =	ssettag $0x2  }
0xb07: {  	s0 =	rddreg [dreg:$0x0];
	s2 =	stileid.u32  }
0xb08: {  	s1 =	rddreg [dreg:$0x1];
	p0 =	sne.s32 s2, $0x0  }
0xb09: {  	s3 =	rddreg [dreg:$0x2];
	[bflag:$0x3] =	sbarrier.arrive $0xFFFF;
	s2 =	simm.s32 @!p0 $0x1C02  }
0xb0a: {  	[timem:s3], [sflag:s2] =	dma.local @!p0 [hbm:s0], s1  }
0xb0b: {  	s0 =	simm.s32 @!p0 $0x2  }
0xb0c: {  	_ =	swait.ge @!p0 [sflag:s0], s1  }
0xb0d: {  	s1 =	ssub.s32 @!p0 $0x0, s1;
	[sflag:s0] =	ssyncset.done @!p0 $0x0  }
0xb0e: {  	[sflag:s0] =	ssyncadd.s32 @!p0 s1  }
0xb0f: {  	[bflag:$0x3] =	sbarrier.arrive $0xFFFF  }
0xb10: {  	_ =	shalt  }

</sc_bundles>
